<compile_context>
chip_gen: v7x
topology: tpu7x:2x2x1
jax: 0.10.2.dev20260603
libtpu: 0.0.44.dev20260713+nightly
codegen_flags: <defaults>
</compile_context>

<pallas_src>
import functools

import jax
import jax.numpy as jnp
from jax import lax
from jax.experimental import pallas as pl
from jax.experimental.pallas import tpu as pltpu
from jax.experimental.pallas import tpu_sc as plsc

_B = 512
_NPIX = 3 * 224 * 224
_NRET = 128
_NCLS = 1000
_NC, _NS, _L = 2, 16, 16
_NG = 16
_QB = 128


def _sigmoid(z):
    return 1.0 / (1.0 + jnp.exp(-z))


def _retina_sc(xt, aux):
    mesh = plsc.VectorSubcoreMesh(core_axis_name="c", subcore_axis_name="s")

    @functools.partial(
        pl.kernel,
        out_type=jax.ShapeDtypeStruct((_NRET, _B), jnp.float32),
        mesh=mesh,
        scratch_types=[
            pltpu.VMEM((4224,), jnp.int32),
            pltpu.VMEM((_NG * 16, _QB), jnp.float32),
            pltpu.VMEM((_NG, _QB), jnp.float32),
            pltpu.SemaphoreType.DMA,
            pltpu.SemaphoreType.DMA,
        ],
        compiler_params=pltpu.CompilerParams(needs_layout_passes=False),
    )
    def k(xt_h, aux_h, out_h, aux_v, stage, r1l, sem0, sem1):
        cid = lax.axis_index("c")
        sid = lax.axis_index("s")
        wid = sid * _NC + cid
        ng = lax.shift_right_logical(wid, 2)
        q = lax.bitwise_and(wid, 3)
        n0 = pl.multiple_of(ng * _NG, _NG)
        col0 = pl.multiple_of(q * _QB, _QB)

        p0 = n0 * 16
        pltpu.sync_copy(aux_h.at[pl.ds(p0, 2 * _QB)],
                        aux_v.at[pl.ds(p0, 2 * _QB)])
        sems = (sem0, sem1)
        for g in range(2):
            pltpu.async_copy(
                xt_h.at[aux_v.at[pl.ds(p0 + g * _QB, _QB)], pl.ds(col0, _QB)],
                stage.at[pl.ds(g * _QB, _QB)], sems[g])
        pltpu.sync_copy(aux_h.at[pl.ds(2048, 2176)],
                        aux_v.at[pl.ds(2048, 2176)])

        def compute(nl, carry):
            n = n0 + nl
            acc0 = plsc.bitcast(
                plsc.load_gather(aux_v, [jnp.broadcast_to(4096 + n, (_L,))]),
                jnp.float32)
            wsp = [plsc.bitcast(
                plsc.load_gather(
                    aux_v, [jnp.broadcast_to(2048 + n * 16 + j, (_L,))]),
                jnp.float32) for j in range(16)]
            for bb in range(_QB // _L):
                acc = acc0
                for j in range(16):
                    acc = acc + (stage[nl * 16 + j, pl.ds(bb * _L, _L)]
                                 * wsp[j])
                r1l[nl, pl.ds(bb * _L, _L)] = _sigmoid(acc)
            return carry

        for g in range(2):
            pltpu.make_async_copy(
                xt_h.at[aux_v.at[pl.ds(p0 + g * _QB, _QB)], pl.ds(col0, _QB)],
                stage.at[pl.ds(g * _QB, _QB)], sems[g]).wait()
            lax.fori_loop(g * (_NG // 2), (g + 1) * (_NG // 2), compute, 0)

        pltpu.sync_copy(r1l, out_h.at[pl.ds(n0, _NG), pl.ds(col0, _QB)])

    return k(xt, aux)


def _dense_tc_body(r1_ref, wl_ref, bl_ref, m1_ref, wv_ref, bv_ref,
                   m2_ref, wi_ref, bi_ref, wc_ref, bc_ref, out_ref):
    f32 = jnp.float32
    hi = lax.Precision.DEFAULT
    r1t = r1_ref[...]
    wl = jnp.sum(wl_ref[...].reshape(_NRET, 16), axis=1)
    r2t = _sigmoid(r1t * wl[:, None] + bl_ref[...][:, None])
    m1 = m1_ref[...]
    deg1 = jnp.sum(m1, axis=1)
    mv1t = lax.dot_general(m1, r2t, (((1,), (0,)), ((), ())),
                           precision=hi, preferred_element_type=f32)
    mv1t = mv1t / deg1[:, None]
    wv = jnp.sum(wv_ref[...].reshape(256, 32), axis=1)
    r3t = _sigmoid(mv1t * wv[:, None] + bv_ref[...][:, None])
    m2 = m2_ref[...]
    deg2 = jnp.sum(m2, axis=1)
    mitt = lax.dot_general(m2, r3t, (((1,), (0,)), ((), ())),
                           precision=hi, preferred_element_type=f32)
    mitt = mitt / deg2[:, None]
    wi = jnp.sum(wi_ref[...].reshape(_NRET, 32), axis=1)
    r4t = _sigmoid(mitt * wi[:, None] + bi_ref[...][:, None])
    wc_bf = wc_ref[...].astype(jnp.bfloat16)
    r4_bf = r4t.astype(jnp.bfloat16)
    out_ref[...] = (lax.dot_general(wc_bf, r4_bf, (((1,), (0,)), ((), ())),
                                    preferred_element_type=f32)
                    + bc_ref[...][:, None])


def _dense_tc(r1t, W_lgn, b_lgn, m1, W_v1, b_v1, m2, W_it, b_it, W_cls, b_cls):
    return pl.pallas_call(
        _dense_tc_body,
        out_shape=jax.ShapeDtypeStruct((_NCLS, _B), jnp.float32),
        compiler_params=pltpu.CompilerParams(skip_device_barrier=True),
    )(r1t, W_lgn, b_lgn, m1, W_v1, b_v1, m2, W_it, b_it, W_cls, b_cls)


def kernel(x, W_ret, b_ret, W_lgn, b_lgn, W_v1, b_v1, W_it, b_it,
           W_cls, b_cls, pixel_map, lgn_to_v1, v1_to_it):
    xt = x.reshape(_B, _NPIX).T
    aux = jnp.concatenate([
        pixel_map.reshape(-1).astype(jnp.int32),
        lax.bitcast_convert_type(W_ret.reshape(-1), jnp.int32),
        lax.bitcast_convert_type(b_ret, jnp.int32),
    ])
    r1t = _retina_sc(xt, aux)
    logits_t = _dense_tc(r1t, W_lgn, b_lgn, lgn_to_v1, W_v1, b_v1,
                         v1_to_it, W_it, b_it, W_cls, b_cls)
    return logits_t.T

# --- scband reference (transcript-rebuilt; emitter-appended) ---
"""Pipeline reference for scband-foldsnet-3899830305140 (READ-ONLY COPY).

The authoritative reference and input builder live on the scoring server;
editing this copy changes nothing except your own understanding.
"""

import jax, jax.numpy as jnp
import numpy as np

B = 512
C, H, W = 3, 224, 224
N_RET = 128; N_LGN = 128; N_V1 = 256; N_IT = 128; N_CLASSES = 1000


def _build_pixel_map(n_retina, n_pixels):
    stride = max(1, (n_pixels - 16) // max(1, n_retina - 1))
    starts = np.minimum(np.arange(n_retina) * stride, n_pixels - 16)
    pm = starts[:, None] + np.arange(16)[None, :]
    return jnp.asarray(pm, dtype=jnp.int32)


def _build_sparse_mask(rng, n_out, n_in, density=0.25):
    m = (rng.rand(n_out, n_in) < density).astype(np.float32)
    # guarantee at least one incoming connection per neuron
    m[np.arange(n_out), np.arange(n_out) % n_in] = 1.0
    return jnp.asarray(m)


def setup_inputs(seed: int = 0) -> dict:
    key = jax.random.key(seed)
    ks = jax.random.split(key, 12)
    n_pixels = C * H * W
    x = jax.random.normal(ks[0], (B, C, H, W), dtype=jnp.float32)
    W_ret = jax.random.normal(ks[1], (N_RET, 4, 4), dtype=jnp.float32) * 0.1
    b_ret = jnp.zeros((N_RET,), dtype=jnp.float32)
    W_lgn = jax.random.normal(ks[2], (N_LGN, 4, 4), dtype=jnp.float32) * 0.1
    b_lgn = jnp.zeros((N_LGN,), dtype=jnp.float32)
    W_v1 = jax.random.normal(ks[3], (N_V1, 4, 8), dtype=jnp.float32) * 0.1
    b_v1 = jnp.zeros((N_V1,), dtype=jnp.float32)
    W_it = jax.random.normal(ks[4], (N_IT, 4, 8), dtype=jnp.float32) * 0.1
    b_it = jnp.zeros((N_IT,), dtype=jnp.float32)
    W_cls = jax.random.normal(ks[5], (N_CLASSES, N_IT), dtype=jnp.float32) * (1.0 / np.sqrt(N_IT))
    b_cls = jnp.zeros((N_CLASSES,), dtype=jnp.float32)
    pixel_map = _build_pixel_map(N_RET, n_pixels)
    rng = np.random.RandomState(0)
    lgn_to_v1 = _build_sparse_mask(rng, N_V1, N_LGN)
    v1_to_it = _build_sparse_mask(rng, N_IT, N_V1)
    return {
        "x": x,
        "W_ret": W_ret, "b_ret": b_ret,
        "W_lgn": W_lgn, "b_lgn": b_lgn,
        "W_v1": W_v1, "b_v1": b_v1,
        "W_it": W_it, "b_it": b_it,
        "W_cls": W_cls, "b_cls": b_cls,
        "pixel_map": pixel_map,
        "lgn_to_v1": lgn_to_v1,
        "v1_to_it": v1_to_it,
    }


def reference(x, W_ret, b_ret, W_lgn, b_lgn, W_v1, b_v1, W_it, b_it, W_cls, b_cls, pixel_map, lgn_to_v1, v1_to_it):
    batch = x.shape[0]
    x_flat = x.reshape(batch, -1)
    # Retina: gather 16 pixels per neuron -> [B, n_ret, 4, 4] dendrites
    pix = x_flat[:, pixel_map]                       # [B, n_ret, 16] (gather)
    dend = pix.reshape(batch, N_RET, 4, 4)
    r1 = jax.nn.sigmoid(jnp.einsum('bnij,nij->bn', dend, W_ret) + b_ret)
    # LGN: scalar input repeated over 4x4 dendrites -> multiply by weight sum
    r2 = jax.nn.sigmoid(r1 * W_lgn.sum(axis=(1, 2)) + b_lgn)
    # V1: masked mean over connected LGN neurons (sparse connectivity)
    deg1 = lgn_to_v1.sum(axis=1)
    m_v1 = (r2 @ lgn_to_v1.T) / deg1
    r3 = jax.nn.sigmoid(m_v1 * W_v1.sum(axis=(1, 2)) + b_v1)
    # IT: masked mean over connected V1 neurons
    deg2 = v1_to_it.sum(axis=1)
    m_it = (r3 @ v1_to_it.T) / deg2
    r4 = jax.nn.sigmoid(m_it * W_it.sum(axis=(1, 2)) + b_it)
    logits = r4 @ W_cls.T + b_cls
    return logits

if __name__ == "__main__":
    import jax
    _d = setup_inputs()
    print(jax.jit(kernel)(*tuple(_d.values())))

</pallas_src>

<mosaic_0001>
#map = affine_map<(d0, d1) -> (0, 0)>
#map1 = affine_map<(d0, d1) -> (0)>
module attributes {stable_mosaic.version = 14 : i64} {
  func.func @k(%arg0: i32, %arg1: i32, %arg2: memref<150528x512xf32, #tpu.memory_space<hbm>>, %arg3: memref<4224xi32, #tpu.memory_space<hbm>>, %arg4: memref<128x512xf32, #tpu.memory_space<hbm>>, %arg5: memref<4224xi32, #tpu.memory_space<vmem>>, %arg6: memref<256x128xf32, #tpu.memory_space<vmem>>, %arg7: memref<16x128xf32, #tpu.memory_space<vmem>>, %arg8: memref<!tpu.dma_semaphore, #tpu.memory_space<semaphore_mem>>, %arg9: memref<!tpu.dma_semaphore, #tpu.memory_space<semaphore_mem>>) attributes {dimension_semantics = [#tpu.dimension_semantics<core_parallel>, #tpu.dimension_semantics<subcore_parallel>], iteration_bounds = array<i64: 2, 16>, scalar_prefetch = 0 : i64, scratch_operands = 5 : i64, tpu.core_type = #tpu.core_type<sc_vector_subcore>, window_params = [{transform_indices = #map}, {transform_indices = #map1}, {transform_indices = #map}]} {
    %mul3A = arith.constant 2 : i32
    %mul3A_0 = arith.muli %arg1, %mul3A : i32
    %add3A = arith.addi %mul3A_0, %arg0 : i32
    %shift_right_logical3A = arith.constant 2 : i32
    %shift_right_logical3A_1 = arith.shrui %add3A, %shift_right_logical3A : i32
    %and3A = arith.constant 3 : i32
    %and3A_2 = arith.andi %add3A, %and3A : i32
    %mul3A_3 = arith.constant 16 : i32
    %mul3A_4 = arith.muli %shift_right_logical3A_1, %mul3A_3 : i32
    %multiple_of3A = tpu.assume_multiple %mul3A_4, 16 : i32
    %mul3A_5 = arith.constant 128 : i32
    %mul3A_6 = arith.muli %and3A_2, %mul3A_5 : i32
    %multiple_of3A_7 = tpu.assume_multiple %mul3A_6, 128 : i32
    %mul3A_8 = arith.constant 16 : i32
    %mul3A_9 = arith.muli %multiple_of3A, %mul3A_8 : i32
    "tpu.region"() ({
      %run_scoped3A = tpu.sem_alloc : memref<!tpu.dma_semaphore, #tpu.memory_space<semaphore_mem>>
      %dma_start3A_51 = tpu.memref_slice %arg5[%mul3A_9] : memref<4224xi32, #tpu.memory_space<vmem>> -> memref<256xi32, #tpu.memory_space<vmem>>
      %dma_start3A_52 = tpu.memref_slice %arg3[%mul3A_9] : memref<4224xi32, #tpu.memory_space<hbm>> -> memref<256xi32, #tpu.memory_space<hbm>>
      %dma_start3A_53 = tpu.memref_slice %arg5[%mul3A_9] : memref<4224xi32, #tpu.memory_space<vmem>> -> memref<256xi32, #tpu.memory_space<vmem>>
      %dma_start3A_54 = tpu.memref_slice %arg3[%mul3A_9] : memref<4224xi32, #tpu.memory_space<hbm>> -> memref<256xi32, #tpu.memory_space<hbm>>
      tpu.enqueue_dma source(%dma_start3A_54 : memref<256xi32, #tpu.memory_space<hbm>>) target(%dma_start3A_53 : memref<256xi32, #tpu.memory_space<vmem>>) target_semaphore(%run_scoped3A : memref<!tpu.dma_semaphore, #tpu.memory_space<semaphore_mem>>)
      %dma_wait3A_55 = tpu.memref_slice %arg5[%mul3A_9] : memref<4224xi32, #tpu.memory_space<vmem>> -> memref<256xi32, #tpu.memory_space<vmem>>
      %dma_wait3A_56 = tpu.memref_slice %arg3[%mul3A_9] : memref<4224xi32, #tpu.memory_space<hbm>> -> memref<256xi32, #tpu.memory_space<hbm>>
      %dma_wait3A_57 = tpu.memref_slice %arg5[%mul3A_9] : memref<4224xi32, #tpu.memory_space<vmem>> -> memref<256xi32, #tpu.memory_space<vmem>>
      %dma_wait3A_58 = tpu.memref_slice %arg3[%mul3A_9] : memref<4224xi32, #tpu.memory_space<hbm>> -> memref<256xi32, #tpu.memory_space<hbm>>
      tpu.wait_dma2 semaphore(%run_scoped3A : memref<!tpu.dma_semaphore, #tpu.memory_space<semaphore_mem>>) src(%dma_wait3A_58 : memref<256xi32, #tpu.memory_space<hbm>>) dst(%dma_wait3A_57 : memref<256xi32, #tpu.memory_space<vmem>>)
      tpu.yield
    }) : () -> ()
    %add3A_10 = arith.constant 0 : i32
    %add3A_11 = arith.addi %mul3A_9, %add3A_10 : i32
    %dma_start3A = arith.constant 0 : i32
    %dma_start3A_12 = arith.constant 0 : i32
    %dma_start3A_13 = tpu.memref_slice %arg6[%dma_start3A, %dma_start3A_12] : memref<256x128xf32, #tpu.memory_space<vmem>> -> memref<128x128xf32, #tpu.memory_space<vmem>>
    %dma_start3A_14 = tpu.memref_slice %arg5[%add3A_11] : memref<4224xi32, #tpu.memory_space<vmem>> -> memref<128xi32, #tpu.memory_space<vmem>>
    %dma_start3A_15 = arith.constant 0 : i32
    %dma_start3A_16 = tpu.memref_slice %arg2[%dma_start3A_15, %multiple_of3A_7] : memref<150528x512xf32, #tpu.memory_space<hbm>> -> memref<150528x128xf32, #tpu.memory_space<hbm>>
    tpu.enqueue_indirect_dma source(%dma_start3A_16 : memref<150528x128xf32, #tpu.memory_space<hbm>>) target(%dma_start3A_13 : memref<128x128xf32, #tpu.memory_space<vmem>>) offsets(%dma_start3A_14 : memref<128xi32, #tpu.memory_space<vmem>>) semaphore(%arg8 : memref<!tpu.dma_semaphore, #tpu.memory_space<semaphore_mem>>)
    %add3A_17 = arith.constant 128 : i32
    %add3A_18 = arith.addi %mul3A_9, %add3A_17 : i32
    %dma_start3A_19 = arith.constant 128 : i32
    %dma_start3A_20 = arith.constant 0 : i32
    %dma_start3A_21 = tpu.memref_slice %arg6[%dma_start3A_19, %dma_start3A_20] : memref<256x128xf32, #tpu.memory_space<vmem>> -> memref<128x128xf32, #tpu.memory_space<vmem>>
    %dma_start3A_22 = tpu.memref_slice %arg5[%add3A_18] : memref<4224xi32, #tpu.memory_space<vmem>> -> memref<128xi32, #tpu.memory_space<vmem>>
    %dma_start3A_23 = arith.constant 0 : i32
    %dma_start3A_24 = tpu.memref_slice %arg2[%dma_start3A_23, %multiple_of3A_7] : memref<150528x512xf32, #tpu.memory_space<hbm>> -> memref<150528x128xf32, #tpu.memory_space<hbm>>
    tpu.enqueue_indirect_dma source(%dma_start3A_24 : memref<150528x128xf32, #tpu.memory_space<hbm>>) target(%dma_start3A_21 : memref<128x128xf32, #tpu.memory_space<vmem>>) offsets(%dma_start3A_22 : memref<128xi32, #tpu.memory_space<vmem>>) semaphore(%arg9 : memref<!tpu.dma_semaphore, #tpu.memory_space<semaphore_mem>>)
    "tpu.region"() ({
      %run_scoped3A = tpu.sem_alloc : memref<!tpu.dma_semaphore, #tpu.memory_space<semaphore_mem>>
      %dma_start3A_51 = arith.constant 2048 : i32
      %dma_start3A_52 = tpu.memref_slice %arg5[%dma_start3A_51] : memref<4224xi32, #tpu.memory_space<vmem>> -> memref<2176xi32, #tpu.memory_space<vmem>>
      %dma_start3A_53 = arith.constant 2048 : i32
      %dma_start3A_54 = tpu.memref_slice %arg3[%dma_start3A_53] : memref<4224xi32, #tpu.memory_space<hbm>> -> memref<2176xi32, #tpu.memory_space<hbm>>
      %dma_start3A_55 = arith.constant 2048 : i32
      %dma_start3A_56 = tpu.memref_slice %arg5[%dma_start3A_55] : memref<4224xi32, #tpu.memory_space<vmem>> -> memref<2176xi32, #tpu.memory_space<vmem>>
      %dma_start3A_57 = arith.constant 2048 : i32
      %dma_start3A_58 = tpu.memref_slice %arg3[%dma_start3A_57] : memref<4224xi32, #tpu.memory_space<hbm>> -> memref<2176xi32, #tpu.memory_space<hbm>>
      tpu.enqueue_dma source(%dma_start3A_58 : memref<2176xi32, #tpu.memory_space<hbm>>) target(%dma_start3A_56 : memref<2176xi32, #tpu.memory_space<vmem>>) target_semaphore(%run_scoped3A : memref<!tpu.dma_semaphore, #tpu.memory_space<semaphore_mem>>)
      %dma_wait3A_59 = arith.constant 2048 : i32
      %dma_wait3A_60 = tpu.memref_slice %arg5[%dma_wait3A_59] : memref<4224xi32, #tpu.memory_space<vmem>> -> memref<2176xi32, #tpu.memory_space<vmem>>
      %dma_wait3A_61 = arith.constant 2048 : i32
      %dma_wait3A_62 = tpu.memref_slice %arg3[%dma_wait3A_61] : memref<4224xi32, #tpu.memory_space<hbm>> -> memref<2176xi32, #tpu.memory_space<hbm>>
      %dma_wait3A_63 = arith.constant 2048 : i32
      %dma_wait3A_64 = tpu.memref_slice %arg5[%dma_wait3A_63] : memref<4224xi32, #tpu.memory_space<vmem>> -> memref<2176xi32, #tpu.memory_space<vmem>>
      %dma_wait3A_65 = arith.constant 2048 : i32
      %dma_wait3A_66 = tpu.memref_slice %arg3[%dma_wait3A_65] : memref<4224xi32, #tpu.memory_space<hbm>> -> memref<2176xi32, #tpu.memory_space<hbm>>
      tpu.wait_dma2 semaphore(%run_scoped3A : memref<!tpu.dma_semaphore, #tpu.memory_space<semaphore_mem>>) src(%dma_wait3A_66 : memref<2176xi32, #tpu.memory_space<hbm>>) dst(%dma_wait3A_64 : memref<2176xi32, #tpu.memory_space<vmem>>)
      tpu.yield
    }) : () -> ()
    %add3A_25 = arith.constant 0 : i32
    %add3A_26 = arith.addi %mul3A_9, %add3A_25 : i32
    %dma_wait3A = arith.constant 0 : i32
    %dma_wait3A_27 = arith.constant 0 : i32
    %dma_wait3A_28 = tpu.memref_slice %arg6[%dma_wait3A, %dma_wait3A_27] : memref<256x128xf32, #tpu.memory_space<vmem>> -> memref<128x128xf32, #tpu.memory_space<vmem>>
    %dma_wait3A_29 = tpu.memref_slice %arg5[%add3A_26] : memref<4224xi32, #tpu.memory_space<vmem>> -> memref<128xi32, #tpu.memory_space<vmem>>
    %dma_wait3A_30 = arith.constant 0 : i32
    %dma_wait3A_31 = tpu.memref_slice %arg2[%dma_wait3A_30, %multiple_of3A_7] : memref<150528x512xf32, #tpu.memory_space<hbm>> -> memref<150528x128xf32, #tpu.memory_space<hbm>>
    tpu.wait_indirect_dma semaphore(%arg8 : memref<!tpu.dma_semaphore, #tpu.memory_space<semaphore_mem>>) src(%dma_wait3A_31 : memref<150528x128xf32, #tpu.memory_space<hbm>>) dst(%dma_wait3A_28 : memref<128x128xf32, #tpu.memory_space<vmem>>)
    %scan3A = arith.constant 0 : i32
    %scan3A_32 = arith.constant 0 : i32
    %scan3A_33 = arith.constant 8 : i32
    %scan3A_34 = arith.addi %scan3A_32, %scan3A_33 : i32
    %scan3A_35 = arith.constant 1 : i32
    scf.for %scan3A_51 = %scan3A_32 to %scan3A_34 step %scan3A_35  : i32 {
      %add3A_52 = arith.addi %multiple_of3A, %scan3A_51 : i32
      %add3A_53 = arith.constant 4096 : i32
      %add3A_54 = arith.addi %add3A_53, %add3A_52 : i32
      %broadcast_in_dim3A = vector.broadcast %add3A_54 : i32 to vector<16xi32>
      %gather3A = tpu.vector_load_idx %arg5[%broadcast_in_dim3A] : memref<4224xi32, #tpu.memory_space<vmem>>[vector<16xi32>], vector<16xi32>,
      %bitcast3A = vector.bitcast %gather3A : vector<16xi32> to vector<16xf32>
      %mul3A_55 = arith.constant 16 : i32
      %mul3A_56 = arith.muli %add3A_52, %mul3A_55 : i32
      %add3A_57 = arith.constant 2048 : i32
      %add3A_58 = arith.addi %add3A_57, %mul3A_56 : i32
      %add3A_59 = arith.constant 0 : i32
      %add3A_60 = arith.addi %add3A_58, %add3A_59 : i32
      %broadcast_in_dim3A_61 = vector.broadcast %add3A_60 : i32 to vector<16xi32>
      %gather3A_62 = tpu.vector_load_idx %arg5[%broadcast_in_dim3A_61] : memref<4224xi32, #tpu.memory_space<vmem>>[vector<16xi32>], vector<16xi32>,
      %bitcast3A_63 = vector.bitcast %gather3A_62 : vector<16xi32> to vector<16xf32>
      %mul3A_64 = arith.constant 16 : i32
      %mul3A_65 = arith.muli %add3A_52, %mul3A_64 : i32
      %add3A_66 = arith.constant 2048 : i32
      %add3A_67 = arith.addi %add3A_66, %mul3A_65 : i32
      %add3A_68 = arith.constant 1 : i32
      %add3A_69 = arith.addi %add3A_67, %add3A_68 : i32
      %broadcast_in_dim3A_70 = vector.broadcast %add3A_69 : i32 to vector<16xi32>
      %gather3A_71 = tpu.vector_load_idx %arg5[%broadcast_in_dim3A_70] : memref<4224xi32, #tpu.memory_space<vmem>>[vector<16xi32>], vector<16xi32>,
      %bitcast3A_72 = vector.bitcast %gather3A_71 : vector<16xi32> to vector<16xf32>
      %mul3A_73 = arith.constant 16 : i32
      %mul3A_74 = arith.muli %add3A_52, %mul3A_73 : i32
      %add3A_75 = arith.constant 2048 : i32
      %add3A_76 = arith.addi %add3A_75, %mul3A_74 : i32
      %add3A_77 = arith.constant 2 : i32
      %add3A_78 = arith.addi %add3A_76, %add3A_77 : i32
      %broadcast_in_dim3A_79 = vector.broadcast %add3A_78 : i32 to vector<16xi32>
      %gather3A_80 = tpu.vector_load_idx %arg5[%broadcast_in_dim3A_79] : memref<4224xi32, #tpu.memory_space<vmem>>[vector<16xi32>], vector<16xi32>,
      %bitcast3A_81 = vector.bitcast %gather3A_80 : vector<16xi32> to vector<16xf32>
      %mul3A_82 = arith.constant 16 : i32
      %mul3A_83 = arith.muli %add3A_52, %mul3A_82 : i32
      %add3A_84 = arith.constant 2048 : i32
      %add3A_85 = arith.addi %add3A_84, %mul3A_83 : i32
      %add3A_86 = arith.constant 3 : i32
      %add3A_87 = arith.addi %add3A_85, %add3A_86 : i32
      %broadcast_in_dim3A_88 = vector.broadcast %add3A_87 : i32 to vector<16xi32>
      %gather3A_89 = tpu.vector_load_idx %arg5[%broadcast_in_dim3A_88] : memref<4224xi32, #tpu.memory_space<vmem>>[vector<16xi32>], vector<16xi32>,
      %bitcast3A_90 = vector.bitcast %gather3A_89 : vector<16xi32> to vector<16xf32>
      %mul3A_91 = arith.constant 16 : i32
      %mul3A_92 = arith.muli %add3A_52, %mul3A_91 : i32
      %add3A_93 = arith.constant 2048 : i32
      %add3A_94 = arith.addi %add3A_93, %mul3A_92 : i32
      %add3A_95 = arith.constant 4 : i32
      %add3A_96 = arith.addi %add3A_94, %add3A_95 : i32
      %broadcast_in_dim3A_97 = vector.broadcast %add3A_96 : i32 to vector<16xi32>
      %gather3A_98 = tpu.vector_load_idx %arg5[%broadcast_in_dim3A_97] : memref<4224xi32, #tpu.memory_space<vmem>>[vector<16xi32>], vector<16xi32>,
      %bitcast3A_99 = vector.bitcast %gather3A_98 : vector<16xi32> to vector<16xf32>
      %mul3A_100 = arith.constant 16 : i32
      %mul3A_101 = arith.muli %add3A_52, %mul3A_100 : i32
      %add3A_102 = arith.constant 2048 : i32
      %add3A_103 = arith.addi %add3A_102, %mul3A_101 : i32
      %add3A_104 = arith.constant 5 : i32
      %add3A_105 = arith.addi %add3A_103, %add3A_104 : i32
      %broadcast_in_dim3A_106 = vector.broadcast %add3A_105 : i32 to vector<16xi32>
      %gather3A_107 = tpu.vector_load_idx %arg5[%broadcast_in_dim3A_106] : memref<4224xi32, #tpu.memory_space<vmem>>[vector<16xi32>], vector<16xi32>,
      %bitcast3A_108 = vector.bitcast %gather3A_107 : vector<16xi32> to vector<16xf32>
      %mul3A_109 = arith.constant 16 : i32
      %mul3A_110 = arith.muli %add3A_52, %mul3A_109 : i32
      %add3A_111 = arith.constant 2048 : i32
      %add3A_112 = arith.addi %add3A_111, %mul3A_110 : i32
      %add3A_113 = arith.constant 6 : i32
      %add3A_114 = arith.addi %add3A_112, %add3A_113 : i32
      %broadcast_in_dim3A_115 = vector.broadcast %add3A_114 : i32 to vector<16xi32>
      %gather3A_116 = tpu.vector_load_idx %arg5[%broadcast_in_dim3A_115] : memref<4224xi32, #tpu.memory_space<vmem>>[vector<16xi32>], vector<16xi32>,
      %bitcast3A_117 = vector.bitcast %gather3A_116 : vector<16xi32> to vector<16xf32>
      %mul3A_118 = arith.constant 16 : i32
      %mul3A_119 = arith.muli %add3A_52, %mul3A_118 : i32
      %add3A_120 = arith.constant 2048 : i32
      %add3A_121 = arith.addi %add3A_120, %mul3A_119 : i32
      %add3A_122 = arith.constant 7 : i32
      %add3A_123 = arith.addi %add3A_121, %add3A_122 : i32
      %broadcast_in_dim3A_124 = vector.broadcast %add3A_123 : i32 to vector<16xi32>
      %gather3A_125 = tpu.vector_load_idx %arg5[%broadcast_in_dim3A_124] : memref<4224xi32, #tpu.memory_space<vmem>>[vector<16xi32>], vector<16xi32>,
      %bitcast3A_126 = vector.bitcast %gather3A_125 : vector<16xi32> to vector<16xf32>
      %mul3A_127 = arith.constant 16 : i32
      %mul3A_128 = arith.muli %add3A_52, %mul3A_127 : i32
      %add3A_129 = arith.constant 2048 : i32
      %add3A_130 = arith.addi %add3A_129, %mul3A_128 : i32
      %add3A_131 = arith.constant 8 : i32
      %add3A_132 = arith.addi %add3A_130, %add3A_131 : i32
      %broadcast_in_dim3A_133 = vector.broadcast %add3A_132 : i32 to vector<16xi32>
      %gather3A_134 = tpu.vector_load_idx %arg5[%broadcast_in_dim3A_133] : memref<4224xi32, #tpu.memory_space<vmem>>[vector<16xi32>], vector<16xi32>,
      %bitcast3A_135 = vector.bitcast %gather3A_134 : vector<16xi32> to vector<16xf32>
      %mul3A_136 = arith.constant 16 : i32
      %mul3A_137 = arith.muli %add3A_52, %mul3A_136 : i32
      %add3A_138 = arith.constant 2048 : i32
      %add3A_139 = arith.addi %add3A_138, %mul3A_137 : i32
      %add3A_140 = arith.constant 9 : i32
      %add3A_141 = arith.addi %add3A_139, %add3A_140 : i32
      %broadcast_in_dim3A_142 = vector.broadcast %add3A_141 : i32 to vector<16xi32>
      %gather3A_143 = tpu.vector_load_idx %arg5[%broadcast_in_dim3A_142] : memref<4224xi32, #tpu.memory_space<vmem>>[vector<16xi32>], vector<16xi32>,
      %bitcast3A_144 = vector.bitcast %gather3A_143 : vector<16xi32> to vector<16xf32>
      %mul3A_145 = arith.constant 16 : i32
      %mul3A_146 = arith.muli %add3A_52, %mul3A_145 : i32
      %add3A_147 = arith.constant 2048 : i32
      %add3A_148 = arith.addi %add3A_147, %mul3A_146 : i32
      %add3A_149 = arith.constant 10 : i32
      %add3A_150 = arith.addi %add3A_148, %add3A_149 : i32
      %broadcast_in_dim3A_151 = vector.broadcast %add3A_150 : i32 to vector<16xi32>
      %gather3A_152 = tpu.vector_load_idx %arg5[%broadcast_in_dim3A_151] : memref<4224xi32, #tpu.memory_space<vmem>>[vector<16xi32>], vector<16xi32>,
      %bitcast3A_153 = vector.bitcast %gather3A_152 : vector<16xi32> to vector<16xf32>
      %mul3A_154 = arith.constant 16 : i32
      %mul3A_155 = arith.muli %add3A_52, %mul3A_154 : i32
      %add3A_156 = arith.constant 2048 : i32
      %add3A_157 = arith.addi %add3A_156, %mul3A_155 : i32
      %add3A_158 = arith.constant 11 : i32
      %add3A_159 = arith.addi %add3A_157, %add3A_158 : i32
      %broadcast_in_dim3A_160 = vector.broadcast %add3A_159 : i32 to vector<16xi32>
      %gather3A_161 = tpu.vector_load_idx %arg5[%broadcast_in_dim3A_160] : memref<4224xi32, #tpu.memory_space<vmem>>[vector<16xi32>], vector<16xi32>,
      %bitcast3A_162 = vector.bitcast %gather3A_161 : vector<16xi32> to vector<16xf32>
      %mul3A_163 = arith.constant 16 : i32
      %mul3A_164 = arith.muli %add3A_52, %mul3A_163 : i32
      %add3A_165 = arith.constant 2048 : i32
      %add3A_166 = arith.addi %add3A_165, %mul3A_164 : i32
      %add3A_167 = arith.constant 12 : i32
      %add3A_168 = arith.addi %add3A_166, %add3A_167 : i32
      %broadcast_in_dim3A_169 = vector.broadcast %add3A_168 : i32 to vector<16xi32>
      %gather3A_170 = tpu.vector_load_idx %arg5[%broadcast_in_dim3A_169] : memref<4224xi32, #tpu.memory_space<vmem>>[vector<16xi32>], vector<16xi32>,
      %bitcast3A_171 = vector.bitcast %gather3A_170 : vector<16xi32> to vector<16xf32>
      %mul3A_172 = arith.constant 16 : i32
      %mul3A_173 = arith.muli %add3A_52, %mul3A_172 : i32
      %add3A_174 = arith.constant 2048 : i32
      %add3A_175 = arith.addi %add3A_174, %mul3A_173 : i32
      %add3A_176 = arith.constant 13 : i32
      %add3A_177 = arith.addi %add3A_175, %add3A_176 : i32
      %broadcast_in_dim3A_178 = vector.broadcast %add3A_177 : i32 to vector<16xi32>
      %gather3A_179 = tpu.vector_load_idx %arg5[%broadcast_in_dim3A_178] : memref<4224xi32, #tpu.memory_space<vmem>>[vector<16xi32>], vector<16xi32>,
      %bitcast3A_180 = vector.bitcast %gather3A_179 : vector<16xi32> to vector<16xf32>
      %mul3A_181 = arith.constant 16 : i32
      %mul3A_182 = arith.muli %add3A_52, %mul3A_181 : i32
      %add3A_183 = arith.constant 2048 : i32
      %add3A_184 = arith.addi %add3A_183, %mul3A_182 : i32
      %add3A_185 = arith.constant 14 : i32
      %add3A_186 = arith.addi %add3A_184, %add3A_185 : i32
      %broadcast_in_dim3A_187 = vector.broadcast %add3A_186 : i32 to vector<16xi32>
      %gather3A_188 = tpu.vector_load_idx %arg5[%broadcast_in_dim3A_187] : memref<4224xi32, #tpu.memory_space<vmem>>[vector<16xi32>], vector<16xi32>,
      %bitcast3A_189 = vector.bitcast %gather3A_188 : vector<16xi32> to vector<16xf32>
      %mul3A_190 = arith.constant 16 : i32
      %mul3A_191 = arith.muli %add3A_52, %mul3A_190 : i32
      %add3A_192 = arith.constant 2048 : i32
      %add3A_193 = arith.addi %add3A_192, %mul3A_191 : i32
      %add3A_194 = arith.constant 15 : i32
      %add3A_195 = arith.addi %add3A_193, %add3A_194 : i32
      %broadcast_in_dim3A_196 = vector.broadcast %add3A_195 : i32 to vector<16xi32>
      %gather3A_197 = tpu.vector_load_idx %arg5[%broadcast_in_dim3A_196] : memref<4224xi32, #tpu.memory_space<vmem>>[vector<16xi32>], vector<16xi32>,
      %bitcast3A_198 = vector.bitcast %gather3A_197 : vector<16xi32> to vector<16xf32>
      %mul3A_199 = arith.constant 16 : i32
      %mul3A_200 = arith.muli %scan3A_51, %mul3A_199 : i32
      %add3A_201 = arith.constant 0 : i32
      %add3A_202 = arith.addi %mul3A_200, %add3A_201 : i32
      %get3A = arith.index_cast %add3A_202 : i32 to index
      %get3A_203 = arith.constant 0 : index
      %get3A_204 = tpu.vector_load %arg6[%get3A, %get3A_203] {strides = array<i32>} : memref<256x128xf32, #tpu.memory_space<vmem>>, vector<16xf32>,
      %mul3A_205 = arith.mulf %get3A_204, %bitcast3A_63 : vector<16xf32>
      %add3A_206 = arith.addf %bitcast3A, %mul3A_205 : vector<16xf32>
      %mul3A_207 = arith.constant 16 : i32
      %mul3A_208 = arith.muli %scan3A_51, %mul3A_207 : i32
      %add3A_209 = arith.constant 1 : i32
      %add3A_210 = arith.addi %mul3A_208, %add3A_209 : i32
      %get3A_211 = arith.index_cast %add3A_210 : i32 to index
      %get3A_212 = arith.constant 0 : index
      %get3A_213 = tpu.vector_load %arg6[%get3A_211, %get3A_212] {strides = array<i32>} : memref<256x128xf32, #tpu.memory_space<vmem>>, vector<16xf32>,
      %mul3A_214 = arith.mulf %get3A_213, %bitcast3A_72 : vector<16xf32>
      %add3A_215 = arith.addf %add3A_206, %mul3A_214 : vector<16xf32>
      %mul3A_216 = arith.constant 16 : i32
      %mul3A_217 = arith.muli %scan3A_51, %mul3A_216 : i32
      %add3A_218 = arith.constant 2 : i32
      %add3A_219 = arith.addi %mul3A_217, %add3A_218 : i32
      %get3A_220 = arith.index_cast %add3A_219 : i32 to index
      %get3A_221 = arith.constant 0 : index
      %get3A_222 = tpu.vector_load %arg6[%get3A_220, %get3A_221] {strides = array<i32>} : memref<256x128xf32, #tpu.memory_space<vmem>>, vector<16xf32>,
      %mul3A_223 = arith.mulf %get3A_222, %bitcast3A_81 : vector<16xf32>
      %add3A_224 = arith.addf %add3A_215, %mul3A_223 : vector<16xf32>
      %mul3A_225 = arith.constant 16 : i32
      %mul3A_226 = arith.muli %scan3A_51, %mul3A_225 : i32
      %add3A_227 = arith.constant 3 : i32
      %add3A_228 = arith.addi %mul3A_226, %add3A_227 : i32
      %get3A_229 = arith.index_cast %add3A_228 : i32 to index
      %get3A_230 = arith.constant 0 : index
      %get3A_231 = tpu.vector_load %arg6[%get3A_229, %get3A_230] {strides = array<i32>} : memref<256x128xf32, #tpu.memory_space<vmem>>, vector<16xf32>,
      %mul3A_232 = arith.mulf %get3A_231, %bitcast3A_90 : vector<16xf32>
      %add3A_233 = arith.addf %add3A_224, %mul3A_232 : vector<16xf32>
      %mul3A_234 = arith.constant 16 : i32
      %mul3A_235 = arith.muli %scan3A_51, %mul3A_234 : i32
      %add3A_236 = arith.constant 4 : i32
      %add3A_237 = arith.addi %mul3A_235, %add3A_236 : i32
      %get3A_238 = arith.index_cast %add3A_237 : i32 to index
      %get3A_239 = arith.constant 0 : index
      %get3A_240 = tpu.vector_load %arg6[%get3A_238, %get3A_239] {strides = array<i32>} : memref<256x128xf32, #tpu.memory_space<vmem>>, vector<16xf32>,
      %mul3A_241 = arith.mulf %get3A_240, %bitcast3A_99 : vector<16xf32>
      %add3A_242 = arith.addf %add3A_233, %mul3A_241 : vector<16xf32>
      %mul3A_243 = arith.constant 16 : i32
      %mul3A_244 = arith.muli %scan3A_51, %mul3A_243 : i32
      %add3A_245 = arith.constant 5 : i32
      %add3A_246 = arith.addi %mul3A_244, %add3A_245 : i32
      %get3A_247 = arith.index_cast %add3A_246 : i32 to index
      %get3A_248 = arith.constant 0 : index
      %get3A_249 = tpu.vector_load %arg6[%get3A_247, %get3A_248] {strides = array<i32>} : memref<256x128xf32, #tpu.memory_space<vmem>>, vector<16xf32>,
      %mul3A_250 = arith.mulf %get3A_249, %bitcast3A_108 : vector<16xf32>
      %add3A_251 = arith.addf %add3A_242, %mul3A_250 : vector<16xf32>
      %mul3A_252 = arith.constant 16 : i32
      %mul3A_253 = arith.muli %scan3A_51, %mul3A_252 : i32
      %add3A_254 = arith.constant 6 : i32
      %add3A_255 = arith.addi %mul3A_253, %add3A_254 : i32
      %get3A_256 = arith.index_cast %add3A_255 : i32 to index
      %get3A_257 = arith.constant 0 : index
      %get3A_258 = tpu.vector_load %arg6[%get3A_256, %get3A_257] {strides = array<i32>} : memref<256x128xf32, #tpu.memory_space<vmem>>, vector<16xf32>,
      %mul3A_259 = arith.mulf %get3A_258, %bitcast3A_117 : vector<16xf32>
      %add3A_260 = arith.addf %add3A_251, %mul3A_259 : vector<16xf32>
      %mul3A_261 = arith.constant 16 : i32
      %mul3A_262 = arith.muli %scan3A_51, %mul3A_261 : i32
      %add3A_263 = arith.constant 7 : i32
      %add3A_264 = arith.addi %mul3A_262, %add3A_263 : i32
      %get3A_265 = arith.index_cast %add3A_264 : i32 to index
      %get3A_266 = arith.constant 0 : index
      %get3A_267 = tpu.vector_load %arg6[%get3A_265, %get3A_266] {strides = array<i32>} : memref<256x128xf32, #tpu.memory_space<vmem>>, vector<16xf32>,
      %mul3A_268 = arith.mulf %get3A_267, %bitcast3A_126 : vector<16xf32>
      %add3A_269 = arith.addf %add3A_260, %mul3A_268 : vector<16xf32>
      %mul3A_270 = arith.constant 16 : i32
      %mul3A_271 = arith.muli %scan3A_51, %mul3A_270 : i32
      %add3A_272 = arith.constant 8 : i32
      %add3A_273 = arith.addi %mul3A_271, %add3A_272 : i32
      %get3A_274 = arith.index_cast %add3A_273 : i32 to index
      %get3A_275 = arith.constant 0 : index
      %get3A_276 = tpu.vector_load %arg6[%get3A_274, %get3A_275] {strides = array<i32>} : memref<256x128xf32, #tpu.memory_space<vmem>>, vector<16xf32>,
      %mul3A_277 = arith.mulf %get3A_276, %bitcast3A_135 : vector<16xf32>
      %add3A_278 = arith.addf %add3A_269, %mul3A_277 : vector<16xf32>
      %mul3A_279 = arith.constant 16 : i32
      %mul3A_280 = arith.muli %scan3A_51, %mul3A_279 : i32
      %add3A_281 = arith.constant 9 : i32
      %add3A_282 = arith.addi %mul3A_280, %add3A_281 : i32
      %get3A_283 = arith.index_cast %add3A_282 : i32 to index
      %get3A_284 = arith.constant 0 : index
      %get3A_285 = tpu.vector_load %arg6[%get3A_283, %get3A_284] {strides = array<i32>} : memref<256x128xf32, #tpu.memory_space<vmem>>, vector<16xf32>,
      %mul3A_286 = arith.mulf %get3A_285, %bitcast3A_144 : vector<16xf32>
      %add3A_287 = arith.addf %add3A_278, %mul3A_286 : vector<16xf32>
      %mul3A_288 = arith.constant 16 : i32
      %mul3A_289 = arith.muli %scan3A_51, %mul3A_288 : i32
      %add3A_290 = arith.constant 10 : i32
      %add3A_291 = arith.addi %mul3A_289, %add3A_290 : i32
      %get3A_292 = arith.index_cast %add3A_291 : i32 to index
      %get3A_293 = arith.constant 0 : index
      %get3A_294 = tpu.vector_load %arg6[%get3A_292, %get3A_293] {strides = array<i32>} : memref<256x128xf32, #tpu.memory_space<vmem>>, vector<16xf32>,
      %mul3A_295 = arith.mulf %get3A_294, %bitcast3A_153 : vector<16xf32>
      %add3A_296 = arith.addf %add3A_287, %mul3A_295 : vector<16xf32>
      %mul3A_297 = arith.constant 16 : i32
      %mul3A_298 = arith.muli %scan3A_51, %mul3A_297 : i32
      %add3A_299 = arith.constant 11 : i32
      %add3A_300 = arith.addi %mul3A_298, %add3A_299 : i32
      %get3A_301 = arith.index_cast %add3A_300 : i32 to index
      %get3A_302 = arith.constant 0 : index
      %get3A_303 = tpu.vector_load %arg6[%get3A_301, %get3A_302] {strides = array<i32>} : memref<256x128xf32, #tpu.memory_space<vmem>>, vector<16xf32>,
      %mul3A_304 = arith.mulf %get3A_303, %bitcast3A_162 : vector<16xf32>
      %add3A_305 = arith.addf %add3A_296, %mul3A_304 : vector<16xf32>
      %mul3A_306 = arith.constant 16 : i32
      %mul3A_307 = arith.muli %scan3A_51, %mul3A_306 : i32
      %add3A_308 = arith.constant 12 : i32
      %add3A_309 = arith.addi %mul3A_307, %add3A_308 : i32
      %get3A_310 = arith.index_cast %add3A_309 : i32 to index
      %get3A_311 = arith.constant 0 : index
      %get3A_312 = tpu.vector_load %arg6[%get3A_310, %get3A_311] {strides = array<i32>} : memref<256x128xf32, #tpu.memory_space<vmem>>, vector<16xf32>,
      %mul3A_313 = arith.mulf %get3A_312, %bitcast3A_171 : vector<16xf32>
      %add3A_314 = arith.addf %add3A_305, %mul3A_313 : vector<16xf32>
      %mul3A_315 = arith.constant 16 : i32
      %mul3A_316 = arith.muli %scan3A_51, %mul3A_315 : i32
      %add3A_317 = arith.constant 13 : i32
      %add3A_318 = arith.addi %mul3A_316, %add3A_317 : i32
      %get3A_319 = arith.index_cast %add3A_318 : i32 to index
      %get3A_320 = arith.constant 0 : index
      %get3A_321 = tpu.vector_load %arg6[%get3A_319, %get3A_320] {strides = array<i32>} : memref<256x128xf32, #tpu.memory_space<vmem>>, vector<16xf32>,
      %mul3A_322 = arith.mulf %get3A_321, %bitcast3A_180 : vector<16xf32>
      %add3A_323 = arith.addf %add3A_314, %mul3A_322 : vector<16xf32>
      %mul3A_324 = arith.constant 16 : i32
      %mul3A_325 = arith.muli %scan3A_51, %mul3A_324 : i32
      %add3A_326 = arith.constant 14 : i32
      %add3A_327 = arith.addi %mul3A_325, %add3A_326 : i32
      %get3A_328 = arith.index_cast %add3A_327 : i32 to index
      %get3A_329 = arith.constant 0 : index
      %get3A_330 = tpu.vector_load %arg6[%get3A_328, %get3A_329] {strides = array<i32>} : memref<256x128xf32, #tpu.memory_space<vmem>>, vector<16xf32>,
      %mul3A_331 = arith.mulf %get3A_330, %bitcast3A_189 : vector<16xf32>
      %add3A_332 = arith.addf %add3A_323, %mul3A_331 : vector<16xf32>
      %mul3A_333 = arith.constant 16 : i32
      %mul3A_334 = arith.muli %scan3A_51, %mul3A_333 : i32
      %add3A_335 = arith.constant 15 : i32
      %add3A_336 = arith.addi %mul3A_334, %add3A_335 : i32
      %get3A_337 = arith.index_cast %add3A_336 : i32 to index
      %get3A_338 = arith.constant 0 : index
      %get3A_339 = tpu.vector_load %arg6[%get3A_337, %get3A_338] {strides = array<i32>} : memref<256x128xf32, #tpu.memory_space<vmem>>, vector<16xf32>,
      %mul3A_340 = arith.mulf %get3A_339, %bitcast3A_198 : vector<16xf32>
      %add3A_341 = arith.addf %add3A_332, %mul3A_340 : vector<16xf32>
      %neg3A = arith.constant 0.000000e+00 : f32
      %neg3A_342 = vector.broadcast %neg3A : f32 to vector<16xf32>
      %neg3A_343 = arith.subf %neg3A_342, %add3A_341 : vector<16xf32>
      %exp3A = math.exp %neg3A_343 : vector<16xf32>
      %add3A_344 = arith.constant 1.000000e+00 : f32
      %add3A_345 = vector.broadcast %add3A_344 : f32 to vector<16xf32>
      %add3A_346 = arith.addf %add3A_345, %exp3A : vector<16xf32>
      %div3A = arith.constant 1.000000e+00 : f32
      %div3A_347 = vector.broadcast %div3A : f32 to vector<16xf32>
      %div3A_348 = arith.divf %div3A_347, %add3A_346 : vector<16xf32>
      %swap3A = arith.index_cast %scan3A_51 : i32 to index
      %swap3A_349 = arith.constant 0 : index
      %swap3A_350 = tpu.vector_load %arg7[%swap3A, %swap3A_349] {strides = array<i32>} : memref<16x128xf32, #tpu.memory_space<vmem>>, vector<16xf32>,
      tpu.vector_store %arg7[%swap3A, %swap3A_349], %div3A_348 {strides = array<i32>} : memref<16x128xf32, #tpu.memory_space<vmem>>, vector<16xf32>,
      %mul3A_351 = arith.constant 16 : i32
      %mul3A_352 = arith.muli %scan3A_51, %mul3A_351 : i32
      %add3A_353 = arith.constant 0 : i32
      %add3A_354 = arith.addi %mul3A_352, %add3A_353 : i32
      %get3A_355 = arith.index_cast %add3A_354 : i32 to index
      %get3A_356 = arith.constant 16 : index
      %get3A_357 = tpu.vector_load %arg6[%get3A_355, %get3A_356] {strides = array<i32>} : memref<256x128xf32, #tpu.memory_space<vmem>>, vector<16xf32>,
      %mul3A_358 = arith.mulf %get3A_357, %bitcast3A_63 : vector<16xf32>
      %add3A_359 = arith.addf %bitcast3A, %mul3A_358 : vector<16xf32>
      %mul3A_360 = arith.constant 16 : i32
      %mul3A_361 = arith.muli %scan3A_51, %mul3A_360 : i32
      %add3A_362 = arith.constant 1 : i32
      %add3A_363 = arith.addi %mul3A_361, %add3A_362 : i32
      %get3A_364 = arith.index_cast %add3A_363 : i32 to index
      %get3A_365 = arith.constant 16 : index
      %get3A_366 = tpu.vector_load %arg6[%get3A_364, %get3A_365] {strides = array<i32>} : memref<256x128xf32, #tpu.memory_space<vmem>>, vector<16xf32>,
      %mul3A_367 = arith.mulf %get3A_366, %bitcast3A_72 : vector<16xf32>
      %add3A_368 = arith.addf %add3A_359, %mul3A_367 : vector<16xf32>
      %mul3A_369 = arith.constant 16 : i32
      %mul3A_370 = arith.muli %scan3A_51, %mul3A_369 : i32
      %add3A_371 = arith.constant 2 : i32
      %add3A_372 = arith.addi %mul3A_370, %add3A_371 : i32
      %get3A_373 = arith.index_cast %add3A_372 : i32 to index
      %get3A_374 = arith.constant 16 : index
      %get3A_375 = tpu.vector_load %arg6[%get3A_373, %get3A_374] {strides = array<i32>} : memref<256x128xf32, #tpu.memory_space<vmem>>, vector<16xf32>,
      %mul3A_376 = arith.mulf %get3A_375, %bitcast3A_81 : vector<16xf32>
      %add3A_377 = arith.addf %add3A_368, %mul3A_376 : vector<16xf32>
      %mul3A_378 = arith.constant 16 : i32
      %mul3A_379 = arith.muli %scan3A_51, %mul3A_378 : i32
      %add3A_380 = arith.constant 3 : i32
      %add3A_381 = arith.addi %mul3A_379, %add3A_380 : i32
      %get3A_382 = arith.index_cast %add3A_381 : i32 to index
      %get3A_383 = arith.constant 16 : index
      %get3A_384 = tpu.vector_load %arg6[%get3A_382, %get3A_383] {strides = array<i32>} : memref<256x128xf32, #tpu.memory_space<vmem>>, vector<16xf32>,
      %mul3A_385 = arith.mulf %get3A_384, %bitcast3A_90 : vector<16xf32>
      %add3A_386 = arith.addf %add3A_377, %mul3A_385 : vector<16xf32>
      %mul3A_387 = arith.constant 16 : i32
      %mul3A_388 = arith.muli %scan3A_51, %mul3A_387 : i32
      %add3A_389 = arith.constant 4 : i32
      %add3A_390 = arith.addi %mul3A_388, %add3A_389 : i32
      %get3A_391 = arith.index_cast %add3A_390 : i32 to index
      %get3A_392 = arith.constant 16 : index
      %get3A_393 = tpu.vector_load %arg6[%get3A_391, %get3A_392] {strides = array<i32>} : memref<256x128xf32, #tpu.memory_space<vmem>>, vector<16xf32>,
      %mul3A_394 = arith.mulf %get3A_393, %bitcast3A_99 : vector<16xf32>
      %add3A_395 = arith.addf %add3A_386, %mul3A_394 : vector<16xf32>
      %mul3A_396 = arith.constant 16 : i32
      %mul3A_397 = arith.muli %scan3A_51, %mul3A_396 : i32
      %add3A_398 = arith.constant 5 : i32
      %add3A_399 = arith.addi %mul3A_397, %add3A_398 : i32
      %get3A_400 = arith.index_cast %add3A_399 : i32 to index
      %get3A_401 = arith.constant 16 : index
      %get3A_402 = tpu.vector_load %arg6[%get3A_400, %get3A_401] {strides = array<i32>} : memref<256x128xf32, #tpu.memory_space<vmem>>, vector<16xf32>,
      %mul3A_403 = arith.mulf %get3A_402, %bitcast3A_108 : vector<16xf32>
      %add3A_404 = arith.addf %add3A_395, %mul3A_403 : vector<16xf32>
      %mul3A_405 = arith.constant 16 : i32
      %mul3A_406 = arith.muli %scan3A_51, %mul3A_405 : i32
      %add3A_407 = arith.constant 6 : i32
      %add3A_408 = arith.addi %mul3A_406, %add3A_407 : i32
      %get3A_409 = arith.index_cast %add3A_408 : i32 to index
      %get3A_410 = arith.constant 16 : index
      %get3A_411 = tpu.vector_load %arg6[%get3A_409, %get3A_410] {strides = array<i32>} : memref<256x128xf32, #tpu.memory_space<vmem>>, vector<16xf32>,
      %mul3A_412 = arith.mulf %get3A_411, %bitcast3A_117 : vector<16xf32>
      %add3A_413 = arith.addf %add3A_404, %mul3A_412 : vector<16xf32>
      %mul3A_414 = arith.constant 16 : i32
      %mul3A_415 = arith.muli %scan3A_51, %mul3A_414 : i32
      %add3A_416 = arith.constant 7 : i32
      %add3A_417 = arith.addi %mul3A_415, %add3A_416 : i32
      %get3A_418 = arith.index_cast %add3A_417 : i32 to index
      %get3A_419 = arith.constant 16 : index
      %get3A_420 = tpu.vector_load %arg6[%get3A_418, %get3A_419] {strides = array<i32>} : memref<256x128xf32, #tpu.memory_space<vmem>>, vector<16xf32>,
      %mul3A_421 = arith.mulf %get3A_420, %bitcast3A_126 : vector<16xf32>
      %add3A_422 = arith.addf %add3A_413, %mul3A_421 : vector<16xf32>
      %mul3A_423 = arith.constant 16 : i32
      %mul3A_424 = arith.muli %scan3A_51, %mul3A_423 : i32
      %add3A_425 = arith.constant 8 : i32
      %add3A_426 = arith.addi %mul3A_424, %add3A_425 : i32
      %get3A_427 = arith.index_cast %add3A_426 : i32 to index
      %get3A_428 = arith.constant 16 : index
      %get3A_429 = tpu.vector_load %arg6[%get3A_427, %get3A_428] {strides = array<i32>} : memref<256x128xf32, #tpu.memory_space<vmem>>, vector<16xf32>,
      %mul3A_430 = arith.mulf %get3A_429, %bitcast3A_135 : vector<16xf32>
      %add3A_431 = arith.addf %add3A_422, %mul3A_430 : vector<16xf32>
      %mul3A_432 = arith.constant 16 : i32
      %mul3A_433 = arith.muli %scan3A_51, %mul3A_432 : i32
      %add3A_434 = arith.constant 9 : i32
      %add3A_435 = arith.addi %mul3A_433, %add3A_434 : i32
      %get3A_436 = arith.index_cast %add3A_435 : i32 to index
      %get3A_437 = arith.constant 16 : index
      %get3A_438 = tpu.vector_load %arg6[%get3A_436, %get3A_437] {strides = array<i32>} : memref<256x128xf32, #tpu.memory_space<vmem>>, vector<16xf32>,
      %mul3A_439 = arith.mulf %get3A_438, %bitcast3A_144 : vector<16xf32>
      %add3A_440 = arith.addf %add3A_431, %mul3A_439 : vector<16xf32>
      %mul3A_441 = arith.constant 16 : i32
      %mul3A_442 = arith.muli %scan3A_51, %mul3A_441 : i32
      %add3A_443 = arith.constant 10 : i32
      %add3A_444 = arith.addi %mul3A_442, %add3A_443 : i32
      %get3A_445 = arith.index_cast %add3A_444 : i32 to index
      %get3A_446 = arith.constant 16 : index
      %get3A_447 = tpu.vector_load %arg6[%get3A_445, %get3A_446] {strides = array<i32>} : memref<256x128xf32, #tpu.memory_space<vmem>>, vector<16xf32>,
      %mul3A_448 = arith.mulf %get3A_447, %bitcast3A_153 : vector<16xf32>
      %add3A_449 = arith.addf %add3A_440, %mul3A_448 : vector<16xf32>
      %mul3A_450 = arith.constant 16 : i32
      %mul3A_451 = arith.muli %scan3A_51, %mul3A_450 : i32
      %add3A_452 = arith.constant 11 : i32
      %add3A_453 = arith.addi %mul3A_451, %add3A_452 : i32
      %get3A_454 = arith.index_cast %add3A_453 : i32 to index
      %get3A_455 = arith.constant 16 : index
      %get3A_456 = tpu.vector_load %arg6[%get3A_454, %get3A_455] {strides = array<i32>} : memref<256x128xf32, #tpu.memory_space<vmem>>, vector<16xf32>,
      %mul3A_457 = arith.mulf %get3A_456, %bitcast3A_162 : vector<16xf32>
      %add3A_458 = arith.addf %add3A_449, %mul3A_457 : vector<16xf32>
      %mul3A_459 = arith.constant 16 : i32
      %mul3A_460 = arith.muli %scan3A_51, %mul3A_459 : i32
      %add3A_461 = arith.constant 12 : i32
      %add3A_462 = arith.addi %mul3A_460, %add3A_461 : i32
      %get3A_463 = arith.index_cast %add3A_462 : i32 to index
      %get3A_464 = arith.constant 16 : index
      %get3A_465 = tpu.vector_load %arg6[%get3A_463, %get3A_464] {strides = array<i32>} : memref<256x128xf32, #tpu.memory_space<vmem>>, vector<16xf32>,
      %mul3A_466 = arith.mulf %get3A_465, %bitcast3A_171 : vector<16xf32>
      %add3A_467 = arith.addf %add3A_458, %mul3A_466 : vector<16xf32>
      %mul3A_468 = arith.constant 16 : i32
      %mul3A_469 = arith.muli %scan3A_51, %mul3A_468 : i32
      %add3A_470 = arith.constant 13 : i32
      %add3A_471 = arith.addi %mul3A_469, %add3A_470 : i32
      %get3A_472 = arith.index_cast %add3A_471 : i32 to index
      %get3A_473 = arith.constant 16 : index
      %get3A_474 = tpu.vector_load %arg6[%get3A_472, %get3A_473] {strides = array<i32>} : memref<256x128xf32, #tpu.memory_space<vmem>>, vector<16xf32>,
      %mul3A_475 = arith.mulf %get3A_474, %bitcast3A_180 : vector<16xf32>
      %add3A_476 = arith.addf %add3A_467, %mul3A_475 : vector<16xf32>
      %mul3A_477 = arith.constant 16 : i32
      %mul3A_478 = arith.muli %scan3A_51, %mul3A_477 : i32
      %add3A_479 = arith.constant 14 : i32
      %add3A_480 = arith.addi %mul3A_478, %add3A_479 : i32
      %get3A_481 = arith.index_cast %add3A_480 : i32 to index
      %get3A_482 = arith.constant 16 : index
      %get3A_483 = tpu.vector_load %arg6[%get3A_481, %get3A_482] {strides = array<i32>} : memref<256x128xf32, #tpu.memory_space<vmem>>, vector<16xf32>,
      %mul3A_484 = arith.mulf %get3A_483, %bitcast3A_189 : vector<16xf32>
      %add3A_485 = arith.addf %add3A_476, %mul3A_484 : vector<16xf32>
      %mul3A_486 = arith.constant 16 : i32
      %mul3A_487 = arith.muli %scan3A_51, %mul3A_486 : i32
      %add3A_488 = arith.constant 15 : i32
      %add3A_489 = arith.addi %mul3A_487, %add3A_488 : i32
      %get3A_490 = arith.index_cast %add3A_489 : i32 to index
      %get3A_491 = arith.constant 16 : index
      %get3A_492 = tpu.vector_load %arg6[%get3A_490, %get3A_491] {strides = array<i32>} : memref<256x128xf32, #tpu.memory_space<vmem>>, vector<16xf32>,
      %mul3A_493 = arith.mulf %get3A_492, %bitcast3A_198 : vector<16xf32>
      %add3A_494 = arith.addf %add3A_485, %mul3A_493 : vector<16xf32>
      %neg3A_495 = arith.constant 0.000000e+00 : f32
      %neg3A_496 = vector.broadcast %neg3A_495 : f32 to vector<16xf32>
      %neg3A_497 = arith.subf %neg3A_496, %add3A_494 : vector<16xf32>
      %exp3A_498 = math.exp %neg3A_497 : vector<16xf32>
      %add3A_499 = arith.constant 1.000000e+00 : f32
      %add3A_500 = vector.broadcast %add3A_499 : f32 to vector<16xf32>
      %add3A_501 = arith.addf %add3A_500, %exp3A_498 : vector<16xf32>
      %div3A_502 = arith.constant 1.000000e+00 : f32
      %div3A_503 = vector.broadcast %div3A_502 : f32 to vector<16xf32>
      %div3A_504 = arith.divf %div3A_503, %add3A_501 : vector<16xf32>
      %swap3A_505 = arith.index_cast %scan3A_51 : i32 to index
      %swap3A_506 = arith.constant 16 : index
      %swap3A_507 = tpu.vector_load %arg7[%swap3A_505, %swap3A_506] {strides = array<i32>} : memref<16x128xf32, #tpu.memory_space<vmem>>, vector<16xf32>,
      tpu.vector_store %arg7[%swap3A_505, %swap3A_506], %div3A_504 {strides = array<i32>} : memref<16x128xf32, #tpu.memory_space<vmem>>, vector<16xf32>,
      %mul3A_508 = arith.constant 16 : i32
      %mul3A_509 = arith.muli %scan3A_51, %mul3A_508 : i32
      %add3A_510 = arith.constant 0 : i32
      %add3A_511 = arith.addi %mul3A_509, %add3A_510 : i32
      %get3A_512 = arith.index_cast %add3A_511 : i32 to index
      %get3A_513 = arith.constant 32 : index
      %get3A_514 = tpu.vector_load %arg6[%get3A_512, %get3A_513] {strides = array<i32>} : memref<256x128xf32, #tpu.memory_space<vmem>>, vector<16xf32>,
      %mul3A_515 = arith.mulf %get3A_514, %bitcast3A_63 : vector<16xf32>
      %add3A_516 = arith.addf %bitcast3A, %mul3A_515 : vector<16xf32>
      %mul3A_517 = arith.constant 16 : i32
      %mul3A_518 = arith.muli %scan3A_51, %mul3A_517 : i32
      %add3A_519 = arith.constant 1 : i32
      %add3A_520 = arith.addi %mul3A_518, %add3A_519 : i32
      %get3A_521 = arith.index_cast %add3A_520 : i32 to index
      %get3A_522 = arith.constant 32 : index
      %get3A_523 = tpu.vector_load %arg6[%get3A_521, %get3A_522] {strides = array<i32>} : memref<256x128xf32, #tpu.memory_space<vmem>>, vector<16xf32>,
      %mul3A_524 = arith.mulf %get3A_523, %bitcast3A_72 : vector<16xf32>
      %add3A_525 = arith.addf %add3A_516, %mul3A_524 : vector<16xf32>
      %mul3A_526 = arith.constant 16 : i32
      %mul3A_527 = arith.muli %scan3A_51, %mul3A_526 : i32
      %add3A_528 = arith.constant 2 : i32
      %add3A_529 = arith.addi %mul3A_527, %add3A_528 : i32
      %get3A_530 = arith.index_cast %add3A_529 : i32 to index
      %get3A_531 = arith.constant 32 : index
      %get3A_532 = tpu.vector_load %arg6[%get3A_530, %get3A_531] {strides = array<i32>} : memref<256x128xf32, #tpu.memory_space<vmem>>, vector<16xf32>,
      %mul3A_533 = arith.mulf %get3A_532, %bitcast3A_81 : vector<16xf32>
      %add3A_534 = arith.addf %add3A_525, %mul3A_533 : vector<16xf32>
      %mul3A_535 = arith.constant 16 : i32
      %mul3A_536 = arith.muli %scan3A_51, %mul3A_535 : i32
      %add3A_537 = arith.constant 3 : i32
      %add3A_538 = arith.addi %mul3A_536, %add3A_537 : i32
      %get3A_539 = arith.index_cast %add3A_538 : i32 to index
      %get3A_540 = arith.constant 32 : index
      %get3A_541 = tpu.vector_load %arg6[%get3A_539, %get3A_540] {strides = array<i32>} : memref<256x128xf32, #tpu.memory_space<vmem>>, vector<16xf32>,
      %mul3A_542 = arith.mulf %get3A_541, %bitcast3A_90 : vector<16xf32>
      %add3A_543 = arith.addf %add3A_534, %mul3A_542 : vector<16xf32>
      %mul3A_544 = arith.constant 16 : i32
      %mul3A_545 = arith.muli %scan3A_51, %mul3A_544 : i32
      %add3A_546 = arith.constant 4 : i32
      %add3A_547 = arith.addi %mul3A_545, %add3A_546 : i32
      %get3A_548 = arith.index_cast %add3A_547 : i32 to index
      %get3A_549 = arith.constant 32 : index
      %get3A_550 = tpu.vector_load %arg6[%get3A_548, %get3A_549] {strides = array<i32>} : memref<256x128xf32, #tpu.memory_space<vmem>>, vector<16xf32>,
      %mul3A_551 = arith.mulf %get3A_550, %bitcast3A_99 : vector<16xf32>
      %add3A_552 = arith.addf %add3A_543, %mul3A_551 : vector<16xf32>
      %mul3A_553 = arith.constant 16 : i32
      %mul3A_554 = arith.muli %scan3A_51, %mul3A_553 : i32
      %add3A_555 = arith.constant 5 : i32
      %add3A_556 = arith.addi %mul3A_554, %add3A_555 : i32
      %get3A_557 = arith.index_cast %add3A_556 : i32 to index
      %get3A_558 = arith.constant 32 : index
      %get3A_559 = tpu.vector_load %arg6[%get3A_557, %get3A_558] {strides = array<i32>} : memref<256x128xf32, #tpu.memory_space<vmem>>, vector<16xf32>,
      %mul3A_560 = arith.mulf %get3A_559, %bitcast3A_108 : vector<16xf32>
      %add3A_561 = arith.addf %add3A_552, %mul3A_560 : vector<16xf32>
      %mul3A_562 = arith.constant 16 : i32
      %mul3A_563 = arith.muli %scan3A_51, %mul3A_562 : i32
      %add3A_564 = arith.constant 6 : i32
      %add3A_565 = arith.addi %mul3A_563, %add3A_564 : i32
      %get3A_566 = arith.index_cast %add3A_565 : i32 to index
      %get3A_567 = arith.constant 32 : index
      %get3A_568 = tpu.vector_load %arg6[%get3A_566, %get3A_567] {strides = array<i32>} : memref<256x128xf32, #tpu.memory_space<vmem>>, vector<16xf32>,
      %mul3A_569 = arith.mulf %get3A_568, %bitcast3A_117 : vector<16xf32>
      %add3A_570 = arith.addf %add3A_561, %mul3A_569 : vector<16xf32>
      %mul3A_571 = arith.constant 16 : i32
      %mul3A_572 = arith.muli %scan3A_51, %mul3A_571 : i32
      %add3A_573 = arith.constant 7 : i32
      %add3A_574 = arith.addi %mul3A_572, %add3A_573 : i32
      %get3A_575 = arith.index_cast %add3A_574 : i32 to index
      %get3A_576 = arith.constant 32 : index
      %get3A_577 = tpu.vector_load %arg6[%get3A_575, %get3A_576] {strides = array<i32>} : memref<256x128xf32, #tpu.memory_space<vmem>>, vector<16xf32>,
      %mul3A_578 = arith.mulf %get3A_577, %bitcast3A_126 : vector<16xf32>
      %add3A_579 = arith.addf %add3A_570, %mul3A_578 : vector<16xf32>
      %mul3A_580 = arith.constant 16 : i32
      %mul3A_581 = arith.muli %scan3A_51, %mul3A_580 : i32
      %add3A_582 = arith.constant 8 : i32
      %add3A_583 = arith.addi %mul3A_581, %add3A_582 : i32
      %get3A_584 = arith.index_cast %add3A_583 : i32 to index
      %get3A_585 = arith.constant 32 : index
      %get3A_586 = tpu.vector_load %arg6[%get3A_584, %get3A_585] {strides = array<i32>} : memref<256x128xf32, #tpu.memory_space<vmem>>, vector<16xf32>,
      %mul3A_587 = arith.mulf %get3A_586, %bitcast3A_135 : vector<16xf32>
      %add3A_588 = arith.addf %add3A_579, %mul3A_587 : vector<16xf32>
      %mul3A_589 = arith.constant 16 : i32
      %mul3A_590 = arith.muli %scan3A_51, %mul3A_589 : i32
      %add3A_591 = arith.constant 9 : i32
      %add3A_592 = arith.addi %mul3A_590, %add3A_591 : i32
      %get3A_593 = arith.index_cast %add3A_592 : i32 to index
      %get3A_594 = arith.constant 32 : index
      %get3A_595 = tpu.vector_load %arg6[%get3A_593, %get3A_594] {strides = array<i32>} : memref<256x128xf32, #tpu.memory_space<vmem>>, vector<16xf32>,
      %mul3A_596 = arith.mulf %get3A_595, %bitcast3A_144 : vector<16xf32>
      %add3A_597 = arith.addf %add3A_588, %mul3A_596 : vector<16xf32>
      %mul3A_598 = arith.constant 16 : i32
      %mul3A_599 = arith.muli %scan3A_51, %mul3A_598 : i32
      %add3A_600 = arith.constant 10 : i32
      %add3A_601 = arith.addi %mul3A_599, %add3A_600 : i32
      %get3A_602 = arith.index_cast %add3A_601 : i32 to index
      %get3A_603 = arith.constant 32 : index
      %get3A_604 = tpu.vector_load %arg6[%get3A_602, %get3A_603] {strides = array<i32>} : memref<256x128xf32, #tpu.memory_space<vmem>>, vector<16xf32>,
      %mul3A_605 = arith.mulf %get3A_604, %bitcast3A_153 : vector<16xf32>
      %add3A_606 = arith.addf %add3A_597, %mul3A_605 : vector<16xf32>
      %mul3A_607 = arith.constant 16 : i32
      %mul3A_608 = arith.muli %scan3A_51, %mul3A_607 : i32
      %add3A_609 = arith.constant 11 : i32
      %add3A_610 = arith.addi %mul3A_608, %add3A_609 : i32
      %get3A_611 = arith.index_cast %add3A_610 : i32 to index
      %get3A_612 = arith.constant 32 : index
      %get3A_613 = tpu.vector_load %arg6[%get3A_611, %get3A_612] {strides = array<i32>} : memref<256x128xf32, #tpu.memory_space<vmem>>, vector<16xf32>,
      %mul3A_614 = arith.mulf %get3A_613, %bitcast3A_162 : vector<16xf32>
      %add3A_615 = arith.addf %add3A_606, %mul3A_614 : vector<16xf32>
      %mul3A_616 = arith.constant 16 : i32
      %mul3A_617 = arith.muli %scan3A_51, %mul3A_616 : i32
      %add3A_618 = arith.constant 12 : i32
      %add3A_619 = arith.addi %mul3A_617, %add3A_618 : i32
      %get3A_620 = arith.index_cast %add3A_619 : i32 to index
      %get3A_621 = arith.constant 32 : index
      %get3A_622 = tpu.vector_load %arg6[%get3A_620, %get3A_621] {strides = array<i32>} : memref<256x128xf32, #tpu.memory_space<vmem>>, vector<16xf32>,
      %mul3A_623 = arith.mulf %get3A_622, %bitcast3A_171 : vector<16xf32>
      %add3A_624 = arith.addf %add3A_615, %mul3A_623 : vector<16xf32>
      %mul3A_625 = arith.constant 16 : i32
      %mul3A_626 = arith.muli %scan3A_51, %mul3A_625 : i32
      %add3A_627 = arith.constant 13 : i32
      %add3A_628 = arith.addi %mul3A_626, %add3A_627 : i32
      %get3A_629 = arith.index_cast %add3A_628 : i32 to index
      %get3A_630 = arith.constant 32 : index
      %get3A_631 = tpu.vector_load %arg6[%get3A_629, %get3A_630] {strides = array<i32>} : memref<256x128xf32, #tpu.memory_space<vmem>>, vector<16xf32>,
      %mul3A_632 = arith.mulf %get3A_631, %bitcast3A_180 : vector<16xf32>
      %add3A_633 = arith.addf %add3A_624, %mul3A_632 : vector<16xf32>
      %mul3A_634 = arith.constant 16 : i32
      %mul3A_635 = arith.muli %scan3A_51, %mul3A_634 : i32
      %add3A_636 = arith.constant 14 : i32
      %add3A_637 = arith.addi %mul3A_635, %add3A_636 : i32
      %get3A_638 = arith.index_cast %add3A_637 : i32 to index
      %get3A_639 = arith.constant 32 : index
      %get3A_640 = tpu.vector_load %arg6[%get3A_638, %get3A_639] {strides = array<i32>} : memref<256x128xf32, #tpu.memory_space<vmem>>, vector<16xf32>,
      %mul3A_641 = arith.mulf %get3A_640, %bitcast3A_189 : vector<16xf32>
      %add3A_642 = arith.addf %add3A_633, %mul3A_641 : vector<16xf32>
      %mul3A_643 = arith.constant 16 : i32
      %mul3A_644 = arith.muli %scan3A_51, %mul3A_643 : i32
      %add3A_645 = arith.constant 15 : i32
      %add3A_646 = arith.addi %mul3A_644, %add3A_645 : i32
      %get3A_647 = arith.index_cast %add3A_646 : i32 to index
      %get3A_648 = arith.constant 32 : index
      %get3A_649 = tpu.vector_load %arg6[%get3A_647, %get3A_648] {strides = array<i32>} : memref<256x128xf32, #tpu.memory_space<vmem>>, vector<16xf32>,
      %mul3A_650 = arith.mulf %get3A_649, %bitcast3A_198 : vector<16xf32>
      %add3A_651 = arith.addf %add3A_642, %mul3A_650 : vector<16xf32>
      %neg3A_652 = arith.constant 0.000000e+00 : f32
      %neg3A_653 = vector.broadcast %neg3A_652 : f32 to vector<16xf32>
      %neg3A_654 = arith.subf %neg3A_653, %add3A_651 : vector<16xf32>
      %exp3A_655 = math.exp %neg3A_654 : vector<16xf32>
      %add3A_656 = arith.constant 1.000000e+00 : f32
      %add3A_657 = vector.broadcast %add3A_656 : f32 to vector<16xf32>
      %add3A_658 = arith.addf %add3A_657, %exp3A_655 : vector<16xf32>
      %div3A_659 = arith.constant 1.000000e+00 : f32
      %div3A_660 = vector.broadcast %div3A_659 : f32 to vector<16xf32>
      %div3A_661 = arith.divf %div3A_660, %add3A_658 : vector<16xf32>
      %swap3A_662 = arith.index_cast %scan3A_51 : i32 to index
      %swap3A_663 = arith.constant 32 : index
      %swap3A_664 = tpu.vector_load %arg7[%swap3A_662, %swap3A_663] {strides = array<i32>} : memref<16x128xf32, #tpu.memory_space<vmem>>, vector<16xf32>,
      tpu.vector_store %arg7[%swap3A_662, %swap3A_663], %div3A_661 {strides = array<i32>} : memref<16x128xf32, #tpu.memory_space<vmem>>, vector<16xf32>,
      %mul3A_665 = arith.constant 16 : i32
      %mul3A_666 = arith.muli %scan3A_51, %mul3A_665 : i32
      %add3A_667 = arith.constant 0 : i32
      %add3A_668 = arith.addi %mul3A_666, %add3A_667 : i32
      %get3A_669 = arith.index_cast %add3A_668 : i32 to index
      %get3A_670 = arith.constant 48 : index
      %get3A_671 = tpu.vector_load %arg6[%get3A_669, %get3A_670] {strides = array<i32>} : memref<256x128xf32, #tpu.memory_space<vmem>>, vector<16xf32>,
      %mul3A_672 = arith.mulf %get3A_671, %bitcast3A_63 : vector<16xf32>
      %add3A_673 = arith.addf %bitcast3A, %mul3A_672 : vector<16xf32>
      %mul3A_674 = arith.constant 16 : i32
      %mul3A_675 = arith.muli %scan3A_51, %mul3A_674 : i32
      %add3A_676 = arith.constant 1 : i32
      %add3A_677 = arith.addi %mul3A_675, %add3A_676 : i32
      %get3A_678 = arith.index_cast %add3A_677 : i32 to index
      %get3A_679 = arith.constant 48 : index
      %get3A_680 = tpu.vector_load %arg6[%get3A_678, %get3A_679] {strides = array<i32>} : memref<256x128xf32, #tpu.memory_space<vmem>>, vector<16xf32>,
      %mul3A_681 = arith.mulf %get3A_680, %bitcast3A_72 : vector<16xf32>
      %add3A_682 = arith.addf %add3A_673, %mul3A_681 : vector<16xf32>
      %mul3A_683 = arith.constant 16 : i32
      %mul3A_684 = arith.muli %scan3A_51, %mul3A_683 : i32
      %add3A_685 = arith.constant 2 : i32
      %add3A_686 = arith.addi %mul3A_684, %add3A_685 : i32
      %get3A_687 = arith.index_cast %add3A_686 : i32 to index
      %get3A_688 = arith.constant 48 : index
      %get3A_689 = tpu.vector_load %arg6[%get3A_687, %get3A_688] {strides = array<i32>} : memref<256x128xf32, #tpu.memory_space<vmem>>, vector<16xf32>,
      %mul3A_690 = arith.mulf %get3A_689, %bitcast3A_81 : vector<16xf32>
      %add3A_691 = arith.addf %add3A_682, %mul3A_690 : vector<16xf32>
      %mul3A_692 = arith.constant 16 : i32
      %mul3A_693 = arith.muli %scan3A_51, %mul3A_692 : i32
      %add3A_694 = arith.constant 3 : i32
      %add3A_695 = arith.addi %mul3A_693, %add3A_694 : i32
      %get3A_696 = arith.index_cast %add3A_695 : i32 to index
      %get3A_697 = arith.constant 48 : index
      %get3A_698 = tpu.vector_load %arg6[%get3A_696, %get3A_697] {strides = array<i32>} : memref<256x128xf32, #tpu.memory_space<vmem>>, vector<16xf32>,
      %mul3A_699 = arith.mulf %get3A_698, %bitcast3A_90 : vector<16xf32>
      %add3A_700 = arith.addf %add3A_691, %mul3A_699 : vector<16xf32>
      %mul3A_701 = arith.constant 16 : i32
      %mul3A_702 = arith.muli %scan3A_51, %mul3A_701 : i32
      %add3A_703 = arith.constant 4 : i32
      %add3A_704 = arith.addi %mul3A_702, %add3A_703 : i32
      %get3A_705 = arith.index_cast %add3A_704 : i32 to index
      %get3A_706 = arith.constant 48 : index
      %get3A_707 = tpu.vector_load %arg6[%get3A_705, %get3A_706] {strides = array<i32>} : memref<256x128xf32, #tpu.memory_space<vmem>>, vector<16xf32>,
      %mul3A_708 = arith.mulf %get3A_707, %bitcast3A_99 : vector<16xf32>
      %add3A_709 = arith.addf %add3A_700, %mul3A_708 : vector<16xf32>
      %mul3A_710 = arith.constant 16 : i32
      %mul3A_711 = arith.muli %scan3A_51, %mul3A_710 : i32
      %add3A_712 = arith.constant 5 : i32
      %add3A_713 = arith.addi %mul3A_711, %add3A_712 : i32
      %get3A_714 = arith.index_cast %add3A_713 : i32 to index
      %get3A_715 = arith.constant 48 : index
      %get3A_716 = tpu.vector_load %arg6[%get3A_714, %get3A_715] {strides = array<i32>} : memref<256x128xf32, #tpu.memory_space<vmem>>, vector<16xf32>,
      %mul3A_717 = arith.mulf %get3A_716, %bitcast3A_108 : vector<16xf32>
      %add3A_718 = arith.addf %add3A_709, %mul3A_717 : vector<16xf32>
      %mul3A_719 = arith.constant 16 : i32
      %mul3A_720 = arith.muli %scan3A_51, %mul3A_719 : i32
      %add3A_721 = arith.constant 6 : i32
      %add3A_722 = arith.addi %mul3A_720, %add3A_721 : i32
      %get3A_723 = arith.index_cast %add3A_722 : i32 to index
      %get3A_724 = arith.constant 48 : index
      %get3A_725 = tpu.vector_load %arg6[%get3A_723, %get3A_724] {strides = array<i32>} : memref<256x128xf32, #tpu.memory_space<vmem>>, vector<16xf32>,
      %mul3A_726 = arith.mulf %get3A_725, %bitcast3A_117 : vector<16xf32>
      %add3A_727 = arith.addf %add3A_718, %mul3A_726 : vector<16xf32>
      %mul3A_728 = arith.constant 16 : i32
      %mul3A_729 = arith.muli %scan3A_51, %mul3A_728 : i32
      %add3A_730 = arith.constant 7 : i32
      %add3A_731 = arith.addi %mul3A_729, %add3A_730 : i32
      %get3A_732 = arith.index_cast %add3A_731 : i32 to index
      %get3A_733 = arith.constant 48 : index
      %get3A_734 = tpu.vector_load %arg6[%get3A_732, %get3A_733] {strides = array<i32>} : memref<256x128xf32, #tpu.memory_space<vmem>>, vector<16xf32>,
      %mul3A_735 = arith.mulf %get3A_734, %bitcast3A_126 : vector<16xf32>
      %add3A_736 = arith.addf %add3A_727, %mul3A_735 : vector<16xf32>
      %mul3A_737 = arith.constant 16 : i32
      %mul3A_738 = arith.muli %scan3A_51, %mul3A_737 : i32
      %add3A_739 = arith.constant 8 : i32
      %add3A_740 = arith.addi %mul3A_738, %add3A_739 : i32
      %get3A_741 = arith.index_cast %add3A_740 : i32 to index
      %get3A_742 = arith.constant 48 : index
      %get3A_743 = tpu.vector_load %arg6[%get3A_741, %get3A_742] {strides = array<i32>} : memref<256x128xf32, #tpu.memory_space<vmem>>, vector<16xf32>,
      %mul3A_744 = arith.mulf %get3A_743, %bitcast3A_135 : vector<16xf32>
      %add3A_745 = arith.addf %add3A_736, %mul3A_744 : vector<16xf32>
      %mul3A_746 = arith.constant 16 : i32
      %mul3A_747 = arith.muli %scan3A_51, %mul3A_746 : i32
      %add3A_748 = arith.constant 9 : i32
      %add3A_749 = arith.addi %mul3A_747, %add3A_748 : i32
      %get3A_750 = arith.index_cast %add3A_749 : i32 to index
      %get3A_751 = arith.constant 48 : index
      %get3A_752 = tpu.vector_load %arg6[%get3A_750, %get3A_751] {strides = array<i32>} : memref<256x128xf32, #tpu.memory_space<vmem>>, vector<16xf32>,
      %mul3A_753 = arith.mulf %get3A_752, %bitcast3A_144 : vector<16xf32>
      %add3A_754 = arith.addf %add3A_745, %mul3A_753 : vector<16xf32>
      %mul3A_755 = arith.constant 16 : i32
      %mul3A_756 = arith.muli %scan3A_51, %mul3A_755 : i32
      %add3A_757 = arith.constant 10 : i32
      %add3A_758 = arith.addi %mul3A_756, %add3A_757 : i32
      %get3A_759 = arith.index_cast %add3A_758 : i32 to index
      %get3A_760 = arith.constant 48 : index
      %get3A_761 = tpu.vector_load %arg6[%get3A_759, %get3A_760] {strides = array<i32>} : memref<256x128xf32, #tpu.memory_space<vmem>>, vector<16xf32>,
      %mul3A_762 = arith.mulf %get3A_761, %bitcast3A_153 : vector<16xf32>
      %add3A_763 = arith.addf %add3A_754, %mul3A_762 : vector<16xf32>
      %mul3A_764 = arith.constant 16 : i32
      %mul3A_765 = arith.muli %scan3A_51, %mul3A_764 : i32
      %add3A_766 = arith.constant 11 : i32
      %add3A_767 = arith.addi %mul3A_765, %add3A_766 : i32
      %get3A_768 = arith.index_cast %add3A_767 : i32 to index
      %get3A_769 = arith.constant 48 : index
      %get3A_770 = tpu.vector_load %arg6[%get3A_768, %get3A_769] {strides = array<i32>} : memref<256x128xf32, #tpu.memory_space<vmem>>, vector<16xf32>,
      %mul3A_771 = arith.mulf %get3A_770, %bitcast3A_162 : vector<16xf32>
      %add3A_772 = arith.addf %add3A_763, %mul3A_771 : vector<16xf32>
      %mul3A_773 = arith.constant 16 : i32
      %mul3A_774 = arith.muli %scan3A_51, %mul3A_773 : i32
      %add3A_775 = arith.constant 12 : i32
      %add3A_776 = arith.addi %mul3A_774, %add3A_775 : i32
      %get3A_777 = arith.index_cast %add3A_776 : i32 to index
      %get3A_778 = arith.constant 48 : index
      %get3A_779 = tpu.vector_load %arg6[%get3A_777, %get3A_778] {strides = array<i32>} : memref<256x128xf32, #tpu.memory_space<vmem>>, vector<16xf32>,
      %mul3A_780 = arith.mulf %get3A_779, %bitcast3A_171 : vector<16xf32>
      %add3A_781 = arith.addf %add3A_772, %mul3A_780 : vector<16xf32>
      %mul3A_782 = arith.constant 16 : i32
      %mul3A_783 = arith.muli %scan3A_51, %mul3A_782 : i32
      %add3A_784 = arith.constant 13 : i32
      %add3A_785 = arith.addi %mul3A_783, %add3A_784 : i32
      %get3A_786 = arith.index_cast %add3A_785 : i32 to index
      %get3A_787 = arith.constant 48 : index
      %get3A_788 = tpu.vector_load %arg6[%get3A_786, %get3A_787] {strides = array<i32>} : memref<256x128xf32, #tpu.memory_space<vmem>>, vector<16xf32>,
      %mul3A_789 = arith.mulf %get3A_788, %bitcast3A_180 : vector<16xf32>
      %add3A_790 = arith.addf %add3A_781, %mul3A_789 : vector<16xf32>
      %mul3A_791 = arith.constant 16 : i32
      %mul3A_792 = arith.muli %scan3A_51, %mul3A_791 : i32
      %add3A_793 = arith.constant 14 : i32
      %add3A_794 = arith.addi %mul3A_792, %add3A_793 : i32
      %get3A_795 = arith.index_cast %add3A_794 : i32 to index
      %get3A_796 = arith.constant 48 : index
      %get3A_797 = tpu.vector_load %arg6[%get3A_795, %get3A_796] {strides = array<i32>} : memref<256x128xf32, #tpu.memory_space<vmem>>, vector<16xf32>,
      %mul3A_798 = arith.mulf %get3A_797, %bitcast3A_189 : vector<16xf32>
      %add3A_799 = arith.addf %add3A_790, %mul3A_798 : vector<16xf32>
      %mul3A_800 = arith.constant 16 : i32
      %mul3A_801 = arith.muli %scan3A_51, %mul3A_800 : i32
      %add3A_802 = arith.constant 15 : i32
      %add3A_803 = arith.addi %mul3A_801, %add3A_802 : i32
      %get3A_804 = arith.index_cast %add3A_803 : i32 to index
      %get3A_805 = arith.constant 48 : index
      %get3A_806 = tpu.vector_load %arg6[%get3A_804, %get3A_805] {strides = array<i32>} : memref<256x128xf32, #tpu.memory_space<vmem>>, vector<16xf32>,
      %mul3A_807 = arith.mulf %get3A_806, %bitcast3A_198 : vector<16xf32>
      %add3A_808 = arith.addf %add3A_799, %mul3A_807 : vector<16xf32>
      %neg3A_809 = arith.constant 0.000000e+00 : f32
      %neg3A_810 = vector.broadcast %neg3A_809 : f32 to vector<16xf32>
      %neg3A_811 = arith.subf %neg3A_810, %add3A_808 : vector<16xf32>
      %exp3A_812 = math.exp %neg3A_811 : vector<16xf32>
      %add3A_813 = arith.constant 1.000000e+00 : f32
      %add3A_814 = vector.broadcast %add3A_813 : f32 to vector<16xf32>
      %add3A_815 = arith.addf %add3A_814, %exp3A_812 : vector<16xf32>
      %div3A_816 = arith.constant 1.000000e+00 : f32
      %div3A_817 = vector.broadcast %div3A_816 : f32 to vector<16xf32>
      %div3A_818 = arith.divf %div3A_817, %add3A_815 : vector<16xf32>
      %swap3A_819 = arith.index_cast %scan3A_51 : i32 to index
      %swap3A_820 = arith.constant 48 : index
      %swap3A_821 = tpu.vector_load %arg7[%swap3A_819, %swap3A_820] {strides = array<i32>} : memref<16x128xf32, #tpu.memory_space<vmem>>, vector<16xf32>,
      tpu.vector_store %arg7[%swap3A_819, %swap3A_820], %div3A_818 {strides = array<i32>} : memref<16x128xf32, #tpu.memory_space<vmem>>, vector<16xf32>,
      %mul3A_822 = arith.constant 16 : i32
      %mul3A_823 = arith.muli %scan3A_51, %mul3A_822 : i32
      %add3A_824 = arith.constant 0 : i32
      %add3A_825 = arith.addi %mul3A_823, %add3A_824 : i32
      %get3A_826 = arith.index_cast %add3A_825 : i32 to index
      %get3A_827 = arith.constant 64 : index
      %get3A_828 = tpu.vector_load %arg6[%get3A_826, %get3A_827] {strides = array<i32>} : memref<256x128xf32, #tpu.memory_space<vmem>>, vector<16xf32>,
      %mul3A_829 = arith.mulf %get3A_828, %bitcast3A_63 : vector<16xf32>
      %add3A_830 = arith.addf %bitcast3A, %mul3A_829 : vector<16xf32>
      %mul3A_831 = arith.constant 16 : i32
      %mul3A_832 = arith.muli %scan3A_51, %mul3A_831 : i32
      %add3A_833 = arith.constant 1 : i32
      %add3A_834 = arith.addi %mul3A_832, %add3A_833 : i32
      %get3A_835 = arith.index_cast %add3A_834 : i32 to index
      %get3A_836 = arith.constant 64 : index
      %get3A_837 = tpu.vector_load %arg6[%get3A_835, %get3A_836] {strides = array<i32>} : memref<256x128xf32, #tpu.memory_space<vmem>>, vector<16xf32>,
      %mul3A_838 = arith.mulf %get3A_837, %bitcast3A_72 : vector<16xf32>
      %add3A_839 = arith.addf %add3A_830, %mul3A_838 : vector<16xf32>
      %mul3A_840 = arith.constant 16 : i32
      %mul3A_841 = arith.muli %scan3A_51, %mul3A_840 : i32
      %add3A_842 = arith.constant 2 : i32
      %add3A_843 = arith.addi %mul3A_841, %add3A_842 : i32
      %get3A_844 = arith.index_cast %add3A_843 : i32 to index
      %get3A_845 = arith.constant 64 : index
      %get3A_846 = tpu.vector_load %arg6[%get3A_844, %get3A_845] {strides = array<i32>} : memref<256x128xf32, #tpu.memory_space<vmem>>, vector<16xf32>,
      %mul3A_847 = arith.mulf %get3A_846, %bitcast3A_81 : vector<16xf32>
      %add3A_848 = arith.addf %add3A_839, %mul3A_847 : vector<16xf32>
      %mul3A_849 = arith.constant 16 : i32
      %mul3A_850 = arith.muli %scan3A_51, %mul3A_849 : i32
      %add3A_851 = arith.constant 3 : i32
      %add3A_852 = arith.addi %mul3A_850, %add3A_851 : i32
      %get3A_853 = arith.index_cast %add3A_852 : i32 to index
      %get3A_854 = arith.constant 64 : index
      %get3A_855 = tpu.vector_load %arg6[%get3A_853, %get3A_854] {strides = array<i32>} : memref<256x128xf32, #tpu.memory_space<vmem>>, vector<16xf32>,
      %mul3A_856 = arith.mulf %get3A_855, %bitcast3A_90 : vector<16xf32>
      %add3A_857 = arith.addf %add3A_848, %mul3A_856 : vector<16xf32>
      %mul3A_858 = arith.constant 16 : i32
      %mul3A_859 = arith.muli %scan3A_51, %mul3A_858 : i32
      %add3A_860 = arith.constant 4 : i32
      %add3A_861 = arith.addi %mul3A_859, %add3A_860 : i32
      %get3A_862 = arith.index_cast %add3A_861 : i32 to index
      %get3A_863 = arith.constant 64 : index
      %get3A_864 = tpu.vector_load %arg6[%get3A_862, %get3A_863] {strides = array<i32>} : memref<256x128xf32, #tpu.memory_space<vmem>>, vector<16xf32>,
      %mul3A_865 = arith.mulf %get3A_864, %bitcast3A_99 : vector<16xf32>
      %add3A_866 = arith.addf %add3A_857, %mul3A_865 : vector<16xf32>
      %mul3A_867 = arith.constant 16 : i32
      %mul3A_868 = arith.muli %scan3A_51, %mul3A_867 : i32
      %add3A_869 = arith.constant 5 : i32
      %add3A_870 = arith.addi %mul3A_868, %add3A_869 : i32
      %get3A_871 = arith.index_cast %add3A_870 : i32 to index
      %get3A_872 = arith.constant 64 : index
      %get3A_873 = tpu.vector_load %arg6[%get3A_871, %get3A_872] {strides = array<i32>} : memref<256x128xf32, #tpu.memory_space<vmem>>, vector<16xf32>,
      %mul3A_874 = arith.mulf %get3A_873, %bitcast3A_108 : vector<16xf32>
      %add3A_875 = arith.addf %add3A_866, %mul3A_874 : vector<16xf32>
      %mul3A_876 = arith.constant 16 : i32
      %mul3A_877 = arith.muli %scan3A_51, %mul3A_876 : i32
      %add3A_878 = arith.constant 6 : i32
      %add3A_879 = arith.addi %mul3A_877, %add3A_878 : i32
      %get3A_880 = arith.index_cast %add3A_879 : i32 to index
      %get3A_881 = arith.constant 64 : index
      %get3A_882 = tpu.vector_load %arg6[%get3A_880, %get3A_881] {strides = array<i32>} : memref<256x128xf32, #tpu.memory_space<vmem>>, vector<16xf32>,
      %mul3A_883 = arith.mulf %get3A_882, %bitcast3A_117 : vector<16xf32>
      %add3A_884 = arith.addf %add3A_875, %mul3A_883 : vector<16xf32>
      %mul3A_885 = arith.constant 16 : i32
      %mul3A_886 = arith.muli %scan3A_51, %mul3A_885 : i32
      %add3A_887 = arith.constant 7 : i32
      %add3A_888 = arith.addi %mul3A_886, %add3A_887 : i32
      %get3A_889 = arith.index_cast %add3A_888 : i32 to index
      %get3A_890 = arith.constant 64 : index
      %get3A_891 = tpu.vector_load %arg6[%get3A_889, %get3A_890] {strides = array<i32>} : memref<256x128xf32, #tpu.memory_space<vmem>>, vector<16xf32>,
      %mul3A_892 = arith.mulf %get3A_891, %bitcast3A_126 : vector<16xf32>
      %add3A_893 = arith.addf %add3A_884, %mul3A_892 : vector<16xf32>
      %mul3A_894 = arith.constant 16 : i32
      %mul3A_895 = arith.muli %scan3A_51, %mul3A_894 : i32
      %add3A_896 = arith.constant 8 : i32
      %add3A_897 = arith.addi %mul3A_895, %add3A_896 : i32
      %get3A_898 = arith.index_cast %add3A_897 : i32 to index
      %get3A_899 = arith.constant 64 : index
      %get3A_900 = tpu.vector_load %arg6[%get3A_898, %get3A_899] {strides = array<i32>} : memref<256x128xf32, #tpu.memory_space<vmem>>, vector<16xf32>,
      %mul3A_901 = arith.mulf %get3A_900, %bitcast3A_135 : vector<16xf32>
      %add3A_902 = arith.addf %add3A_893, %mul3A_901 : vector<16xf32>
      %mul3A_903 = arith.constant 16 : i32
      %mul3A_904 = arith.muli %scan3A_51, %mul3A_903 : i32
      %add3A_905 = arith.constant 9 : i32
      %add3A_906 = arith.addi %mul3A_904, %add3A_905 : i32
      %get3A_907 = arith.index_cast %add3A_906 : i32 to index
      %get3A_908 = arith.constant 64 : index
      %get3A_909 = tpu.vector_load %arg6[%get3A_907, %get3A_908] {strides = array<i32>} : memref<256x128xf32, #tpu.memory_space<vmem>>, vector<16xf32>,
      %mul3A_910 = arith.mulf %get3A_909, %bitcast3A_144 : vector<16xf32>
      %add3A_911 = arith.addf %add3A_902, %mul3A_910 : vector<16xf32>
      %mul3A_912 = arith.constant 16 : i32
      %mul3A_913 = arith.muli %scan3A_51, %mul3A_912 : i32
      %add3A_914 = arith.constant 10 : i32
      %add3A_915 = arith.addi %mul3A_913, %add3A_914 : i32
      %get3A_916 = arith.index_cast %add3A_915 : i32 to index
      %get3A_917 = arith.constant 64 : index
      %get3A_918 = tpu.vector_load %arg6[%get3A_916, %get3A_917] {strides = array<i32>} : memref<256x128xf32, #tpu.memory_space<vmem>>, vector<16xf32>,
      %mul3A_919 = arith.mulf %get3A_918, %bitcast3A_153 : vector<16xf32>
      %add3A_920 = arith.addf %add3A_911, %mul3A_919 : vector<16xf32>
      %mul3A_921 = arith.constant 16 : i32
      %mul3A_922 = arith.muli %scan3A_51, %mul3A_921 : i32
      %add3A_923 = arith.constant 11 : i32
      %add3A_924 = arith.addi %mul3A_922, %add3A_923 : i32
      %get3A_925 = arith.index_cast %add3A_924 : i32 to index
      %get3A_926 = arith.constant 64 : index
      %get3A_927 = tpu.vector_load %arg6[%get3A_925, %get3A_926] {strides = array<i32>} : memref<256x128xf32, #tpu.memory_space<vmem>>, vector<16xf32>,
      %mul3A_928 = arith.mulf %get3A_927, %bitcast3A_162 : vector<16xf32>
      %add3A_929 = arith.addf %add3A_920, %mul3A_928 : vector<16xf32>
      %mul3A_930 = arith.constant 16 : i32
      %mul3A_931 = arith.muli %scan3A_51, %mul3A_930 : i32
      %add3A_932 = arith.constant 12 : i32
      %add3A_933 = arith.addi %mul3A_931, %add3A_932 : i32
      %get3A_934 = arith.index_cast %add3A_933 : i32 to index
      %get3A_935 = arith.constant 64 : index
      %get3A_936 = tpu.vector_load %arg6[%get3A_934, %get3A_935] {strides = array<i32>} : memref<256x128xf32, #tpu.memory_space<vmem>>, vector<16xf32>,
      %mul3A_937 = arith.mulf %get3A_936, %bitcast3A_171 : vector<16xf32>
      %add3A_938 = arith.addf %add3A_929, %mul3A_937 : vector<16xf32>
      %mul3A_939 = arith.constant 16 : i32
      %mul3A_940 = arith.muli %scan3A_51, %mul3A_939 : i32
      %add3A_941 = arith.constant 13 : i32
      %add3A_942 = arith.addi %mul3A_940, %add3A_941 : i32
      %get3A_943 = arith.index_cast %add3A_942 : i32 to index
      %get3A_944 = arith.constant 64 : index
      %get3A_945 = tpu.vector_load %arg6[%get3A_943, %get3A_944] {strides = array<i32>} : memref<256x128xf32, #tpu.memory_space<vmem>>, vector<16xf32>,
      %mul3A_946 = arith.mulf %get3A_945, %bitcast3A_180 : vector<16xf32>
      %add3A_947 = arith.addf %add3A_938, %mul3A_946 : vector<16xf32>
      %mul3A_948 = arith.constant 16 : i32
      %mul3A_949 = arith.muli %scan3A_51, %mul3A_948 : i32
      %add3A_950 = arith.constant 14 : i32
      %add3A_951 = arith.addi %mul3A_949, %add3A_950 : i32
      %get3A_952 = arith.index_cast %add3A_951 : i32 to index
      %get3A_953 = arith.constant 64 : index
      %get3A_954 = tpu.vector_load %arg6[%get3A_952, %get3A_953] {strides = array<i32>} : memref<256x128xf32, #tpu.memory_space<vmem>>, vector<16xf32>,
      %mul3A_955 = arith.mulf %get3A_954, %bitcast3A_189 : vector<16xf32>
      %add3A_956 = arith.addf %add3A_947, %mul3A_955 : vector<16xf32>
      %mul3A_957 = arith.constant 16 : i32
      %mul3A_958 = arith.muli %scan3A_51, %mul3A_957 : i32
      %add3A_959 = arith.constant 15 : i32
      %add3A_960 = arith.addi %mul3A_958, %add3A_959 : i32
      %get3A_961 = arith.index_cast %add3A_960 : i32 to index
      %get3A_962 = arith.constant 64 : index
      %get3A_963 = tpu.vector_load %arg6[%get3A_961, %get3A_962] {strides = array<i32>} : memref<256x128xf32, #tpu.memory_space<vmem>>, vector<16xf32>,
      %mul3A_964 = arith.mulf %get3A_963, %bitcast3A_198 : vector<16xf32>
      %add3A_965 = arith.addf %add3A_956, %mul3A_964 : vector<16xf32>
      %neg3A_966 = arith.constant 0.000000e+00 : f32
      %neg3A_967 = vector.broadcast %neg3A_966 : f32 to vector<16xf32>
      %neg3A_968 = arith.subf %neg3A_967, %add3A_965 : vector<16xf32>
      %exp3A_969 = math.exp %neg3A_968 : vector<16xf32>
      %add3A_970 = arith.constant 1.000000e+00 : f32
      %add3A_971 = vector.broadcast %add3A_970 : f32 to vector<16xf32>
      %add3A_972 = arith.addf %add3A_971, %exp3A_969 : vector<16xf32>
      %div3A_973 = arith.constant 1.000000e+00 : f32
      %div3A_974 = vector.broadcast %div3A_973 : f32 to vector<16xf32>
      %div3A_975 = arith.divf %div3A_974, %add3A_972 : vector<16xf32>
      %swap3A_976 = arith.index_cast %scan3A_51 : i32 to index
      %swap3A_977 = arith.constant 64 : index
      %swap3A_978 = tpu.vector_load %arg7[%swap3A_976, %swap3A_977] {strides = array<i32>} : memref<16x128xf32, #tpu.memory_space<vmem>>, vector<16xf32>,
      tpu.vector_store %arg7[%swap3A_976, %swap3A_977], %div3A_975 {strides = array<i32>} : memref<16x128xf32, #tpu.memory_space<vmem>>, vector<16xf32>,
      %mul3A_979 = arith.constant 16 : i32
      %mul3A_980 = arith.muli %scan3A_51, %mul3A_979 : i32
      %add3A_981 = arith.constant 0 : i32
      %add3A_982 = arith.addi %mul3A_980, %add3A_981 : i32
      %get3A_983 = arith.index_cast %add3A_982 : i32 to index
      %get3A_984 = arith.constant 80 : index
      %get3A_985 = tpu.vector_load %arg6[%get3A_983, %get3A_984] {strides = array<i32>} : memref<256x128xf32, #tpu.memory_space<vmem>>, vector<16xf32>,
      %mul3A_986 = arith.mulf %get3A_985, %bitcast3A_63 : vector<16xf32>
      %add3A_987 = arith.addf %bitcast3A, %mul3A_986 : vector<16xf32>
      %mul3A_988 = arith.constant 16 : i32
      %mul3A_989 = arith.muli %scan3A_51, %mul3A_988 : i32
      %add3A_990 = arith.constant 1 : i32
      %add3A_991 = arith.addi %mul3A_989, %add3A_990 : i32
      %get3A_992 = arith.index_cast %add3A_991 : i32 to index
      %get3A_993 = arith.constant 80 : index
      %get3A_994 = tpu.vector_load %arg6[%get3A_992, %get3A_993] {strides = array<i32>} : memref<256x128xf32, #tpu.memory_space<vmem>>, vector<16xf32>,
      %mul3A_995 = arith.mulf %get3A_994, %bitcast3A_72 : vector<16xf32>
      %add3A_996 = arith.addf %add3A_987, %mul3A_995 : vector<16xf32>
      %mul3A_997 = arith.constant 16 : i32
      %mul3A_998 = arith.muli %scan3A_51, %mul3A_997 : i32
      %add3A_999 = arith.constant 2 : i32
      %add3A_1000 = arith.addi %mul3A_998, %add3A_999 : i32
      %get3A_1001 = arith.index_cast %add3A_1000 : i32 to index
      %get3A_1002 = arith.constant 80 : index
      %get3A_1003 = tpu.vector_load %arg6[%get3A_1001, %get3A_1002] {strides = array<i32>} : memref<256x128xf32, #tpu.memory_space<vmem>>, vector<16xf32>,
      %mul3A_1004 = arith.mulf %get3A_1003, %bitcast3A_81 : vector<16xf32>
      %add3A_1005 = arith.addf %add3A_996, %mul3A_1004 : vector<16xf32>
      %mul3A_1006 = arith.constant 16 : i32
      %mul3A_1007 = arith.muli %scan3A_51, %mul3A_1006 : i32
      %add3A_1008 = arith.constant 3 : i32
      %add3A_1009 = arith.addi %mul3A_1007, %add3A_1008 : i32
      %get3A_1010 = arith.index_cast %add3A_1009 : i32 to index
      %get3A_1011 = arith.constant 80 : index
      %get3A_1012 = tpu.vector_load %arg6[%get3A_1010, %get3A_1011] {strides = array<i32>} : memref<256x128xf32, #tpu.memory_space<vmem>>, vector<16xf32>,
      %mul3A_1013 = arith.mulf %get3A_1012, %bitcast3A_90 : vector<16xf32>
      %add3A_1014 = arith.addf %add3A_1005, %mul3A_1013 : vector<16xf32>
      %mul3A_1015 = arith.constant 16 : i32
      %mul3A_1016 = arith.muli %scan3A_51, %mul3A_1015 : i32
      %add3A_1017 = arith.constant 4 : i32
      %add3A_1018 = arith.addi %mul3A_1016, %add3A_1017 : i32
      %get3A_1019 = arith.index_cast %add3A_1018 : i32 to index
      %get3A_1020 = arith.constant 80 : index
      %get3A_1021 = tpu.vector_load %arg6[%get3A_1019, %get3A_1020] {strides = array<i32>} : memref<256x128xf32, #tpu.memory_space<vmem>>, vector<16xf32>,
      %mul3A_1022 = arith.mulf %get3A_1021, %bitcast3A_99 : vector<16xf32>
      %add3A_1023 = arith.addf %add3A_1014, %mul3A_1022 : vector<16xf32>
      %mul3A_1024 = arith.constant 16 : i32
      %mul3A_1025 = arith.muli %scan3A_51, %mul3A_1024 : i32
      %add3A_1026 = arith.constant 5 : i32
      %add3A_1027 = arith.addi %mul3A_1025, %add3A_1026 : i32
      %get3A_1028 = arith.index_cast %add3A_1027 : i32 to index
      %get3A_1029 = arith.constant 80 : index
      %get3A_1030 = tpu.vector_load %arg6[%get3A_1028, %get3A_1029] {strides = array<i32>} : memref<256x128xf32, #tpu.memory_space<vmem>>, vector<16xf32>,
      %mul3A_1031 = arith.mulf %get3A_1030, %bitcast3A_108 : vector<16xf32>
      %add3A_1032 = arith.addf %add3A_1023, %mul3A_1031 : vector<16xf32>
      %mul3A_1033 = arith.constant 16 : i32
      %mul3A_1034 = arith.muli %scan3A_51, %mul3A_1033 : i32
      %add3A_1035 = arith.constant 6 : i32
      %add3A_1036 = arith.addi %mul3A_1034, %add3A_1035 : i32
      %get3A_1037 = arith.index_cast %add3A_1036 : i32 to index
      %get3A_1038 = arith.constant 80 : index
      %get3A_1039 = tpu.vector_load %arg6[%get3A_1037, %get3A_1038] {strides = array<i32>} : memref<256x128xf32, #tpu.memory_space<vmem>>, vector<16xf32>,
      %mul3A_1040 = arith.mulf %get3A_1039, %bitcast3A_117 : vector<16xf32>
      %add3A_1041 = arith.addf %add3A_1032, %mul3A_1040 : vector<16xf32>
      %mul3A_1042 = arith.constant 16 : i32
      %mul3A_1043 = arith.muli %scan3A_51, %mul3A_1042 : i32
      %add3A_1044 = arith.constant 7 : i32
      %add3A_1045 = arith.addi %mul3A_1043, %add3A_1044 : i32
      %get3A_1046 = arith.index_cast %add3A_1045 : i32 to index
      %get3A_1047 = arith.constant 80 : index
      %get3A_1048 = tpu.vector_load %arg6[%get3A_1046, %get3A_1047] {strides = array<i32>} : memref<256x128xf32, #tpu.memory_space<vmem>>, vector<16xf32>,
      %mul3A_1049 = arith.mulf %get3A_1048, %bitcast3A_126 : vector<16xf32>
      %add3A_1050 = arith.addf %add3A_1041, %mul3A_1049 : vector<16xf32>
      %mul3A_1051 = arith.constant 16 : i32
      %mul3A_1052 = arith.muli %scan3A_51, %mul3A_1051 : i32
      %add3A_1053 = arith.constant 8 : i32
      %add3A_1054 = arith.addi %mul3A_1052, %add3A_1053 : i32
      %get3A_1055 = arith.index_cast %add3A_1054 : i32 to index
      %get3A_1056 = arith.constant 80 : index
      %get3A_1057 = tpu.vector_load %arg6[%get3A_1055, %get3A_1056] {strides = array<i32>} : memref<256x128xf32, #tpu.memory_space<vmem>>, vector<16xf32>,
      %mul3A_1058 = arith.mulf %get3A_1057, %bitcast3A_135 : vector<16xf32>
      %add3A_1059 = arith.addf %add3A_1050, %mul3A_1058 : vector<16xf32>
      %mul3A_1060 = arith.constant 16 : i32
      %mul3A_1061 = arith.muli %scan3A_51, %mul3A_1060 : i32
      %add3A_1062 = arith.constant 9 : i32
      %add3A_1063 = arith.addi %mul3A_1061, %add3A_1062 : i32
      %get3A_1064 = arith.index_cast %add3A_1063 : i32 to index
      %get3A_1065 = arith.constant 80 : index
      %get3A_1066 = tpu.vector_load %arg6[%get3A_1064, %get3A_1065] {strides = array<i32>} : memref<256x128xf32, #tpu.memory_space<vmem>>, vector<16xf32>,
      %mul3A_1067 = arith.mulf %get3A_1066, %bitcast3A_144 : vector<16xf32>
      %add3A_1068 = arith.addf %add3A_1059, %mul3A_1067 : vector<16xf32>
      %mul3A_1069 = arith.constant 16 : i32
      %mul3A_1070 = arith.muli %scan3A_51, %mul3A_1069 : i32
      %add3A_1071 = arith.constant 10 : i32
      %add3A_1072 = arith.addi %mul3A_1070, %add3A_1071 : i32
      %get3A_1073 = arith.index_cast %add3A_1072 : i32 to index
      %get3A_1074 = arith.constant 80 : index
      %get3A_1075 = tpu.vector_load %arg6[%get3A_1073, %get3A_1074] {strides = array<i32>} : memref<256x128xf32, #tpu.memory_space<vmem>>, vector<16xf32>,
      %mul3A_1076 = arith.mulf %get3A_1075, %bitcast3A_153 : vector<16xf32>
      %add3A_1077 = arith.addf %add3A_1068, %mul3A_1076 : vector<16xf32>
      %mul3A_1078 = arith.constant 16 : i32
      %mul3A_1079 = arith.muli %scan3A_51, %mul3A_1078 : i32
      %add3A_1080 = arith.constant 11 : i32
      %add3A_1081 = arith.addi %mul3A_1079, %add3A_1080 : i32
      %get3A_1082 = arith.index_cast %add3A_1081 : i32 to index
      %get3A_1083 = arith.constant 80 : index
      %get3A_1084 = tpu.vector_load %arg6[%get3A_1082, %get3A_1083] {strides = array<i32>} : memref<256x128xf32, #tpu.memory_space<vmem>>, vector<16xf32>,
      %mul3A_1085 = arith.mulf %get3A_1084, %bitcast3A_162 : vector<16xf32>
      %add3A_1086 = arith.addf %add3A_1077, %mul3A_1085 : vector<16xf32>
      %mul3A_1087 = arith.constant 16 : i32
      %mul3A_1088 = arith.muli %scan3A_51, %mul3A_1087 : i32
      %add3A_1089 = arith.constant 12 : i32
      %add3A_1090 = arith.addi %mul3A_1088, %add3A_1089 : i32
      %get3A_1091 = arith.index_cast %add3A_1090 : i32 to index
      %get3A_1092 = arith.constant 80 : index
      %get3A_1093 = tpu.vector_load %arg6[%get3A_1091, %get3A_1092] {strides = array<i32>} : memref<256x128xf32, #tpu.memory_space<vmem>>, vector<16xf32>,
      %mul3A_1094 = arith.mulf %get3A_1093, %bitcast3A_171 : vector<16xf32>
      %add3A_1095 = arith.addf %add3A_1086, %mul3A_1094 : vector<16xf32>
      %mul3A_1096 = arith.constant 16 : i32
      %mul3A_1097 = arith.muli %scan3A_51, %mul3A_1096 : i32
      %add3A_1098 = arith.constant 13 : i32
      %add3A_1099 = arith.addi %mul3A_1097, %add3A_1098 : i32
      %get3A_1100 = arith.index_cast %add3A_1099 : i32 to index
      %get3A_1101 = arith.constant 80 : index
      %get3A_1102 = tpu.vector_load %arg6[%get3A_1100, %get3A_1101] {strides = array<i32>} : memref<256x128xf32, #tpu.memory_space<vmem>>, vector<16xf32>,
      %mul3A_1103 = arith.mulf %get3A_1102, %bitcast3A_180 : vector<16xf32>
      %add3A_1104 = arith.addf %add3A_1095, %mul3A_1103 : vector<16xf32>
      %mul3A_1105 = arith.constant 16 : i32
      %mul3A_1106 = arith.muli %scan3A_51, %mul3A_1105 : i32
      %add3A_1107 = arith.constant 14 : i32
      %add3A_1108 = arith.addi %mul3A_1106, %add3A_1107 : i32
      %get3A_1109 = arith.index_cast %add3A_1108 : i32 to index
      %get3A_1110 = arith.constant 80 : index
      %get3A_1111 = tpu.vector_load %arg6[%get3A_1109, %get3A_1110] {strides = array<i32>} : memref<256x128xf32, #tpu.memory_space<vmem>>, vector<16xf32>,
      %mul3A_1112 = arith.mulf %get3A_1111, %bitcast3A_189 : vector<16xf32>
      %add3A_1113 = arith.addf %add3A_1104, %mul3A_1112 : vector<16xf32>
      %mul3A_1114 = arith.constant 16 : i32
      %mul3A_1115 = arith.muli %scan3A_51, %mul3A_1114 : i32
      %add3A_1116 = arith.constant 15 : i32
      %add3A_1117 = arith.addi %mul3A_1115, %add3A_1116 : i32
      %get3A_1118 = arith.index_cast %add3A_1117 : i32 to index
      %get3A_1119 = arith.constant 80 : index
      %get3A_1120 = tpu.vector_load %arg6[%get3A_1118, %get3A_1119] {strides = array<i32>} : memref<256x128xf32, #tpu.memory_space<vmem>>, vector<16xf32>,
      %mul3A_1121 = arith.mulf %get3A_1120, %bitcast3A_198 : vector<16xf32>
      %add3A_1122 = arith.addf %add3A_1113, %mul3A_1121 : vector<16xf32>
      %neg3A_1123 = arith.constant 0.000000e+00 : f32
      %neg3A_1124 = vector.broadcast %neg3A_1123 : f32 to vector<16xf32>
      %neg3A_1125 = arith.subf %neg3A_1124, %add3A_1122 : vector<16xf32>
      %exp3A_1126 = math.exp %neg3A_1125 : vector<16xf32>
      %add3A_1127 = arith.constant 1.000000e+00 : f32
      %add3A_1128 = vector.broadcast %add3A_1127 : f32 to vector<16xf32>
      %add3A_1129 = arith.addf %add3A_1128, %exp3A_1126 : vector<16xf32>
      %div3A_1130 = arith.constant 1.000000e+00 : f32
      %div3A_1131 = vector.broadcast %div3A_1130 : f32 to vector<16xf32>
      %div3A_1132 = arith.divf %div3A_1131, %add3A_1129 : vector<16xf32>
      %swap3A_1133 = arith.index_cast %scan3A_51 : i32 to index
      %swap3A_1134 = arith.constant 80 : index
      %swap3A_1135 = tpu.vector_load %arg7[%swap3A_1133, %swap3A_1134] {strides = array<i32>} : memref<16x128xf32, #tpu.memory_space<vmem>>, vector<16xf32>,
      tpu.vector_store %arg7[%swap3A_1133, %swap3A_1134], %div3A_1132 {strides = array<i32>} : memref<16x128xf32, #tpu.memory_space<vmem>>, vector<16xf32>,
      %mul3A_1136 = arith.constant 16 : i32
      %mul3A_1137 = arith.muli %scan3A_51, %mul3A_1136 : i32
      %add3A_1138 = arith.constant 0 : i32
      %add3A_1139 = arith.addi %mul3A_1137, %add3A_1138 : i32
      %get3A_1140 = arith.index_cast %add3A_1139 : i32 to index
      %get3A_1141 = arith.constant 96 : index
      %get3A_1142 = tpu.vector_load %arg6[%get3A_1140, %get3A_1141] {strides = array<i32>} : memref<256x128xf32, #tpu.memory_space<vmem>>, vector<16xf32>,
      %mul3A_1143 = arith.mulf %get3A_1142, %bitcast3A_63 : vector<16xf32>
      %add3A_1144 = arith.addf %bitcast3A, %mul3A_1143 : vector<16xf32>
      %mul3A_1145 = arith.constant 16 : i32
      %mul3A_1146 = arith.muli %scan3A_51, %mul3A_1145 : i32
      %add3A_1147 = arith.constant 1 : i32
      %add3A_1148 = arith.addi %mul3A_1146, %add3A_1147 : i32
      %get3A_1149 = arith.index_cast %add3A_1148 : i32 to index
      %get3A_1150 = arith.constant 96 : index
      %get3A_1151 = tpu.vector_load %arg6[%get3A_1149, %get3A_1150] {strides = array<i32>} : memref<256x128xf32, #tpu.memory_space<vmem>>, vector<16xf32>,
      %mul3A_1152 = arith.mulf %get3A_1151, %bitcast3A_72 : vector<16xf32>
      %add3A_1153 = arith.addf %add3A_1144, %mul3A_1152 : vector<16xf32>
      %mul3A_1154 = arith.constant 16 : i32
      %mul3A_1155 = arith.muli %scan3A_51, %mul3A_1154 : i32
      %add3A_1156 = arith.constant 2 : i32
      %add3A_1157 = arith.addi %mul3A_1155, %add3A_1156 : i32
      %get3A_1158 = arith.index_cast %add3A_1157 : i32 to index
      %get3A_1159 = arith.constant 96 : index
      %get3A_1160 = tpu.vector_load %arg6[%get3A_1158, %get3A_1159] {strides = array<i32>} : memref<256x128xf32, #tpu.memory_space<vmem>>, vector<16xf32>,
      %mul3A_1161 = arith.mulf %get3A_1160, %bitcast3A_81 : vector<16xf32>
      %add3A_1162 = arith.addf %add3A_1153, %mul3A_1161 : vector<16xf32>
      %mul3A_1163 = arith.constant 16 : i32
      %mul3A_1164 = arith.muli %scan3A_51, %mul3A_1163 : i32
      %add3A_1165 = arith.constant 3 : i32
      %add3A_1166 = arith.addi %mul3A_1164, %add3A_1165 : i32
      %get3A_1167 = arith.index_cast %add3A_1166 : i32 to index
      %get3A_1168 = arith.constant 96 : index
      %get3A_1169 = tpu.vector_load %arg6[%get3A_1167, %get3A_1168] {strides = array<i32>} : memref<256x128xf32, #tpu.memory_space<vmem>>, vector<16xf32>,
      %mul3A_1170 = arith.mulf %get3A_1169, %bitcast3A_90 : vector<16xf32>
      %add3A_1171 = arith.addf %add3A_1162, %mul3A_1170 : vector<16xf32>
      %mul3A_1172 = arith.constant 16 : i32
      %mul3A_1173 = arith.muli %scan3A_51, %mul3A_1172 : i32
      %add3A_1174 = arith.constant 4 : i32
      %add3A_1175 = arith.addi %mul3A_1173, %add3A_1174 : i32
      %get3A_1176 = arith.index_cast %add3A_1175 : i32 to index
      %get3A_1177 = arith.constant 96 : index
      %get3A_1178 = tpu.vector_load %arg6[%get3A_1176, %get3A_1177] {strides = array<i32>} : memref<256x128xf32, #tpu.memory_space<vmem>>, vector<16xf32>,
      %mul3A_1179 = arith.mulf %get3A_1178, %bitcast3A_99 : vector<16xf32>
      %add3A_1180 = arith.addf %add3A_1171, %mul3A_1179 : vector<16xf32>
      %mul3A_1181 = arith.constant 16 : i32
      %mul3A_1182 = arith.muli %scan3A_51, %mul3A_1181 : i32
      %add3A_1183 = arith.constant 5 : i32
      %add3A_1184 = arith.addi %mul3A_1182, %add3A_1183 : i32
      %get3A_1185 = arith.index_cast %add3A_1184 : i32 to index
      %get3A_1186 = arith.constant 96 : index
      %get3A_1187 = tpu.vector_load %arg6[%get3A_1185, %get3A_1186] {strides = array<i32>} : memref<256x128xf32, #tpu.memory_space<vmem>>, vector<16xf32>,
      %mul3A_1188 = arith.mulf %get3A_1187, %bitcast3A_108 : vector<16xf32>
      %add3A_1189 = arith.addf %add3A_1180, %mul3A_1188 : vector<16xf32>
      %mul3A_1190 = arith.constant 16 : i32
      %mul3A_1191 = arith.muli %scan3A_51, %mul3A_1190 : i32
      %add3A_1192 = arith.constant 6 : i32
      %add3A_1193 = arith.addi %mul3A_1191, %add3A_1192 : i32
      %get3A_1194 = arith.index_cast %add3A_1193 : i32 to index
      %get3A_1195 = arith.constant 96 : index
      %get3A_1196 = tpu.vector_load %arg6[%get3A_1194, %get3A_1195] {strides = array<i32>} : memref<256x128xf32, #tpu.memory_space<vmem>>, vector<16xf32>,
      %mul3A_1197 = arith.mulf %get3A_1196, %bitcast3A_117 : vector<16xf32>
      %add3A_1198 = arith.addf %add3A_1189, %mul3A_1197 : vector<16xf32>
      %mul3A_1199 = arith.constant 16 : i32
      %mul3A_1200 = arith.muli %scan3A_51, %mul3A_1199 : i32
      %add3A_1201 = arith.constant 7 : i32
      %add3A_1202 = arith.addi %mul3A_1200, %add3A_1201 : i32
      %get3A_1203 = arith.index_cast %add3A_1202 : i32 to index
      %get3A_1204 = arith.constant 96 : index
      %get3A_1205 = tpu.vector_load %arg6[%get3A_1203, %get3A_1204] {strides = array<i32>} : memref<256x128xf32, #tpu.memory_space<vmem>>, vector<16xf32>,
      %mul3A_1206 = arith.mulf %get3A_1205, %bitcast3A_126 : vector<16xf32>
      %add3A_1207 = arith.addf %add3A_1198, %mul3A_1206 : vector<16xf32>
      %mul3A_1208 = arith.constant 16 : i32
      %mul3A_1209 = arith.muli %scan3A_51, %mul3A_1208 : i32
      %add3A_1210 = arith.constant 8 : i32
      %add3A_1211 = arith.addi %mul3A_1209, %add3A_1210 : i32
      %get3A_1212 = arith.index_cast %add3A_1211 : i32 to index
      %get3A_1213 = arith.constant 96 : index
      %get3A_1214 = tpu.vector_load %arg6[%get3A_1212, %get3A_1213] {strides = array<i32>} : memref<256x128xf32, #tpu.memory_space<vmem>>, vector<16xf32>,
      %mul3A_1215 = arith.mulf %get3A_1214, %bitcast3A_135 : vector<16xf32>
      %add3A_1216 = arith.addf %add3A_1207, %mul3A_1215 : vector<16xf32>
      %mul3A_1217 = arith.constant 16 : i32
      %mul3A_1218 = arith.muli %scan3A_51, %mul3A_1217 : i32
      %add3A_1219 = arith.constant 9 : i32
      %add3A_1220 = arith.addi %mul3A_1218, %add3A_1219 : i32
      %get3A_1221 = arith.index_cast %add3A_1220 : i32 to index
      %get3A_1222 = arith.constant 96 : index
      %get3A_1223 = tpu.vector_load %arg6[%get3A_1221, %get3A_1222] {strides = array<i32>} : memref<256x128xf32, #tpu.memory_space<vmem>>, vector<16xf32>,
      %mul3A_1224 = arith.mulf %get3A_1223, %bitcast3A_144 : vector<16xf32>
      %add3A_1225 = arith.addf %add3A_1216, %mul3A_1224 : vector<16xf32>
      %mul3A_1226 = arith.constant 16 : i32
      %mul3A_1227 = arith.muli %scan3A_51, %mul3A_1226 : i32
      %add3A_1228 = arith.constant 10 : i32
      %add3A_1229 = arith.addi %mul3A_1227, %add3A_1228 : i32
      %get3A_1230 = arith.index_cast %add3A_1229 : i32 to index
      %get3A_1231 = arith.constant 96 : index
      %get3A_1232 = tpu.vector_load %arg6[%get3A_1230, %get3A_1231] {strides = array<i32>} : memref<256x128xf32, #tpu.memory_space<vmem>>, vector<16xf32>,
      %mul3A_1233 = arith.mulf %get3A_1232, %bitcast3A_153 : vector<16xf32>
      %add3A_1234 = arith.addf %add3A_1225, %mul3A_1233 : vector<16xf32>
      %mul3A_1235 = arith.constant 16 : i32
      %mul3A_1236 = arith.muli %scan3A_51, %mul3A_1235 : i32
      %add3A_1237 = arith.constant 11 : i32
      %add3A_1238 = arith.addi %mul3A_1236, %add3A_1237 : i32
      %get3A_1239 = arith.index_cast %add3A_1238 : i32 to index
      %get3A_1240 = arith.constant 96 : index
      %get3A_1241 = tpu.vector_load %arg6[%get3A_1239, %get3A_1240] {strides = array<i32>} : memref<256x128xf32, #tpu.memory_space<vmem>>, vector<16xf32>,
      %mul3A_1242 = arith.mulf %get3A_1241, %bitcast3A_162 : vector<16xf32>
      %add3A_1243 = arith.addf %add3A_1234, %mul3A_1242 : vector<16xf32>
      %mul3A_1244 = arith.constant 16 : i32
      %mul3A_1245 = arith.muli %scan3A_51, %mul3A_1244 : i32
      %add3A_1246 = arith.constant 12 : i32
      %add3A_1247 = arith.addi %mul3A_1245, %add3A_1246 : i32
      %get3A_1248 = arith.index_cast %add3A_1247 : i32 to index
      %get3A_1249 = arith.constant 96 : index
      %get3A_1250 = tpu.vector_load %arg6[%get3A_1248, %get3A_1249] {strides = array<i32>} : memref<256x128xf32, #tpu.memory_space<vmem>>, vector<16xf32>,
      %mul3A_1251 = arith.mulf %get3A_1250, %bitcast3A_171 : vector<16xf32>
      %add3A_1252 = arith.addf %add3A_1243, %mul3A_1251 : vector<16xf32>
      %mul3A_1253 = arith.constant 16 : i32
      %mul3A_1254 = arith.muli %scan3A_51, %mul3A_1253 : i32
      %add3A_1255 = arith.constant 13 : i32
      %add3A_1256 = arith.addi %mul3A_1254, %add3A_1255 : i32
      %get3A_1257 = arith.index_cast %add3A_1256 : i32 to index
      %get3A_1258 = arith.constant 96 : index
      %get3A_1259 = tpu.vector_load %arg6[%get3A_1257, %get3A_1258] {strides = array<i32>} : memref<256x128xf32, #tpu.memory_space<vmem>>, vector<16xf32>,
      %mul3A_1260 = arith.mulf %get3A_1259, %bitcast3A_180 : vector<16xf32>
      %add3A_1261 = arith.addf %add3A_1252, %mul3A_1260 : vector<16xf32>
      %mul3A_1262 = arith.constant 16 : i32
      %mul3A_1263 = arith.muli %scan3A_51, %mul3A_1262 : i32
      %add3A_1264 = arith.constant 14 : i32
      %add3A_1265 = arith.addi %mul3A_1263, %add3A_1264 : i32
      %get3A_1266 = arith.index_cast %add3A_1265 : i32 to index
      %get3A_1267 = arith.constant 96 : index
      %get3A_1268 = tpu.vector_load %arg6[%get3A_1266, %get3A_1267] {strides = array<i32>} : memref<256x128xf32, #tpu.memory_space<vmem>>, vector<16xf32>,
      %mul3A_1269 = arith.mulf %get3A_1268, %bitcast3A_189 : vector<16xf32>
      %add3A_1270 = arith.addf %add3A_1261, %mul3A_1269 : vector<16xf32>
      %mul3A_1271 = arith.constant 16 : i32
      %mul3A_1272 = arith.muli %scan3A_51, %mul3A_1271 : i32
      %add3A_1273 = arith.constant 15 : i32
      %add3A_1274 = arith.addi %mul3A_1272, %add3A_1273 : i32
      %get3A_1275 = arith.index_cast %add3A_1274 : i32 to index
      %get3A_1276 = arith.constant 96 : index
      %get3A_1277 = tpu.vector_load %arg6[%get3A_1275, %get3A_1276] {strides = array<i32>} : memref<256x128xf32, #tpu.memory_space<vmem>>, vector<16xf32>,
      %mul3A_1278 = arith.mulf %get3A_1277, %bitcast3A_198 : vector<16xf32>
      %add3A_1279 = arith.addf %add3A_1270, %mul3A_1278 : vector<16xf32>
      %neg3A_1280 = arith.constant 0.000000e+00 : f32
      %neg3A_1281 = vector.broadcast %neg3A_1280 : f32 to vector<16xf32>
      %neg3A_1282 = arith.subf %neg3A_1281, %add3A_1279 : vector<16xf32>
      %exp3A_1283 = math.exp %neg3A_1282 : vector<16xf32>
      %add3A_1284 = arith.constant 1.000000e+00 : f32
      %add3A_1285 = vector.broadcast %add3A_1284 : f32 to vector<16xf32>
      %add3A_1286 = arith.addf %add3A_1285, %exp3A_1283 : vector<16xf32>
      %div3A_1287 = arith.constant 1.000000e+00 : f32
      %div3A_1288 = vector.broadcast %div3A_1287 : f32 to vector<16xf32>
      %div3A_1289 = arith.divf %div3A_1288, %add3A_1286 : vector<16xf32>
      %swap3A_1290 = arith.index_cast %scan3A_51 : i32 to index
      %swap3A_1291 = arith.constant 96 : index
      %swap3A_1292 = tpu.vector_load %arg7[%swap3A_1290, %swap3A_1291] {strides = array<i32>} : memref<16x128xf32, #tpu.memory_space<vmem>>, vector<16xf32>,
      tpu.vector_store %arg7[%swap3A_1290, %swap3A_1291], %div3A_1289 {strides = array<i32>} : memref<16x128xf32, #tpu.memory_space<vmem>>, vector<16xf32>,
      %mul3A_1293 = arith.constant 16 : i32
      %mul3A_1294 = arith.muli %scan3A_51, %mul3A_1293 : i32
      %add3A_1295 = arith.constant 0 : i32
      %add3A_1296 = arith.addi %mul3A_1294, %add3A_1295 : i32
      %get3A_1297 = arith.index_cast %add3A_1296 : i32 to index
      %get3A_1298 = arith.constant 112 : index
      %get3A_1299 = tpu.vector_load %arg6[%get3A_1297, %get3A_1298] {strides = array<i32>} : memref<256x128xf32, #tpu.memory_space<vmem>>, vector<16xf32>,
      %mul3A_1300 = arith.mulf %get3A_1299, %bitcast3A_63 : vector<16xf32>
      %add3A_1301 = arith.addf %bitcast3A, %mul3A_1300 : vector<16xf32>
      %mul3A_1302 = arith.constant 16 : i32
      %mul3A_1303 = arith.muli %scan3A_51, %mul3A_1302 : i32
      %add3A_1304 = arith.constant 1 : i32
      %add3A_1305 = arith.addi %mul3A_1303, %add3A_1304 : i32
      %get3A_1306 = arith.index_cast %add3A_1305 : i32 to index
      %get3A_1307 = arith.constant 112 : index
      %get3A_1308 = tpu.vector_load %arg6[%get3A_1306, %get3A_1307] {strides = array<i32>} : memref<256x128xf32, #tpu.memory_space<vmem>>, vector<16xf32>,
      %mul3A_1309 = arith.mulf %get3A_1308, %bitcast3A_72 : vector<16xf32>
      %add3A_1310 = arith.addf %add3A_1301, %mul3A_1309 : vector<16xf32>
      %mul3A_1311 = arith.constant 16 : i32
      %mul3A_1312 = arith.muli %scan3A_51, %mul3A_1311 : i32
      %add3A_1313 = arith.constant 2 : i32
      %add3A_1314 = arith.addi %mul3A_1312, %add3A_1313 : i32
      %get3A_1315 = arith.index_cast %add3A_1314 : i32 to index
      %get3A_1316 = arith.constant 112 : index
      %get3A_1317 = tpu.vector_load %arg6[%get3A_1315, %get3A_1316] {strides = array<i32>} : memref<256x128xf32, #tpu.memory_space<vmem>>, vector<16xf32>,
      %mul3A_1318 = arith.mulf %get3A_1317, %bitcast3A_81 : vector<16xf32>
      %add3A_1319 = arith.addf %add3A_1310, %mul3A_1318 : vector<16xf32>
      %mul3A_1320 = arith.constant 16 : i32
      %mul3A_1321 = arith.muli %scan3A_51, %mul3A_1320 : i32
      %add3A_1322 = arith.constant 3 : i32
      %add3A_1323 = arith.addi %mul3A_1321, %add3A_1322 : i32
      %get3A_1324 = arith.index_cast %add3A_1323 : i32 to index
      %get3A_1325 = arith.constant 112 : index
      %get3A_1326 = tpu.vector_load %arg6[%get3A_1324, %get3A_1325] {strides = array<i32>} : memref<256x128xf32, #tpu.memory_space<vmem>>, vector<16xf32>,
      %mul3A_1327 = arith.mulf %get3A_1326, %bitcast3A_90 : vector<16xf32>
      %add3A_1328 = arith.addf %add3A_1319, %mul3A_1327 : vector<16xf32>
      %mul3A_1329 = arith.constant 16 : i32
      %mul3A_1330 = arith.muli %scan3A_51, %mul3A_1329 : i32
      %add3A_1331 = arith.constant 4 : i32
      %add3A_1332 = arith.addi %mul3A_1330, %add3A_1331 : i32
      %get3A_1333 = arith.index_cast %add3A_1332 : i32 to index
      %get3A_1334 = arith.constant 112 : index
      %get3A_1335 = tpu.vector_load %arg6[%get3A_1333, %get3A_1334] {strides = array<i32>} : memref<256x128xf32, #tpu.memory_space<vmem>>, vector<16xf32>,
      %mul3A_1336 = arith.mulf %get3A_1335, %bitcast3A_99 : vector<16xf32>
      %add3A_1337 = arith.addf %add3A_1328, %mul3A_1336 : vector<16xf32>
      %mul3A_1338 = arith.constant 16 : i32
      %mul3A_1339 = arith.muli %scan3A_51, %mul3A_1338 : i32
      %add3A_1340 = arith.constant 5 : i32
      %add3A_1341 = arith.addi %mul3A_1339, %add3A_1340 : i32
      %get3A_1342 = arith.index_cast %add3A_1341 : i32 to index
      %get3A_1343 = arith.constant 112 : index
      %get3A_1344 = tpu.vector_load %arg6[%get3A_1342, %get3A_1343] {strides = array<i32>} : memref<256x128xf32, #tpu.memory_space<vmem>>, vector<16xf32>,
      %mul3A_1345 = arith.mulf %get3A_1344, %bitcast3A_108 : vector<16xf32>
      %add3A_1346 = arith.addf %add3A_1337, %mul3A_1345 : vector<16xf32>
      %mul3A_1347 = arith.constant 16 : i32
      %mul3A_1348 = arith.muli %scan3A_51, %mul3A_1347 : i32
      %add3A_1349 = arith.constant 6 : i32
      %add3A_1350 = arith.addi %mul3A_1348, %add3A_1349 : i32
      %get3A_1351 = arith.index_cast %add3A_1350 : i32 to index
      %get3A_1352 = arith.constant 112 : index
      %get3A_1353 = tpu.vector_load %arg6[%get3A_1351, %get3A_1352] {strides = array<i32>} : memref<256x128xf32, #tpu.memory_space<vmem>>, vector<16xf32>,
      %mul3A_1354 = arith.mulf %get3A_1353, %bitcast3A_117 : vector<16xf32>
      %add3A_1355 = arith.addf %add3A_1346, %mul3A_1354 : vector<16xf32>
      %mul3A_1356 = arith.constant 16 : i32
      %mul3A_1357 = arith.muli %scan3A_51, %mul3A_1356 : i32
      %add3A_1358 = arith.constant 7 : i32
      %add3A_1359 = arith.addi %mul3A_1357, %add3A_1358 : i32
      %get3A_1360 = arith.index_cast %add3A_1359 : i32 to index
      %get3A_1361 = arith.constant 112 : index
      %get3A_1362 = tpu.vector_load %arg6[%get3A_1360, %get3A_1361] {strides = array<i32>} : memref<256x128xf32, #tpu.memory_space<vmem>>, vector<16xf32>,
      %mul3A_1363 = arith.mulf %get3A_1362, %bitcast3A_126 : vector<16xf32>
      %add3A_1364 = arith.addf %add3A_1355, %mul3A_1363 : vector<16xf32>
      %mul3A_1365 = arith.constant 16 : i32
      %mul3A_1366 = arith.muli %scan3A_51, %mul3A_1365 : i32
      %add3A_1367 = arith.constant 8 : i32
      %add3A_1368 = arith.addi %mul3A_1366, %add3A_1367 : i32
      %get3A_1369 = arith.index_cast %add3A_1368 : i32 to index
      %get3A_1370 = arith.constant 112 : index
      %get3A_1371 = tpu.vector_load %arg6[%get3A_1369, %get3A_1370] {strides = array<i32>} : memref<256x128xf32, #tpu.memory_space<vmem>>, vector<16xf32>,
      %mul3A_1372 = arith.mulf %get3A_1371, %bitcast3A_135 : vector<16xf32>
      %add3A_1373 = arith.addf %add3A_1364, %mul3A_1372 : vector<16xf32>
      %mul3A_1374 = arith.constant 16 : i32
      %mul3A_1375 = arith.muli %scan3A_51, %mul3A_1374 : i32
      %add3A_1376 = arith.constant 9 : i32
      %add3A_1377 = arith.addi %mul3A_1375, %add3A_1376 : i32
      %get3A_1378 = arith.index_cast %add3A_1377 : i32 to index
      %get3A_1379 = arith.constant 112 : index
      %get3A_1380 = tpu.vector_load %arg6[%get3A_1378, %get3A_1379] {strides = array<i32>} : memref<256x128xf32, #tpu.memory_space<vmem>>, vector<16xf32>,
      %mul3A_1381 = arith.mulf %get3A_1380, %bitcast3A_144 : vector<16xf32>
      %add3A_1382 = arith.addf %add3A_1373, %mul3A_1381 : vector<16xf32>
      %mul3A_1383 = arith.constant 16 : i32
      %mul3A_1384 = arith.muli %scan3A_51, %mul3A_1383 : i32
      %add3A_1385 = arith.constant 10 : i32
      %add3A_1386 = arith.addi %mul3A_1384, %add3A_1385 : i32
      %get3A_1387 = arith.index_cast %add3A_1386 : i32 to index
      %get3A_1388 = arith.constant 112 : index
      %get3A_1389 = tpu.vector_load %arg6[%get3A_1387, %get3A_1388] {strides = array<i32>} : memref<256x128xf32, #tpu.memory_space<vmem>>, vector<16xf32>,
      %mul3A_1390 = arith.mulf %get3A_1389, %bitcast3A_153 : vector<16xf32>
      %add3A_1391 = arith.addf %add3A_1382, %mul3A_1390 : vector<16xf32>
      %mul3A_1392 = arith.constant 16 : i32
      %mul3A_1393 = arith.muli %scan3A_51, %mul3A_1392 : i32
      %add3A_1394 = arith.constant 11 : i32
      %add3A_1395 = arith.addi %mul3A_1393, %add3A_1394 : i32
      %get3A_1396 = arith.index_cast %add3A_1395 : i32 to index
      %get3A_1397 = arith.constant 112 : index
      %get3A_1398 = tpu.vector_load %arg6[%get3A_1396, %get3A_1397] {strides = array<i32>} : memref<256x128xf32, #tpu.memory_space<vmem>>, vector<16xf32>,
      %mul3A_1399 = arith.mulf %get3A_1398, %bitcast3A_162 : vector<16xf32>
      %add3A_1400 = arith.addf %add3A_1391, %mul3A_1399 : vector<16xf32>
      %mul3A_1401 = arith.constant 16 : i32
      %mul3A_1402 = arith.muli %scan3A_51, %mul3A_1401 : i32
      %add3A_1403 = arith.constant 12 : i32
      %add3A_1404 = arith.addi %mul3A_1402, %add3A_1403 : i32
      %get3A_1405 = arith.index_cast %add3A_1404 : i32 to index
      %get3A_1406 = arith.constant 112 : index
      %get3A_1407 = tpu.vector_load %arg6[%get3A_1405, %get3A_1406] {strides = array<i32>} : memref<256x128xf32, #tpu.memory_space<vmem>>, vector<16xf32>,
      %mul3A_1408 = arith.mulf %get3A_1407, %bitcast3A_171 : vector<16xf32>
      %add3A_1409 = arith.addf %add3A_1400, %mul3A_1408 : vector<16xf32>
      %mul3A_1410 = arith.constant 16 : i32
      %mul3A_1411 = arith.muli %scan3A_51, %mul3A_1410 : i32
      %add3A_1412 = arith.constant 13 : i32
      %add3A_1413 = arith.addi %mul3A_1411, %add3A_1412 : i32
      %get3A_1414 = arith.index_cast %add3A_1413 : i32 to index
      %get3A_1415 = arith.constant 112 : index
      %get3A_1416 = tpu.vector_load %arg6[%get3A_1414, %get3A_1415] {strides = array<i32>} : memref<256x128xf32, #tpu.memory_space<vmem>>, vector<16xf32>,
      %mul3A_1417 = arith.mulf %get3A_1416, %bitcast3A_180 : vector<16xf32>
      %add3A_1418 = arith.addf %add3A_1409, %mul3A_1417 : vector<16xf32>
      %mul3A_1419 = arith.constant 16 : i32
      %mul3A_1420 = arith.muli %scan3A_51, %mul3A_1419 : i32
      %add3A_1421 = arith.constant 14 : i32
      %add3A_1422 = arith.addi %mul3A_1420, %add3A_1421 : i32
      %get3A_1423 = arith.index_cast %add3A_1422 : i32 to index
      %get3A_1424 = arith.constant 112 : index
      %get3A_1425 = tpu.vector_load %arg6[%get3A_1423, %get3A_1424] {strides = array<i32>} : memref<256x128xf32, #tpu.memory_space<vmem>>, vector<16xf32>,
      %mul3A_1426 = arith.mulf %get3A_1425, %bitcast3A_189 : vector<16xf32>
      %add3A_1427 = arith.addf %add3A_1418, %mul3A_1426 : vector<16xf32>
      %mul3A_1428 = arith.constant 16 : i32
      %mul3A_1429 = arith.muli %scan3A_51, %mul3A_1428 : i32
      %add3A_1430 = arith.constant 15 : i32
      %add3A_1431 = arith.addi %mul3A_1429, %add3A_1430 : i32
      %get3A_1432 = arith.index_cast %add3A_1431 : i32 to index
      %get3A_1433 = arith.constant 112 : index
      %get3A_1434 = tpu.vector_load %arg6[%get3A_1432, %get3A_1433] {strides = array<i32>} : memref<256x128xf32, #tpu.memory_space<vmem>>, vector<16xf32>,
      %mul3A_1435 = arith.mulf %get3A_1434, %bitcast3A_198 : vector<16xf32>
      %add3A_1436 = arith.addf %add3A_1427, %mul3A_1435 : vector<16xf32>
      %neg3A_1437 = arith.constant 0.000000e+00 : f32
      %neg3A_1438 = vector.broadcast %neg3A_1437 : f32 to vector<16xf32>
      %neg3A_1439 = arith.subf %neg3A_1438, %add3A_1436 : vector<16xf32>
      %exp3A_1440 = math.exp %neg3A_1439 : vector<16xf32>
      %add3A_1441 = arith.constant 1.000000e+00 : f32
      %add3A_1442 = vector.broadcast %add3A_1441 : f32 to vector<16xf32>
      %add3A_1443 = arith.addf %add3A_1442, %exp3A_1440 : vector<16xf32>
      %div3A_1444 = arith.constant 1.000000e+00 : f32
      %div3A_1445 = vector.broadcast %div3A_1444 : f32 to vector<16xf32>
      %div3A_1446 = arith.divf %div3A_1445, %add3A_1443 : vector<16xf32>
      %swap3A_1447 = arith.index_cast %scan3A_51 : i32 to index
      %swap3A_1448 = arith.constant 112 : index
      %swap3A_1449 = tpu.vector_load %arg7[%swap3A_1447, %swap3A_1448] {strides = array<i32>} : memref<16x128xf32, #tpu.memory_space<vmem>>, vector<16xf32>,
      tpu.vector_store %arg7[%swap3A_1447, %swap3A_1448], %div3A_1446 {strides = array<i32>} : memref<16x128xf32, #tpu.memory_space<vmem>>, vector<16xf32>,
    }
    %scan3A_36 = arith.constant 8 : i32
    %add3A_37 = arith.constant 128 : i32
    %add3A_38 = arith.addi %mul3A_9, %add3A_37 : i32
    %dma_wait3A_39 = arith.constant 128 : i32
    %dma_wait3A_40 = arith.constant 0 : i32
    %dma_wait3A_41 = tpu.memref_slice %arg6[%dma_wait3A_39, %dma_wait3A_40] : memref<256x128xf32, #tpu.memory_space<vmem>> -> memref<128x128xf32, #tpu.memory_space<vmem>>
    %dma_wait3A_42 = tpu.memref_slice %arg5[%add3A_38] : memref<4224xi32, #tpu.memory_space<vmem>> -> memref<128xi32, #tpu.memory_space<vmem>>
    %dma_wait3A_43 = arith.constant 0 : i32
    %dma_wait3A_44 = tpu.memref_slice %arg2[%dma_wait3A_43, %multiple_of3A_7] : memref<150528x512xf32, #tpu.memory_space<hbm>> -> memref<150528x128xf32, #tpu.memory_space<hbm>>
    tpu.wait_indirect_dma semaphore(%arg9 : memref<!tpu.dma_semaphore, #tpu.memory_space<semaphore_mem>>) src(%dma_wait3A_44 : memref<150528x128xf32, #tpu.memory_space<hbm>>) dst(%dma_wait3A_41 : memref<128x128xf32, #tpu.memory_space<vmem>>)
    %scan3A_45 = arith.constant 0 : i32
    %scan3A_46 = arith.constant 8 : i32
    %scan3A_47 = arith.constant 8 : i32
    %scan3A_48 = arith.addi %scan3A_46, %scan3A_47 : i32
    %scan3A_49 = arith.constant 1 : i32
    scf.for %scan3A_51 = %scan3A_46 to %scan3A_48 step %scan3A_49  : i32 {
      %add3A_52 = arith.addi %multiple_of3A, %scan3A_51 : i32
      %add3A_53 = arith.constant 4096 : i32
      %add3A_54 = arith.addi %add3A_53, %add3A_52 : i32
      %broadcast_in_dim3A = vector.broadcast %add3A_54 : i32 to vector<16xi32>
      %gather3A = tpu.vector_load_idx %arg5[%broadcast_in_dim3A] : memref<4224xi32, #tpu.memory_space<vmem>>[vector<16xi32>], vector<16xi32>,
      %bitcast3A = vector.bitcast %gather3A : vector<16xi32> to vector<16xf32>
      %mul3A_55 = arith.constant 16 : i32
      %mul3A_56 = arith.muli %add3A_52, %mul3A_55 : i32
      %add3A_57 = arith.constant 2048 : i32
      %add3A_58 = arith.addi %add3A_57, %mul3A_56 : i32
      %add3A_59 = arith.constant 0 : i32
      %add3A_60 = arith.addi %add3A_58, %add3A_59 : i32
      %broadcast_in_dim3A_61 = vector.broadcast %add3A_60 : i32 to vector<16xi32>
      %gather3A_62 = tpu.vector_load_idx %arg5[%broadcast_in_dim3A_61] : memref<4224xi32, #tpu.memory_space<vmem>>[vector<16xi32>], vector<16xi32>,
      %bitcast3A_63 = vector.bitcast %gather3A_62 : vector<16xi32> to vector<16xf32>
      %mul3A_64 = arith.constant 16 : i32
      %mul3A_65 = arith.muli %add3A_52, %mul3A_64 : i32
      %add3A_66 = arith.constant 2048 : i32
      %add3A_67 = arith.addi %add3A_66, %mul3A_65 : i32
      %add3A_68 = arith.constant 1 : i32
      %add3A_69 = arith.addi %add3A_67, %add3A_68 : i32
      %broadcast_in_dim3A_70 = vector.broadcast %add3A_69 : i32 to vector<16xi32>
      %gather3A_71 = tpu.vector_load_idx %arg5[%broadcast_in_dim3A_70] : memref<4224xi32, #tpu.memory_space<vmem>>[vector<16xi32>], vector<16xi32>,
      %bitcast3A_72 = vector.bitcast %gather3A_71 : vector<16xi32> to vector<16xf32>
      %mul3A_73 = arith.constant 16 : i32
      %mul3A_74 = arith.muli %add3A_52, %mul3A_73 : i32
      %add3A_75 = arith.constant 2048 : i32
      %add3A_76 = arith.addi %add3A_75, %mul3A_74 : i32
      %add3A_77 = arith.constant 2 : i32
      %add3A_78 = arith.addi %add3A_76, %add3A_77 : i32
      %broadcast_in_dim3A_79 = vector.broadcast %add3A_78 : i32 to vector<16xi32>
      %gather3A_80 = tpu.vector_load_idx %arg5[%broadcast_in_dim3A_79] : memref<4224xi32, #tpu.memory_space<vmem>>[vector<16xi32>], vector<16xi32>,
      %bitcast3A_81 = vector.bitcast %gather3A_80 : vector<16xi32> to vector<16xf32>
      %mul3A_82 = arith.constant 16 : i32
      %mul3A_83 = arith.muli %add3A_52, %mul3A_82 : i32
      %add3A_84 = arith.constant 2048 : i32
      %add3A_85 = arith.addi %add3A_84, %mul3A_83 : i32
      %add3A_86 = arith.constant 3 : i32
      %add3A_87 = arith.addi %add3A_85, %add3A_86 : i32
      %broadcast_in_dim3A_88 = vector.broadcast %add3A_87 : i32 to vector<16xi32>
      %gather3A_89 = tpu.vector_load_idx %arg5[%broadcast_in_dim3A_88] : memref<4224xi32, #tpu.memory_space<vmem>>[vector<16xi32>], vector<16xi32>,
      %bitcast3A_90 = vector.bitcast %gather3A_89 : vector<16xi32> to vector<16xf32>
      %mul3A_91 = arith.constant 16 : i32
      %mul3A_92 = arith.muli %add3A_52, %mul3A_91 : i32
      %add3A_93 = arith.constant 2048 : i32
      %add3A_94 = arith.addi %add3A_93, %mul3A_92 : i32
      %add3A_95 = arith.constant 4 : i32
      %add3A_96 = arith.addi %add3A_94, %add3A_95 : i32
      %broadcast_in_dim3A_97 = vector.broadcast %add3A_96 : i32 to vector<16xi32>
      %gather3A_98 = tpu.vector_load_idx %arg5[%broadcast_in_dim3A_97] : memref<4224xi32, #tpu.memory_space<vmem>>[vector<16xi32>], vector<16xi32>,
      %bitcast3A_99 = vector.bitcast %gather3A_98 : vector<16xi32> to vector<16xf32>
      %mul3A_100 = arith.constant 16 : i32
      %mul3A_101 = arith.muli %add3A_52, %mul3A_100 : i32
      %add3A_102 = arith.constant 2048 : i32
      %add3A_103 = arith.addi %add3A_102, %mul3A_101 : i32
      %add3A_104 = arith.constant 5 : i32
      %add3A_105 = arith.addi %add3A_103, %add3A_104 : i32
      %broadcast_in_dim3A_106 = vector.broadcast %add3A_105 : i32 to vector<16xi32>
      %gather3A_107 = tpu.vector_load_idx %arg5[%broadcast_in_dim3A_106] : memref<4224xi32, #tpu.memory_space<vmem>>[vector<16xi32>], vector<16xi32>,
      %bitcast3A_108 = vector.bitcast %gather3A_107 : vector<16xi32> to vector<16xf32>
      %mul3A_109 = arith.constant 16 : i32
      %mul3A_110 = arith.muli %add3A_52, %mul3A_109 : i32
      %add3A_111 = arith.constant 2048 : i32
      %add3A_112 = arith.addi %add3A_111, %mul3A_110 : i32
      %add3A_113 = arith.constant 6 : i32
      %add3A_114 = arith.addi %add3A_112, %add3A_113 : i32
      %broadcast_in_dim3A_115 = vector.broadcast %add3A_114 : i32 to vector<16xi32>
      %gather3A_116 = tpu.vector_load_idx %arg5[%broadcast_in_dim3A_115] : memref<4224xi32, #tpu.memory_space<vmem>>[vector<16xi32>], vector<16xi32>,
      %bitcast3A_117 = vector.bitcast %gather3A_116 : vector<16xi32> to vector<16xf32>
      %mul3A_118 = arith.constant 16 : i32
      %mul3A_119 = arith.muli %add3A_52, %mul3A_118 : i32
      %add3A_120 = arith.constant 2048 : i32
      %add3A_121 = arith.addi %add3A_120, %mul3A_119 : i32
      %add3A_122 = arith.constant 7 : i32
      %add3A_123 = arith.addi %add3A_121, %add3A_122 : i32
      %broadcast_in_dim3A_124 = vector.broadcast %add3A_123 : i32 to vector<16xi32>
      %gather3A_125 = tpu.vector_load_idx %arg5[%broadcast_in_dim3A_124] : memref<4224xi32, #tpu.memory_space<vmem>>[vector<16xi32>], vector<16xi32>,
      %bitcast3A_126 = vector.bitcast %gather3A_125 : vector<16xi32> to vector<16xf32>
      %mul3A_127 = arith.constant 16 : i32
      %mul3A_128 = arith.muli %add3A_52, %mul3A_127 : i32
      %add3A_129 = arith.constant 2048 : i32
      %add3A_130 = arith.addi %add3A_129, %mul3A_128 : i32
      %add3A_131 = arith.constant 8 : i32
      %add3A_132 = arith.addi %add3A_130, %add3A_131 : i32
      %broadcast_in_dim3A_133 = vector.broadcast %add3A_132 : i32 to vector<16xi32>
      %gather3A_134 = tpu.vector_load_idx %arg5[%broadcast_in_dim3A_133] : memref<4224xi32, #tpu.memory_space<vmem>>[vector<16xi32>], vector<16xi32>,
      %bitcast3A_135 = vector.bitcast %gather3A_134 : vector<16xi32> to vector<16xf32>
      %mul3A_136 = arith.constant 16 : i32
      %mul3A_137 = arith.muli %add3A_52, %mul3A_136 : i32
      %add3A_138 = arith.constant 2048 : i32
      %add3A_139 = arith.addi %add3A_138, %mul3A_137 : i32
      %add3A_140 = arith.constant 9 : i32
      %add3A_141 = arith.addi %add3A_139, %add3A_140 : i32
      %broadcast_in_dim3A_142 = vector.broadcast %add3A_141 : i32 to vector<16xi32>
      %gather3A_143 = tpu.vector_load_idx %arg5[%broadcast_in_dim3A_142] : memref<4224xi32, #tpu.memory_space<vmem>>[vector<16xi32>], vector<16xi32>,
      %bitcast3A_144 = vector.bitcast %gather3A_143 : vector<16xi32> to vector<16xf32>
      %mul3A_145 = arith.constant 16 : i32
      %mul3A_146 = arith.muli %add3A_52, %mul3A_145 : i32
      %add3A_147 = arith.constant 2048 : i32
      %add3A_148 = arith.addi %add3A_147, %mul3A_146 : i32
      %add3A_149 = arith.constant 10 : i32
      %add3A_150 = arith.addi %add3A_148, %add3A_149 : i32
      %broadcast_in_dim3A_151 = vector.broadcast %add3A_150 : i32 to vector<16xi32>
      %gather3A_152 = tpu.vector_load_idx %arg5[%broadcast_in_dim3A_151] : memref<4224xi32, #tpu.memory_space<vmem>>[vector<16xi32>], vector<16xi32>,
      %bitcast3A_153 = vector.bitcast %gather3A_152 : vector<16xi32> to vector<16xf32>
      %mul3A_154 = arith.constant 16 : i32
      %mul3A_155 = arith.muli %add3A_52, %mul3A_154 : i32
      %add3A_156 = arith.constant 2048 : i32
      %add3A_157 = arith.addi %add3A_156, %mul3A_155 : i32
      %add3A_158 = arith.constant 11 : i32
      %add3A_159 = arith.addi %add3A_157, %add3A_158 : i32
      %broadcast_in_dim3A_160 = vector.broadcast %add3A_159 : i32 to vector<16xi32>
      %gather3A_161 = tpu.vector_load_idx %arg5[%broadcast_in_dim3A_160] : memref<4224xi32, #tpu.memory_space<vmem>>[vector<16xi32>], vector<16xi32>,
      %bitcast3A_162 = vector.bitcast %gather3A_161 : vector<16xi32> to vector<16xf32>
      %mul3A_163 = arith.constant 16 : i32
      %mul3A_164 = arith.muli %add3A_52, %mul3A_163 : i32
      %add3A_165 = arith.constant 2048 : i32
      %add3A_166 = arith.addi %add3A_165, %mul3A_164 : i32
      %add3A_167 = arith.constant 12 : i32
      %add3A_168 = arith.addi %add3A_166, %add3A_167 : i32
      %broadcast_in_dim3A_169 = vector.broadcast %add3A_168 : i32 to vector<16xi32>
      %gather3A_170 = tpu.vector_load_idx %arg5[%broadcast_in_dim3A_169] : memref<4224xi32, #tpu.memory_space<vmem>>[vector<16xi32>], vector<16xi32>,
      %bitcast3A_171 = vector.bitcast %gather3A_170 : vector<16xi32> to vector<16xf32>
      %mul3A_172 = arith.constant 16 : i32
      %mul3A_173 = arith.muli %add3A_52, %mul3A_172 : i32
      %add3A_174 = arith.constant 2048 : i32
      %add3A_175 = arith.addi %add3A_174, %mul3A_173 : i32
      %add3A_176 = arith.constant 13 : i32
      %add3A_177 = arith.addi %add3A_175, %add3A_176 : i32
      %broadcast_in_dim3A_178 = vector.broadcast %add3A_177 : i32 to vector<16xi32>
      %gather3A_179 = tpu.vector_load_idx %arg5[%broadcast_in_dim3A_178] : memref<4224xi32, #tpu.memory_space<vmem>>[vector<16xi32>], vector<16xi32>,
      %bitcast3A_180 = vector.bitcast %gather3A_179 : vector<16xi32> to vector<16xf32>
      %mul3A_181 = arith.constant 16 : i32
      %mul3A_182 = arith.muli %add3A_52, %mul3A_181 : i32
      %add3A_183 = arith.constant 2048 : i32
      %add3A_184 = arith.addi %add3A_183, %mul3A_182 : i32
      %add3A_185 = arith.constant 14 : i32
      %add3A_186 = arith.addi %add3A_184, %add3A_185 : i32
      %broadcast_in_dim3A_187 = vector.broadcast %add3A_186 : i32 to vector<16xi32>
      %gather3A_188 = tpu.vector_load_idx %arg5[%broadcast_in_dim3A_187] : memref<4224xi32, #tpu.memory_space<vmem>>[vector<16xi32>], vector<16xi32>,
      %bitcast3A_189 = vector.bitcast %gather3A_188 : vector<16xi32> to vector<16xf32>
      %mul3A_190 = arith.constant 16 : i32
      %mul3A_191 = arith.muli %add3A_52, %mul3A_190 : i32
      %add3A_192 = arith.constant 2048 : i32
      %add3A_193 = arith.addi %add3A_192, %mul3A_191 : i32
      %add3A_194 = arith.constant 15 : i32
      %add3A_195 = arith.addi %add3A_193, %add3A_194 : i32
      %broadcast_in_dim3A_196 = vector.broadcast %add3A_195 : i32 to vector<16xi32>
      %gather3A_197 = tpu.vector_load_idx %arg5[%broadcast_in_dim3A_196] : memref<4224xi32, #tpu.memory_space<vmem>>[vector<16xi32>], vector<16xi32>,
      %bitcast3A_198 = vector.bitcast %gather3A_197 : vector<16xi32> to vector<16xf32>
      %mul3A_199 = arith.constant 16 : i32
      %mul3A_200 = arith.muli %scan3A_51, %mul3A_199 : i32
      %add3A_201 = arith.constant 0 : i32
      %add3A_202 = arith.addi %mul3A_200, %add3A_201 : i32
      %get3A = arith.index_cast %add3A_202 : i32 to index
      %get3A_203 = arith.constant 0 : index
      %get3A_204 = tpu.vector_load %arg6[%get3A, %get3A_203] {strides = array<i32>} : memref<256x128xf32, #tpu.memory_space<vmem>>, vector<16xf32>,
      %mul3A_205 = arith.mulf %get3A_204, %bitcast3A_63 : vector<16xf32>
      %add3A_206 = arith.addf %bitcast3A, %mul3A_205 : vector<16xf32>
      %mul3A_207 = arith.constant 16 : i32
      %mul3A_208 = arith.muli %scan3A_51, %mul3A_207 : i32
      %add3A_209 = arith.constant 1 : i32
      %add3A_210 = arith.addi %mul3A_208, %add3A_209 : i32
      %get3A_211 = arith.index_cast %add3A_210 : i32 to index
      %get3A_212 = arith.constant 0 : index
      %get3A_213 = tpu.vector_load %arg6[%get3A_211, %get3A_212] {strides = array<i32>} : memref<256x128xf32, #tpu.memory_space<vmem>>, vector<16xf32>,
      %mul3A_214 = arith.mulf %get3A_213, %bitcast3A_72 : vector<16xf32>
      %add3A_215 = arith.addf %add3A_206, %mul3A_214 : vector<16xf32>
      %mul3A_216 = arith.constant 16 : i32
      %mul3A_217 = arith.muli %scan3A_51, %mul3A_216 : i32
      %add3A_218 = arith.constant 2 : i32
      %add3A_219 = arith.addi %mul3A_217, %add3A_218 : i32
      %get3A_220 = arith.index_cast %add3A_219 : i32 to index
      %get3A_221 = arith.constant 0 : index
      %get3A_222 = tpu.vector_load %arg6[%get3A_220, %get3A_221] {strides = array<i32>} : memref<256x128xf32, #tpu.memory_space<vmem>>, vector<16xf32>,
      %mul3A_223 = arith.mulf %get3A_222, %bitcast3A_81 : vector<16xf32>
      %add3A_224 = arith.addf %add3A_215, %mul3A_223 : vector<16xf32>
      %mul3A_225 = arith.constant 16 : i32
      %mul3A_226 = arith.muli %scan3A_51, %mul3A_225 : i32
      %add3A_227 = arith.constant 3 : i32
      %add3A_228 = arith.addi %mul3A_226, %add3A_227 : i32
      %get3A_229 = arith.index_cast %add3A_228 : i32 to index
      %get3A_230 = arith.constant 0 : index
      %get3A_231 = tpu.vector_load %arg6[%get3A_229, %get3A_230] {strides = array<i32>} : memref<256x128xf32, #tpu.memory_space<vmem>>, vector<16xf32>,
      %mul3A_232 = arith.mulf %get3A_231, %bitcast3A_90 : vector<16xf32>
      %add3A_233 = arith.addf %add3A_224, %mul3A_232 : vector<16xf32>
      %mul3A_234 = arith.constant 16 : i32
      %mul3A_235 = arith.muli %scan3A_51, %mul3A_234 : i32
      %add3A_236 = arith.constant 4 : i32
      %add3A_237 = arith.addi %mul3A_235, %add3A_236 : i32
      %get3A_238 = arith.index_cast %add3A_237 : i32 to index
      %get3A_239 = arith.constant 0 : index
      %get3A_240 = tpu.vector_load %arg6[%get3A_238, %get3A_239] {strides = array<i32>} : memref<256x128xf32, #tpu.memory_space<vmem>>, vector<16xf32>,
      %mul3A_241 = arith.mulf %get3A_240, %bitcast3A_99 : vector<16xf32>
      %add3A_242 = arith.addf %add3A_233, %mul3A_241 : vector<16xf32>
      %mul3A_243 = arith.constant 16 : i32
      %mul3A_244 = arith.muli %scan3A_51, %mul3A_243 : i32
      %add3A_245 = arith.constant 5 : i32
      %add3A_246 = arith.addi %mul3A_244, %add3A_245 : i32
      %get3A_247 = arith.index_cast %add3A_246 : i32 to index
      %get3A_248 = arith.constant 0 : index
      %get3A_249 = tpu.vector_load %arg6[%get3A_247, %get3A_248] {strides = array<i32>} : memref<256x128xf32, #tpu.memory_space<vmem>>, vector<16xf32>,
      %mul3A_250 = arith.mulf %get3A_249, %bitcast3A_108 : vector<16xf32>
      %add3A_251 = arith.addf %add3A_242, %mul3A_250 : vector<16xf32>
      %mul3A_252 = arith.constant 16 : i32
      %mul3A_253 = arith.muli %scan3A_51, %mul3A_252 : i32
      %add3A_254 = arith.constant 6 : i32
      %add3A_255 = arith.addi %mul3A_253, %add3A_254 : i32
      %get3A_256 = arith.index_cast %add3A_255 : i32 to index
      %get3A_257 = arith.constant 0 : index
      %get3A_258 = tpu.vector_load %arg6[%get3A_256, %get3A_257] {strides = array<i32>} : memref<256x128xf32, #tpu.memory_space<vmem>>, vector<16xf32>,
      %mul3A_259 = arith.mulf %get3A_258, %bitcast3A_117 : vector<16xf32>
      %add3A_260 = arith.addf %add3A_251, %mul3A_259 : vector<16xf32>
      %mul3A_261 = arith.constant 16 : i32
      %mul3A_262 = arith.muli %scan3A_51, %mul3A_261 : i32
      %add3A_263 = arith.constant 7 : i32
      %add3A_264 = arith.addi %mul3A_262, %add3A_263 : i32
      %get3A_265 = arith.index_cast %add3A_264 : i32 to index
      %get3A_266 = arith.constant 0 : index
      %get3A_267 = tpu.vector_load %arg6[%get3A_265, %get3A_266] {strides = array<i32>} : memref<256x128xf32, #tpu.memory_space<vmem>>, vector<16xf32>,
      %mul3A_268 = arith.mulf %get3A_267, %bitcast3A_126 : vector<16xf32>
      %add3A_269 = arith.addf %add3A_260, %mul3A_268 : vector<16xf32>
      %mul3A_270 = arith.constant 16 : i32
      %mul3A_271 = arith.muli %scan3A_51, %mul3A_270 : i32
      %add3A_272 = arith.constant 8 : i32
      %add3A_273 = arith.addi %mul3A_271, %add3A_272 : i32
      %get3A_274 = arith.index_cast %add3A_273 : i32 to index
      %get3A_275 = arith.constant 0 : index
      %get3A_276 = tpu.vector_load %arg6[%get3A_274, %get3A_275] {strides = array<i32>} : memref<256x128xf32, #tpu.memory_space<vmem>>, vector<16xf32>,
      %mul3A_277 = arith.mulf %get3A_276, %bitcast3A_135 : vector<16xf32>
      %add3A_278 = arith.addf %add3A_269, %mul3A_277 : vector<16xf32>
      %mul3A_279 = arith.constant 16 : i32
      %mul3A_280 = arith.muli %scan3A_51, %mul3A_279 : i32
      %add3A_281 = arith.constant 9 : i32
      %add3A_282 = arith.addi %mul3A_280, %add3A_281 : i32
      %get3A_283 = arith.index_cast %add3A_282 : i32 to index
      %get3A_284 = arith.constant 0 : index
      %get3A_285 = tpu.vector_load %arg6[%get3A_283, %get3A_284] {strides = array<i32>} : memref<256x128xf32, #tpu.memory_space<vmem>>, vector<16xf32>,
      %mul3A_286 = arith.mulf %get3A_285, %bitcast3A_144 : vector<16xf32>
      %add3A_287 = arith.addf %add3A_278, %mul3A_286 : vector<16xf32>
      %mul3A_288 = arith.constant 16 : i32
      %mul3A_289 = arith.muli %scan3A_51, %mul3A_288 : i32
      %add3A_290 = arith.constant 10 : i32
      %add3A_291 = arith.addi %mul3A_289, %add3A_290 : i32
      %get3A_292 = arith.index_cast %add3A_291 : i32 to index
      %get3A_293 = arith.constant 0 : index
      %get3A_294 = tpu.vector_load %arg6[%get3A_292, %get3A_293] {strides = array<i32>} : memref<256x128xf32, #tpu.memory_space<vmem>>, vector<16xf32>,
      %mul3A_295 = arith.mulf %get3A_294, %bitcast3A_153 : vector<16xf32>
      %add3A_296 = arith.addf %add3A_287, %mul3A_295 : vector<16xf32>
      %mul3A_297 = arith.constant 16 : i32
      %mul3A_298 = arith.muli %scan3A_51, %mul3A_297 : i32
      %add3A_299 = arith.constant 11 : i32
      %add3A_300 = arith.addi %mul3A_298, %add3A_299 : i32
      %get3A_301 = arith.index_cast %add3A_300 : i32 to index
      %get3A_302 = arith.constant 0 : index
      %get3A_303 = tpu.vector_load %arg6[%get3A_301, %get3A_302] {strides = array<i32>} : memref<256x128xf32, #tpu.memory_space<vmem>>, vector<16xf32>,
      %mul3A_304 = arith.mulf %get3A_303, %bitcast3A_162 : vector<16xf32>
      %add3A_305 = arith.addf %add3A_296, %mul3A_304 : vector<16xf32>
      %mul3A_306 = arith.constant 16 : i32
      %mul3A_307 = arith.muli %scan3A_51, %mul3A_306 : i32
      %add3A_308 = arith.constant 12 : i32
      %add3A_309 = arith.addi %mul3A_307, %add3A_308 : i32
      %get3A_310 = arith.index_cast %add3A_309 : i32 to index
      %get3A_311 = arith.constant 0 : index
      %get3A_312 = tpu.vector_load %arg6[%get3A_310, %get3A_311] {strides = array<i32>} : memref<256x128xf32, #tpu.memory_space<vmem>>, vector<16xf32>,
      %mul3A_313 = arith.mulf %get3A_312, %bitcast3A_171 : vector<16xf32>
      %add3A_314 = arith.addf %add3A_305, %mul3A_313 : vector<16xf32>
      %mul3A_315 = arith.constant 16 : i32
      %mul3A_316 = arith.muli %scan3A_51, %mul3A_315 : i32
      %add3A_317 = arith.constant 13 : i32
      %add3A_318 = arith.addi %mul3A_316, %add3A_317 : i32
      %get3A_319 = arith.index_cast %add3A_318 : i32 to index
      %get3A_320 = arith.constant 0 : index
      %get3A_321 = tpu.vector_load %arg6[%get3A_319, %get3A_320] {strides = array<i32>} : memref<256x128xf32, #tpu.memory_space<vmem>>, vector<16xf32>,
      %mul3A_322 = arith.mulf %get3A_321, %bitcast3A_180 : vector<16xf32>
      %add3A_323 = arith.addf %add3A_314, %mul3A_322 : vector<16xf32>
      %mul3A_324 = arith.constant 16 : i32
      %mul3A_325 = arith.muli %scan3A_51, %mul3A_324 : i32
      %add3A_326 = arith.constant 14 : i32
      %add3A_327 = arith.addi %mul3A_325, %add3A_326 : i32
      %get3A_328 = arith.index_cast %add3A_327 : i32 to index
      %get3A_329 = arith.constant 0 : index
      %get3A_330 = tpu.vector_load %arg6[%get3A_328, %get3A_329] {strides = array<i32>} : memref<256x128xf32, #tpu.memory_space<vmem>>, vector<16xf32>,
      %mul3A_331 = arith.mulf %get3A_330, %bitcast3A_189 : vector<16xf32>
      %add3A_332 = arith.addf %add3A_323, %mul3A_331 : vector<16xf32>
      %mul3A_333 = arith.constant 16 : i32
      %mul3A_334 = arith.muli %scan3A_51, %mul3A_333 : i32
      %add3A_335 = arith.constant 15 : i32
      %add3A_336 = arith.addi %mul3A_334, %add3A_335 : i32
      %get3A_337 = arith.index_cast %add3A_336 : i32 to index
      %get3A_338 = arith.constant 0 : index
      %get3A_339 = tpu.vector_load %arg6[%get3A_337, %get3A_338] {strides = array<i32>} : memref<256x128xf32, #tpu.memory_space<vmem>>, vector<16xf32>,
      %mul3A_340 = arith.mulf %get3A_339, %bitcast3A_198 : vector<16xf32>
      %add3A_341 = arith.addf %add3A_332, %mul3A_340 : vector<16xf32>
      %neg3A = arith.constant 0.000000e+00 : f32
      %neg3A_342 = vector.broadcast %neg3A : f32 to vector<16xf32>
      %neg3A_343 = arith.subf %neg3A_342, %add3A_341 : vector<16xf32>
      %exp3A = math.exp %neg3A_343 : vector<16xf32>
      %add3A_344 = arith.constant 1.000000e+00 : f32
      %add3A_345 = vector.broadcast %add3A_344 : f32 to vector<16xf32>
      %add3A_346 = arith.addf %add3A_345, %exp3A : vector<16xf32>
      %div3A = arith.constant 1.000000e+00 : f32
      %div3A_347 = vector.broadcast %div3A : f32 to vector<16xf32>
      %div3A_348 = arith.divf %div3A_347, %add3A_346 : vector<16xf32>
      %swap3A = arith.index_cast %scan3A_51 : i32 to index
      %swap3A_349 = arith.constant 0 : index
      %swap3A_350 = tpu.vector_load %arg7[%swap3A, %swap3A_349] {strides = array<i32>} : memref<16x128xf32, #tpu.memory_space<vmem>>, vector<16xf32>,
      tpu.vector_store %arg7[%swap3A, %swap3A_349], %div3A_348 {strides = array<i32>} : memref<16x128xf32, #tpu.memory_space<vmem>>, vector<16xf32>,
      %mul3A_351 = arith.constant 16 : i32
      %mul3A_352 = arith.muli %scan3A_51, %mul3A_351 : i32
      %add3A_353 = arith.constant 0 : i32
      %add3A_354 = arith.addi %mul3A_352, %add3A_353 : i32
      %get3A_355 = arith.index_cast %add3A_354 : i32 to index
      %get3A_356 = arith.constant 16 : index
      %get3A_357 = tpu.vector_load %arg6[%get3A_355, %get3A_356] {strides = array<i32>} : memref<256x128xf32, #tpu.memory_space<vmem>>, vector<16xf32>,
      %mul3A_358 = arith.mulf %get3A_357, %bitcast3A_63 : vector<16xf32>
      %add3A_359 = arith.addf %bitcast3A, %mul3A_358 : vector<16xf32>
      %mul3A_360 = arith.constant 16 : i32
      %mul3A_361 = arith.muli %scan3A_51, %mul3A_360 : i32
      %add3A_362 = arith.constant 1 : i32
      %add3A_363 = arith.addi %mul3A_361, %add3A_362 : i32
      %get3A_364 = arith.index_cast %add3A_363 : i32 to index
      %get3A_365 = arith.constant 16 : index
      %get3A_366 = tpu.vector_load %arg6[%get3A_364, %get3A_365] {strides = array<i32>} : memref<256x128xf32, #tpu.memory_space<vmem>>, vector<16xf32>,
      %mul3A_367 = arith.mulf %get3A_366, %bitcast3A_72 : vector<16xf32>
      %add3A_368 = arith.addf %add3A_359, %mul3A_367 : vector<16xf32>
      %mul3A_369 = arith.constant 16 : i32
      %mul3A_370 = arith.muli %scan3A_51, %mul3A_369 : i32
      %add3A_371 = arith.constant 2 : i32
      %add3A_372 = arith.addi %mul3A_370, %add3A_371 : i32
      %get3A_373 = arith.index_cast %add3A_372 : i32 to index
      %get3A_374 = arith.constant 16 : index
      %get3A_375 = tpu.vector_load %arg6[%get3A_373, %get3A_374] {strides = array<i32>} : memref<256x128xf32, #tpu.memory_space<vmem>>, vector<16xf32>,
      %mul3A_376 = arith.mulf %get3A_375, %bitcast3A_81 : vector<16xf32>
      %add3A_377 = arith.addf %add3A_368, %mul3A_376 : vector<16xf32>
      %mul3A_378 = arith.constant 16 : i32
      %mul3A_379 = arith.muli %scan3A_51, %mul3A_378 : i32
      %add3A_380 = arith.constant 3 : i32
      %add3A_381 = arith.addi %mul3A_379, %add3A_380 : i32
      %get3A_382 = arith.index_cast %add3A_381 : i32 to index
      %get3A_383 = arith.constant 16 : index
      %get3A_384 = tpu.vector_load %arg6[%get3A_382, %get3A_383] {strides = array<i32>} : memref<256x128xf32, #tpu.memory_space<vmem>>, vector<16xf32>,
      %mul3A_385 = arith.mulf %get3A_384, %bitcast3A_90 : vector<16xf32>
      %add3A_386 = arith.addf %add3A_377, %mul3A_385 : vector<16xf32>
      %mul3A_387 = arith.constant 16 : i32
      %mul3A_388 = arith.muli %scan3A_51, %mul3A_387 : i32
      %add3A_389 = arith.constant 4 : i32
      %add3A_390 = arith.addi %mul3A_388, %add3A_389 : i32
      %get3A_391 = arith.index_cast %add3A_390 : i32 to index
      %get3A_392 = arith.constant 16 : index
      %get3A_393 = tpu.vector_load %arg6[%get3A_391, %get3A_392] {strides = array<i32>} : memref<256x128xf32, #tpu.memory_space<vmem>>, vector<16xf32>,
      %mul3A_394 = arith.mulf %get3A_393, %bitcast3A_99 : vector<16xf32>
      %add3A_395 = arith.addf %add3A_386, %mul3A_394 : vector<16xf32>
      %mul3A_396 = arith.constant 16 : i32
      %mul3A_397 = arith.muli %scan3A_51, %mul3A_396 : i32
      %add3A_398 = arith.constant 5 : i32
      %add3A_399 = arith.addi %mul3A_397, %add3A_398 : i32
      %get3A_400 = arith.index_cast %add3A_399 : i32 to index
      %get3A_401 = arith.constant 16 : index
      %get3A_402 = tpu.vector_load %arg6[%get3A_400, %get3A_401] {strides = array<i32>} : memref<256x128xf32, #tpu.memory_space<vmem>>, vector<16xf32>,
      %mul3A_403 = arith.mulf %get3A_402, %bitcast3A_108 : vector<16xf32>
      %add3A_404 = arith.addf %add3A_395, %mul3A_403 : vector<16xf32>
      %mul3A_405 = arith.constant 16 : i32
      %mul3A_406 = arith.muli %scan3A_51, %mul3A_405 : i32
      %add3A_407 = arith.constant 6 : i32
      %add3A_408 = arith.addi %mul3A_406, %add3A_407 : i32
      %get3A_409 = arith.index_cast %add3A_408 : i32 to index
      %get3A_410 = arith.constant 16 : index
      %get3A_411 = tpu.vector_load %arg6[%get3A_409, %get3A_410] {strides = array<i32>} : memref<256x128xf32, #tpu.memory_space<vmem>>, vector<16xf32>,
      %mul3A_412 = arith.mulf %get3A_411, %bitcast3A_117 : vector<16xf32>
      %add3A_413 = arith.addf %add3A_404, %mul3A_412 : vector<16xf32>
      %mul3A_414 = arith.constant 16 : i32
      %mul3A_415 = arith.muli %scan3A_51, %mul3A_414 : i32
      %add3A_416 = arith.constant 7 : i32
      %add3A_417 = arith.addi %mul3A_415, %add3A_416 : i32
      %get3A_418 = arith.index_cast %add3A_417 : i32 to index
      %get3A_419 = arith.constant 16 : index
      %get3A_420 = tpu.vector_load %arg6[%get3A_418, %get3A_419] {strides = array<i32>} : memref<256x128xf32, #tpu.memory_space<vmem>>, vector<16xf32>,
      %mul3A_421 = arith.mulf %get3A_420, %bitcast3A_126 : vector<16xf32>
      %add3A_422 = arith.addf %add3A_413, %mul3A_421 : vector<16xf32>
      %mul3A_423 = arith.constant 16 : i32
      %mul3A_424 = arith.muli %scan3A_51, %mul3A_423 : i32
      %add3A_425 = arith.constant 8 : i32
      %add3A_426 = arith.addi %mul3A_424, %add3A_425 : i32
      %get3A_427 = arith.index_cast %add3A_426 : i32 to index
      %get3A_428 = arith.constant 16 : index
      %get3A_429 = tpu.vector_load %arg6[%get3A_427, %get3A_428] {strides = array<i32>} : memref<256x128xf32, #tpu.memory_space<vmem>>, vector<16xf32>,
      %mul3A_430 = arith.mulf %get3A_429, %bitcast3A_135 : vector<16xf32>
      %add3A_431 = arith.addf %add3A_422, %mul3A_430 : vector<16xf32>
      %mul3A_432 = arith.constant 16 : i32
      %mul3A_433 = arith.muli %scan3A_51, %mul3A_432 : i32
      %add3A_434 = arith.constant 9 : i32
      %add3A_435 = arith.addi %mul3A_433, %add3A_434 : i32
      %get3A_436 = arith.index_cast %add3A_435 : i32 to index
      %get3A_437 = arith.constant 16 : index
      %get3A_438 = tpu.vector_load %arg6[%get3A_436, %get3A_437] {strides = array<i32>} : memref<256x128xf32, #tpu.memory_space<vmem>>, vector<16xf32>,
      %mul3A_439 = arith.mulf %get3A_438, %bitcast3A_144 : vector<16xf32>
      %add3A_440 = arith.addf %add3A_431, %mul3A_439 : vector<16xf32>
      %mul3A_441 = arith.constant 16 : i32
      %mul3A_442 = arith.muli %scan3A_51, %mul3A_441 : i32
      %add3A_443 = arith.constant 10 : i32
      %add3A_444 = arith.addi %mul3A_442, %add3A_443 : i32
      %get3A_445 = arith.index_cast %add3A_444 : i32 to index
      %get3A_446 = arith.constant 16 : index
      %get3A_447 = tpu.vector_load %arg6[%get3A_445, %get3A_446] {strides = array<i32>} : memref<256x128xf32, #tpu.memory_space<vmem>>, vector<16xf32>,
      %mul3A_448 = arith.mulf %get3A_447, %bitcast3A_153 : vector<16xf32>
      %add3A_449 = arith.addf %add3A_440, %mul3A_448 : vector<16xf32>
      %mul3A_450 = arith.constant 16 : i32
      %mul3A_451 = arith.muli %scan3A_51, %mul3A_450 : i32
      %add3A_452 = arith.constant 11 : i32
      %add3A_453 = arith.addi %mul3A_451, %add3A_452 : i32
      %get3A_454 = arith.index_cast %add3A_453 : i32 to index
      %get3A_455 = arith.constant 16 : index
      %get3A_456 = tpu.vector_load %arg6[%get3A_454, %get3A_455] {strides = array<i32>} : memref<256x128xf32, #tpu.memory_space<vmem>>, vector<16xf32>,
      %mul3A_457 = arith.mulf %get3A_456, %bitcast3A_162 : vector<16xf32>
      %add3A_458 = arith.addf %add3A_449, %mul3A_457 : vector<16xf32>
      %mul3A_459 = arith.constant 16 : i32
      %mul3A_460 = arith.muli %scan3A_51, %mul3A_459 : i32
      %add3A_461 = arith.constant 12 : i32
      %add3A_462 = arith.addi %mul3A_460, %add3A_461 : i32
      %get3A_463 = arith.index_cast %add3A_462 : i32 to index
      %get3A_464 = arith.constant 16 : index
      %get3A_465 = tpu.vector_load %arg6[%get3A_463, %get3A_464] {strides = array<i32>} : memref<256x128xf32, #tpu.memory_space<vmem>>, vector<16xf32>,
      %mul3A_466 = arith.mulf %get3A_465, %bitcast3A_171 : vector<16xf32>
      %add3A_467 = arith.addf %add3A_458, %mul3A_466 : vector<16xf32>
      %mul3A_468 = arith.constant 16 : i32
      %mul3A_469 = arith.muli %scan3A_51, %mul3A_468 : i32
      %add3A_470 = arith.constant 13 : i32
      %add3A_471 = arith.addi %mul3A_469, %add3A_470 : i32
      %get3A_472 = arith.index_cast %add3A_471 : i32 to index
      %get3A_473 = arith.constant 16 : index
      %get3A_474 = tpu.vector_load %arg6[%get3A_472, %get3A_473] {strides = array<i32>} : memref<256x128xf32, #tpu.memory_space<vmem>>, vector<16xf32>,
      %mul3A_475 = arith.mulf %get3A_474, %bitcast3A_180 : vector<16xf32>
      %add3A_476 = arith.addf %add3A_467, %mul3A_475 : vector<16xf32>
      %mul3A_477 = arith.constant 16 : i32
      %mul3A_478 = arith.muli %scan3A_51, %mul3A_477 : i32
      %add3A_479 = arith.constant 14 : i32
      %add3A_480 = arith.addi %mul3A_478, %add3A_479 : i32
      %get3A_481 = arith.index_cast %add3A_480 : i32 to index
      %get3A_482 = arith.constant 16 : index
      %get3A_483 = tpu.vector_load %arg6[%get3A_481, %get3A_482] {strides = array<i32>} : memref<256x128xf32, #tpu.memory_space<vmem>>, vector<16xf32>,
      %mul3A_484 = arith.mulf %get3A_483, %bitcast3A_189 : vector<16xf32>
      %add3A_485 = arith.addf %add3A_476, %mul3A_484 : vector<16xf32>
      %mul3A_486 = arith.constant 16 : i32
      %mul3A_487 = arith.muli %scan3A_51, %mul3A_486 : i32
      %add3A_488 = arith.constant 15 : i32
      %add3A_489 = arith.addi %mul3A_487, %add3A_488 : i32
      %get3A_490 = arith.index_cast %add3A_489 : i32 to index
      %get3A_491 = arith.constant 16 : index
      %get3A_492 = tpu.vector_load %arg6[%get3A_490, %get3A_491] {strides = array<i32>} : memref<256x128xf32, #tpu.memory_space<vmem>>, vector<16xf32>,
      %mul3A_493 = arith.mulf %get3A_492, %bitcast3A_198 : vector<16xf32>
      %add3A_494 = arith.addf %add3A_485, %mul3A_493 : vector<16xf32>
      %neg3A_495 = arith.constant 0.000000e+00 : f32
      %neg3A_496 = vector.broadcast %neg3A_495 : f32 to vector<16xf32>
      %neg3A_497 = arith.subf %neg3A_496, %add3A_494 : vector<16xf32>
      %exp3A_498 = math.exp %neg3A_497 : vector<16xf32>
      %add3A_499 = arith.constant 1.000000e+00 : f32
      %add3A_500 = vector.broadcast %add3A_499 : f32 to vector<16xf32>
      %add3A_501 = arith.addf %add3A_500, %exp3A_498 : vector<16xf32>
      %div3A_502 = arith.constant 1.000000e+00 : f32
      %div3A_503 = vector.broadcast %div3A_502 : f32 to vector<16xf32>
      %div3A_504 = arith.divf %div3A_503, %add3A_501 : vector<16xf32>
      %swap3A_505 = arith.index_cast %scan3A_51 : i32 to index
      %swap3A_506 = arith.constant 16 : index
      %swap3A_507 = tpu.vector_load %arg7[%swap3A_505, %swap3A_506] {strides = array<i32>} : memref<16x128xf32, #tpu.memory_space<vmem>>, vector<16xf32>,
      tpu.vector_store %arg7[%swap3A_505, %swap3A_506], %div3A_504 {strides = array<i32>} : memref<16x128xf32, #tpu.memory_space<vmem>>, vector<16xf32>,
      %mul3A_508 = arith.constant 16 : i32
      %mul3A_509 = arith.muli %scan3A_51, %mul3A_508 : i32
      %add3A_510 = arith.constant 0 : i32
      %add3A_511 = arith.addi %mul3A_509, %add3A_510 : i32
      %get3A_512 = arith.index_cast %add3A_511 : i32 to index
      %get3A_513 = arith.constant 32 : index
      %get3A_514 = tpu.vector_load %arg6[%get3A_512, %get3A_513] {strides = array<i32>} : memref<256x128xf32, #tpu.memory_space<vmem>>, vector<16xf32>,
      %mul3A_515 = arith.mulf %get3A_514, %bitcast3A_63 : vector<16xf32>
      %add3A_516 = arith.addf %bitcast3A, %mul3A_515 : vector<16xf32>
      %mul3A_517 = arith.constant 16 : i32
      %mul3A_518 = arith.muli %scan3A_51, %mul3A_517 : i32
      %add3A_519 = arith.constant 1 : i32
      %add3A_520 = arith.addi %mul3A_518, %add3A_519 : i32
      %get3A_521 = arith.index_cast %add3A_520 : i32 to index
      %get3A_522 = arith.constant 32 : index
      %get3A_523 = tpu.vector_load %arg6[%get3A_521, %get3A_522] {strides = array<i32>} : memref<256x128xf32, #tpu.memory_space<vmem>>, vector<16xf32>,
      %mul3A_524 = arith.mulf %get3A_523, %bitcast3A_72 : vector<16xf32>
      %add3A_525 = arith.addf %add3A_516, %mul3A_524 : vector<16xf32>
      %mul3A_526 = arith.constant 16 : i32
      %mul3A_527 = arith.muli %scan3A_51, %mul3A_526 : i32
      %add3A_528 = arith.constant 2 : i32
      %add3A_529 = arith.addi %mul3A_527, %add3A_528 : i32
      %get3A_530 = arith.index_cast %add3A_529 : i32 to index
      %get3A_531 = arith.constant 32 : index
      %get3A_532 = tpu.vector_load %arg6[%get3A_530, %get3A_531] {strides = array<i32>} : memref<256x128xf32, #tpu.memory_space<vmem>>, vector<16xf32>,
      %mul3A_533 = arith.mulf %get3A_532, %bitcast3A_81 : vector<16xf32>
      %add3A_534 = arith.addf %add3A_525, %mul3A_533 : vector<16xf32>
      %mul3A_535 = arith.constant 16 : i32
      %mul3A_536 = arith.muli %scan3A_51, %mul3A_535 : i32
      %add3A_537 = arith.constant 3 : i32
      %add3A_538 = arith.addi %mul3A_536, %add3A_537 : i32
      %get3A_539 = arith.index_cast %add3A_538 : i32 to index
      %get3A_540 = arith.constant 32 : index
      %get3A_541 = tpu.vector_load %arg6[%get3A_539, %get3A_540] {strides = array<i32>} : memref<256x128xf32, #tpu.memory_space<vmem>>, vector<16xf32>,
      %mul3A_542 = arith.mulf %get3A_541, %bitcast3A_90 : vector<16xf32>
      %add3A_543 = arith.addf %add3A_534, %mul3A_542 : vector<16xf32>
      %mul3A_544 = arith.constant 16 : i32
      %mul3A_545 = arith.muli %scan3A_51, %mul3A_544 : i32
      %add3A_546 = arith.constant 4 : i32
      %add3A_547 = arith.addi %mul3A_545, %add3A_546 : i32
      %get3A_548 = arith.index_cast %add3A_547 : i32 to index
      %get3A_549 = arith.constant 32 : index
      %get3A_550 = tpu.vector_load %arg6[%get3A_548, %get3A_549] {strides = array<i32>} : memref<256x128xf32, #tpu.memory_space<vmem>>, vector<16xf32>,
      %mul3A_551 = arith.mulf %get3A_550, %bitcast3A_99 : vector<16xf32>
      %add3A_552 = arith.addf %add3A_543, %mul3A_551 : vector<16xf32>
      %mul3A_553 = arith.constant 16 : i32
      %mul3A_554 = arith.muli %scan3A_51, %mul3A_553 : i32
      %add3A_555 = arith.constant 5 : i32
      %add3A_556 = arith.addi %mul3A_554, %add3A_555 : i32
      %get3A_557 = arith.index_cast %add3A_556 : i32 to index
      %get3A_558 = arith.constant 32 : index
      %get3A_559 = tpu.vector_load %arg6[%get3A_557, %get3A_558] {strides = array<i32>} : memref<256x128xf32, #tpu.memory_space<vmem>>, vector<16xf32>,
      %mul3A_560 = arith.mulf %get3A_559, %bitcast3A_108 : vector<16xf32>
      %add3A_561 = arith.addf %add3A_552, %mul3A_560 : vector<16xf32>
      %mul3A_562 = arith.constant 16 : i32
      %mul3A_563 = arith.muli %scan3A_51, %mul3A_562 : i32
      %add3A_564 = arith.constant 6 : i32
      %add3A_565 = arith.addi %mul3A_563, %add3A_564 : i32
      %get3A_566 = arith.index_cast %add3A_565 : i32 to index
      %get3A_567 = arith.constant 32 : index
      %get3A_568 = tpu.vector_load %arg6[%get3A_566, %get3A_567] {strides = array<i32>} : memref<256x128xf32, #tpu.memory_space<vmem>>, vector<16xf32>,
      %mul3A_569 = arith.mulf %get3A_568, %bitcast3A_117 : vector<16xf32>
      %add3A_570 = arith.addf %add3A_561, %mul3A_569 : vector<16xf32>
      %mul3A_571 = arith.constant 16 : i32
      %mul3A_572 = arith.muli %scan3A_51, %mul3A_571 : i32
      %add3A_573 = arith.constant 7 : i32
      %add3A_574 = arith.addi %mul3A_572, %add3A_573 : i32
      %get3A_575 = arith.index_cast %add3A_574 : i32 to index
      %get3A_576 = arith.constant 32 : index
      %get3A_577 = tpu.vector_load %arg6[%get3A_575, %get3A_576] {strides = array<i32>} : memref<256x128xf32, #tpu.memory_space<vmem>>, vector<16xf32>,
      %mul3A_578 = arith.mulf %get3A_577, %bitcast3A_126 : vector<16xf32>
      %add3A_579 = arith.addf %add3A_570, %mul3A_578 : vector<16xf32>
      %mul3A_580 = arith.constant 16 : i32
      %mul3A_581 = arith.muli %scan3A_51, %mul3A_580 : i32
      %add3A_582 = arith.constant 8 : i32
      %add3A_583 = arith.addi %mul3A_581, %add3A_582 : i32
      %get3A_584 = arith.index_cast %add3A_583 : i32 to index
      %get3A_585 = arith.constant 32 : index
      %get3A_586 = tpu.vector_load %arg6[%get3A_584, %get3A_585] {strides = array<i32>} : memref<256x128xf32, #tpu.memory_space<vmem>>, vector<16xf32>,
      %mul3A_587 = arith.mulf %get3A_586, %bitcast3A_135 : vector<16xf32>
      %add3A_588 = arith.addf %add3A_579, %mul3A_587 : vector<16xf32>
      %mul3A_589 = arith.constant 16 : i32
      %mul3A_590 = arith.muli %scan3A_51, %mul3A_589 : i32
      %add3A_591 = arith.constant 9 : i32
      %add3A_592 = arith.addi %mul3A_590, %add3A_591 : i32
      %get3A_593 = arith.index_cast %add3A_592 : i32 to index
      %get3A_594 = arith.constant 32 : index
      %get3A_595 = tpu.vector_load %arg6[%get3A_593, %get3A_594] {strides = array<i32>} : memref<256x128xf32, #tpu.memory_space<vmem>>, vector<16xf32>,
      %mul3A_596 = arith.mulf %get3A_595, %bitcast3A_144 : vector<16xf32>
      %add3A_597 = arith.addf %add3A_588, %mul3A_596 : vector<16xf32>
      %mul3A_598 = arith.constant 16 : i32
      %mul3A_599 = arith.muli %scan3A_51, %mul3A_598 : i32
      %add3A_600 = arith.constant 10 : i32
      %add3A_601 = arith.addi %mul3A_599, %add3A_600 : i32
      %get3A_602 = arith.index_cast %add3A_601 : i32 to index
      %get3A_603 = arith.constant 32 : index
      %get3A_604 = tpu.vector_load %arg6[%get3A_602, %get3A_603] {strides = array<i32>} : memref<256x128xf32, #tpu.memory_space<vmem>>, vector<16xf32>,
      %mul3A_605 = arith.mulf %get3A_604, %bitcast3A_153 : vector<16xf32>
      %add3A_606 = arith.addf %add3A_597, %mul3A_605 : vector<16xf32>
      %mul3A_607 = arith.constant 16 : i32
      %mul3A_608 = arith.muli %scan3A_51, %mul3A_607 : i32
      %add3A_609 = arith.constant 11 : i32
      %add3A_610 = arith.addi %mul3A_608, %add3A_609 : i32
      %get3A_611 = arith.index_cast %add3A_610 : i32 to index
      %get3A_612 = arith.constant 32 : index
      %get3A_613 = tpu.vector_load %arg6[%get3A_611, %get3A_612] {strides = array<i32>} : memref<256x128xf32, #tpu.memory_space<vmem>>, vector<16xf32>,
      %mul3A_614 = arith.mulf %get3A_613, %bitcast3A_162 : vector<16xf32>
      %add3A_615 = arith.addf %add3A_606, %mul3A_614 : vector<16xf32>
      %mul3A_616 = arith.constant 16 : i32
      %mul3A_617 = arith.muli %scan3A_51, %mul3A_616 : i32
      %add3A_618 = arith.constant 12 : i32
      %add3A_619 = arith.addi %mul3A_617, %add3A_618 : i32
      %get3A_620 = arith.index_cast %add3A_619 : i32 to index
      %get3A_621 = arith.constant 32 : index
      %get3A_622 = tpu.vector_load %arg6[%get3A_620, %get3A_621] {strides = array<i32>} : memref<256x128xf32, #tpu.memory_space<vmem>>, vector<16xf32>,
      %mul3A_623 = arith.mulf %get3A_622, %bitcast3A_171 : vector<16xf32>
      %add3A_624 = arith.addf %add3A_615, %mul3A_623 : vector<16xf32>
      %mul3A_625 = arith.constant 16 : i32
      %mul3A_626 = arith.muli %scan3A_51, %mul3A_625 : i32
      %add3A_627 = arith.constant 13 : i32
      %add3A_628 = arith.addi %mul3A_626, %add3A_627 : i32
      %get3A_629 = arith.index_cast %add3A_628 : i32 to index
      %get3A_630 = arith.constant 32 : index
      %get3A_631 = tpu.vector_load %arg6[%get3A_629, %get3A_630] {strides = array<i32>} : memref<256x128xf32, #tpu.memory_space<vmem>>, vector<16xf32>,
      %mul3A_632 = arith.mulf %get3A_631, %bitcast3A_180 : vector<16xf32>
      %add3A_633 = arith.addf %add3A_624, %mul3A_632 : vector<16xf32>
      %mul3A_634 = arith.constant 16 : i32
      %mul3A_635 = arith.muli %scan3A_51, %mul3A_634 : i32
      %add3A_636 = arith.constant 14 : i32
      %add3A_637 = arith.addi %mul3A_635, %add3A_636 : i32
      %get3A_638 = arith.index_cast %add3A_637 : i32 to index
      %get3A_639 = arith.constant 32 : index
      %get3A_640 = tpu.vector_load %arg6[%get3A_638, %get3A_639] {strides = array<i32>} : memref<256x128xf32, #tpu.memory_space<vmem>>, vector<16xf32>,
      %mul3A_641 = arith.mulf %get3A_640, %bitcast3A_189 : vector<16xf32>
      %add3A_642 = arith.addf %add3A_633, %mul3A_641 : vector<16xf32>
      %mul3A_643 = arith.constant 16 : i32
      %mul3A_644 = arith.muli %scan3A_51, %mul3A_643 : i32
      %add3A_645 = arith.constant 15 : i32
      %add3A_646 = arith.addi %mul3A_644, %add3A_645 : i32
      %get3A_647 = arith.index_cast %add3A_646 : i32 to index
      %get3A_648 = arith.constant 32 : index
      %get3A_649 = tpu.vector_load %arg6[%get3A_647, %get3A_648] {strides = array<i32>} : memref<256x128xf32, #tpu.memory_space<vmem>>, vector<16xf32>,
      %mul3A_650 = arith.mulf %get3A_649, %bitcast3A_198 : vector<16xf32>
      %add3A_651 = arith.addf %add3A_642, %mul3A_650 : vector<16xf32>
      %neg3A_652 = arith.constant 0.000000e+00 : f32
      %neg3A_653 = vector.broadcast %neg3A_652 : f32 to vector<16xf32>
      %neg3A_654 = arith.subf %neg3A_653, %add3A_651 : vector<16xf32>
      %exp3A_655 = math.exp %neg3A_654 : vector<16xf32>
      %add3A_656 = arith.constant 1.000000e+00 : f32
      %add3A_657 = vector.broadcast %add3A_656 : f32 to vector<16xf32>
      %add3A_658 = arith.addf %add3A_657, %exp3A_655 : vector<16xf32>
      %div3A_659 = arith.constant 1.000000e+00 : f32
      %div3A_660 = vector.broadcast %div3A_659 : f32 to vector<16xf32>
      %div3A_661 = arith.divf %div3A_660, %add3A_658 : vector<16xf32>
      %swap3A_662 = arith.index_cast %scan3A_51 : i32 to index
      %swap3A_663 = arith.constant 32 : index
      %swap3A_664 = tpu.vector_load %arg7[%swap3A_662, %swap3A_663] {strides = array<i32>} : memref<16x128xf32, #tpu.memory_space<vmem>>, vector<16xf32>,
      tpu.vector_store %arg7[%swap3A_662, %swap3A_663], %div3A_661 {strides = array<i32>} : memref<16x128xf32, #tpu.memory_space<vmem>>, vector<16xf32>,
      %mul3A_665 = arith.constant 16 : i32
      %mul3A_666 = arith.muli %scan3A_51, %mul3A_665 : i32
      %add3A_667 = arith.constant 0 : i32
      %add3A_668 = arith.addi %mul3A_666, %add3A_667 : i32
      %get3A_669 = arith.index_cast %add3A_668 : i32 to index
      %get3A_670 = arith.constant 48 : index
      %get3A_671 = tpu.vector_load %arg6[%get3A_669, %get3A_670] {strides = array<i32>} : memref<256x128xf32, #tpu.memory_space<vmem>>, vector<16xf32>,
      %mul3A_672 = arith.mulf %get3A_671, %bitcast3A_63 : vector<16xf32>
      %add3A_673 = arith.addf %bitcast3A, %mul3A_672 : vector<16xf32>
      %mul3A_674 = arith.constant 16 : i32
      %mul3A_675 = arith.muli %scan3A_51, %mul3A_674 : i32
      %add3A_676 = arith.constant 1 : i32
      %add3A_677 = arith.addi %mul3A_675, %add3A_676 : i32
      %get3A_678 = arith.index_cast %add3A_677 : i32 to index
      %get3A_679 = arith.constant 48 : index
      %get3A_680 = tpu.vector_load %arg6[%get3A_678, %get3A_679] {strides = array<i32>} : memref<256x128xf32, #tpu.memory_space<vmem>>, vector<16xf32>,
      %mul3A_681 = arith.mulf %get3A_680, %bitcast3A_72 : vector<16xf32>
      %add3A_682 = arith.addf %add3A_673, %mul3A_681 : vector<16xf32>
      %mul3A_683 = arith.constant 16 : i32
      %mul3A_684 = arith.muli %scan3A_51, %mul3A_683 : i32
      %add3A_685 = arith.constant 2 : i32
      %add3A_686 = arith.addi %mul3A_684, %add3A_685 : i32
      %get3A_687 = arith.index_cast %add3A_686 : i32 to index
      %get3A_688 = arith.constant 48 : index
      %get3A_689 = tpu.vector_load %arg6[%get3A_687, %get3A_688] {strides = array<i32>} : memref<256x128xf32, #tpu.memory_space<vmem>>, vector<16xf32>,
      %mul3A_690 = arith.mulf %get3A_689, %bitcast3A_81 : vector<16xf32>
      %add3A_691 = arith.addf %add3A_682, %mul3A_690 : vector<16xf32>
      %mul3A_692 = arith.constant 16 : i32
      %mul3A_693 = arith.muli %scan3A_51, %mul3A_692 : i32
      %add3A_694 = arith.constant 3 : i32
      %add3A_695 = arith.addi %mul3A_693, %add3A_694 : i32
      %get3A_696 = arith.index_cast %add3A_695 : i32 to index
      %get3A_697 = arith.constant 48 : index
      %get3A_698 = tpu.vector_load %arg6[%get3A_696, %get3A_697] {strides = array<i32>} : memref<256x128xf32, #tpu.memory_space<vmem>>, vector<16xf32>,
      %mul3A_699 = arith.mulf %get3A_698, %bitcast3A_90 : vector<16xf32>
      %add3A_700 = arith.addf %add3A_691, %mul3A_699 : vector<16xf32>
      %mul3A_701 = arith.constant 16 : i32
      %mul3A_702 = arith.muli %scan3A_51, %mul3A_701 : i32
      %add3A_703 = arith.constant 4 : i32
      %add3A_704 = arith.addi %mul3A_702, %add3A_703 : i32
      %get3A_705 = arith.index_cast %add3A_704 : i32 to index
      %get3A_706 = arith.constant 48 : index
      %get3A_707 = tpu.vector_load %arg6[%get3A_705, %get3A_706] {strides = array<i32>} : memref<256x128xf32, #tpu.memory_space<vmem>>, vector<16xf32>,
      %mul3A_708 = arith.mulf %get3A_707, %bitcast3A_99 : vector<16xf32>
      %add3A_709 = arith.addf %add3A_700, %mul3A_708 : vector<16xf32>
      %mul3A_710 = arith.constant 16 : i32
      %mul3A_711 = arith.muli %scan3A_51, %mul3A_710 : i32
      %add3A_712 = arith.constant 5 : i32
      %add3A_713 = arith.addi %mul3A_711, %add3A_712 : i32
      %get3A_714 = arith.index_cast %add3A_713 : i32 to index
      %get3A_715 = arith.constant 48 : index
      %get3A_716 = tpu.vector_load %arg6[%get3A_714, %get3A_715] {strides = array<i32>} : memref<256x128xf32, #tpu.memory_space<vmem>>, vector<16xf32>,
      %mul3A_717 = arith.mulf %get3A_716, %bitcast3A_108 : vector<16xf32>
      %add3A_718 = arith.addf %add3A_709, %mul3A_717 : vector<16xf32>
      %mul3A_719 = arith.constant 16 : i32
      %mul3A_720 = arith.muli %scan3A_51, %mul3A_719 : i32
      %add3A_721 = arith.constant 6 : i32
      %add3A_722 = arith.addi %mul3A_720, %add3A_721 : i32
      %get3A_723 = arith.index_cast %add3A_722 : i32 to index
      %get3A_724 = arith.constant 48 : index
      %get3A_725 = tpu.vector_load %arg6[%get3A_723, %get3A_724] {strides = array<i32>} : memref<256x128xf32, #tpu.memory_space<vmem>>, vector<16xf32>,
      %mul3A_726 = arith.mulf %get3A_725, %bitcast3A_117 : vector<16xf32>
      %add3A_727 = arith.addf %add3A_718, %mul3A_726 : vector<16xf32>
      %mul3A_728 = arith.constant 16 : i32
      %mul3A_729 = arith.muli %scan3A_51, %mul3A_728 : i32
      %add3A_730 = arith.constant 7 : i32
      %add3A_731 = arith.addi %mul3A_729, %add3A_730 : i32
      %get3A_732 = arith.index_cast %add3A_731 : i32 to index
      %get3A_733 = arith.constant 48 : index
      %get3A_734 = tpu.vector_load %arg6[%get3A_732, %get3A_733] {strides = array<i32>} : memref<256x128xf32, #tpu.memory_space<vmem>>, vector<16xf32>,
      %mul3A_735 = arith.mulf %get3A_734, %bitcast3A_126 : vector<16xf32>
      %add3A_736 = arith.addf %add3A_727, %mul3A_735 : vector<16xf32>
      %mul3A_737 = arith.constant 16 : i32
      %mul3A_738 = arith.muli %scan3A_51, %mul3A_737 : i32
      %add3A_739 = arith.constant 8 : i32
      %add3A_740 = arith.addi %mul3A_738, %add3A_739 : i32
      %get3A_741 = arith.index_cast %add3A_740 : i32 to index
      %get3A_742 = arith.constant 48 : index
      %get3A_743 = tpu.vector_load %arg6[%get3A_741, %get3A_742] {strides = array<i32>} : memref<256x128xf32, #tpu.memory_space<vmem>>, vector<16xf32>,
      %mul3A_744 = arith.mulf %get3A_743, %bitcast3A_135 : vector<16xf32>
      %add3A_745 = arith.addf %add3A_736, %mul3A_744 : vector<16xf32>
      %mul3A_746 = arith.constant 16 : i32
      %mul3A_747 = arith.muli %scan3A_51, %mul3A_746 : i32
      %add3A_748 = arith.constant 9 : i32
      %add3A_749 = arith.addi %mul3A_747, %add3A_748 : i32
      %get3A_750 = arith.index_cast %add3A_749 : i32 to index
      %get3A_751 = arith.constant 48 : index
      %get3A_752 = tpu.vector_load %arg6[%get3A_750, %get3A_751] {strides = array<i32>} : memref<256x128xf32, #tpu.memory_space<vmem>>, vector<16xf32>,
      %mul3A_753 = arith.mulf %get3A_752, %bitcast3A_144 : vector<16xf32>
      %add3A_754 = arith.addf %add3A_745, %mul3A_753 : vector<16xf32>
      %mul3A_755 = arith.constant 16 : i32
      %mul3A_756 = arith.muli %scan3A_51, %mul3A_755 : i32
      %add3A_757 = arith.constant 10 : i32
      %add3A_758 = arith.addi %mul3A_756, %add3A_757 : i32
      %get3A_759 = arith.index_cast %add3A_758 : i32 to index
      %get3A_760 = arith.constant 48 : index
      %get3A_761 = tpu.vector_load %arg6[%get3A_759, %get3A_760] {strides = array<i32>} : memref<256x128xf32, #tpu.memory_space<vmem>>, vector<16xf32>,
      %mul3A_762 = arith.mulf %get3A_761, %bitcast3A_153 : vector<16xf32>
      %add3A_763 = arith.addf %add3A_754, %mul3A_762 : vector<16xf32>
      %mul3A_764 = arith.constant 16 : i32
      %mul3A_765 = arith.muli %scan3A_51, %mul3A_764 : i32
      %add3A_766 = arith.constant 11 : i32
      %add3A_767 = arith.addi %mul3A_765, %add3A_766 : i32
      %get3A_768 = arith.index_cast %add3A_767 : i32 to index
      %get3A_769 = arith.constant 48 : index
      %get3A_770 = tpu.vector_load %arg6[%get3A_768, %get3A_769] {strides = array<i32>} : memref<256x128xf32, #tpu.memory_space<vmem>>, vector<16xf32>,
      %mul3A_771 = arith.mulf %get3A_770, %bitcast3A_162 : vector<16xf32>
      %add3A_772 = arith.addf %add3A_763, %mul3A_771 : vector<16xf32>
      %mul3A_773 = arith.constant 16 : i32
      %mul3A_774 = arith.muli %scan3A_51, %mul3A_773 : i32
      %add3A_775 = arith.constant 12 : i32
      %add3A_776 = arith.addi %mul3A_774, %add3A_775 : i32
      %get3A_777 = arith.index_cast %add3A_776 : i32 to index
      %get3A_778 = arith.constant 48 : index
      %get3A_779 = tpu.vector_load %arg6[%get3A_777, %get3A_778] {strides = array<i32>} : memref<256x128xf32, #tpu.memory_space<vmem>>, vector<16xf32>,
      %mul3A_780 = arith.mulf %get3A_779, %bitcast3A_171 : vector<16xf32>
      %add3A_781 = arith.addf %add3A_772, %mul3A_780 : vector<16xf32>
      %mul3A_782 = arith.constant 16 : i32
      %mul3A_783 = arith.muli %scan3A_51, %mul3A_782 : i32
      %add3A_784 = arith.constant 13 : i32
      %add3A_785 = arith.addi %mul3A_783, %add3A_784 : i32
      %get3A_786 = arith.index_cast %add3A_785 : i32 to index
      %get3A_787 = arith.constant 48 : index
      %get3A_788 = tpu.vector_load %arg6[%get3A_786, %get3A_787] {strides = array<i32>} : memref<256x128xf32, #tpu.memory_space<vmem>>, vector<16xf32>,
      %mul3A_789 = arith.mulf %get3A_788, %bitcast3A_180 : vector<16xf32>
      %add3A_790 = arith.addf %add3A_781, %mul3A_789 : vector<16xf32>
      %mul3A_791 = arith.constant 16 : i32
      %mul3A_792 = arith.muli %scan3A_51, %mul3A_791 : i32
      %add3A_793 = arith.constant 14 : i32
      %add3A_794 = arith.addi %mul3A_792, %add3A_793 : i32
      %get3A_795 = arith.index_cast %add3A_794 : i32 to index
      %get3A_796 = arith.constant 48 : index
      %get3A_797 = tpu.vector_load %arg6[%get3A_795, %get3A_796] {strides = array<i32>} : memref<256x128xf32, #tpu.memory_space<vmem>>, vector<16xf32>,
      %mul3A_798 = arith.mulf %get3A_797, %bitcast3A_189 : vector<16xf32>
      %add3A_799 = arith.addf %add3A_790, %mul3A_798 : vector<16xf32>
      %mul3A_800 = arith.constant 16 : i32
      %mul3A_801 = arith.muli %scan3A_51, %mul3A_800 : i32
      %add3A_802 = arith.constant 15 : i32
      %add3A_803 = arith.addi %mul3A_801, %add3A_802 : i32
      %get3A_804 = arith.index_cast %add3A_803 : i32 to index
      %get3A_805 = arith.constant 48 : index
      %get3A_806 = tpu.vector_load %arg6[%get3A_804, %get3A_805] {strides = array<i32>} : memref<256x128xf32, #tpu.memory_space<vmem>>, vector<16xf32>,
      %mul3A_807 = arith.mulf %get3A_806, %bitcast3A_198 : vector<16xf32>
      %add3A_808 = arith.addf %add3A_799, %mul3A_807 : vector<16xf32>
      %neg3A_809 = arith.constant 0.000000e+00 : f32
      %neg3A_810 = vector.broadcast %neg3A_809 : f32 to vector<16xf32>
      %neg3A_811 = arith.subf %neg3A_810, %add3A_808 : vector<16xf32>
      %exp3A_812 = math.exp %neg3A_811 : vector<16xf32>
      %add3A_813 = arith.constant 1.000000e+00 : f32
      %add3A_814 = vector.broadcast %add3A_813 : f32 to vector<16xf32>
      %add3A_815 = arith.addf %add3A_814, %exp3A_812 : vector<16xf32>
      %div3A_816 = arith.constant 1.000000e+00 : f32
      %div3A_817 = vector.broadcast %div3A_816 : f32 to vector<16xf32>
      %div3A_818 = arith.divf %div3A_817, %add3A_815 : vector<16xf32>
      %swap3A_819 = arith.index_cast %scan3A_51 : i32 to index
      %swap3A_820 = arith.constant 48 : index
      %swap3A_821 = tpu.vector_load %arg7[%swap3A_819, %swap3A_820] {strides = array<i32>} : memref<16x128xf32, #tpu.memory_space<vmem>>, vector<16xf32>,
      tpu.vector_store %arg7[%swap3A_819, %swap3A_820], %div3A_818 {strides = array<i32>} : memref<16x128xf32, #tpu.memory_space<vmem>>, vector<16xf32>,
      %mul3A_822 = arith.constant 16 : i32
      %mul3A_823 = arith.muli %scan3A_51, %mul3A_822 : i32
      %add3A_824 = arith.constant 0 : i32
      %add3A_825 = arith.addi %mul3A_823, %add3A_824 : i32
      %get3A_826 = arith.index_cast %add3A_825 : i32 to index
      %get3A_827 = arith.constant 64 : index
      %get3A_828 = tpu.vector_load %arg6[%get3A_826, %get3A_827] {strides = array<i32>} : memref<256x128xf32, #tpu.memory_space<vmem>>, vector<16xf32>,
      %mul3A_829 = arith.mulf %get3A_828, %bitcast3A_63 : vector<16xf32>
      %add3A_830 = arith.addf %bitcast3A, %mul3A_829 : vector<16xf32>
      %mul3A_831 = arith.constant 16 : i32
      %mul3A_832 = arith.muli %scan3A_51, %mul3A_831 : i32
      %add3A_833 = arith.constant 1 : i32
      %add3A_834 = arith.addi %mul3A_832, %add3A_833 : i32
      %get3A_835 = arith.index_cast %add3A_834 : i32 to index
      %get3A_836 = arith.constant 64 : index
      %get3A_837 = tpu.vector_load %arg6[%get3A_835, %get3A_836] {strides = array<i32>} : memref<256x128xf32, #tpu.memory_space<vmem>>, vector<16xf32>,
      %mul3A_838 = arith.mulf %get3A_837, %bitcast3A_72 : vector<16xf32>
      %add3A_839 = arith.addf %add3A_830, %mul3A_838 : vector<16xf32>
      %mul3A_840 = arith.constant 16 : i32
      %mul3A_841 = arith.muli %scan3A_51, %mul3A_840 : i32
      %add3A_842 = arith.constant 2 : i32
      %add3A_843 = arith.addi %mul3A_841, %add3A_842 : i32
      %get3A_844 = arith.index_cast %add3A_843 : i32 to index
      %get3A_845 = arith.constant 64 : index
      %get3A_846 = tpu.vector_load %arg6[%get3A_844, %get3A_845] {strides = array<i32>} : memref<256x128xf32, #tpu.memory_space<vmem>>, vector<16xf32>,
      %mul3A_847 = arith.mulf %get3A_846, %bitcast3A_81 : vector<16xf32>
      %add3A_848 = arith.addf %add3A_839, %mul3A_847 : vector<16xf32>
      %mul3A_849 = arith.constant 16 : i32
      %mul3A_850 = arith.muli %scan3A_51, %mul3A_849 : i32
      %add3A_851 = arith.constant 3 : i32
      %add3A_852 = arith.addi %mul3A_850, %add3A_851 : i32
      %get3A_853 = arith.index_cast %add3A_852 : i32 to index
      %get3A_854 = arith.constant 64 : index
      %get3A_855 = tpu.vector_load %arg6[%get3A_853, %get3A_854] {strides = array<i32>} : memref<256x128xf32, #tpu.memory_space<vmem>>, vector<16xf32>,
      %mul3A_856 = arith.mulf %get3A_855, %bitcast3A_90 : vector<16xf32>
      %add3A_857 = arith.addf %add3A_848, %mul3A_856 : vector<16xf32>
      %mul3A_858 = arith.constant 16 : i32
      %mul3A_859 = arith.muli %scan3A_51, %mul3A_858 : i32
      %add3A_860 = arith.constant 4 : i32
      %add3A_861 = arith.addi %mul3A_859, %add3A_860 : i32
      %get3A_862 = arith.index_cast %add3A_861 : i32 to index
      %get3A_863 = arith.constant 64 : index
      %get3A_864 = tpu.vector_load %arg6[%get3A_862, %get3A_863] {strides = array<i32>} : memref<256x128xf32, #tpu.memory_space<vmem>>, vector<16xf32>,
      %mul3A_865 = arith.mulf %get3A_864, %bitcast3A_99 : vector<16xf32>
      %add3A_866 = arith.addf %add3A_857, %mul3A_865 : vector<16xf32>
      %mul3A_867 = arith.constant 16 : i32
      %mul3A_868 = arith.muli %scan3A_51, %mul3A_867 : i32
      %add3A_869 = arith.constant 5 : i32
      %add3A_870 = arith.addi %mul3A_868, %add3A_869 : i32
      %get3A_871 = arith.index_cast %add3A_870 : i32 to index
      %get3A_872 = arith.constant 64 : index
      %get3A_873 = tpu.vector_load %arg6[%get3A_871, %get3A_872] {strides = array<i32>} : memref<256x128xf32, #tpu.memory_space<vmem>>, vector<16xf32>,
      %mul3A_874 = arith.mulf %get3A_873, %bitcast3A_108 : vector<16xf32>
      %add3A_875 = arith.addf %add3A_866, %mul3A_874 : vector<16xf32>
      %mul3A_876 = arith.constant 16 : i32
      %mul3A_877 = arith.muli %scan3A_51, %mul3A_876 : i32
      %add3A_878 = arith.constant 6 : i32
      %add3A_879 = arith.addi %mul3A_877, %add3A_878 : i32
      %get3A_880 = arith.index_cast %add3A_879 : i32 to index
      %get3A_881 = arith.constant 64 : index
      %get3A_882 = tpu.vector_load %arg6[%get3A_880, %get3A_881] {strides = array<i32>} : memref<256x128xf32, #tpu.memory_space<vmem>>, vector<16xf32>,
      %mul3A_883 = arith.mulf %get3A_882, %bitcast3A_117 : vector<16xf32>
      %add3A_884 = arith.addf %add3A_875, %mul3A_883 : vector<16xf32>
      %mul3A_885 = arith.constant 16 : i32
      %mul3A_886 = arith.muli %scan3A_51, %mul3A_885 : i32
      %add3A_887 = arith.constant 7 : i32
      %add3A_888 = arith.addi %mul3A_886, %add3A_887 : i32
      %get3A_889 = arith.index_cast %add3A_888 : i32 to index
      %get3A_890 = arith.constant 64 : index
      %get3A_891 = tpu.vector_load %arg6[%get3A_889, %get3A_890] {strides = array<i32>} : memref<256x128xf32, #tpu.memory_space<vmem>>, vector<16xf32>,
      %mul3A_892 = arith.mulf %get3A_891, %bitcast3A_126 : vector<16xf32>
      %add3A_893 = arith.addf %add3A_884, %mul3A_892 : vector<16xf32>
      %mul3A_894 = arith.constant 16 : i32
      %mul3A_895 = arith.muli %scan3A_51, %mul3A_894 : i32
      %add3A_896 = arith.constant 8 : i32
      %add3A_897 = arith.addi %mul3A_895, %add3A_896 : i32
      %get3A_898 = arith.index_cast %add3A_897 : i32 to index
      %get3A_899 = arith.constant 64 : index
      %get3A_900 = tpu.vector_load %arg6[%get3A_898, %get3A_899] {strides = array<i32>} : memref<256x128xf32, #tpu.memory_space<vmem>>, vector<16xf32>,
      %mul3A_901 = arith.mulf %get3A_900, %bitcast3A_135 : vector<16xf32>
      %add3A_902 = arith.addf %add3A_893, %mul3A_901 : vector<16xf32>
      %mul3A_903 = arith.constant 16 : i32
      %mul3A_904 = arith.muli %scan3A_51, %mul3A_903 : i32
      %add3A_905 = arith.constant 9 : i32
      %add3A_906 = arith.addi %mul3A_904, %add3A_905 : i32
      %get3A_907 = arith.index_cast %add3A_906 : i32 to index
      %get3A_908 = arith.constant 64 : index
      %get3A_909 = tpu.vector_load %arg6[%get3A_907, %get3A_908] {strides = array<i32>} : memref<256x128xf32, #tpu.memory_space<vmem>>, vector<16xf32>,
      %mul3A_910 = arith.mulf %get3A_909, %bitcast3A_144 : vector<16xf32>
      %add3A_911 = arith.addf %add3A_902, %mul3A_910 : vector<16xf32>
      %mul3A_912 = arith.constant 16 : i32
      %mul3A_913 = arith.muli %scan3A_51, %mul3A_912 : i32
      %add3A_914 = arith.constant 10 : i32
      %add3A_915 = arith.addi %mul3A_913, %add3A_914 : i32
      %get3A_916 = arith.index_cast %add3A_915 : i32 to index
      %get3A_917 = arith.constant 64 : index
      %get3A_918 = tpu.vector_load %arg6[%get3A_916, %get3A_917] {strides = array<i32>} : memref<256x128xf32, #tpu.memory_space<vmem>>, vector<16xf32>,
      %mul3A_919 = arith.mulf %get3A_918, %bitcast3A_153 : vector<16xf32>
      %add3A_920 = arith.addf %add3A_911, %mul3A_919 : vector<16xf32>
      %mul3A_921 = arith.constant 16 : i32
      %mul3A_922 = arith.muli %scan3A_51, %mul3A_921 : i32
      %add3A_923 = arith.constant 11 : i32
      %add3A_924 = arith.addi %mul3A_922, %add3A_923 : i32
      %get3A_925 = arith.index_cast %add3A_924 : i32 to index
      %get3A_926 = arith.constant 64 : index
      %get3A_927 = tpu.vector_load %arg6[%get3A_925, %get3A_926] {strides = array<i32>} : memref<256x128xf32, #tpu.memory_space<vmem>>, vector<16xf32>,
      %mul3A_928 = arith.mulf %get3A_927, %bitcast3A_162 : vector<16xf32>
      %add3A_929 = arith.addf %add3A_920, %mul3A_928 : vector<16xf32>
      %mul3A_930 = arith.constant 16 : i32
      %mul3A_931 = arith.muli %scan3A_51, %mul3A_930 : i32
      %add3A_932 = arith.constant 12 : i32
      %add3A_933 = arith.addi %mul3A_931, %add3A_932 : i32
      %get3A_934 = arith.index_cast %add3A_933 : i32 to index
      %get3A_935 = arith.constant 64 : index
      %get3A_936 = tpu.vector_load %arg6[%get3A_934, %get3A_935] {strides = array<i32>} : memref<256x128xf32, #tpu.memory_space<vmem>>, vector<16xf32>,
      %mul3A_937 = arith.mulf %get3A_936, %bitcast3A_171 : vector<16xf32>
      %add3A_938 = arith.addf %add3A_929, %mul3A_937 : vector<16xf32>
      %mul3A_939 = arith.constant 16 : i32
      %mul3A_940 = arith.muli %scan3A_51, %mul3A_939 : i32
      %add3A_941 = arith.constant 13 : i32
      %add3A_942 = arith.addi %mul3A_940, %add3A_941 : i32
      %get3A_943 = arith.index_cast %add3A_942 : i32 to index
      %get3A_944 = arith.constant 64 : index
      %get3A_945 = tpu.vector_load %arg6[%get3A_943, %get3A_944] {strides = array<i32>} : memref<256x128xf32, #tpu.memory_space<vmem>>, vector<16xf32>,
      %mul3A_946 = arith.mulf %get3A_945, %bitcast3A_180 : vector<16xf32>
      %add3A_947 = arith.addf %add3A_938, %mul3A_946 : vector<16xf32>
      %mul3A_948 = arith.constant 16 : i32
      %mul3A_949 = arith.muli %scan3A_51, %mul3A_948 : i32
      %add3A_950 = arith.constant 14 : i32
      %add3A_951 = arith.addi %mul3A_949, %add3A_950 : i32
      %get3A_952 = arith.index_cast %add3A_951 : i32 to index
      %get3A_953 = arith.constant 64 : index
      %get3A_954 = tpu.vector_load %arg6[%get3A_952, %get3A_953] {strides = array<i32>} : memref<256x128xf32, #tpu.memory_space<vmem>>, vector<16xf32>,
      %mul3A_955 = arith.mulf %get3A_954, %bitcast3A_189 : vector<16xf32>
      %add3A_956 = arith.addf %add3A_947, %mul3A_955 : vector<16xf32>
      %mul3A_957 = arith.constant 16 : i32
      %mul3A_958 = arith.muli %scan3A_51, %mul3A_957 : i32
      %add3A_959 = arith.constant 15 : i32
      %add3A_960 = arith.addi %mul3A_958, %add3A_959 : i32
      %get3A_961 = arith.index_cast %add3A_960 : i32 to index
      %get3A_962 = arith.constant 64 : index
      %get3A_963 = tpu.vector_load %arg6[%get3A_961, %get3A_962] {strides = array<i32>} : memref<256x128xf32, #tpu.memory_space<vmem>>, vector<16xf32>,
      %mul3A_964 = arith.mulf %get3A_963, %bitcast3A_198 : vector<16xf32>
      %add3A_965 = arith.addf %add3A_956, %mul3A_964 : vector<16xf32>
      %neg3A_966 = arith.constant 0.000000e+00 : f32
      %neg3A_967 = vector.broadcast %neg3A_966 : f32 to vector<16xf32>
      %neg3A_968 = arith.subf %neg3A_967, %add3A_965 : vector<16xf32>
      %exp3A_969 = math.exp %neg3A_968 : vector<16xf32>
      %add3A_970 = arith.constant 1.000000e+00 : f32
      %add3A_971 = vector.broadcast %add3A_970 : f32 to vector<16xf32>
      %add3A_972 = arith.addf %add3A_971, %exp3A_969 : vector<16xf32>
      %div3A_973 = arith.constant 1.000000e+00 : f32
      %div3A_974 = vector.broadcast %div3A_973 : f32 to vector<16xf32>
      %div3A_975 = arith.divf %div3A_974, %add3A_972 : vector<16xf32>
      %swap3A_976 = arith.index_cast %scan3A_51 : i32 to index
      %swap3A_977 = arith.constant 64 : index
      %swap3A_978 = tpu.vector_load %arg7[%swap3A_976, %swap3A_977] {strides = array<i32>} : memref<16x128xf32, #tpu.memory_space<vmem>>, vector<16xf32>,
      tpu.vector_store %arg7[%swap3A_976, %swap3A_977], %div3A_975 {strides = array<i32>} : memref<16x128xf32, #tpu.memory_space<vmem>>, vector<16xf32>,
      %mul3A_979 = arith.constant 16 : i32
      %mul3A_980 = arith.muli %scan3A_51, %mul3A_979 : i32
      %add3A_981 = arith.constant 0 : i32
      %add3A_982 = arith.addi %mul3A_980, %add3A_981 : i32
      %get3A_983 = arith.index_cast %add3A_982 : i32 to index
      %get3A_984 = arith.constant 80 : index
      %get3A_985 = tpu.vector_load %arg6[%get3A_983, %get3A_984] {strides = array<i32>} : memref<256x128xf32, #tpu.memory_space<vmem>>, vector<16xf32>,
      %mul3A_986 = arith.mulf %get3A_985, %bitcast3A_63 : vector<16xf32>
      %add3A_987 = arith.addf %bitcast3A, %mul3A_986 : vector<16xf32>
      %mul3A_988 = arith.constant 16 : i32
      %mul3A_989 = arith.muli %scan3A_51, %mul3A_988 : i32
      %add3A_990 = arith.constant 1 : i32
      %add3A_991 = arith.addi %mul3A_989, %add3A_990 : i32
      %get3A_992 = arith.index_cast %add3A_991 : i32 to index
      %get3A_993 = arith.constant 80 : index
      %get3A_994 = tpu.vector_load %arg6[%get3A_992, %get3A_993] {strides = array<i32>} : memref<256x128xf32, #tpu.memory_space<vmem>>, vector<16xf32>,
      %mul3A_995 = arith.mulf %get3A_994, %bitcast3A_72 : vector<16xf32>
      %add3A_996 = arith.addf %add3A_987, %mul3A_995 : vector<16xf32>
      %mul3A_997 = arith.constant 16 : i32
      %mul3A_998 = arith.muli %scan3A_51, %mul3A_997 : i32
      %add3A_999 = arith.constant 2 : i32
      %add3A_1000 = arith.addi %mul3A_998, %add3A_999 : i32
      %get3A_1001 = arith.index_cast %add3A_1000 : i32 to index
      %get3A_1002 = arith.constant 80 : index
      %get3A_1003 = tpu.vector_load %arg6[%get3A_1001, %get3A_1002] {strides = array<i32>} : memref<256x128xf32, #tpu.memory_space<vmem>>, vector<16xf32>,
      %mul3A_1004 = arith.mulf %get3A_1003, %bitcast3A_81 : vector<16xf32>
      %add3A_1005 = arith.addf %add3A_996, %mul3A_1004 : vector<16xf32>
      %mul3A_1006 = arith.constant 16 : i32
      %mul3A_1007 = arith.muli %scan3A_51, %mul3A_1006 : i32
      %add3A_1008 = arith.constant 3 : i32
      %add3A_1009 = arith.addi %mul3A_1007, %add3A_1008 : i32
      %get3A_1010 = arith.index_cast %add3A_1009 : i32 to index
      %get3A_1011 = arith.constant 80 : index
      %get3A_1012 = tpu.vector_load %arg6[%get3A_1010, %get3A_1011] {strides = array<i32>} : memref<256x128xf32, #tpu.memory_space<vmem>>, vector<16xf32>,
      %mul3A_1013 = arith.mulf %get3A_1012, %bitcast3A_90 : vector<16xf32>
      %add3A_1014 = arith.addf %add3A_1005, %mul3A_1013 : vector<16xf32>
      %mul3A_1015 = arith.constant 16 : i32
      %mul3A_1016 = arith.muli %scan3A_51, %mul3A_1015 : i32
      %add3A_1017 = arith.constant 4 : i32
      %add3A_1018 = arith.addi %mul3A_1016, %add3A_1017 : i32
      %get3A_1019 = arith.index_cast %add3A_1018 : i32 to index
      %get3A_1020 = arith.constant 80 : index
      %get3A_1021 = tpu.vector_load %arg6[%get3A_1019, %get3A_1020] {strides = array<i32>} : memref<256x128xf32, #tpu.memory_space<vmem>>, vector<16xf32>,
      %mul3A_1022 = arith.mulf %get3A_1021, %bitcast3A_99 : vector<16xf32>
      %add3A_1023 = arith.addf %add3A_1014, %mul3A_1022 : vector<16xf32>
      %mul3A_1024 = arith.constant 16 : i32
      %mul3A_1025 = arith.muli %scan3A_51, %mul3A_1024 : i32
      %add3A_1026 = arith.constant 5 : i32
      %add3A_1027 = arith.addi %mul3A_1025, %add3A_1026 : i32
      %get3A_1028 = arith.index_cast %add3A_1027 : i32 to index
      %get3A_1029 = arith.constant 80 : index
      %get3A_1030 = tpu.vector_load %arg6[%get3A_1028, %get3A_1029] {strides = array<i32>} : memref<256x128xf32, #tpu.memory_space<vmem>>, vector<16xf32>,
      %mul3A_1031 = arith.mulf %get3A_1030, %bitcast3A_108 : vector<16xf32>
      %add3A_1032 = arith.addf %add3A_1023, %mul3A_1031 : vector<16xf32>
      %mul3A_1033 = arith.constant 16 : i32
      %mul3A_1034 = arith.muli %scan3A_51, %mul3A_1033 : i32
      %add3A_1035 = arith.constant 6 : i32
      %add3A_1036 = arith.addi %mul3A_1034, %add3A_1035 : i32
      %get3A_1037 = arith.index_cast %add3A_1036 : i32 to index
      %get3A_1038 = arith.constant 80 : index
      %get3A_1039 = tpu.vector_load %arg6[%get3A_1037, %get3A_1038] {strides = array<i32>} : memref<256x128xf32, #tpu.memory_space<vmem>>, vector<16xf32>,
      %mul3A_1040 = arith.mulf %get3A_1039, %bitcast3A_117 : vector<16xf32>
      %add3A_1041 = arith.addf %add3A_1032, %mul3A_1040 : vector<16xf32>
      %mul3A_1042 = arith.constant 16 : i32
      %mul3A_1043 = arith.muli %scan3A_51, %mul3A_1042 : i32
      %add3A_1044 = arith.constant 7 : i32
      %add3A_1045 = arith.addi %mul3A_1043, %add3A_1044 : i32
      %get3A_1046 = arith.index_cast %add3A_1045 : i32 to index
      %get3A_1047 = arith.constant 80 : index
      %get3A_1048 = tpu.vector_load %arg6[%get3A_1046, %get3A_1047] {strides = array<i32>} : memref<256x128xf32, #tpu.memory_space<vmem>>, vector<16xf32>,
      %mul3A_1049 = arith.mulf %get3A_1048, %bitcast3A_126 : vector<16xf32>
      %add3A_1050 = arith.addf %add3A_1041, %mul3A_1049 : vector<16xf32>
      %mul3A_1051 = arith.constant 16 : i32
      %mul3A_1052 = arith.muli %scan3A_51, %mul3A_1051 : i32
      %add3A_1053 = arith.constant 8 : i32
      %add3A_1054 = arith.addi %mul3A_1052, %add3A_1053 : i32
      %get3A_1055 = arith.index_cast %add3A_1054 : i32 to index
      %get3A_1056 = arith.constant 80 : index
      %get3A_1057 = tpu.vector_load %arg6[%get3A_1055, %get3A_1056] {strides = array<i32>} : memref<256x128xf32, #tpu.memory_space<vmem>>, vector<16xf32>,
      %mul3A_1058 = arith.mulf %get3A_1057, %bitcast3A_135 : vector<16xf32>
      %add3A_1059 = arith.addf %add3A_1050, %mul3A_1058 : vector<16xf32>
      %mul3A_1060 = arith.constant 16 : i32
      %mul3A_1061 = arith.muli %scan3A_51, %mul3A_1060 : i32
      %add3A_1062 = arith.constant 9 : i32
      %add3A_1063 = arith.addi %mul3A_1061, %add3A_1062 : i32
      %get3A_1064 = arith.index_cast %add3A_1063 : i32 to index
      %get3A_1065 = arith.constant 80 : index
      %get3A_1066 = tpu.vector_load %arg6[%get3A_1064, %get3A_1065] {strides = array<i32>} : memref<256x128xf32, #tpu.memory_space<vmem>>, vector<16xf32>,
      %mul3A_1067 = arith.mulf %get3A_1066, %bitcast3A_144 : vector<16xf32>
      %add3A_1068 = arith.addf %add3A_1059, %mul3A_1067 : vector<16xf32>
      %mul3A_1069 = arith.constant 16 : i32
      %mul3A_1070 = arith.muli %scan3A_51, %mul3A_1069 : i32
      %add3A_1071 = arith.constant 10 : i32
      %add3A_1072 = arith.addi %mul3A_1070, %add3A_1071 : i32
      %get3A_1073 = arith.index_cast %add3A_1072 : i32 to index
      %get3A_1074 = arith.constant 80 : index
      %get3A_1075 = tpu.vector_load %arg6[%get3A_1073, %get3A_1074] {strides = array<i32>} : memref<256x128xf32, #tpu.memory_space<vmem>>, vector<16xf32>,
      %mul3A_1076 = arith.mulf %get3A_1075, %bitcast3A_153 : vector<16xf32>
      %add3A_1077 = arith.addf %add3A_1068, %mul3A_1076 : vector<16xf32>
      %mul3A_1078 = arith.constant 16 : i32
      %mul3A_1079 = arith.muli %scan3A_51, %mul3A_1078 : i32
      %add3A_1080 = arith.constant 11 : i32
      %add3A_1081 = arith.addi %mul3A_1079, %add3A_1080 : i32
      %get3A_1082 = arith.index_cast %add3A_1081 : i32 to index
      %get3A_1083 = arith.constant 80 : index
      %get3A_1084 = tpu.vector_load %arg6[%get3A_1082, %get3A_1083] {strides = array<i32>} : memref<256x128xf32, #tpu.memory_space<vmem>>, vector<16xf32>,
      %mul3A_1085 = arith.mulf %get3A_1084, %bitcast3A_162 : vector<16xf32>
      %add3A_1086 = arith.addf %add3A_1077, %mul3A_1085 : vector<16xf32>
      %mul3A_1087 = arith.constant 16 : i32
      %mul3A_1088 = arith.muli %scan3A_51, %mul3A_1087 : i32
      %add3A_1089 = arith.constant 12 : i32
      %add3A_1090 = arith.addi %mul3A_1088, %add3A_1089 : i32
      %get3A_1091 = arith.index_cast %add3A_1090 : i32 to index
      %get3A_1092 = arith.constant 80 : index
      %get3A_1093 = tpu.vector_load %arg6[%get3A_1091, %get3A_1092] {strides = array<i32>} : memref<256x128xf32, #tpu.memory_space<vmem>>, vector<16xf32>,
      %mul3A_1094 = arith.mulf %get3A_1093, %bitcast3A_171 : vector<16xf32>
      %add3A_1095 = arith.addf %add3A_1086, %mul3A_1094 : vector<16xf32>
      %mul3A_1096 = arith.constant 16 : i32
      %mul3A_1097 = arith.muli %scan3A_51, %mul3A_1096 : i32
      %add3A_1098 = arith.constant 13 : i32
      %add3A_1099 = arith.addi %mul3A_1097, %add3A_1098 : i32
      %get3A_1100 = arith.index_cast %add3A_1099 : i32 to index
      %get3A_1101 = arith.constant 80 : index
      %get3A_1102 = tpu.vector_load %arg6[%get3A_1100, %get3A_1101] {strides = array<i32>} : memref<256x128xf32, #tpu.memory_space<vmem>>, vector<16xf32>,
      %mul3A_1103 = arith.mulf %get3A_1102, %bitcast3A_180 : vector<16xf32>
      %add3A_1104 = arith.addf %add3A_1095, %mul3A_1103 : vector<16xf32>
      %mul3A_1105 = arith.constant 16 : i32
      %mul3A_1106 = arith.muli %scan3A_51, %mul3A_1105 : i32
      %add3A_1107 = arith.constant 14 : i32
      %add3A_1108 = arith.addi %mul3A_1106, %add3A_1107 : i32
      %get3A_1109 = arith.index_cast %add3A_1108 : i32 to index
      %get3A_1110 = arith.constant 80 : index
      %get3A_1111 = tpu.vector_load %arg6[%get3A_1109, %get3A_1110] {strides = array<i32>} : memref<256x128xf32, #tpu.memory_space<vmem>>, vector<16xf32>,
      %mul3A_1112 = arith.mulf %get3A_1111, %bitcast3A_189 : vector<16xf32>
      %add3A_1113 = arith.addf %add3A_1104, %mul3A_1112 : vector<16xf32>
      %mul3A_1114 = arith.constant 16 : i32
      %mul3A_1115 = arith.muli %scan3A_51, %mul3A_1114 : i32
      %add3A_1116 = arith.constant 15 : i32
      %add3A_1117 = arith.addi %mul3A_1115, %add3A_1116 : i32
      %get3A_1118 = arith.index_cast %add3A_1117 : i32 to index
      %get3A_1119 = arith.constant 80 : index
      %get3A_1120 = tpu.vector_load %arg6[%get3A_1118, %get3A_1119] {strides = array<i32>} : memref<256x128xf32, #tpu.memory_space<vmem>>, vector<16xf32>,
      %mul3A_1121 = arith.mulf %get3A_1120, %bitcast3A_198 : vector<16xf32>
      %add3A_1122 = arith.addf %add3A_1113, %mul3A_1121 : vector<16xf32>
      %neg3A_1123 = arith.constant 0.000000e+00 : f32
      %neg3A_1124 = vector.broadcast %neg3A_1123 : f32 to vector<16xf32>
      %neg3A_1125 = arith.subf %neg3A_1124, %add3A_1122 : vector<16xf32>
      %exp3A_1126 = math.exp %neg3A_1125 : vector<16xf32>
      %add3A_1127 = arith.constant 1.000000e+00 : f32
      %add3A_1128 = vector.broadcast %add3A_1127 : f32 to vector<16xf32>
      %add3A_1129 = arith.addf %add3A_1128, %exp3A_1126 : vector<16xf32>
      %div3A_1130 = arith.constant 1.000000e+00 : f32
      %div3A_1131 = vector.broadcast %div3A_1130 : f32 to vector<16xf32>
      %div3A_1132 = arith.divf %div3A_1131, %add3A_1129 : vector<16xf32>
      %swap3A_1133 = arith.index_cast %scan3A_51 : i32 to index
      %swap3A_1134 = arith.constant 80 : index
      %swap3A_1135 = tpu.vector_load %arg7[%swap3A_1133, %swap3A_1134] {strides = array<i32>} : memref<16x128xf32, #tpu.memory_space<vmem>>, vector<16xf32>,
      tpu.vector_store %arg7[%swap3A_1133, %swap3A_1134], %div3A_1132 {strides = array<i32>} : memref<16x128xf32, #tpu.memory_space<vmem>>, vector<16xf32>,
      %mul3A_1136 = arith.constant 16 : i32
      %mul3A_1137 = arith.muli %scan3A_51, %mul3A_1136 : i32
      %add3A_1138 = arith.constant 0 : i32
      %add3A_1139 = arith.addi %mul3A_1137, %add3A_1138 : i32
      %get3A_1140 = arith.index_cast %add3A_1139 : i32 to index
      %get3A_1141 = arith.constant 96 : index
      %get3A_1142 = tpu.vector_load %arg6[%get3A_1140, %get3A_1141] {strides = array<i32>} : memref<256x128xf32, #tpu.memory_space<vmem>>, vector<16xf32>,
      %mul3A_1143 = arith.mulf %get3A_1142, %bitcast3A_63 : vector<16xf32>
      %add3A_1144 = arith.addf %bitcast3A, %mul3A_1143 : vector<16xf32>
      %mul3A_1145 = arith.constant 16 : i32
      %mul3A_1146 = arith.muli %scan3A_51, %mul3A_1145 : i32
      %add3A_1147 = arith.constant 1 : i32
      %add3A_1148 = arith.addi %mul3A_1146, %add3A_1147 : i32
      %get3A_1149 = arith.index_cast %add3A_1148 : i32 to index
      %get3A_1150 = arith.constant 96 : index
      %get3A_1151 = tpu.vector_load %arg6[%get3A_1149, %get3A_1150] {strides = array<i32>} : memref<256x128xf32, #tpu.memory_space<vmem>>, vector<16xf32>,
      %mul3A_1152 = arith.mulf %get3A_1151, %bitcast3A_72 : vector<16xf32>
      %add3A_1153 = arith.addf %add3A_1144, %mul3A_1152 : vector<16xf32>
      %mul3A_1154 = arith.constant 16 : i32
      %mul3A_1155 = arith.muli %scan3A_51, %mul3A_1154 : i32
      %add3A_1156 = arith.constant 2 : i32
      %add3A_1157 = arith.addi %mul3A_1155, %add3A_1156 : i32
      %get3A_1158 = arith.index_cast %add3A_1157 : i32 to index
      %get3A_1159 = arith.constant 96 : index
      %get3A_1160 = tpu.vector_load %arg6[%get3A_1158, %get3A_1159] {strides = array<i32>} : memref<256x128xf32, #tpu.memory_space<vmem>>, vector<16xf32>,
      %mul3A_1161 = arith.mulf %get3A_1160, %bitcast3A_81 : vector<16xf32>
      %add3A_1162 = arith.addf %add3A_1153, %mul3A_1161 : vector<16xf32>
      %mul3A_1163 = arith.constant 16 : i32
      %mul3A_1164 = arith.muli %scan3A_51, %mul3A_1163 : i32
      %add3A_1165 = arith.constant 3 : i32
      %add3A_1166 = arith.addi %mul3A_1164, %add3A_1165 : i32
      %get3A_1167 = arith.index_cast %add3A_1166 : i32 to index
      %get3A_1168 = arith.constant 96 : index
      %get3A_1169 = tpu.vector_load %arg6[%get3A_1167, %get3A_1168] {strides = array<i32>} : memref<256x128xf32, #tpu.memory_space<vmem>>, vector<16xf32>,
      %mul3A_1170 = arith.mulf %get3A_1169, %bitcast3A_90 : vector<16xf32>
      %add3A_1171 = arith.addf %add3A_1162, %mul3A_1170 : vector<16xf32>
      %mul3A_1172 = arith.constant 16 : i32
      %mul3A_1173 = arith.muli %scan3A_51, %mul3A_1172 : i32
      %add3A_1174 = arith.constant 4 : i32
      %add3A_1175 = arith.addi %mul3A_1173, %add3A_1174 : i32
      %get3A_1176 = arith.index_cast %add3A_1175 : i32 to index
      %get3A_1177 = arith.constant 96 : index
      %get3A_1178 = tpu.vector_load %arg6[%get3A_1176, %get3A_1177] {strides = array<i32>} : memref<256x128xf32, #tpu.memory_space<vmem>>, vector<16xf32>,
      %mul3A_1179 = arith.mulf %get3A_1178, %bitcast3A_99 : vector<16xf32>
      %add3A_1180 = arith.addf %add3A_1171, %mul3A_1179 : vector<16xf32>
      %mul3A_1181 = arith.constant 16 : i32
      %mul3A_1182 = arith.muli %scan3A_51, %mul3A_1181 : i32
      %add3A_1183 = arith.constant 5 : i32
      %add3A_1184 = arith.addi %mul3A_1182, %add3A_1183 : i32
      %get3A_1185 = arith.index_cast %add3A_1184 : i32 to index
      %get3A_1186 = arith.constant 96 : index
      %get3A_1187 = tpu.vector_load %arg6[%get3A_1185, %get3A_1186] {strides = array<i32>} : memref<256x128xf32, #tpu.memory_space<vmem>>, vector<16xf32>,
      %mul3A_1188 = arith.mulf %get3A_1187, %bitcast3A_108 : vector<16xf32>
      %add3A_1189 = arith.addf %add3A_1180, %mul3A_1188 : vector<16xf32>
      %mul3A_1190 = arith.constant 16 : i32
      %mul3A_1191 = arith.muli %scan3A_51, %mul3A_1190 : i32
      %add3A_1192 = arith.constant 6 : i32
      %add3A_1193 = arith.addi %mul3A_1191, %add3A_1192 : i32
      %get3A_1194 = arith.index_cast %add3A_1193 : i32 to index
      %get3A_1195 = arith.constant 96 : index
      %get3A_1196 = tpu.vector_load %arg6[%get3A_1194, %get3A_1195] {strides = array<i32>} : memref<256x128xf32, #tpu.memory_space<vmem>>, vector<16xf32>,
      %mul3A_1197 = arith.mulf %get3A_1196, %bitcast3A_117 : vector<16xf32>
      %add3A_1198 = arith.addf %add3A_1189, %mul3A_1197 : vector<16xf32>
      %mul3A_1199 = arith.constant 16 : i32
      %mul3A_1200 = arith.muli %scan3A_51, %mul3A_1199 : i32
      %add3A_1201 = arith.constant 7 : i32
      %add3A_1202 = arith.addi %mul3A_1200, %add3A_1201 : i32
      %get3A_1203 = arith.index_cast %add3A_1202 : i32 to index
      %get3A_1204 = arith.constant 96 : index
      %get3A_1205 = tpu.vector_load %arg6[%get3A_1203, %get3A_1204] {strides = array<i32>} : memref<256x128xf32, #tpu.memory_space<vmem>>, vector<16xf32>,
      %mul3A_1206 = arith.mulf %get3A_1205, %bitcast3A_126 : vector<16xf32>
      %add3A_1207 = arith.addf %add3A_1198, %mul3A_1206 : vector<16xf32>
      %mul3A_1208 = arith.constant 16 : i32
      %mul3A_1209 = arith.muli %scan3A_51, %mul3A_1208 : i32
      %add3A_1210 = arith.constant 8 : i32
      %add3A_1211 = arith.addi %mul3A_1209, %add3A_1210 : i32
      %get3A_1212 = arith.index_cast %add3A_1211 : i32 to index
      %get3A_1213 = arith.constant 96 : index
      %get3A_1214 = tpu.vector_load %arg6[%get3A_1212, %get3A_1213] {strides = array<i32>} : memref<256x128xf32, #tpu.memory_space<vmem>>, vector<16xf32>,
      %mul3A_1215 = arith.mulf %get3A_1214, %bitcast3A_135 : vector<16xf32>
      %add3A_1216 = arith.addf %add3A_1207, %mul3A_1215 : vector<16xf32>
      %mul3A_1217 = arith.constant 16 : i32
      %mul3A_1218 = arith.muli %scan3A_51, %mul3A_1217 : i32
      %add3A_1219 = arith.constant 9 : i32
      %add3A_1220 = arith.addi %mul3A_1218, %add3A_1219 : i32
      %get3A_1221 = arith.index_cast %add3A_1220 : i32 to index
      %get3A_1222 = arith.constant 96 : index
      %get3A_1223 = tpu.vector_load %arg6[%get3A_1221, %get3A_1222] {strides = array<i32>} : memref<256x128xf32, #tpu.memory_space<vmem>>, vector<16xf32>,
      %mul3A_1224 = arith.mulf %get3A_1223, %bitcast3A_144 : vector<16xf32>
      %add3A_1225 = arith.addf %add3A_1216, %mul3A_1224 : vector<16xf32>
      %mul3A_1226 = arith.constant 16 : i32
      %mul3A_1227 = arith.muli %scan3A_51, %mul3A_1226 : i32
      %add3A_1228 = arith.constant 10 : i32
      %add3A_1229 = arith.addi %mul3A_1227, %add3A_1228 : i32
      %get3A_1230 = arith.index_cast %add3A_1229 : i32 to index
      %get3A_1231 = arith.constant 96 : index
      %get3A_1232 = tpu.vector_load %arg6[%get3A_1230, %get3A_1231] {strides = array<i32>} : memref<256x128xf32, #tpu.memory_space<vmem>>, vector<16xf32>,
      %mul3A_1233 = arith.mulf %get3A_1232, %bitcast3A_153 : vector<16xf32>
      %add3A_1234 = arith.addf %add3A_1225, %mul3A_1233 : vector<16xf32>
      %mul3A_1235 = arith.constant 16 : i32
      %mul3A_1236 = arith.muli %scan3A_51, %mul3A_1235 : i32
      %add3A_1237 = arith.constant 11 : i32
      %add3A_1238 = arith.addi %mul3A_1236, %add3A_1237 : i32
      %get3A_1239 = arith.index_cast %add3A_1238 : i32 to index
      %get3A_1240 = arith.constant 96 : index
      %get3A_1241 = tpu.vector_load %arg6[%get3A_1239, %get3A_1240] {strides = array<i32>} : memref<256x128xf32, #tpu.memory_space<vmem>>, vector<16xf32>,
      %mul3A_1242 = arith.mulf %get3A_1241, %bitcast3A_162 : vector<16xf32>
      %add3A_1243 = arith.addf %add3A_1234, %mul3A_1242 : vector<16xf32>
      %mul3A_1244 = arith.constant 16 : i32
      %mul3A_1245 = arith.muli %scan3A_51, %mul3A_1244 : i32
      %add3A_1246 = arith.constant 12 : i32
      %add3A_1247 = arith.addi %mul3A_1245, %add3A_1246 : i32
      %get3A_1248 = arith.index_cast %add3A_1247 : i32 to index
      %get3A_1249 = arith.constant 96 : index
      %get3A_1250 = tpu.vector_load %arg6[%get3A_1248, %get3A_1249] {strides = array<i32>} : memref<256x128xf32, #tpu.memory_space<vmem>>, vector<16xf32>,
      %mul3A_1251 = arith.mulf %get3A_1250, %bitcast3A_171 : vector<16xf32>
      %add3A_1252 = arith.addf %add3A_1243, %mul3A_1251 : vector<16xf32>
      %mul3A_1253 = arith.constant 16 : i32
      %mul3A_1254 = arith.muli %scan3A_51, %mul3A_1253 : i32
      %add3A_1255 = arith.constant 13 : i32
      %add3A_1256 = arith.addi %mul3A_1254, %add3A_1255 : i32
      %get3A_1257 = arith.index_cast %add3A_1256 : i32 to index
      %get3A_1258 = arith.constant 96 : index
      %get3A_1259 = tpu.vector_load %arg6[%get3A_1257, %get3A_1258] {strides = array<i32>} : memref<256x128xf32, #tpu.memory_space<vmem>>, vector<16xf32>,
      %mul3A_1260 = arith.mulf %get3A_1259, %bitcast3A_180 : vector<16xf32>
      %add3A_1261 = arith.addf %add3A_1252, %mul3A_1260 : vector<16xf32>
      %mul3A_1262 = arith.constant 16 : i32
      %mul3A_1263 = arith.muli %scan3A_51, %mul3A_1262 : i32
      %add3A_1264 = arith.constant 14 : i32
      %add3A_1265 = arith.addi %mul3A_1263, %add3A_1264 : i32
      %get3A_1266 = arith.index_cast %add3A_1265 : i32 to index
      %get3A_1267 = arith.constant 96 : index
      %get3A_1268 = tpu.vector_load %arg6[%get3A_1266, %get3A_1267] {strides = array<i32>} : memref<256x128xf32, #tpu.memory_space<vmem>>, vector<16xf32>,
      %mul3A_1269 = arith.mulf %get3A_1268, %bitcast3A_189 : vector<16xf32>
      %add3A_1270 = arith.addf %add3A_1261, %mul3A_1269 : vector<16xf32>
      %mul3A_1271 = arith.constant 16 : i32
      %mul3A_1272 = arith.muli %scan3A_51, %mul3A_1271 : i32
      %add3A_1273 = arith.constant 15 : i32
      %add3A_1274 = arith.addi %mul3A_1272, %add3A_1273 : i32
      %get3A_1275 = arith.index_cast %add3A_1274 : i32 to index
      %get3A_1276 = arith.constant 96 : index
      %get3A_1277 = tpu.vector_load %arg6[%get3A_1275, %get3A_1276] {strides = array<i32>} : memref<256x128xf32, #tpu.memory_space<vmem>>, vector<16xf32>,
      %mul3A_1278 = arith.mulf %get3A_1277, %bitcast3A_198 : vector<16xf32>
      %add3A_1279 = arith.addf %add3A_1270, %mul3A_1278 : vector<16xf32>
      %neg3A_1280 = arith.constant 0.000000e+00 : f32
      %neg3A_1281 = vector.broadcast %neg3A_1280 : f32 to vector<16xf32>
      %neg3A_1282 = arith.subf %neg3A_1281, %add3A_1279 : vector<16xf32>
      %exp3A_1283 = math.exp %neg3A_1282 : vector<16xf32>
      %add3A_1284 = arith.constant 1.000000e+00 : f32
      %add3A_1285 = vector.broadcast %add3A_1284 : f32 to vector<16xf32>
      %add3A_1286 = arith.addf %add3A_1285, %exp3A_1283 : vector<16xf32>
      %div3A_1287 = arith.constant 1.000000e+00 : f32
      %div3A_1288 = vector.broadcast %div3A_1287 : f32 to vector<16xf32>
      %div3A_1289 = arith.divf %div3A_1288, %add3A_1286 : vector<16xf32>
      %swap3A_1290 = arith.index_cast %scan3A_51 : i32 to index
      %swap3A_1291 = arith.constant 96 : index
      %swap3A_1292 = tpu.vector_load %arg7[%swap3A_1290, %swap3A_1291] {strides = array<i32>} : memref<16x128xf32, #tpu.memory_space<vmem>>, vector<16xf32>,
      tpu.vector_store %arg7[%swap3A_1290, %swap3A_1291], %div3A_1289 {strides = array<i32>} : memref<16x128xf32, #tpu.memory_space<vmem>>, vector<16xf32>,
      %mul3A_1293 = arith.constant 16 : i32
      %mul3A_1294 = arith.muli %scan3A_51, %mul3A_1293 : i32
      %add3A_1295 = arith.constant 0 : i32
      %add3A_1296 = arith.addi %mul3A_1294, %add3A_1295 : i32
      %get3A_1297 = arith.index_cast %add3A_1296 : i32 to index
      %get3A_1298 = arith.constant 112 : index
      %get3A_1299 = tpu.vector_load %arg6[%get3A_1297, %get3A_1298] {strides = array<i32>} : memref<256x128xf32, #tpu.memory_space<vmem>>, vector<16xf32>,
      %mul3A_1300 = arith.mulf %get3A_1299, %bitcast3A_63 : vector<16xf32>
      %add3A_1301 = arith.addf %bitcast3A, %mul3A_1300 : vector<16xf32>
      %mul3A_1302 = arith.constant 16 : i32
      %mul3A_1303 = arith.muli %scan3A_51, %mul3A_1302 : i32
      %add3A_1304 = arith.constant 1 : i32
      %add3A_1305 = arith.addi %mul3A_1303, %add3A_1304 : i32
      %get3A_1306 = arith.index_cast %add3A_1305 : i32 to index
      %get3A_1307 = arith.constant 112 : index
      %get3A_1308 = tpu.vector_load %arg6[%get3A_1306, %get3A_1307] {strides = array<i32>} : memref<256x128xf32, #tpu.memory_space<vmem>>, vector<16xf32>,
      %mul3A_1309 = arith.mulf %get3A_1308, %bitcast3A_72 : vector<16xf32>
      %add3A_1310 = arith.addf %add3A_1301, %mul3A_1309 : vector<16xf32>
      %mul3A_1311 = arith.constant 16 : i32
      %mul3A_1312 = arith.muli %scan3A_51, %mul3A_1311 : i32
      %add3A_1313 = arith.constant 2 : i32
      %add3A_1314 = arith.addi %mul3A_1312, %add3A_1313 : i32
      %get3A_1315 = arith.index_cast %add3A_1314 : i32 to index
      %get3A_1316 = arith.constant 112 : index
      %get3A_1317 = tpu.vector_load %arg6[%get3A_1315, %get3A_1316] {strides = array<i32>} : memref<256x128xf32, #tpu.memory_space<vmem>>, vector<16xf32>,
      %mul3A_1318 = arith.mulf %get3A_1317, %bitcast3A_81 : vector<16xf32>
      %add3A_1319 = arith.addf %add3A_1310, %mul3A_1318 : vector<16xf32>
      %mul3A_1320 = arith.constant 16 : i32
      %mul3A_1321 = arith.muli %scan3A_51, %mul3A_1320 : i32
      %add3A_1322 = arith.constant 3 : i32
      %add3A_1323 = arith.addi %mul3A_1321, %add3A_1322 : i32
      %get3A_1324 = arith.index_cast %add3A_1323 : i32 to index
      %get3A_1325 = arith.constant 112 : index
      %get3A_1326 = tpu.vector_load %arg6[%get3A_1324, %get3A_1325] {strides = array<i32>} : memref<256x128xf32, #tpu.memory_space<vmem>>, vector<16xf32>,
      %mul3A_1327 = arith.mulf %get3A_1326, %bitcast3A_90 : vector<16xf32>
      %add3A_1328 = arith.addf %add3A_1319, %mul3A_1327 : vector<16xf32>
      %mul3A_1329 = arith.constant 16 : i32
      %mul3A_1330 = arith.muli %scan3A_51, %mul3A_1329 : i32
      %add3A_1331 = arith.constant 4 : i32
      %add3A_1332 = arith.addi %mul3A_1330, %add3A_1331 : i32
      %get3A_1333 = arith.index_cast %add3A_1332 : i32 to index
      %get3A_1334 = arith.constant 112 : index
      %get3A_1335 = tpu.vector_load %arg6[%get3A_1333, %get3A_1334] {strides = array<i32>} : memref<256x128xf32, #tpu.memory_space<vmem>>, vector<16xf32>,
      %mul3A_1336 = arith.mulf %get3A_1335, %bitcast3A_99 : vector<16xf32>
      %add3A_1337 = arith.addf %add3A_1328, %mul3A_1336 : vector<16xf32>
      %mul3A_1338 = arith.constant 16 : i32
      %mul3A_1339 = arith.muli %scan3A_51, %mul3A_1338 : i32
      %add3A_1340 = arith.constant 5 : i32
      %add3A_1341 = arith.addi %mul3A_1339, %add3A_1340 : i32
      %get3A_1342 = arith.index_cast %add3A_1341 : i32 to index
      %get3A_1343 = arith.constant 112 : index
      %get3A_1344 = tpu.vector_load %arg6[%get3A_1342, %get3A_1343] {strides = array<i32>} : memref<256x128xf32, #tpu.memory_space<vmem>>, vector<16xf32>,
      %mul3A_1345 = arith.mulf %get3A_1344, %bitcast3A_108 : vector<16xf32>
      %add3A_1346 = arith.addf %add3A_1337, %mul3A_1345 : vector<16xf32>
      %mul3A_1347 = arith.constant 16 : i32
      %mul3A_1348 = arith.muli %scan3A_51, %mul3A_1347 : i32
      %add3A_1349 = arith.constant 6 : i32
      %add3A_1350 = arith.addi %mul3A_1348, %add3A_1349 : i32
      %get3A_1351 = arith.index_cast %add3A_1350 : i32 to index
      %get3A_1352 = arith.constant 112 : index
      %get3A_1353 = tpu.vector_load %arg6[%get3A_1351, %get3A_1352] {strides = array<i32>} : memref<256x128xf32, #tpu.memory_space<vmem>>, vector<16xf32>,
      %mul3A_1354 = arith.mulf %get3A_1353, %bitcast3A_117 : vector<16xf32>
      %add3A_1355 = arith.addf %add3A_1346, %mul3A_1354 : vector<16xf32>
      %mul3A_1356 = arith.constant 16 : i32
      %mul3A_1357 = arith.muli %scan3A_51, %mul3A_1356 : i32
      %add3A_1358 = arith.constant 7 : i32
      %add3A_1359 = arith.addi %mul3A_1357, %add3A_1358 : i32
      %get3A_1360 = arith.index_cast %add3A_1359 : i32 to index
      %get3A_1361 = arith.constant 112 : index
      %get3A_1362 = tpu.vector_load %arg6[%get3A_1360, %get3A_1361] {strides = array<i32>} : memref<256x128xf32, #tpu.memory_space<vmem>>, vector<16xf32>,
      %mul3A_1363 = arith.mulf %get3A_1362, %bitcast3A_126 : vector<16xf32>
      %add3A_1364 = arith.addf %add3A_1355, %mul3A_1363 : vector<16xf32>
      %mul3A_1365 = arith.constant 16 : i32
      %mul3A_1366 = arith.muli %scan3A_51, %mul3A_1365 : i32
      %add3A_1367 = arith.constant 8 : i32
      %add3A_1368 = arith.addi %mul3A_1366, %add3A_1367 : i32
      %get3A_1369 = arith.index_cast %add3A_1368 : i32 to index
      %get3A_1370 = arith.constant 112 : index
      %get3A_1371 = tpu.vector_load %arg6[%get3A_1369, %get3A_1370] {strides = array<i32>} : memref<256x128xf32, #tpu.memory_space<vmem>>, vector<16xf32>,
      %mul3A_1372 = arith.mulf %get3A_1371, %bitcast3A_135 : vector<16xf32>
      %add3A_1373 = arith.addf %add3A_1364, %mul3A_1372 : vector<16xf32>
      %mul3A_1374 = arith.constant 16 : i32
      %mul3A_1375 = arith.muli %scan3A_51, %mul3A_1374 : i32
      %add3A_1376 = arith.constant 9 : i32
      %add3A_1377 = arith.addi %mul3A_1375, %add3A_1376 : i32
      %get3A_1378 = arith.index_cast %add3A_1377 : i32 to index
      %get3A_1379 = arith.constant 112 : index
      %get3A_1380 = tpu.vector_load %arg6[%get3A_1378, %get3A_1379] {strides = array<i32>} : memref<256x128xf32, #tpu.memory_space<vmem>>, vector<16xf32>,
      %mul3A_1381 = arith.mulf %get3A_1380, %bitcast3A_144 : vector<16xf32>
      %add3A_1382 = arith.addf %add3A_1373, %mul3A_1381 : vector<16xf32>
      %mul3A_1383 = arith.constant 16 : i32
      %mul3A_1384 = arith.muli %scan3A_51, %mul3A_1383 : i32
      %add3A_1385 = arith.constant 10 : i32
      %add3A_1386 = arith.addi %mul3A_1384, %add3A_1385 : i32
      %get3A_1387 = arith.index_cast %add3A_1386 : i32 to index
      %get3A_1388 = arith.constant 112 : index
      %get3A_1389 = tpu.vector_load %arg6[%get3A_1387, %get3A_1388] {strides = array<i32>} : memref<256x128xf32, #tpu.memory_space<vmem>>, vector<16xf32>,
      %mul3A_1390 = arith.mulf %get3A_1389, %bitcast3A_153 : vector<16xf32>
      %add3A_1391 = arith.addf %add3A_1382, %mul3A_1390 : vector<16xf32>
      %mul3A_1392 = arith.constant 16 : i32
      %mul3A_1393 = arith.muli %scan3A_51, %mul3A_1392 : i32
      %add3A_1394 = arith.constant 11 : i32
      %add3A_1395 = arith.addi %mul3A_1393, %add3A_1394 : i32
      %get3A_1396 = arith.index_cast %add3A_1395 : i32 to index
      %get3A_1397 = arith.constant 112 : index
      %get3A_1398 = tpu.vector_load %arg6[%get3A_1396, %get3A_1397] {strides = array<i32>} : memref<256x128xf32, #tpu.memory_space<vmem>>, vector<16xf32>,
      %mul3A_1399 = arith.mulf %get3A_1398, %bitcast3A_162 : vector<16xf32>
      %add3A_1400 = arith.addf %add3A_1391, %mul3A_1399 : vector<16xf32>
      %mul3A_1401 = arith.constant 16 : i32
      %mul3A_1402 = arith.muli %scan3A_51, %mul3A_1401 : i32
      %add3A_1403 = arith.constant 12 : i32
      %add3A_1404 = arith.addi %mul3A_1402, %add3A_1403 : i32
      %get3A_1405 = arith.index_cast %add3A_1404 : i32 to index
      %get3A_1406 = arith.constant 112 : index
      %get3A_1407 = tpu.vector_load %arg6[%get3A_1405, %get3A_1406] {strides = array<i32>} : memref<256x128xf32, #tpu.memory_space<vmem>>, vector<16xf32>,
      %mul3A_1408 = arith.mulf %get3A_1407, %bitcast3A_171 : vector<16xf32>
      %add3A_1409 = arith.addf %add3A_1400, %mul3A_1408 : vector<16xf32>
      %mul3A_1410 = arith.constant 16 : i32
      %mul3A_1411 = arith.muli %scan3A_51, %mul3A_1410 : i32
      %add3A_1412 = arith.constant 13 : i32
      %add3A_1413 = arith.addi %mul3A_1411, %add3A_1412 : i32
      %get3A_1414 = arith.index_cast %add3A_1413 : i32 to index
      %get3A_1415 = arith.constant 112 : index
      %get3A_1416 = tpu.vector_load %arg6[%get3A_1414, %get3A_1415] {strides = array<i32>} : memref<256x128xf32, #tpu.memory_space<vmem>>, vector<16xf32>,
      %mul3A_1417 = arith.mulf %get3A_1416, %bitcast3A_180 : vector<16xf32>
      %add3A_1418 = arith.addf %add3A_1409, %mul3A_1417 : vector<16xf32>
      %mul3A_1419 = arith.constant 16 : i32
      %mul3A_1420 = arith.muli %scan3A_51, %mul3A_1419 : i32
      %add3A_1421 = arith.constant 14 : i32
      %add3A_1422 = arith.addi %mul3A_1420, %add3A_1421 : i32
      %get3A_1423 = arith.index_cast %add3A_1422 : i32 to index
      %get3A_1424 = arith.constant 112 : index
      %get3A_1425 = tpu.vector_load %arg6[%get3A_1423, %get3A_1424] {strides = array<i32>} : memref<256x128xf32, #tpu.memory_space<vmem>>, vector<16xf32>,
      %mul3A_1426 = arith.mulf %get3A_1425, %bitcast3A_189 : vector<16xf32>
      %add3A_1427 = arith.addf %add3A_1418, %mul3A_1426 : vector<16xf32>
      %mul3A_1428 = arith.constant 16 : i32
      %mul3A_1429 = arith.muli %scan3A_51, %mul3A_1428 : i32
      %add3A_1430 = arith.constant 15 : i32
      %add3A_1431 = arith.addi %mul3A_1429, %add3A_1430 : i32
      %get3A_1432 = arith.index_cast %add3A_1431 : i32 to index
      %get3A_1433 = arith.constant 112 : index
      %get3A_1434 = tpu.vector_load %arg6[%get3A_1432, %get3A_1433] {strides = array<i32>} : memref<256x128xf32, #tpu.memory_space<vmem>>, vector<16xf32>,
      %mul3A_1435 = arith.mulf %get3A_1434, %bitcast3A_198 : vector<16xf32>
      %add3A_1436 = arith.addf %add3A_1427, %mul3A_1435 : vector<16xf32>
      %neg3A_1437 = arith.constant 0.000000e+00 : f32
      %neg3A_1438 = vector.broadcast %neg3A_1437 : f32 to vector<16xf32>
      %neg3A_1439 = arith.subf %neg3A_1438, %add3A_1436 : vector<16xf32>
      %exp3A_1440 = math.exp %neg3A_1439 : vector<16xf32>
      %add3A_1441 = arith.constant 1.000000e+00 : f32
      %add3A_1442 = vector.broadcast %add3A_1441 : f32 to vector<16xf32>
      %add3A_1443 = arith.addf %add3A_1442, %exp3A_1440 : vector<16xf32>
      %div3A_1444 = arith.constant 1.000000e+00 : f32
      %div3A_1445 = vector.broadcast %div3A_1444 : f32 to vector<16xf32>
      %div3A_1446 = arith.divf %div3A_1445, %add3A_1443 : vector<16xf32>
      %swap3A_1447 = arith.index_cast %scan3A_51 : i32 to index
      %swap3A_1448 = arith.constant 112 : index
      %swap3A_1449 = tpu.vector_load %arg7[%swap3A_1447, %swap3A_1448] {strides = array<i32>} : memref<16x128xf32, #tpu.memory_space<vmem>>, vector<16xf32>,
      tpu.vector_store %arg7[%swap3A_1447, %swap3A_1448], %div3A_1446 {strides = array<i32>} : memref<16x128xf32, #tpu.memory_space<vmem>>, vector<16xf32>,
    }
    %scan3A_50 = arith.constant 8 : i32
    "tpu.region"() ({
      %run_scoped3A = tpu.sem_alloc : memref<!tpu.dma_semaphore, #tpu.memory_space<semaphore_mem>>
      %dma_start3A_51 = tpu.memref_slice %arg4[%multiple_of3A, %multiple_of3A_7] : memref<128x512xf32, #tpu.memory_space<hbm>> -> memref<16x128xf32, #tpu.memory_space<hbm>>
      %dma_start3A_52 = tpu.memref_slice %arg4[%multiple_of3A, %multiple_of3A_7] : memref<128x512xf32, #tpu.memory_space<hbm>> -> memref<16x128xf32, #tpu.memory_space<hbm>>
      tpu.enqueue_dma source(%arg7 : memref<16x128xf32, #tpu.memory_space<vmem>>) target(%dma_start3A_52 : memref<16x128xf32, #tpu.memory_space<hbm>>) target_semaphore(%run_scoped3A : memref<!tpu.dma_semaphore, #tpu.memory_space<semaphore_mem>>)
      %dma_wait3A_53 = tpu.memref_slice %arg4[%multiple_of3A, %multiple_of3A_7] : memref<128x512xf32, #tpu.memory_space<hbm>> -> memref<16x128xf32, #tpu.memory_space<hbm>>
      %dma_wait3A_54 = tpu.memref_slice %arg4[%multiple_of3A, %multiple_of3A_7] : memref<128x512xf32, #tpu.memory_space<hbm>> -> memref<16x128xf32, #tpu.memory_space<hbm>>
      tpu.wait_dma2 semaphore(%run_scoped3A : memref<!tpu.dma_semaphore, #tpu.memory_space<semaphore_mem>>) src(%arg7 : memref<16x128xf32, #tpu.memory_space<vmem>>) dst(%dma_wait3A_54 : memref<16x128xf32, #tpu.memory_space<hbm>>)
      tpu.yield
    }) : () -> ()
    return
  }
}

module attributes {stable_mosaic.version = 14 : i64} {
  func.func @_dense_tc_body(%arg0: memref<128x512xf32, #tpu.memory_space<vmem>>, %arg1: memref<128x4x4xf32, #tpu.memory_space<vmem>>, %arg2: memref<128xf32, #tpu.memory_space<vmem>>, %arg3: memref<256x128xf32, #tpu.memory_space<vmem>>, %arg4: memref<256x4x8xf32, #tpu.memory_space<vmem>>, %arg5: memref<256xf32, #tpu.memory_space<vmem>>, %arg6: memref<128x256xf32, #tpu.memory_space<vmem>>, %arg7: memref<128x4x8xf32, #tpu.memory_space<vmem>>, %arg8: memref<128xf32, #tpu.memory_space<vmem>>, %arg9: memref<1000x128xf32, #tpu.memory_space<vmem>>, %arg10: memref<1000xf32, #tpu.memory_space<vmem>>, %arg11: memref<1000x512xf32, #tpu.memory_space<vmem>>) attributes {dimension_semantics = [], scalar_prefetch = 0 : i64, scratch_operands = 0 : i64, tpu.core_type = #tpu.core_type<tc>} {
    %get3A = arith.constant 0 : index
    %get3A_0 = arith.constant 0 : index
    %get3A_1 = vector.load %arg0[%get3A, %get3A_0] : memref<128x512xf32, #tpu.memory_space<vmem>>, vector<128x512xf32>
    %get3A_2 = arith.constant 0 : index
    %get3A_3 = arith.constant 0 : index
    %get3A_4 = arith.constant 0 : index
    %get3A_5 = vector.load %arg1[%get3A_2, %get3A_3, %get3A_4] : memref<128x4x4xf32, #tpu.memory_space<vmem>>, vector<128x4x4xf32>
    %reshape3A = vector.shape_cast %get3A_5 : vector<128x4x4xf32> to vector<128x16xf32>
    %reduce_sum3A = arith.constant dense<0.000000e+00> : vector<128xf32>
    %reduce_sum3A_6 = vector.multi_reduction <add>, %reshape3A, %reduce_sum3A [1] : vector<128x16xf32> to vector<128xf32>
    %broadcast_in_dim3A = vector.shape_cast %reduce_sum3A_6 : vector<128xf32> to vector<128x1xf32>
    %mul3A = vector.broadcast %broadcast_in_dim3A : vector<128x1xf32> to vector<128x512xf32>
    %mul3A_7 = arith.mulf %get3A_1, %mul3A : vector<128x512xf32>
    %get3A_8 = arith.constant 0 : index
    %get3A_9 = vector.load %arg2[%get3A_8] : memref<128xf32, #tpu.memory_space<vmem>>, vector<128xf32>
    %broadcast_in_dim3A_10 = vector.shape_cast %get3A_9 : vector<128xf32> to vector<128x1xf32>
    %add3A = vector.broadcast %broadcast_in_dim3A_10 : vector<128x1xf32> to vector<128x512xf32>
    %add3A_11 = arith.addf %mul3A_7, %add3A : vector<128x512xf32>
    %neg3A = arith.constant 0.000000e+00 : f32
    %neg3A_12 = vector.broadcast %neg3A : f32 to vector<128x512xf32>
    %neg3A_13 = arith.subf %neg3A_12, %add3A_11 : vector<128x512xf32>
    %exp3A = math.exp %neg3A_13 : vector<128x512xf32>
    %add3A_14 = arith.constant 1.000000e+00 : f32
    %add3A_15 = vector.broadcast %add3A_14 : f32 to vector<128x512xf32>
    %add3A_16 = arith.addf %add3A_15, %exp3A : vector<128x512xf32>
    %div3A = arith.constant 1.000000e+00 : f32
    %div3A_17 = vector.broadcast %div3A : f32 to vector<128x512xf32>
    %div3A_18 = arith.divf %div3A_17, %add3A_16 : vector<128x512xf32>
    %get3A_19 = arith.constant 0 : index
    %get3A_20 = arith.constant 0 : index
    %get3A_21 = vector.load %arg3[%get3A_19, %get3A_20] : memref<256x128xf32, #tpu.memory_space<vmem>>, vector<256x128xf32>
    %reduce_sum3A_22 = arith.constant dense<0.000000e+00> : vector<256xf32>
    %reduce_sum3A_23 = vector.multi_reduction <add>, %get3A_21, %reduce_sum3A_22 [1] : vector<256x128xf32> to vector<256xf32>
    %dot_general3A = arith.constant dense<0.000000e+00> : vector<256x512xf32>
    %dot_general3A_24 = tpu.matmul %get3A_21, %div3A_18, %dot_general3A {dimension_numbers = #tpu.dot_dimension_numbers<[1], [0], [0], [1], [0, 0, 1, 1], [], []>, transpose_lhs_hint = false} : vector<256x128xf32>, vector<128x512xf32>, vector<256x512xf32> -> vector<256x512xf32>
    %broadcast_in_dim3A_25 = vector.shape_cast %reduce_sum3A_23 : vector<256xf32> to vector<256x1xf32>
    %div3A_26 = vector.broadcast %broadcast_in_dim3A_25 : vector<256x1xf32> to vector<256x512xf32>
    %div3A_27 = arith.divf %dot_general3A_24, %div3A_26 : vector<256x512xf32>
    %get3A_28 = arith.constant 0 : index
    %get3A_29 = arith.constant 0 : index
    %get3A_30 = arith.constant 0 : index
    %get3A_31 = vector.load %arg4[%get3A_28, %get3A_29, %get3A_30] : memref<256x4x8xf32, #tpu.memory_space<vmem>>, vector<256x4x8xf32>
    %reshape3A_32 = vector.shape_cast %get3A_31 : vector<256x4x8xf32> to vector<256x32xf32>
    %reduce_sum3A_33 = arith.constant dense<0.000000e+00> : vector<256xf32>
    %reduce_sum3A_34 = vector.multi_reduction <add>, %reshape3A_32, %reduce_sum3A_33 [1] : vector<256x32xf32> to vector<256xf32>
    %broadcast_in_dim3A_35 = vector.shape_cast %reduce_sum3A_34 : vector<256xf32> to vector<256x1xf32>
    %mul3A_36 = vector.broadcast %broadcast_in_dim3A_35 : vector<256x1xf32> to vector<256x512xf32>
    %mul3A_37 = arith.mulf %div3A_27, %mul3A_36 : vector<256x512xf32>
    %get3A_38 = arith.constant 0 : index
    %get3A_39 = vector.load %arg5[%get3A_38] : memref<256xf32, #tpu.memory_space<vmem>>, vector<256xf32>
    %broadcast_in_dim3A_40 = vector.shape_cast %get3A_39 : vector<256xf32> to vector<256x1xf32>
    %add3A_41 = vector.broadcast %broadcast_in_dim3A_40 : vector<256x1xf32> to vector<256x512xf32>
    %add3A_42 = arith.addf %mul3A_37, %add3A_41 : vector<256x512xf32>
    %neg3A_43 = arith.constant 0.000000e+00 : f32
    %neg3A_44 = vector.broadcast %neg3A_43 : f32 to vector<256x512xf32>
    %neg3A_45 = arith.subf %neg3A_44, %add3A_42 : vector<256x512xf32>
    %exp3A_46 = math.exp %neg3A_45 : vector<256x512xf32>
    %add3A_47 = arith.constant 1.000000e+00 : f32
    %add3A_48 = vector.broadcast %add3A_47 : f32 to vector<256x512xf32>
    %add3A_49 = arith.addf %add3A_48, %exp3A_46 : vector<256x512xf32>
    %div3A_50 = arith.constant 1.000000e+00 : f32
    %div3A_51 = vector.broadcast %div3A_50 : f32 to vector<256x512xf32>
    %div3A_52 = arith.divf %div3A_51, %add3A_49 : vector<256x512xf32>
    %get3A_53 = arith.constant 0 : index
    %get3A_54 = arith.constant 0 : index
    %get3A_55 = vector.load %arg6[%get3A_53, %get3A_54] : memref<128x256xf32, #tpu.memory_space<vmem>>, vector<128x256xf32>
    %reduce_sum3A_56 = arith.constant dense<0.000000e+00> : vector<128xf32>
    %reduce_sum3A_57 = vector.multi_reduction <add>, %get3A_55, %reduce_sum3A_56 [1] : vector<128x256xf32> to vector<128xf32>
    %dot_general3A_58 = arith.constant dense<0.000000e+00> : vector<128x512xf32>
    %dot_general3A_59 = tpu.matmul %get3A_55, %div3A_52, %dot_general3A_58 {dimension_numbers = #tpu.dot_dimension_numbers<[1], [0], [0], [1], [0, 0, 1, 1], [], []>, transpose_lhs_hint = false} : vector<128x256xf32>, vector<256x512xf32>, vector<128x512xf32> -> vector<128x512xf32>
    %broadcast_in_dim3A_60 = vector.shape_cast %reduce_sum3A_57 : vector<128xf32> to vector<128x1xf32>
    %div3A_61 = vector.broadcast %broadcast_in_dim3A_60 : vector<128x1xf32> to vector<128x512xf32>
    %div3A_62 = arith.divf %dot_general3A_59, %div3A_61 : vector<128x512xf32>
    %get3A_63 = arith.constant 0 : index
    %get3A_64 = arith.constant 0 : index
    %get3A_65 = arith.constant 0 : index
    %get3A_66 = vector.load %arg7[%get3A_63, %get3A_64, %get3A_65] : memref<128x4x8xf32, #tpu.memory_space<vmem>>, vector<128x4x8xf32>
    %reshape3A_67 = vector.shape_cast %get3A_66 : vector<128x4x8xf32> to vector<128x32xf32>
    %reduce_sum3A_68 = arith.constant dense<0.000000e+00> : vector<128xf32>
    %reduce_sum3A_69 = vector.multi_reduction <add>, %reshape3A_67, %reduce_sum3A_68 [1] : vector<128x32xf32> to vector<128xf32>
    %broadcast_in_dim3A_70 = vector.shape_cast %reduce_sum3A_69 : vector<128xf32> to vector<128x1xf32>
    %mul3A_71 = vector.broadcast %broadcast_in_dim3A_70 : vector<128x1xf32> to vector<128x512xf32>
    %mul3A_72 = arith.mulf %div3A_62, %mul3A_71 : vector<128x512xf32>
    %get3A_73 = arith.constant 0 : index
    %get3A_74 = vector.load %arg8[%get3A_73] : memref<128xf32, #tpu.memory_space<vmem>>, vector<128xf32>
    %broadcast_in_dim3A_75 = vector.shape_cast %get3A_74 : vector<128xf32> to vector<128x1xf32>
    %add3A_76 = vector.broadcast %broadcast_in_dim3A_75 : vector<128x1xf32> to vector<128x512xf32>
    %add3A_77 = arith.addf %mul3A_72, %add3A_76 : vector<128x512xf32>
    %neg3A_78 = arith.constant 0.000000e+00 : f32
    %neg3A_79 = vector.broadcast %neg3A_78 : f32 to vector<128x512xf32>
    %neg3A_80 = arith.subf %neg3A_79, %add3A_77 : vector<128x512xf32>
    %exp3A_81 = math.exp %neg3A_80 : vector<128x512xf32>
    %add3A_82 = arith.constant 1.000000e+00 : f32
    %add3A_83 = vector.broadcast %add3A_82 : f32 to vector<128x512xf32>
    %add3A_84 = arith.addf %add3A_83, %exp3A_81 : vector<128x512xf32>
    %div3A_85 = arith.constant 1.000000e+00 : f32
    %div3A_86 = vector.broadcast %div3A_85 : f32 to vector<128x512xf32>
    %div3A_87 = arith.divf %div3A_86, %add3A_84 : vector<128x512xf32>
    %get3A_88 = arith.constant 0 : index
    %get3A_89 = arith.constant 0 : index
    %get3A_90 = vector.load %arg9[%get3A_88, %get3A_89] : memref<1000x128xf32, #tpu.memory_space<vmem>>, vector<1000x128xf32>
    %convert_element_type3A = arith.truncf %get3A_90 : vector<1000x128xf32> to vector<1000x128xbf16>
    %convert_element_type3A_91 = arith.truncf %div3A_87 : vector<128x512xf32> to vector<128x512xbf16>
    %dot_general3A_92 = arith.constant dense<0.000000e+00> : vector<1000x512xf32>
    %dot_general3A_93 = tpu.matmul %convert_element_type3A, %convert_element_type3A_91, %dot_general3A_92 {dimension_numbers = #tpu.dot_dimension_numbers<[1], [0], [0], [1], [0, 0, 1, 1], [], []>, transpose_lhs_hint = false} : vector<1000x128xbf16>, vector<128x512xbf16>, vector<1000x512xf32> -> vector<1000x512xf32>
    %get3A_94 = arith.constant 0 : index
    %get3A_95 = vector.load %arg10[%get3A_94] : memref<1000xf32, #tpu.memory_space<vmem>>, vector<1000xf32>
    %broadcast_in_dim3A_96 = vector.shape_cast %get3A_95 : vector<1000xf32> to vector<1000x1xf32>
    %add3A_97 = vector.broadcast %broadcast_in_dim3A_96 : vector<1000x1xf32> to vector<1000x512xf32>
    %add3A_98 = arith.addf %dot_general3A_93, %add3A_97 : vector<1000x512xf32>
    %swap3A = arith.constant 0 : index
    %swap3A_99 = arith.constant 0 : index
    %swap3A_100 = vector.load %arg11[%swap3A, %swap3A_99] : memref<1000x512xf32, #tpu.memory_space<vmem>>, vector<1000x512xf32>
    tpu.vector_store %arg11[%swap3A, %swap3A_99], %add3A_98 {strides = array<i32>} : memref<1000x512xf32, #tpu.memory_space<vmem>>, vector<1000x512xf32>,
    return
  }
}

</mosaic_0001>

<sc_bundles>
// kernel: kernel.4.cloned.1.call-start
scs
__scs_entry_jumppad:
0x0: {  	(pc) =	sbr.rel $0x88, $3  }
0x1: {  	(tag) =	ssettag $0x0;
	lr =	simm.s32 $0x1  }
0x2: {  	[smem:$0x3F93] =	sst lr;
	_ =	strace $0xD0000000  }
0x3: {  	_ = 	snop  }
0x4: {  	_ = 	snop  }
0x5: {  	_ = 	snop  }
0x6: {  	_ = 	snop  }
0x7: {  	_ = 	snop  }
__scs_overlays_trampoline_lowered:
0x8: {  	[smem:$0x3FA2] =	sst s0  }
0x9: {  	[smem:$0x3FA3] =	sst s1  }
0xa: {  	[smem:$0x3FA4] =	sst s2  }
0xb: {  	[smem:$0x3FA5] =	sst s3  }
0xc: {  	[smem:$0x3FA6] =	sst s4  }
0xd: {  	[smem:$0x3FA7] =	sst s5  }
0xe: {  	[smem:$0x3FA8] =	sst s6  }
0xf: {  	[smem:$0x3FA9] =	sst s7  }
0x10: {  	[smem:$0x3FAA] =	sst s8  }
0x11: {  	[smem:$0x3FAB] =	sst s9;
	s0 =	simm.s32 @!p0 $0x0  }
0x12: {  	s1 =	sld [smem:$0x3F91];
	s0 =	simm.s32 @p0 $0x1  }
0x13: {  	[smem:$0x3FAC] =	sst s0;
	s0 =	simm.s32 @!p1 $0x0  }
0x14: {  	s2 =	sld [smem:$0x3F90];
	s0 =	simm.s32 @p1 $0x1  }
0x15: {  	[smem:$0x3FAD] =	sst s0;
	s0 =	simm.s32 @!p2 $0x0  }
0x16: {  	s3 =	sld [smem:$0x3FDB];
	s0 =	simm.s32 @p2 $0x1  }
0x17: {  	s4 =	simm.s32 $0x1BF5;
	[smem:$0x3FAF] =	sst s0  }
0x18: {  	s0 =	sld [smem:$0x3F92];
	_ =	swait.ge [sflag:s4], $0x0  }
0x19: {  	s7 =	sld [smem:$0x3F93]  }
0x1a: {  	s8 =	sadd.s32 $0xFFFFE003, lr  }
0x1b: {  	s9 =	sadd.s32 $0xFFFFFEF7, lr;
	s5 =	simm.s32 $0xFFFFFFFF;
	p2 =	slt.u32 s8, $0xFFFFF086  }
0x1c: {  	p1 =	slt.u32 s9, $0xF7A;
	s5 =	simm.s32 @!p2 $0x0  }
0x1d: {  	s5 =	simm.s32 @p1 $0x1;
	p0 =	seq.s32 s7, s2  }
0x1e: {  	s7 =	smul.u32 @!p0 $0xF7A, s2;
	p2 =	seq.s32 @!p0 s5, $0x0  }
0x1f: {  	s9 =	smul.u32 $0xF7A, s1;
	s8 =	simm.s32 @!p0 $0x1BF5;
	p2 =	por !p2, p0  }
0x20: {  	[sflag:s8] =	ssyncset.s32 @!p0 $0xFFFFF086;
	s6 =	sadd.s32 @!p0 s3, s7;
	s7 =	simm.s32 @!p0 $0x108  }
0x21: {  	s3 =	sadd.s32 s3, s9;
	s6 =	sadd.s32 @!p0 $0x88, s6;
	s7 =	simm.s32 @p2 $0x1082  }
0x22: {  	[simem:s7], [sflag:s8] =	dma.local @!p0 [hbm:s6], $0xF7A  }
0x23: {  	s9 =	sor.u32 $0xD0000000, s2;
	s6 =	simm.s32 $0x108;
	_ =	swait.ge @!p0 [sflag:s8], $0x0  }
0x24: {  	s3 =	sadd.s32 $0x88, s3;
	s6 =	simm.s32 @!p1 $0x1082;
	[sflag:s4] =	ssyncset.s32 $0xFFFFF086  }
0x25: {  	[simem:s6], [sflag:s4] =	dma.local [hbm:s3], $0xF7A  }
0x26: {  	[smem:$0x3F93] =	sst s1;
	(tag) =	ssettag s2;
	_ =	strace s9  }
0x27: {  	s1 =	sld [smem:$0x3FA3]  }
0x28: {  	s2 =	sld [smem:$0x3FA4]  }
0x29: {  	s4 =	sld [smem:$0x3FA6]  }
0x2a: {  	p0 =	seq.s32 s5, $0x0;
	s5 =	sld [smem:$0x3FA7]  }
0x2b: {  	s6 =	sld [smem:$0x3FA8]  }
0x2c: {  	s7 =	sld [smem:$0x3FA9]  }
0x2d: {  	s3 =	simm.s32 $0x108;
	s8 =	sld [smem:$0x3FAA]  }
0x2e: {  	s3 =	simm.s32 @!p0 $0x1082;
	s9 =	sld [smem:$0x3FAB]  }
0x2f: {  	lr =	sadd.s32 s0, s3;
	s0 =	sld [smem:$0x3FA2]  }
0x30: {  	s3 =	sld [smem:$0x3FA5]  }
0x31: {  	[smem:$0x3FAE] =	sst s10  }
0x32: {  	s10 =	sld [smem:$0x3FAC];
	_ =	sdelay $0x3  }
0x33: {  	p0 =	seq.s32 s10, $0x1;
	s10 =	sld [smem:$0x3FAE];
	_ =	sdelay $0x3  }
0x34: {  	[smem:$0x3FAE] =	sst s10  }
0x35: {  	s10 =	sld [smem:$0x3FAD];
	_ =	sdelay $0x3  }
0x36: {  	p1 =	seq.s32 s10, $0x1;
	s10 =	sld [smem:$0x3FAE];
	_ =	sdelay $0x3  }
0x37: {  	[smem:$0x3FAE] =	sst s10  }
0x38: {  	s10 =	sld [smem:$0x3FAF]  }
0x39: {  	_ = 	snop;
	(pc) =	sbr.ind lr, $3  }
0x3a: {  	_ = 	snop  }
0x3b: {  	_ = 	snop  }
0x3c: {  	p2 =	seq.s32 s10, $0x1;
	s10 =	sld [smem:$0x3FAE]  }
0x3d: {  	_ =	shalt  }
0x3e: {  	_ =	shalt  }
0x3f: {  	_ =	shalt  }
0x40: {  	_ =	shalt  }
0x41: {  	_ =	shalt  }
0x42: {  	_ =	shalt  }
0x43: {  	_ =	shalt  }
0x44: {  	_ =	shalt  }
0x45: {  	_ =	shalt  }
0x46: {  	_ =	shalt  }
0x47: {  	_ =	shalt  }
0x48: {  	_ =	shalt  }
0x49: {  	_ =	shalt  }
0x4a: {  	_ =	shalt  }
0x4b: {  	_ =	shalt  }
0x4c: {  	_ =	shalt  }
0x4d: {  	_ =	shalt  }
0x4e: {  	_ =	shalt  }
0x4f: {  	_ =	shalt  }
0x50: {  	_ =	shalt  }
0x51: {  	_ =	shalt  }
0x52: {  	_ =	shalt  }
0x53: {  	_ =	shalt  }
0x54: {  	_ =	shalt  }
0x55: {  	_ =	shalt  }
0x56: {  	_ =	shalt  }
0x57: {  	_ =	shalt  }
0x58: {  	_ =	shalt  }
0x59: {  	_ =	shalt  }
0x5a: {  	_ =	shalt  }
0x5b: {  	_ =	shalt  }
0x5c: {  	_ =	shalt  }
0x5d: {  	_ =	shalt  }
0x5e: {  	_ =	shalt  }
0x5f: {  	_ =	shalt  }
0x60: {  	_ =	shalt  }
0x61: {  	_ =	shalt  }
0x62: {  	_ =	shalt  }
0x63: {  	_ =	shalt  }
0x64: {  	_ =	shalt  }
0x65: {  	_ =	shalt  }
0x66: {  	_ =	shalt  }
0x67: {  	_ =	shalt  }
0x68: {  	_ =	shalt  }
0x69: {  	_ =	shalt  }
0x6a: {  	_ =	shalt  }
0x6b: {  	_ =	shalt  }
0x6c: {  	_ =	shalt  }
0x6d: {  	_ =	shalt  }
0x6e: {  	_ =	shalt  }
0x6f: {  	_ =	shalt  }
0x70: {  	_ =	shalt  }
0x71: {  	_ =	shalt  }
0x72: {  	_ =	shalt  }
0x73: {  	_ =	shalt  }
0x74: {  	_ =	shalt  }
0x75: {  	_ =	shalt  }
0x76: {  	_ =	shalt  }
0x77: {  	_ =	shalt  }
0x78: {  	_ =	shalt  }
0x79: {  	_ =	shalt  }
0x7a: {  	_ =	shalt  }
0x7b: {  	_ =	shalt  }
0x7c: {  	_ =	shalt  }
0x7d: {  	_ =	shalt  }
0x7e: {  	_ =	shalt  }
0x7f: {  	_ =	shalt  }
0x80: {  	_ =	shalt  }
0x81: {  	_ =	shalt  }
0x82: {  	_ =	shalt  }
0x83: {  	_ =	shalt  }
0x84: {  	_ =	shalt  }
0x85: {  	_ =	shalt  }
0x86: {  	_ =	shalt  }
0x87: {  	_ =	shalt  }
.Lfunc_end0:
.L_simem_size_0:
called_computation_lowered:
.L_overlay_start_0:
0x88: {  	s2 =	sld [smem:$0x3FD9]  }
0x89: {  	s3 =	sld [smem:$0x3FFE];
	_ =	sdelay $0x1  }
0x8a: {  	s1 =	srdreg.scid  }
0x8b: {  	s0 =	sand.u32 $0x1, s1  }
0x8c: {  	s17 =	sshll.u32 s0, $0xA;
	s2 =	sadd.s32 s3, s2  }
0x8d: {  	s2 =	sadd.s32 s2, s17  }
0x8e: {  	[smem:$0x3FBA] =	sst s2  }
0x8f: {  	_ = 	snop  }
0x90: {  	s2 =	sld [smem:$0x3FC9]  }
0x91: {  	s18 =	sld [smem:$0x3FD0];
	(tm) =	ssettm $0x1  }
0x92: {  	s4 =	sld [smem:$0x3FFB];
	_ =	sdelay $0x3  }
0x93: {  	_ =	strace s4  }
0x94: {  	s4 =	sld [smem:$0x3FFC];
	_ =	sdelay $0x3  }
0x95: {  	_ =	strace s4  }
0x96: {  	s4 =	sld [smem:$0x3FFD];
	_ =	sdelay $0x3  }
0x97: {  	_ =	strace s4  }
0x98: {  	_ =	strace $0x8FFFFFFF  }
0x99: {  	s19 =	sld [smem:$0x3FDB];
	_ =	sdelay $0x1  }
0x9a: {  	s5 =	simm.s32 $_scs_section_size  }
0x9b: {  	s6 =	simm.s32 $_size__tile_overlayer_lowered;
	s7 =	simm.s32 $_tile_overlayer_lowered  }
0x9c: {  	s22 =	simm.s32 $0x1BFF;
	s21 =	sshll.u32 s7, $0x1;
	s4 =	sadd.s32 s5, s19  }
0x9d: {  	s8 =	simm.s32 $0x0;
	s20 =	sshll.u32 s6, $0x1;
	s6 =	sadd.s32 s21, s4  }
0x9e: {  	[timem:s8], [sflag:s22] =	dma.local [hbm:s6], s20  }
0x9f: {  	_ =	swait.ge [sflag:s22], s20  }
0xa0: {  	s5 =	ssub.s32 $0x0, s20;
	[sflag:s22] =	ssyncset.done $0x0  }
0xa1: {  	[sflag:s22] =	ssyncadd.s32 s5;
	_ =	sdelay $0x1  }
0xa2: {  	s23 =	simm.s32 $0x1B8B  }
0xa3: {  	_ =	swait.ge [sflag:s23], $0x1  }
0xa4: {  	[sflag:s23] =	ssyncset.done $0x0  }
0xa5: {  	s25 =	simm.s32 $0x1B8E;
	s24 =	sld [smem:$0x3FFE];
	[sflag:s23] =	ssyncadd.s32 $0xFFFFFFFF  }
0xa6: {  	s26 =	simm.s32 $execute0_lowered;
	[smem:$0x3FD2] =	sst s25  }
0xa7: {  	s6 =	sshll.u32 s26, $0x1;
	_ =	strace $0x80000046;
	[dreg:$0x1] =	wrdreg $0xFFFFFFFF  }
0xa8: {  	s28 =	simm.s32 $_size_execute0_lowered;
	s4 =	sadd.s32 s4, s6;
	[dreg:$0x0] =	wrdreg $0x0  }
0xa9: {  	s6 =	sshll.u32 s28, $0x1;
	[dreg:$0x2] =	wrdreg s4  }
0xaa: {  	[dreg:$0x3] =	wrdreg s6  }
0xab: {  	[dreg:$0x4] =	wrdreg $0xC0  }
0xac: {  	_ =	task [dreg:s8], $0x5FFFF  }
0xad: {  	[dreg:$0x1] =	wrdreg $0xFFFFFFFF  }
0xae: {  	[dreg:$0x0] =	wrdreg $0x60  }
0xaf: {  	[dreg:$0x2] =	wrdreg s2  }
0xb0: {  	[dreg:$0x3] =	wrdreg s24  }
0xb1: {  	[dreg:$0x4] =	wrdreg s18  }
0xb2: {  	[dreg:$0x5] =	wrdreg $0x9  }
0xb3: {  	_ =	task.clear_ibuf [dreg:s8], $0x6FFFF;
	_ =	strace $0x90000046  }
0xb4: {  	s29 =	simm.s32 $0x9;
	_ =	strace $0x80000048  }
0xb5: {  	_ =	swait.ge [sflag:s29], $0x1  }
0xb6: {  	[sflag:s29] =	ssyncadd.s32 $0xFFFFFFFF  }
0xb7: {  	_ =	strace $0x90000048  }
0xb8: {  	_ =	sfence  }
0xb9: {  	s30 =	sld [smem:$0x0];
	_ =	sdelay $0x2  }
0xba: {  	s31 =	sshll.u32 s1, $0xD;
	s1 =	sshrl.u32 s1, $0x2  }
0xbb: {  	s3 =	sand.u32 $0x4000, s31;
	s1 =	sadd.s32 s1, s30  }
0xbc: {  	s0 =	sor.u32 s3, s0;
	s1 =	sshll.u32 s1, $0x11  }
0xbd: {  	s0 =	sor.u32 s1, s0  }
0xbe: {  	s0 =	sadd.s32 $0x8F2B, s0  }
0xbf: {  	[sflag:s0] =	ssyncadd.remote.s32 $0x1  }
0xc0: {  	_ =	sfence.sel $0xFFFF  }
0xc1: {  	[dreg:$0x0] =	wrdreg $0xFFFFFFFF;
	(pc) =	sbr.abs _section_cstart, $3  }
0xc2: {  	[dreg:$0x1] =	wrdreg $0xFFFFFFFF  }
0xc3: {  	_ =	task.clear_ibuf [dreg:s8], $0x2FFFF;
	_ =	strace $0x9FFFFFFF  }
0xc4: {  	(tm) =	ssettm $0x7FFFFFFF  }
0xc5: {  	_ =	shalt  }
tec
execute0_lowered:
.L_overlay_start_1:
0x0: {  	(tag) =	ssettag $0x1  }
0x1: {  	s0 =	rddreg [dreg:$0x0]  }
0x2: {  	s1 =	rddreg [dreg:$0x1]  }
0x3: {  	s7 =	rddreg [dreg:$0x2];
	s12 =	stileid.u32  }
0x4: {  	s2 =	simm.s32 $0x0;
	s4 =	srdreg.scid;
	s13 =	simm.s32 $0x3  }
0x5: {  	s16 =	simm.s32 $0x8E00;
	s17 =	simm.s32 $0x8C00;
	s18 =	simm.s32 $0x8D00  }
0x6: {  	s19 =	simm.s32 $0x8C80;
	s20 =	simm.s32 $0x8B00;
	s28 =	simm.s32 $0x9080  }
0x7: {  	s29 =	simm.s32 $0x0;
	s3 =	sshll.u32 s12, $0x3;
	[smem:$0x7FF] =	sst s2  }
0x8: {  	s21 =	sand.u32 $0x1, s4;
	s8 =	sshll.u32 s12, $0xB;
	s31 =	sshll.u32 s12, $0x7  }
0x9: {  	s9 =	sand.u32 $0x70, s3;
	_ =	strace $0x80000047;
	s5 =	ssub.s32 $0x2, s21  }
0xa: {  	s23 =	sshll.u32 s21, $0xA;
	s24 =	sand.u32 $0x800, s8;
	s21 =	simm.s32 $0x8A80  }
0xb: {  	s22 =	sshll.u32 s9, $0x1;
	s6 =	sshrl.u32 s5, $0x1;
	s3 =	sshll.u32 s9, $0x4  }
0xc: {  	v0 =	vimm.s32 $0x7;
	s25 =	sshll.u32 s9, $0x9;
	s4 =	sadd.s32 s22, s1;
	s10 =	ssub.s32 s5, s6  }
0xd: {  	v1 =	vimm.s32 $0x2;
	v2 =	vimm.s32 $0x0;
	v3 =	vlaneseq.u32;
	s5 =	sor.u32 s23, s24;
	s6 =	sadd.s32 $0x1B00, s1;
	s22 =	simm.s32 $0x800  }
0xe: {  	vm0 =	vmmov $0x1;
	v4 =	vimm.s32 $0x1;
	v5 =	vimm.s32 $0x3;
	s23 =	simm.s32 $0x1;
	s24 =	simm.s32 $0x2;
	s4 =	sadd.s32 $0x1A00, s4  }
0xf: {  	v6 =	vimm.s32 $0x4;
	v7 =	vimm.s32 $0x5;
	v8 =	vimm.s32 $0x6;
	s26 =	sshrl.u32 s5, $0x3;
	s11 =	sor.u32 s5, s25;
	s8 =	smax.u32 s10, $0x1  }
0x10: {  	v9 =	vimm.s32 $0x8;
	v10 =	vimm.s32 $0x9;
	v11 =	vimm.s32 $0xA;
	s10 =	sand.u32 $0x700, s31;
	s25 =	simm.s32 $0x400;
	s5 =	sadd.s32 s0, s26  }
0x11: {  	v12 =	vimm.s32 $0xB;
	v13 =	vimm.s32 $0xC;
	v14 =	vimm.s32 $0xD;
	s30 =	sshrl.u32 s11, $0x3;
	s0 =	sor.u32 $0x1000, s9;
	s11 =	sor.u32 $0x1008, s9  }
0x12: {  	v15 =	vimm.s32 $0xE;
	v16 =	vimm.s32 $0xF;
	v3 =	vmul.u32 $0x8, v3;
	s12 =	sor.u32 $0x88F, s10;
	s26 =	simm.s32 $0x1000;
	s7 =	sadd.s32 s7, s30  }
.LBB2_1:
0x13: {  	[tilespmem:s3], [sflag:$0x3] =	stream.linear.gather [hbm4b:s4+s2], $0x100, $0x38;
	[tilespmem:$0x9880] =	vst v63  }
0x14: {  	_ =	swait.ge [sflag:s13], $0x100  }
0x15: {  	[sflag:s13] =	ssyncset.done $0x0  }
0x16: {  	[sflag:s13] =	ssyncadd.s32 $0xFFFFFF00  }
0x17: {  	v17 =	vld [tilespmem:s3+$0x0];
	_ =	sdelay $0x4  }
0x18: {  	v18 =	vshll.u32 v17, $0x2  }
0x19: {  	v17 =	vand.u32 $0x7, v17;
	v18 =	vand.u32 $0xFFFFFFE0, v18  }
0x1a: {  	v17 =	vor.u32 v17, v18  }
0x1b: {  	v18 =	vperm.xlane v17, v2;
	_ =	sdelay $0x1  }
0x1c: {  	v19 =	vperm.xlane v17, v4;
	v18 =	vadd.s32 v3, v18;
	_ =	sdelay $0x1  }
0x1d: {  	v20 =	vperm.xlane v17, v1;
	v19 =	vadd.s32 v3, v19;
	_ =	sdelay $0x1  }
0x1e: {  	s1 =	simm.s32 $0x1080;
	v21 =	vperm.xlane v17, v5;
	v20 =	vadd.s32 v3, v20  }
0x1f: {  	[tilespmem:s1], [sflag:$0x1] =	stream.indirect_vreg.gather [hbm4b:s5+s2], $0x80, v18, vm0, $0xb8;
	[tilespmem:$0x9880] =	vst v63  }
0x20: {  	s14 =	simm.s32 $0x1100;
	v34 =	vperm.xlane v17, v6;
	v18 =	vadd.s32 v3, v21  }
0x21: {  	[tilespmem:s14], [sflag:$0x1] =	stream.indirect_vreg.gather [hbm4b:s5+s2], $0x80, v19, vm0, $0xb8;
	[tilespmem:$0x9880] =	vst v63  }
0x22: {  	s15 =	simm.s32 $0x1180;
	v35 =	vperm.xlane v17, v7;
	v19 =	vadd.s32 v3, v34  }
0x23: {  	[tilespmem:s15], [sflag:$0x1] =	stream.indirect_vreg.gather [hbm4b:s5+s2], $0x80, v20, vm0, $0xb8;
	[tilespmem:$0x9880] =	vst v63  }
0x24: {  	s9 =	simm.s32 $0x1200;
	v37 =	vperm.xlane v17, v8;
	v36 =	vadd.s32 v3, v35  }
0x25: {  	[tilespmem:s9], [sflag:$0x1] =	stream.indirect_vreg.gather [hbm4b:s5+s2], $0x80, v18, vm0, $0xb8;
	[tilespmem:$0x9880] =	vst v63  }
0x26: {  	v38 =	vperm.xlane v17, v0;
	s14 =	simm.s32 $0x1280;
	v18 =	vadd.s32 v3, v37  }
0x27: {  	[tilespmem:s14], [sflag:$0x1] =	stream.indirect_vreg.gather [hbm4b:s5+s2], $0x80, v19, vm0, $0xb8;
	[tilespmem:$0x9880] =	vst v63  }
0x28: {  	v39 =	vperm.xlane v17, v9;
	s15 =	simm.s32 $0x1300;
	v19 =	vadd.s32 v3, v38  }
0x29: {  	[tilespmem:s15], [sflag:$0x1] =	stream.indirect_vreg.gather [hbm4b:s5+s2], $0x80, v36, vm0, $0xb8;
	[tilespmem:$0x9880] =	vst v63  }
0x2a: {  	v41 =	vperm.xlane v17, v10;
	v40 =	vadd.s32 v3, v39;
	s9 =	simm.s32 $0x1380  }
0x2b: {  	[tilespmem:s9], [sflag:$0x1] =	stream.indirect_vreg.gather [hbm4b:s5+s2], $0x80, v18, vm0, $0xb8;
	[tilespmem:$0x9880] =	vst v63  }
0x2c: {  	v42 =	vperm.xlane v17, v11;
	s14 =	simm.s32 $0x1400;
	v18 =	vadd.s32 v3, v41  }
0x2d: {  	[tilespmem:s14], [sflag:$0x1] =	stream.indirect_vreg.gather [hbm4b:s5+s2], $0x80, v19, vm0, $0xb8;
	[tilespmem:$0x9880] =	vst v63  }
0x2e: {  	s30 =	simm.s32 $0x1480;
	v43 =	vperm.xlane v17, v12;
	v19 =	vadd.s32 v3, v42  }
0x2f: {  	[tilespmem:s30], [sflag:$0x1] =	stream.indirect_vreg.gather [hbm4b:s5+s2], $0x80, v40, vm0, $0xb8;
	[tilespmem:$0x9880] =	vst v63  }
0x30: {  	v45 =	vperm.xlane v17, v13;
	v44 =	vadd.s32 v3, v43;
	s15 =	simm.s32 $0x1500  }
0x31: {  	[tilespmem:s15], [sflag:$0x1] =	stream.indirect_vreg.gather [hbm4b:s5+s2], $0x80, v18, vm0, $0xb8;
	[tilespmem:$0x9880] =	vst v63  }
0x32: {  	v46 =	vperm.xlane v17, v14;
	s9 =	simm.s32 $0x1580;
	v18 =	vadd.s32 v3, v45  }
0x33: {  	[tilespmem:s9], [sflag:$0x1] =	stream.indirect_vreg.gather [hbm4b:s5+s2], $0x80, v19, vm0, $0xb8;
	[tilespmem:$0x9880] =	vst v63  }
0x34: {  	v47 =	vperm.xlane v17, v15;
	s14 =	simm.s32 $0x1600;
	v19 =	vadd.s32 v3, v46  }
0x35: {  	[tilespmem:s14], [sflag:$0x1] =	stream.indirect_vreg.gather [hbm4b:s5+s2], $0x80, v44, vm0, $0xb8;
	[tilespmem:$0x9880] =	vst v63  }
0x36: {  	v17 =	vperm.xlane v17, v16;
	v48 =	vadd.s32 v3, v47;
	s15 =	simm.s32 $0x1680  }
0x37: {  	[tilespmem:s15], [sflag:$0x1] =	stream.indirect_vreg.gather [hbm4b:s5+s2], $0x80, v18, vm0, $0xb8;
	[tilespmem:$0x9880] =	vst v63  }
0x38: {  	v17 =	vadd.s32 v3, v17;
	s9 =	simm.s32 $0x1700  }
0x39: {  	[tilespmem:s9], [sflag:$0x1] =	stream.indirect_vreg.gather [hbm4b:s5+s2], $0x80, v19, vm0, $0xb8;
	[tilespmem:$0x9880] =	vst v63  }
0x3a: {  	s14 =	simm.s32 $0x1780  }
0x3b: {  	[tilespmem:s14], [sflag:$0x1] =	stream.indirect_vreg.gather [hbm4b:s5+s2], $0x80, v48, vm0, $0xb8;
	[tilespmem:$0x9880] =	vst v63  }
0x3c: {  	s15 =	simm.s32 $0x1800  }
0x3d: {  	[tilespmem:s15], [sflag:$0x1] =	stream.indirect_vreg.gather [hbm4b:s5+s2], $0x80, v17, vm0, $0xb8;
	[tilespmem:$0x9880] =	vst v63  }
0x3e: {  	v17 =	vld [tilespmem:s3+$0x10];
	_ =	sdelay $0x4  }
0x3f: {  	v18 =	vshll.u32 v17, $0x2  }
0x40: {  	v17 =	vand.u32 $0x7, v17;
	v18 =	vand.u32 $0xFFFFFFE0, v18  }
0x41: {  	v17 =	vor.u32 v17, v18  }
0x42: {  	v18 =	vperm.xlane v17, v2;
	_ =	sdelay $0x1  }
0x43: {  	v19 =	vperm.xlane v17, v4;
	v18 =	vadd.s32 v3, v18;
	_ =	sdelay $0x1  }
0x44: {  	v49 =	vperm.xlane v17, v1;
	v19 =	vadd.s32 v3, v19;
	_ =	sdelay $0x1  }
0x45: {  	s9 =	simm.s32 $0x1880;
	v50 =	vperm.xlane v17, v5;
	v20 =	vadd.s32 v3, v49  }
0x46: {  	[tilespmem:s9], [sflag:$0x1] =	stream.indirect_vreg.gather [hbm4b:s5+s2], $0x80, v18, vm0, $0xb8;
	[tilespmem:$0x9880] =	vst v63  }
0x47: {  	s14 =	simm.s32 $0x1900;
	v51 =	vperm.xlane v17, v6;
	v18 =	vadd.s32 v3, v50  }
0x48: {  	[tilespmem:s14], [sflag:$0x1] =	stream.indirect_vreg.gather [hbm4b:s5+s2], $0x80, v19, vm0, $0xb8;
	[tilespmem:$0x9880] =	vst v63  }
0x49: {  	s15 =	simm.s32 $0x1980;
	v52 =	vperm.xlane v17, v7;
	v19 =	vadd.s32 v3, v51  }
0x4a: {  	[tilespmem:s15], [sflag:$0x1] =	stream.indirect_vreg.gather [hbm4b:s5+s2], $0x80, v20, vm0, $0xb8;
	[tilespmem:$0x9880] =	vst v63  }
0x4b: {  	v54 =	vperm.xlane v17, v8;
	v53 =	vadd.s32 v3, v52;
	s9 =	simm.s32 $0x1A00  }
0x4c: {  	[tilespmem:s9], [sflag:$0x1] =	stream.indirect_vreg.gather [hbm4b:s5+s2], $0x80, v18, vm0, $0xb8;
	[tilespmem:$0x9880] =	vst v63  }
0x4d: {  	v55 =	vperm.xlane v17, v0;
	s14 =	simm.s32 $0x1A80;
	v18 =	vadd.s32 v3, v54  }
0x4e: {  	[tilespmem:s14], [sflag:$0x1] =	stream.indirect_vreg.gather [hbm4b:s5+s2], $0x80, v19, vm0, $0xb8;
	[tilespmem:$0x9880] =	vst v63  }
0x4f: {  	v56 =	vperm.xlane v17, v9;
	s15 =	simm.s32 $0x1B00;
	v19 =	vadd.s32 v3, v55  }
0x50: {  	[tilespmem:s15], [sflag:$0x1] =	stream.indirect_vreg.gather [hbm4b:s5+s2], $0x80, v53, vm0, $0xb8;
	[tilespmem:$0x9880] =	vst v63  }
0x51: {  	v58 =	vperm.xlane v17, v10;
	v57 =	vadd.s32 v3, v56;
	s9 =	simm.s32 $0x1B80  }
0x52: {  	[tilespmem:s9], [sflag:$0x1] =	stream.indirect_vreg.gather [hbm4b:s5+s2], $0x80, v18, vm0, $0xb8;
	[tilespmem:$0x9880] =	vst v63  }
0x53: {  	v59 =	vperm.xlane v17, v11;
	s14 =	simm.s32 $0x1C00;
	v18 =	vadd.s32 v3, v58  }
0x54: {  	[tilespmem:s14], [sflag:$0x1] =	stream.indirect_vreg.gather [hbm4b:s5+s2], $0x80, v19, vm0, $0xb8;
	[tilespmem:$0x9880] =	vst v63  }
0x55: {  	v60 =	vperm.xlane v17, v12;
	s15 =	simm.s32 $0x1C80;
	v19 =	vadd.s32 v3, v59  }
0x56: {  	[tilespmem:s15], [sflag:$0x1] =	stream.indirect_vreg.gather [hbm4b:s5+s2], $0x80, v57, vm0, $0xb8;
	[tilespmem:$0x9880] =	vst v63  }
0x57: {  	v62 =	vperm.xlane v17, v13;
	v61 =	vadd.s32 v3, v60;
	s9 =	simm.s32 $0x1D00  }
0x58: {  	[tilespmem:s9], [sflag:$0x1] =	stream.indirect_vreg.gather [hbm4b:s5+s2], $0x80, v18, vm0, $0xb8;
	[tilespmem:$0x9880] =	vst v63  }
0x59: {  	v63 =	vperm.xlane v17, v14;
	s14 =	simm.s32 $0x1D80;
	v18 =	vadd.s32 v3, v62  }
0x5a: {  	[tilespmem:s14], [sflag:$0x1] =	stream.indirect_vreg.gather [hbm4b:s5+s2], $0x80, v19, vm0, $0xb8;
	[tilespmem:$0x9880] =	vst v63  }
0x5b: {  	v24 =	vperm.xlane v17, v15;
	s15 =	simm.s32 $0x1E00;
	v19 =	vadd.s32 v3, v63  }
0x5c: {  	[tilespmem:s15], [sflag:$0x1] =	stream.indirect_vreg.gather [hbm4b:s5+s2], $0x80, v61, vm0, $0xb8;
	[tilespmem:$0x9880] =	vst v63  }
0x5d: {  	v17 =	vperm.xlane v17, v16;
	v25 =	vadd.s32 v3, v24;
	s9 =	simm.s32 $0x1E80  }
0x5e: {  	[tilespmem:s9], [sflag:$0x1] =	stream.indirect_vreg.gather [hbm4b:s5+s2], $0x80, v18, vm0, $0xb8;
	[tilespmem:$0x9880] =	vst v63  }
0x5f: {  	v17 =	vadd.s32 v3, v17;
	s14 =	simm.s32 $0x1F00  }
0x60: {  	[tilespmem:s14], [sflag:$0x1] =	stream.indirect_vreg.gather [hbm4b:s5+s2], $0x80, v19, vm0, $0xb8;
	[tilespmem:$0x9880] =	vst v63  }
0x61: {  	s15 =	simm.s32 $0x1F80  }
0x62: {  	[tilespmem:s15], [sflag:$0x1] =	stream.indirect_vreg.gather [hbm4b:s5+s2], $0x80, v25, vm0, $0xb8;
	[tilespmem:$0x9880] =	vst v63  }
0x63: {  	s9 =	simm.s32 $0x2000  }
0x64: {  	[tilespmem:s9], [sflag:$0x1] =	stream.indirect_vreg.gather [hbm4b:s5+s2], $0x80, v17, vm0, $0xb8;
	[tilespmem:$0x9880] =	vst v63  }
0x65: {  	v17 =	vld [tilespmem:s3+$0x20];
	_ =	sdelay $0x4  }
0x66: {  	v18 =	vshll.u32 v17, $0x2  }
0x67: {  	v17 =	vand.u32 $0x7, v17;
	v18 =	vand.u32 $0xFFFFFFE0, v18  }
0x68: {  	v17 =	vor.u32 v17, v18  }
0x69: {  	v18 =	vperm.xlane v17, v2;
	_ =	sdelay $0x1  }
0x6a: {  	v19 =	vperm.xlane v17, v4;
	v18 =	vadd.s32 v3, v18;
	_ =	sdelay $0x1  }
0x6b: {  	v26 =	vperm.xlane v17, v1;
	v19 =	vadd.s32 v3, v19;
	_ =	sdelay $0x1  }
0x6c: {  	s14 =	simm.s32 $0x2080;
	v27 =	vperm.xlane v17, v5;
	v20 =	vadd.s32 v3, v26  }
0x6d: {  	[tilespmem:s14], [sflag:$0x1] =	stream.indirect_vreg.gather [hbm4b:s5+s2], $0x80, v18, vm0, $0xb8;
	[tilespmem:$0x9880] =	vst v63  }
0x6e: {  	s15 =	simm.s32 $0x2100;
	v28 =	vperm.xlane v17, v6;
	v18 =	vadd.s32 v3, v27  }
0x6f: {  	[tilespmem:s15], [sflag:$0x1] =	stream.indirect_vreg.gather [hbm4b:s5+s2], $0x80, v19, vm0, $0xb8;
	[tilespmem:$0x9880] =	vst v63  }
0x70: {  	s9 =	simm.s32 $0x2180;
	v29 =	vperm.xlane v17, v7;
	v19 =	vadd.s32 v3, v28  }
0x71: {  	[tilespmem:s9], [sflag:$0x1] =	stream.indirect_vreg.gather [hbm4b:s5+s2], $0x80, v20, vm0, $0xb8;
	[tilespmem:$0x9880] =	vst v63  }
0x72: {  	v31 =	vperm.xlane v17, v8;
	v30 =	vadd.s32 v3, v29;
	s14 =	simm.s32 $0x2200  }
0x73: {  	[tilespmem:s14], [sflag:$0x1] =	stream.indirect_vreg.gather [hbm4b:s5+s2], $0x80, v18, vm0, $0xb8;
	[tilespmem:$0x9880] =	vst v63  }
0x74: {  	v32 =	vperm.xlane v17, v0;
	s15 =	simm.s32 $0x2280;
	v18 =	vadd.s32 v3, v31  }
0x75: {  	[tilespmem:s15], [sflag:$0x1] =	stream.indirect_vreg.gather [hbm4b:s5+s2], $0x80, v19, vm0, $0xb8;
	[tilespmem:$0x9880] =	vst v63  }
0x76: {  	v33 =	vperm.xlane v17, v9;
	s9 =	simm.s32 $0x2300;
	v19 =	vadd.s32 v3, v32  }
0x77: {  	[tilespmem:s9], [sflag:$0x1] =	stream.indirect_vreg.gather [hbm4b:s5+s2], $0x80, v30, vm0, $0xb8;
	[tilespmem:$0x9880] =	vst v63  }
0x78: {  	v35 =	vperm.xlane v17, v10;
	v34 =	vadd.s32 v3, v33;
	s14 =	simm.s32 $0x2380  }
0x79: {  	[tilespmem:s14], [sflag:$0x1] =	stream.indirect_vreg.gather [hbm4b:s5+s2], $0x80, v18, vm0, $0xb8;
	[tilespmem:$0x9880] =	vst v63  }
0x7a: {  	v36 =	vperm.xlane v17, v11;
	s15 =	simm.s32 $0x2400;
	v18 =	vadd.s32 v3, v35  }
0x7b: {  	[tilespmem:s15], [sflag:$0x1] =	stream.indirect_vreg.gather [hbm4b:s5+s2], $0x80, v19, vm0, $0xb8;
	[tilespmem:$0x9880] =	vst v63  }
0x7c: {  	v37 =	vperm.xlane v17, v12;
	s9 =	simm.s32 $0x2480;
	v19 =	vadd.s32 v3, v36  }
0x7d: {  	[tilespmem:s9], [sflag:$0x1] =	stream.indirect_vreg.gather [hbm4b:s5+s2], $0x80, v34, vm0, $0xb8;
	[tilespmem:$0x9880] =	vst v63  }
0x7e: {  	v39 =	vperm.xlane v17, v13;
	v38 =	vadd.s32 v3, v37;
	s14 =	simm.s32 $0x2500  }
0x7f: {  	[tilespmem:s14], [sflag:$0x1] =	stream.indirect_vreg.gather [hbm4b:s5+s2], $0x80, v18, vm0, $0xb8;
	[tilespmem:$0x9880] =	vst v63  }
0x80: {  	v40 =	vperm.xlane v17, v14;
	s15 =	simm.s32 $0x2580;
	v18 =	vadd.s32 v3, v39  }
0x81: {  	[tilespmem:s15], [sflag:$0x1] =	stream.indirect_vreg.gather [hbm4b:s5+s2], $0x80, v19, vm0, $0xb8;
	[tilespmem:$0x9880] =	vst v63  }
0x82: {  	v41 =	vperm.xlane v17, v15;
	s9 =	simm.s32 $0x2600;
	v19 =	vadd.s32 v3, v40  }
0x83: {  	[tilespmem:s9], [sflag:$0x1] =	stream.indirect_vreg.gather [hbm4b:s5+s2], $0x80, v38, vm0, $0xb8;
	[tilespmem:$0x9880] =	vst v63  }
0x84: {  	v17 =	vperm.xlane v17, v16;
	v42 =	vadd.s32 v3, v41;
	s14 =	simm.s32 $0x2680  }
0x85: {  	[tilespmem:s14], [sflag:$0x1] =	stream.indirect_vreg.gather [hbm4b:s5+s2], $0x80, v18, vm0, $0xb8;
	[tilespmem:$0x9880] =	vst v63  }
0x86: {  	v17 =	vadd.s32 v3, v17;
	s15 =	simm.s32 $0x2700  }
0x87: {  	[tilespmem:s15], [sflag:$0x1] =	stream.indirect_vreg.gather [hbm4b:s5+s2], $0x80, v19, vm0, $0xb8;
	[tilespmem:$0x9880] =	vst v63  }
0x88: {  	s9 =	simm.s32 $0x2780  }
0x89: {  	[tilespmem:s9], [sflag:$0x1] =	stream.indirect_vreg.gather [hbm4b:s5+s2], $0x80, v42, vm0, $0xb8;
	[tilespmem:$0x9880] =	vst v63  }
0x8a: {  	s14 =	simm.s32 $0x2800  }
0x8b: {  	[tilespmem:s14], [sflag:$0x1] =	stream.indirect_vreg.gather [hbm4b:s5+s2], $0x80, v17, vm0, $0xb8;
	[tilespmem:$0x9880] =	vst v63  }
0x8c: {  	v17 =	vld [tilespmem:s3+$0x30];
	_ =	sdelay $0x4  }
0x8d: {  	v18 =	vshll.u32 v17, $0x2  }
0x8e: {  	v17 =	vand.u32 $0x7, v17;
	v18 =	vand.u32 $0xFFFFFFE0, v18  }
0x8f: {  	v17 =	vor.u32 v17, v18  }
0x90: {  	v18 =	vperm.xlane v17, v2;
	_ =	sdelay $0x1  }
0x91: {  	v19 =	vperm.xlane v17, v4;
	v18 =	vadd.s32 v3, v18;
	_ =	sdelay $0x1  }
0x92: {  	v43 =	vperm.xlane v17, v1;
	v19 =	vadd.s32 v3, v19;
	_ =	sdelay $0x1  }
0x93: {  	s15 =	simm.s32 $0x2880;
	v44 =	vperm.xlane v17, v5;
	v20 =	vadd.s32 v3, v43  }
0x94: {  	[tilespmem:s15], [sflag:$0x1] =	stream.indirect_vreg.gather [hbm4b:s5+s2], $0x80, v18, vm0, $0xb8;
	[tilespmem:$0x9880] =	vst v63  }
0x95: {  	s9 =	simm.s32 $0x2900;
	v45 =	vperm.xlane v17, v6;
	v18 =	vadd.s32 v3, v44  }
0x96: {  	[tilespmem:s9], [sflag:$0x1] =	stream.indirect_vreg.gather [hbm4b:s5+s2], $0x80, v19, vm0, $0xb8;
	[tilespmem:$0x9880] =	vst v63  }
0x97: {  	s14 =	simm.s32 $0x2980;
	v46 =	vperm.xlane v17, v7;
	v19 =	vadd.s32 v3, v45  }
0x98: {  	[tilespmem:s14], [sflag:$0x1] =	stream.indirect_vreg.gather [hbm4b:s5+s2], $0x80, v20, vm0, $0xb8;
	[tilespmem:$0x9880] =	vst v63  }
0x99: {  	v48 =	vperm.xlane v17, v8;
	v47 =	vadd.s32 v3, v46;
	s15 =	simm.s32 $0x2A00  }
0x9a: {  	[tilespmem:s15], [sflag:$0x1] =	stream.indirect_vreg.gather [hbm4b:s5+s2], $0x80, v18, vm0, $0xb8;
	[tilespmem:$0x9880] =	vst v63  }
0x9b: {  	v49 =	vperm.xlane v17, v0;
	s9 =	simm.s32 $0x2A80;
	v18 =	vadd.s32 v3, v48  }
0x9c: {  	[tilespmem:s9], [sflag:$0x1] =	stream.indirect_vreg.gather [hbm4b:s5+s2], $0x80, v19, vm0, $0xb8;
	[tilespmem:$0x9880] =	vst v63  }
0x9d: {  	v50 =	vperm.xlane v17, v9;
	s14 =	simm.s32 $0x2B00;
	v19 =	vadd.s32 v3, v49  }
0x9e: {  	[tilespmem:s14], [sflag:$0x1] =	stream.indirect_vreg.gather [hbm4b:s5+s2], $0x80, v47, vm0, $0xb8;
	[tilespmem:$0x9880] =	vst v63  }
0x9f: {  	v52 =	vperm.xlane v17, v10;
	v51 =	vadd.s32 v3, v50;
	s15 =	simm.s32 $0x2B80  }
0xa0: {  	[tilespmem:s15], [sflag:$0x1] =	stream.indirect_vreg.gather [hbm4b:s5+s2], $0x80, v18, vm0, $0xb8;
	[tilespmem:$0x9880] =	vst v63  }
0xa1: {  	v53 =	vperm.xlane v17, v11;
	s9 =	simm.s32 $0x2C00;
	v18 =	vadd.s32 v3, v52  }
0xa2: {  	[tilespmem:s9], [sflag:$0x1] =	stream.indirect_vreg.gather [hbm4b:s5+s2], $0x80, v19, vm0, $0xb8;
	[tilespmem:$0x9880] =	vst v63  }
0xa3: {  	v54 =	vperm.xlane v17, v12;
	s14 =	simm.s32 $0x2C80;
	v19 =	vadd.s32 v3, v53  }
0xa4: {  	[tilespmem:s14], [sflag:$0x1] =	stream.indirect_vreg.gather [hbm4b:s5+s2], $0x80, v51, vm0, $0xb8;
	[tilespmem:$0x9880] =	vst v63  }
0xa5: {  	v56 =	vperm.xlane v17, v13;
	v55 =	vadd.s32 v3, v54;
	s15 =	simm.s32 $0x2D00  }
0xa6: {  	[tilespmem:s15], [sflag:$0x1] =	stream.indirect_vreg.gather [hbm4b:s5+s2], $0x80, v18, vm0, $0xb8;
	[tilespmem:$0x9880] =	vst v63  }
0xa7: {  	v57 =	vperm.xlane v17, v14;
	s9 =	simm.s32 $0x2D80;
	v18 =	vadd.s32 v3, v56  }
0xa8: {  	[tilespmem:s9], [sflag:$0x1] =	stream.indirect_vreg.gather [hbm4b:s5+s2], $0x80, v19, vm0, $0xb8;
	[tilespmem:$0x9880] =	vst v63  }
0xa9: {  	v58 =	vperm.xlane v17, v15;
	s14 =	simm.s32 $0x2E00;
	v19 =	vadd.s32 v3, v57  }
0xaa: {  	[tilespmem:s14], [sflag:$0x1] =	stream.indirect_vreg.gather [hbm4b:s5+s2], $0x80, v55, vm0, $0xb8;
	[tilespmem:$0x9880] =	vst v63  }
0xab: {  	v17 =	vperm.xlane v17, v16;
	v59 =	vadd.s32 v3, v58;
	s15 =	simm.s32 $0x2E80  }
0xac: {  	[tilespmem:s15], [sflag:$0x1] =	stream.indirect_vreg.gather [hbm4b:s5+s2], $0x80, v18, vm0, $0xb8;
	[tilespmem:$0x9880] =	vst v63  }
0xad: {  	v17 =	vadd.s32 v3, v17;
	s9 =	simm.s32 $0x2F00  }
0xae: {  	[tilespmem:s9], [sflag:$0x1] =	stream.indirect_vreg.gather [hbm4b:s5+s2], $0x80, v19, vm0, $0xb8;
	[tilespmem:$0x9880] =	vst v63  }
0xaf: {  	s14 =	simm.s32 $0x2F80  }
0xb0: {  	[tilespmem:s14], [sflag:$0x1] =	stream.indirect_vreg.gather [hbm4b:s5+s2], $0x80, v59, vm0, $0xb8;
	[tilespmem:$0x9880] =	vst v63  }
0xb1: {  	s15 =	simm.s32 $0x3000  }
0xb2: {  	[tilespmem:s15], [sflag:$0x1] =	stream.indirect_vreg.gather [hbm4b:s5+s2], $0x80, v17, vm0, $0xb8;
	[tilespmem:$0x9880] =	vst v63  }
0xb3: {  	v17 =	vld [tilespmem:s3+$0x40];
	_ =	sdelay $0x4  }
0xb4: {  	v18 =	vshll.u32 v17, $0x2  }
0xb5: {  	v17 =	vand.u32 $0x7, v17;
	v18 =	vand.u32 $0xFFFFFFE0, v18  }
0xb6: {  	v17 =	vor.u32 v17, v18  }
0xb7: {  	v18 =	vperm.xlane v17, v2;
	_ =	sdelay $0x1  }
0xb8: {  	v19 =	vperm.xlane v17, v4;
	v18 =	vadd.s32 v3, v18;
	_ =	sdelay $0x1  }
0xb9: {  	v60 =	vperm.xlane v17, v1;
	v19 =	vadd.s32 v3, v19;
	_ =	sdelay $0x1  }
0xba: {  	s9 =	simm.s32 $0x3080;
	v61 =	vperm.xlane v17, v5;
	v20 =	vadd.s32 v3, v60  }
0xbb: {  	[tilespmem:s9], [sflag:$0x1] =	stream.indirect_vreg.gather [hbm4b:s5+s2], $0x80, v18, vm0, $0xb8;
	[tilespmem:$0x9880] =	vst v63  }
0xbc: {  	s14 =	simm.s32 $0x3100;
	v62 =	vperm.xlane v17, v6;
	v18 =	vadd.s32 v3, v61  }
0xbd: {  	[tilespmem:s14], [sflag:$0x1] =	stream.indirect_vreg.gather [hbm4b:s5+s2], $0x80, v19, vm0, $0xb8;
	[tilespmem:$0x9880] =	vst v63  }
0xbe: {  	s15 =	simm.s32 $0x3180;
	v63 =	vperm.xlane v17, v7;
	v19 =	vadd.s32 v3, v62  }
0xbf: {  	[tilespmem:s15], [sflag:$0x1] =	stream.indirect_vreg.gather [hbm4b:s5+s2], $0x80, v20, vm0, $0xb8;
	[tilespmem:$0x9880] =	vst v63  }
0xc0: {  	v25 =	vperm.xlane v17, v8;
	v24 =	vadd.s32 v3, v63;
	s9 =	simm.s32 $0x3200  }
0xc1: {  	[tilespmem:s9], [sflag:$0x1] =	stream.indirect_vreg.gather [hbm4b:s5+s2], $0x80, v18, vm0, $0xb8;
	[tilespmem:$0x9880] =	vst v63  }
0xc2: {  	v26 =	vperm.xlane v17, v0;
	s14 =	simm.s32 $0x3280;
	v18 =	vadd.s32 v3, v25  }
0xc3: {  	[tilespmem:s14], [sflag:$0x1] =	stream.indirect_vreg.gather [hbm4b:s5+s2], $0x80, v19, vm0, $0xb8;
	[tilespmem:$0x9880] =	vst v63  }
0xc4: {  	v27 =	vperm.xlane v17, v9;
	s15 =	simm.s32 $0x3300;
	v19 =	vadd.s32 v3, v26  }
0xc5: {  	[tilespmem:s15], [sflag:$0x1] =	stream.indirect_vreg.gather [hbm4b:s5+s2], $0x80, v24, vm0, $0xb8;
	[tilespmem:$0x9880] =	vst v63  }
0xc6: {  	v29 =	vperm.xlane v17, v10;
	v28 =	vadd.s32 v3, v27;
	s9 =	simm.s32 $0x3380  }
0xc7: {  	[tilespmem:s9], [sflag:$0x1] =	stream.indirect_vreg.gather [hbm4b:s5+s2], $0x80, v18, vm0, $0xb8;
	[tilespmem:$0x9880] =	vst v63  }
0xc8: {  	v30 =	vperm.xlane v17, v11;
	s14 =	simm.s32 $0x3400;
	v18 =	vadd.s32 v3, v29  }
0xc9: {  	[tilespmem:s14], [sflag:$0x1] =	stream.indirect_vreg.gather [hbm4b:s5+s2], $0x80, v19, vm0, $0xb8;
	[tilespmem:$0x9880] =	vst v63  }
0xca: {  	v31 =	vperm.xlane v17, v12;
	s15 =	simm.s32 $0x3480;
	v19 =	vadd.s32 v3, v30  }
0xcb: {  	[tilespmem:s15], [sflag:$0x1] =	stream.indirect_vreg.gather [hbm4b:s5+s2], $0x80, v28, vm0, $0xb8;
	[tilespmem:$0x9880] =	vst v63  }
0xcc: {  	v33 =	vperm.xlane v17, v13;
	v32 =	vadd.s32 v3, v31;
	s9 =	simm.s32 $0x3500  }
0xcd: {  	[tilespmem:s9], [sflag:$0x1] =	stream.indirect_vreg.gather [hbm4b:s5+s2], $0x80, v18, vm0, $0xb8;
	[tilespmem:$0x9880] =	vst v63  }
0xce: {  	v34 =	vperm.xlane v17, v14;
	s14 =	simm.s32 $0x3580;
	v18 =	vadd.s32 v3, v33  }
0xcf: {  	[tilespmem:s14], [sflag:$0x1] =	stream.indirect_vreg.gather [hbm4b:s5+s2], $0x80, v19, vm0, $0xb8;
	[tilespmem:$0x9880] =	vst v63  }
0xd0: {  	v35 =	vperm.xlane v17, v15;
	s15 =	simm.s32 $0x3600;
	v19 =	vadd.s32 v3, v34  }
0xd1: {  	[tilespmem:s15], [sflag:$0x1] =	stream.indirect_vreg.gather [hbm4b:s5+s2], $0x80, v32, vm0, $0xb8;
	[tilespmem:$0x9880] =	vst v63  }
0xd2: {  	v17 =	vperm.xlane v17, v16;
	v36 =	vadd.s32 v3, v35;
	s9 =	simm.s32 $0x3680  }
0xd3: {  	[tilespmem:s9], [sflag:$0x1] =	stream.indirect_vreg.gather [hbm4b:s5+s2], $0x80, v18, vm0, $0xb8;
	[tilespmem:$0x9880] =	vst v63  }
0xd4: {  	v17 =	vadd.s32 v3, v17;
	s14 =	simm.s32 $0x3700  }
0xd5: {  	[tilespmem:s14], [sflag:$0x1] =	stream.indirect_vreg.gather [hbm4b:s5+s2], $0x80, v19, vm0, $0xb8;
	[tilespmem:$0x9880] =	vst v63  }
0xd6: {  	s15 =	simm.s32 $0x3780  }
0xd7: {  	[tilespmem:s15], [sflag:$0x1] =	stream.indirect_vreg.gather [hbm4b:s5+s2], $0x80, v36, vm0, $0xb8;
	[tilespmem:$0x9880] =	vst v63  }
0xd8: {  	s9 =	simm.s32 $0x3800  }
0xd9: {  	[tilespmem:s9], [sflag:$0x1] =	stream.indirect_vreg.gather [hbm4b:s5+s2], $0x80, v17, vm0, $0xb8;
	[tilespmem:$0x9880] =	vst v63  }
0xda: {  	v17 =	vld [tilespmem:s3+$0x50];
	_ =	sdelay $0x4  }
0xdb: {  	v18 =	vshll.u32 v17, $0x2  }
0xdc: {  	v17 =	vand.u32 $0x7, v17;
	v18 =	vand.u32 $0xFFFFFFE0, v18  }
0xdd: {  	v17 =	vor.u32 v17, v18  }
0xde: {  	v18 =	vperm.xlane v17, v2;
	_ =	sdelay $0x1  }
0xdf: {  	v19 =	vperm.xlane v17, v4;
	v18 =	vadd.s32 v3, v18;
	_ =	sdelay $0x1  }
0xe0: {  	v37 =	vperm.xlane v17, v1;
	v19 =	vadd.s32 v3, v19;
	_ =	sdelay $0x1  }
0xe1: {  	s14 =	simm.s32 $0x3880;
	v38 =	vperm.xlane v17, v5;
	v20 =	vadd.s32 v3, v37  }
0xe2: {  	[tilespmem:s14], [sflag:$0x1] =	stream.indirect_vreg.gather [hbm4b:s5+s2], $0x80, v18, vm0, $0xb8;
	[tilespmem:$0x9880] =	vst v63  }
0xe3: {  	s15 =	simm.s32 $0x3900;
	v39 =	vperm.xlane v17, v6;
	v18 =	vadd.s32 v3, v38  }
0xe4: {  	[tilespmem:s15], [sflag:$0x1] =	stream.indirect_vreg.gather [hbm4b:s5+s2], $0x80, v19, vm0, $0xb8;
	[tilespmem:$0x9880] =	vst v63  }
0xe5: {  	s9 =	simm.s32 $0x3980;
	v40 =	vperm.xlane v17, v7;
	v19 =	vadd.s32 v3, v39  }
0xe6: {  	[tilespmem:s9], [sflag:$0x1] =	stream.indirect_vreg.gather [hbm4b:s5+s2], $0x80, v20, vm0, $0xb8;
	[tilespmem:$0x9880] =	vst v63  }
0xe7: {  	v42 =	vperm.xlane v17, v8;
	v41 =	vadd.s32 v3, v40;
	s14 =	simm.s32 $0x3A00  }
0xe8: {  	[tilespmem:s14], [sflag:$0x1] =	stream.indirect_vreg.gather [hbm4b:s5+s2], $0x80, v18, vm0, $0xb8;
	[tilespmem:$0x9880] =	vst v63  }
0xe9: {  	v43 =	vperm.xlane v17, v0;
	s15 =	simm.s32 $0x3A80;
	v18 =	vadd.s32 v3, v42  }
0xea: {  	[tilespmem:s15], [sflag:$0x1] =	stream.indirect_vreg.gather [hbm4b:s5+s2], $0x80, v19, vm0, $0xb8;
	[tilespmem:$0x9880] =	vst v63  }
0xeb: {  	v44 =	vperm.xlane v17, v9;
	s9 =	simm.s32 $0x3B00;
	v19 =	vadd.s32 v3, v43  }
0xec: {  	[tilespmem:s9], [sflag:$0x1] =	stream.indirect_vreg.gather [hbm4b:s5+s2], $0x80, v41, vm0, $0xb8;
	[tilespmem:$0x9880] =	vst v63  }
0xed: {  	v46 =	vperm.xlane v17, v10;
	v45 =	vadd.s32 v3, v44;
	s14 =	simm.s32 $0x3B80  }
0xee: {  	[tilespmem:s14], [sflag:$0x1] =	stream.indirect_vreg.gather [hbm4b:s5+s2], $0x80, v18, vm0, $0xb8;
	[tilespmem:$0x9880] =	vst v63  }
0xef: {  	v47 =	vperm.xlane v17, v11;
	s15 =	simm.s32 $0x3C00;
	v18 =	vadd.s32 v3, v46  }
0xf0: {  	[tilespmem:s15], [sflag:$0x1] =	stream.indirect_vreg.gather [hbm4b:s5+s2], $0x80, v19, vm0, $0xb8;
	[tilespmem:$0x9880] =	vst v63  }
0xf1: {  	v48 =	vperm.xlane v17, v12;
	s9 =	simm.s32 $0x3C80;
	v19 =	vadd.s32 v3, v47  }
0xf2: {  	[tilespmem:s9], [sflag:$0x1] =	stream.indirect_vreg.gather [hbm4b:s5+s2], $0x80, v45, vm0, $0xb8;
	[tilespmem:$0x9880] =	vst v63  }
0xf3: {  	v50 =	vperm.xlane v17, v13;
	v49 =	vadd.s32 v3, v48;
	s14 =	simm.s32 $0x3D00  }
0xf4: {  	[tilespmem:s14], [sflag:$0x1] =	stream.indirect_vreg.gather [hbm4b:s5+s2], $0x80, v18, vm0, $0xb8;
	[tilespmem:$0x9880] =	vst v63  }
0xf5: {  	v51 =	vperm.xlane v17, v14;
	s15 =	simm.s32 $0x3D80;
	v18 =	vadd.s32 v3, v50  }
0xf6: {  	[tilespmem:s15], [sflag:$0x1] =	stream.indirect_vreg.gather [hbm4b:s5+s2], $0x80, v19, vm0, $0xb8;
	[tilespmem:$0x9880] =	vst v63  }
0xf7: {  	v52 =	vperm.xlane v17, v15;
	s9 =	simm.s32 $0x3E00;
	v19 =	vadd.s32 v3, v51  }
0xf8: {  	[tilespmem:s9], [sflag:$0x1] =	stream.indirect_vreg.gather [hbm4b:s5+s2], $0x80, v49, vm0, $0xb8;
	[tilespmem:$0x9880] =	vst v63  }
0xf9: {  	v17 =	vperm.xlane v17, v16;
	v53 =	vadd.s32 v3, v52;
	s14 =	simm.s32 $0x3E80  }
0xfa: {  	[tilespmem:s14], [sflag:$0x1] =	stream.indirect_vreg.gather [hbm4b:s5+s2], $0x80, v18, vm0, $0xb8;
	[tilespmem:$0x9880] =	vst v63  }
0xfb: {  	v17 =	vadd.s32 v3, v17;
	s15 =	simm.s32 $0x3F00  }
0xfc: {  	[tilespmem:s15], [sflag:$0x1] =	stream.indirect_vreg.gather [hbm4b:s5+s2], $0x80, v19, vm0, $0xb8;
	[tilespmem:$0x9880] =	vst v63  }
0xfd: {  	s9 =	simm.s32 $0x3F80  }
0xfe: {  	[tilespmem:s9], [sflag:$0x1] =	stream.indirect_vreg.gather [hbm4b:s5+s2], $0x80, v53, vm0, $0xb8;
	[tilespmem:$0x9880] =	vst v63  }
0xff: {  	s14 =	simm.s32 $0x4000  }
0x100: {  	[tilespmem:s14], [sflag:$0x1] =	stream.indirect_vreg.gather [hbm4b:s5+s2], $0x80, v17, vm0, $0xb8;
	[tilespmem:$0x9880] =	vst v63  }
0x101: {  	v17 =	vld [tilespmem:s3+$0x60];
	_ =	sdelay $0x4  }
0x102: {  	v18 =	vshll.u32 v17, $0x2  }
0x103: {  	v17 =	vand.u32 $0x7, v17;
	v18 =	vand.u32 $0xFFFFFFE0, v18  }
0x104: {  	v17 =	vor.u32 v17, v18  }
0x105: {  	v18 =	vperm.xlane v17, v2;
	_ =	sdelay $0x1  }
0x106: {  	v19 =	vperm.xlane v17, v4;
	v18 =	vadd.s32 v3, v18;
	_ =	sdelay $0x1  }
0x107: {  	v54 =	vperm.xlane v17, v1;
	v19 =	vadd.s32 v3, v19;
	_ =	sdelay $0x1  }
0x108: {  	s15 =	simm.s32 $0x4080;
	v55 =	vperm.xlane v17, v5;
	v20 =	vadd.s32 v3, v54  }
0x109: {  	[tilespmem:s15], [sflag:$0x1] =	stream.indirect_vreg.gather [hbm4b:s5+s2], $0x80, v18, vm0, $0xb8;
	[tilespmem:$0x9880] =	vst v63  }
0x10a: {  	s9 =	simm.s32 $0x4100;
	v56 =	vperm.xlane v17, v6;
	v18 =	vadd.s32 v3, v55  }
0x10b: {  	[tilespmem:s9], [sflag:$0x1] =	stream.indirect_vreg.gather [hbm4b:s5+s2], $0x80, v19, vm0, $0xb8;
	[tilespmem:$0x9880] =	vst v63  }
0x10c: {  	s14 =	simm.s32 $0x4180;
	v57 =	vperm.xlane v17, v7;
	v19 =	vadd.s32 v3, v56  }
0x10d: {  	[tilespmem:s14], [sflag:$0x1] =	stream.indirect_vreg.gather [hbm4b:s5+s2], $0x80, v20, vm0, $0xb8;
	[tilespmem:$0x9880] =	vst v63  }
0x10e: {  	v59 =	vperm.xlane v17, v8;
	v58 =	vadd.s32 v3, v57;
	s15 =	simm.s32 $0x4200  }
0x10f: {  	[tilespmem:s15], [sflag:$0x1] =	stream.indirect_vreg.gather [hbm4b:s5+s2], $0x80, v18, vm0, $0xb8;
	[tilespmem:$0x9880] =	vst v63  }
0x110: {  	v60 =	vperm.xlane v17, v0;
	s9 =	simm.s32 $0x4280;
	v18 =	vadd.s32 v3, v59  }
0x111: {  	[tilespmem:s9], [sflag:$0x1] =	stream.indirect_vreg.gather [hbm4b:s5+s2], $0x80, v19, vm0, $0xb8;
	[tilespmem:$0x9880] =	vst v63  }
0x112: {  	v61 =	vperm.xlane v17, v9;
	s14 =	simm.s32 $0x4300;
	v19 =	vadd.s32 v3, v60  }
0x113: {  	[tilespmem:s14], [sflag:$0x1] =	stream.indirect_vreg.gather [hbm4b:s5+s2], $0x80, v58, vm0, $0xb8;
	[tilespmem:$0x9880] =	vst v63  }
0x114: {  	v63 =	vperm.xlane v17, v10;
	v62 =	vadd.s32 v3, v61;
	s15 =	simm.s32 $0x4380  }
0x115: {  	[tilespmem:s15], [sflag:$0x1] =	stream.indirect_vreg.gather [hbm4b:s5+s2], $0x80, v18, vm0, $0xb8;
	[tilespmem:$0x9880] =	vst v63  }
0x116: {  	v24 =	vperm.xlane v17, v11;
	s9 =	simm.s32 $0x4400;
	v18 =	vadd.s32 v3, v63  }
0x117: {  	[tilespmem:s9], [sflag:$0x1] =	stream.indirect_vreg.gather [hbm4b:s5+s2], $0x80, v19, vm0, $0xb8;
	[tilespmem:$0x9880] =	vst v63  }
0x118: {  	v25 =	vperm.xlane v17, v12;
	s14 =	simm.s32 $0x4480;
	v19 =	vadd.s32 v3, v24  }
0x119: {  	[tilespmem:s14], [sflag:$0x1] =	stream.indirect_vreg.gather [hbm4b:s5+s2], $0x80, v62, vm0, $0xb8;
	[tilespmem:$0x9880] =	vst v63  }
0x11a: {  	v27 =	vperm.xlane v17, v13;
	v26 =	vadd.s32 v3, v25;
	s15 =	simm.s32 $0x4500  }
0x11b: {  	[tilespmem:s15], [sflag:$0x1] =	stream.indirect_vreg.gather [hbm4b:s5+s2], $0x80, v18, vm0, $0xb8;
	[tilespmem:$0x9880] =	vst v63  }
0x11c: {  	v28 =	vperm.xlane v17, v14;
	s9 =	simm.s32 $0x4580;
	v18 =	vadd.s32 v3, v27  }
0x11d: {  	[tilespmem:s9], [sflag:$0x1] =	stream.indirect_vreg.gather [hbm4b:s5+s2], $0x80, v19, vm0, $0xb8;
	[tilespmem:$0x9880] =	vst v63  }
0x11e: {  	v29 =	vperm.xlane v17, v15;
	s14 =	simm.s32 $0x4600;
	v19 =	vadd.s32 v3, v28  }
0x11f: {  	[tilespmem:s14], [sflag:$0x1] =	stream.indirect_vreg.gather [hbm4b:s5+s2], $0x80, v26, vm0, $0xb8;
	[tilespmem:$0x9880] =	vst v63  }
0x120: {  	v17 =	vperm.xlane v17, v16;
	v30 =	vadd.s32 v3, v29;
	s15 =	simm.s32 $0x4680  }
0x121: {  	[tilespmem:s15], [sflag:$0x1] =	stream.indirect_vreg.gather [hbm4b:s5+s2], $0x80, v18, vm0, $0xb8;
	[tilespmem:$0x9880] =	vst v63  }
0x122: {  	v17 =	vadd.s32 v3, v17;
	s9 =	simm.s32 $0x4700  }
0x123: {  	[tilespmem:s9], [sflag:$0x1] =	stream.indirect_vreg.gather [hbm4b:s5+s2], $0x80, v19, vm0, $0xb8;
	[tilespmem:$0x9880] =	vst v63  }
0x124: {  	s14 =	simm.s32 $0x4780  }
0x125: {  	[tilespmem:s14], [sflag:$0x1] =	stream.indirect_vreg.gather [hbm4b:s5+s2], $0x80, v30, vm0, $0xb8;
	[tilespmem:$0x9880] =	vst v63  }
0x126: {  	s15 =	simm.s32 $0x4800  }
0x127: {  	[tilespmem:s15], [sflag:$0x1] =	stream.indirect_vreg.gather [hbm4b:s5+s2], $0x80, v17, vm0, $0xb8;
	[tilespmem:$0x9880] =	vst v63  }
0x128: {  	v17 =	vld [tilespmem:s3+$0x70];
	_ =	sdelay $0x4  }
0x129: {  	v18 =	vshll.u32 v17, $0x2  }
0x12a: {  	v17 =	vand.u32 $0x7, v17;
	v18 =	vand.u32 $0xFFFFFFE0, v18  }
0x12b: {  	v17 =	vor.u32 v17, v18  }
0x12c: {  	v18 =	vperm.xlane v17, v2;
	_ =	sdelay $0x1  }
0x12d: {  	v19 =	vperm.xlane v17, v4;
	v18 =	vadd.s32 v3, v18;
	_ =	sdelay $0x1  }
0x12e: {  	v31 =	vperm.xlane v17, v1;
	v19 =	vadd.s32 v3, v19;
	_ =	sdelay $0x1  }
0x12f: {  	s9 =	simm.s32 $0x4880;
	v32 =	vperm.xlane v17, v5;
	v20 =	vadd.s32 v3, v31  }
0x130: {  	[tilespmem:s9], [sflag:$0x1] =	stream.indirect_vreg.gather [hbm4b:s5+s2], $0x80, v18, vm0, $0xb8;
	[tilespmem:$0x9880] =	vst v63  }
0x131: {  	s14 =	simm.s32 $0x4900;
	v33 =	vperm.xlane v17, v6;
	v18 =	vadd.s32 v3, v32  }
0x132: {  	[tilespmem:s14], [sflag:$0x1] =	stream.indirect_vreg.gather [hbm4b:s5+s2], $0x80, v19, vm0, $0xb8;
	[tilespmem:$0x9880] =	vst v63  }
0x133: {  	s15 =	simm.s32 $0x4980;
	v34 =	vperm.xlane v17, v7;
	v19 =	vadd.s32 v3, v33  }
0x134: {  	[tilespmem:s15], [sflag:$0x1] =	stream.indirect_vreg.gather [hbm4b:s5+s2], $0x80, v20, vm0, $0xb8;
	[tilespmem:$0x9880] =	vst v63  }
0x135: {  	v36 =	vperm.xlane v17, v8;
	v35 =	vadd.s32 v3, v34;
	s9 =	simm.s32 $0x4A00  }
0x136: {  	[tilespmem:s9], [sflag:$0x1] =	stream.indirect_vreg.gather [hbm4b:s5+s2], $0x80, v18, vm0, $0xb8;
	[tilespmem:$0x9880] =	vst v63  }
0x137: {  	v37 =	vperm.xlane v17, v0;
	s14 =	simm.s32 $0x4A80;
	v18 =	vadd.s32 v3, v36  }
0x138: {  	[tilespmem:s14], [sflag:$0x1] =	stream.indirect_vreg.gather [hbm4b:s5+s2], $0x80, v19, vm0, $0xb8;
	[tilespmem:$0x9880] =	vst v63  }
0x139: {  	v38 =	vperm.xlane v17, v9;
	s15 =	simm.s32 $0x4B00;
	v19 =	vadd.s32 v3, v37  }
0x13a: {  	[tilespmem:s15], [sflag:$0x1] =	stream.indirect_vreg.gather [hbm4b:s5+s2], $0x80, v35, vm0, $0xb8;
	[tilespmem:$0x9880] =	vst v63  }
0x13b: {  	v40 =	vperm.xlane v17, v10;
	v39 =	vadd.s32 v3, v38;
	s9 =	simm.s32 $0x4B80  }
0x13c: {  	[tilespmem:s9], [sflag:$0x1] =	stream.indirect_vreg.gather [hbm4b:s5+s2], $0x80, v18, vm0, $0xb8;
	[tilespmem:$0x9880] =	vst v63  }
0x13d: {  	v41 =	vperm.xlane v17, v11;
	s14 =	simm.s32 $0x4C00;
	v18 =	vadd.s32 v3, v40  }
0x13e: {  	[tilespmem:s14], [sflag:$0x1] =	stream.indirect_vreg.gather [hbm4b:s5+s2], $0x80, v19, vm0, $0xb8;
	[tilespmem:$0x9880] =	vst v63  }
0x13f: {  	v42 =	vperm.xlane v17, v12;
	s15 =	simm.s32 $0x4C80;
	v19 =	vadd.s32 v3, v41  }
0x140: {  	[tilespmem:s15], [sflag:$0x1] =	stream.indirect_vreg.gather [hbm4b:s5+s2], $0x80, v39, vm0, $0xb8;
	[tilespmem:$0x9880] =	vst v63  }
0x141: {  	v44 =	vperm.xlane v17, v13;
	v43 =	vadd.s32 v3, v42;
	s9 =	simm.s32 $0x4D00  }
0x142: {  	[tilespmem:s9], [sflag:$0x1] =	stream.indirect_vreg.gather [hbm4b:s5+s2], $0x80, v18, vm0, $0xb8;
	[tilespmem:$0x9880] =	vst v63  }
0x143: {  	v45 =	vperm.xlane v17, v14;
	s14 =	simm.s32 $0x4D80;
	v18 =	vadd.s32 v3, v44  }
0x144: {  	[tilespmem:s14], [sflag:$0x1] =	stream.indirect_vreg.gather [hbm4b:s5+s2], $0x80, v19, vm0, $0xb8;
	[tilespmem:$0x9880] =	vst v63  }
0x145: {  	v46 =	vperm.xlane v17, v15;
	s15 =	simm.s32 $0x4E00;
	v19 =	vadd.s32 v3, v45  }
0x146: {  	[tilespmem:s15], [sflag:$0x1] =	stream.indirect_vreg.gather [hbm4b:s5+s2], $0x80, v43, vm0, $0xb8;
	[tilespmem:$0x9880] =	vst v63  }
0x147: {  	v17 =	vperm.xlane v17, v16;
	v47 =	vadd.s32 v3, v46;
	s9 =	simm.s32 $0x4E80  }
0x148: {  	[tilespmem:s9], [sflag:$0x1] =	stream.indirect_vreg.gather [hbm4b:s5+s2], $0x80, v18, vm0, $0xb8;
	[tilespmem:$0x9880] =	vst v63  }
0x149: {  	v17 =	vadd.s32 v3, v17;
	s14 =	simm.s32 $0x4F00  }
0x14a: {  	[tilespmem:s14], [sflag:$0x1] =	stream.indirect_vreg.gather [hbm4b:s5+s2], $0x80, v19, vm0, $0xb8;
	[tilespmem:$0x9880] =	vst v63  }
0x14b: {  	s15 =	simm.s32 $0x4F80  }
0x14c: {  	[tilespmem:s15], [sflag:$0x1] =	stream.indirect_vreg.gather [hbm4b:s5+s2], $0x80, v47, vm0, $0xb8;
	[tilespmem:$0x9880] =	vst v63  }
0x14d: {  	s9 =	simm.s32 $0x5000  }
0x14e: {  	[tilespmem:s9], [sflag:$0x1] =	stream.indirect_vreg.gather [hbm4b:s5+s2], $0x80, v17, vm0, $0xb8;
	[tilespmem:$0x9880] =	vst v63  }
0x14f: {  	v17 =	vld [tilespmem:s3+$0x80];
	_ =	sdelay $0x4  }
0x150: {  	v18 =	vshll.u32 v17, $0x2  }
0x151: {  	v17 =	vand.u32 $0x7, v17;
	v18 =	vand.u32 $0xFFFFFFE0, v18  }
0x152: {  	v17 =	vor.u32 v17, v18  }
0x153: {  	v18 =	vperm.xlane v17, v2;
	_ =	sdelay $0x1  }
0x154: {  	v19 =	vperm.xlane v17, v4;
	v18 =	vadd.s32 v3, v18;
	_ =	sdelay $0x1  }
0x155: {  	v48 =	vperm.xlane v17, v1;
	v19 =	vadd.s32 v3, v19;
	_ =	sdelay $0x1  }
0x156: {  	s14 =	simm.s32 $0x5080;
	v49 =	vperm.xlane v17, v5;
	v20 =	vadd.s32 v3, v48  }
0x157: {  	[tilespmem:s14], [sflag:$0x2] =	stream.indirect_vreg.gather [hbm4b:s5+s2], $0x80, v18, vm0, $0xb8;
	[tilespmem:$0x9880] =	vst v63  }
0x158: {  	s15 =	simm.s32 $0x5100;
	v50 =	vperm.xlane v17, v6;
	v18 =	vadd.s32 v3, v49  }
0x159: {  	[tilespmem:s15], [sflag:$0x2] =	stream.indirect_vreg.gather [hbm4b:s5+s2], $0x80, v19, vm0, $0xb8;
	[tilespmem:$0x9880] =	vst v63  }
0x15a: {  	s9 =	simm.s32 $0x5180;
	v51 =	vperm.xlane v17, v7;
	v19 =	vadd.s32 v3, v50  }
0x15b: {  	[tilespmem:s9], [sflag:$0x2] =	stream.indirect_vreg.gather [hbm4b:s5+s2], $0x80, v20, vm0, $0xb8;
	[tilespmem:$0x9880] =	vst v63  }
0x15c: {  	v53 =	vperm.xlane v17, v8;
	v52 =	vadd.s32 v3, v51;
	s14 =	simm.s32 $0x5200  }
0x15d: {  	[tilespmem:s14], [sflag:$0x2] =	stream.indirect_vreg.gather [hbm4b:s5+s2], $0x80, v18, vm0, $0xb8;
	[tilespmem:$0x9880] =	vst v63  }
0x15e: {  	v54 =	vperm.xlane v17, v0;
	s15 =	simm.s32 $0x5280;
	v18 =	vadd.s32 v3, v53  }
0x15f: {  	[tilespmem:s15], [sflag:$0x2] =	stream.indirect_vreg.gather [hbm4b:s5+s2], $0x80, v19, vm0, $0xb8;
	[tilespmem:$0x9880] =	vst v63  }
0x160: {  	v55 =	vperm.xlane v17, v9;
	s9 =	simm.s32 $0x5300;
	v19 =	vadd.s32 v3, v54  }
0x161: {  	[tilespmem:s9], [sflag:$0x2] =	stream.indirect_vreg.gather [hbm4b:s5+s2], $0x80, v52, vm0, $0xb8;
	[tilespmem:$0x9880] =	vst v63  }
0x162: {  	v57 =	vperm.xlane v17, v10;
	v56 =	vadd.s32 v3, v55;
	s14 =	simm.s32 $0x5380  }
0x163: {  	[tilespmem:s14], [sflag:$0x2] =	stream.indirect_vreg.gather [hbm4b:s5+s2], $0x80, v18, vm0, $0xb8;
	[tilespmem:$0x9880] =	vst v63  }
0x164: {  	v58 =	vperm.xlane v17, v11;
	s15 =	simm.s32 $0x5400;
	v18 =	vadd.s32 v3, v57  }
0x165: {  	[tilespmem:s15], [sflag:$0x2] =	stream.indirect_vreg.gather [hbm4b:s5+s2], $0x80, v19, vm0, $0xb8;
	[tilespmem:$0x9880] =	vst v63  }
0x166: {  	v59 =	vperm.xlane v17, v12;
	s9 =	simm.s32 $0x5480;
	v19 =	vadd.s32 v3, v58  }
0x167: {  	[tilespmem:s9], [sflag:$0x2] =	stream.indirect_vreg.gather [hbm4b:s5+s2], $0x80, v56, vm0, $0xb8;
	[tilespmem:$0x9880] =	vst v63  }
0x168: {  	v61 =	vperm.xlane v17, v13;
	v60 =	vadd.s32 v3, v59;
	s14 =	simm.s32 $0x5500  }
0x169: {  	[tilespmem:s14], [sflag:$0x2] =	stream.indirect_vreg.gather [hbm4b:s5+s2], $0x80, v18, vm0, $0xb8;
	[tilespmem:$0x9880] =	vst v63  }
0x16a: {  	v62 =	vperm.xlane v17, v14;
	s15 =	simm.s32 $0x5580;
	v18 =	vadd.s32 v3, v61  }
0x16b: {  	[tilespmem:s15], [sflag:$0x2] =	stream.indirect_vreg.gather [hbm4b:s5+s2], $0x80, v19, vm0, $0xb8;
	[tilespmem:$0x9880] =	vst v63  }
0x16c: {  	v63 =	vperm.xlane v17, v15;
	s9 =	simm.s32 $0x5600;
	v19 =	vadd.s32 v3, v62  }
0x16d: {  	[tilespmem:s9], [sflag:$0x2] =	stream.indirect_vreg.gather [hbm4b:s5+s2], $0x80, v60, vm0, $0xb8;
	[tilespmem:$0x9880] =	vst v63  }
0x16e: {  	v17 =	vperm.xlane v17, v16;
	v24 =	vadd.s32 v3, v63;
	s14 =	simm.s32 $0x5680  }
0x16f: {  	[tilespmem:s14], [sflag:$0x2] =	stream.indirect_vreg.gather [hbm4b:s5+s2], $0x80, v18, vm0, $0xb8;
	[tilespmem:$0x9880] =	vst v63  }
0x170: {  	v17 =	vadd.s32 v3, v17;
	s15 =	simm.s32 $0x5700  }
0x171: {  	[tilespmem:s15], [sflag:$0x2] =	stream.indirect_vreg.gather [hbm4b:s5+s2], $0x80, v19, vm0, $0xb8;
	[tilespmem:$0x9880] =	vst v63  }
0x172: {  	s9 =	simm.s32 $0x5780  }
0x173: {  	[tilespmem:s9], [sflag:$0x2] =	stream.indirect_vreg.gather [hbm4b:s5+s2], $0x80, v24, vm0, $0xb8;
	[tilespmem:$0x9880] =	vst v63  }
0x174: {  	s14 =	simm.s32 $0x5800  }
0x175: {  	[tilespmem:s14], [sflag:$0x2] =	stream.indirect_vreg.gather [hbm4b:s5+s2], $0x80, v17, vm0, $0xb8;
	[tilespmem:$0x9880] =	vst v63  }
0x176: {  	v17 =	vld [tilespmem:s3+$0x90];
	_ =	sdelay $0x4  }
0x177: {  	v18 =	vshll.u32 v17, $0x2  }
0x178: {  	v17 =	vand.u32 $0x7, v17;
	v18 =	vand.u32 $0xFFFFFFE0, v18  }
0x179: {  	v17 =	vor.u32 v17, v18  }
0x17a: {  	v18 =	vperm.xlane v17, v2;
	_ =	sdelay $0x1  }
0x17b: {  	v19 =	vperm.xlane v17, v4;
	v18 =	vadd.s32 v3, v18;
	_ =	sdelay $0x1  }
0x17c: {  	v25 =	vperm.xlane v17, v1;
	v19 =	vadd.s32 v3, v19;
	_ =	sdelay $0x1  }
0x17d: {  	s15 =	simm.s32 $0x5880;
	v26 =	vperm.xlane v17, v5;
	v20 =	vadd.s32 v3, v25  }
0x17e: {  	[tilespmem:s15], [sflag:$0x2] =	stream.indirect_vreg.gather [hbm4b:s5+s2], $0x80, v18, vm0, $0xb8;
	[tilespmem:$0x9880] =	vst v63  }
0x17f: {  	s9 =	simm.s32 $0x5900;
	v27 =	vperm.xlane v17, v6;
	v18 =	vadd.s32 v3, v26  }
0x180: {  	[tilespmem:s9], [sflag:$0x2] =	stream.indirect_vreg.gather [hbm4b:s5+s2], $0x80, v19, vm0, $0xb8;
	[tilespmem:$0x9880] =	vst v63  }
0x181: {  	s14 =	simm.s32 $0x5980;
	v28 =	vperm.xlane v17, v7;
	v19 =	vadd.s32 v3, v27  }
0x182: {  	[tilespmem:s14], [sflag:$0x2] =	stream.indirect_vreg.gather [hbm4b:s5+s2], $0x80, v20, vm0, $0xb8;
	[tilespmem:$0x9880] =	vst v63  }
0x183: {  	v30 =	vperm.xlane v17, v8;
	v29 =	vadd.s32 v3, v28;
	s15 =	simm.s32 $0x5A00  }
0x184: {  	[tilespmem:s15], [sflag:$0x2] =	stream.indirect_vreg.gather [hbm4b:s5+s2], $0x80, v18, vm0, $0xb8;
	[tilespmem:$0x9880] =	vst v63  }
0x185: {  	v31 =	vperm.xlane v17, v0;
	s9 =	simm.s32 $0x5A80;
	v18 =	vadd.s32 v3, v30  }
0x186: {  	[tilespmem:s9], [sflag:$0x2] =	stream.indirect_vreg.gather [hbm4b:s5+s2], $0x80, v19, vm0, $0xb8;
	[tilespmem:$0x9880] =	vst v63  }
0x187: {  	v32 =	vperm.xlane v17, v9;
	s14 =	simm.s32 $0x5B00;
	v19 =	vadd.s32 v3, v31  }
0x188: {  	[tilespmem:s14], [sflag:$0x2] =	stream.indirect_vreg.gather [hbm4b:s5+s2], $0x80, v29, vm0, $0xb8;
	[tilespmem:$0x9880] =	vst v63  }
0x189: {  	v34 =	vperm.xlane v17, v10;
	v33 =	vadd.s32 v3, v32;
	s15 =	simm.s32 $0x5B80  }
0x18a: {  	[tilespmem:s15], [sflag:$0x2] =	stream.indirect_vreg.gather [hbm4b:s5+s2], $0x80, v18, vm0, $0xb8;
	[tilespmem:$0x9880] =	vst v63  }
0x18b: {  	v35 =	vperm.xlane v17, v11;
	s9 =	simm.s32 $0x5C00;
	v18 =	vadd.s32 v3, v34  }
0x18c: {  	[tilespmem:s9], [sflag:$0x2] =	stream.indirect_vreg.gather [hbm4b:s5+s2], $0x80, v19, vm0, $0xb8;
	[tilespmem:$0x9880] =	vst v63  }
0x18d: {  	v36 =	vperm.xlane v17, v12;
	s14 =	simm.s32 $0x5C80;
	v19 =	vadd.s32 v3, v35  }
0x18e: {  	[tilespmem:s14], [sflag:$0x2] =	stream.indirect_vreg.gather [hbm4b:s5+s2], $0x80, v33, vm0, $0xb8;
	[tilespmem:$0x9880] =	vst v63  }
0x18f: {  	v38 =	vperm.xlane v17, v13;
	v37 =	vadd.s32 v3, v36;
	s15 =	simm.s32 $0x5D00  }
0x190: {  	[tilespmem:s15], [sflag:$0x2] =	stream.indirect_vreg.gather [hbm4b:s5+s2], $0x80, v18, vm0, $0xb8;
	[tilespmem:$0x9880] =	vst v63  }
0x191: {  	v39 =	vperm.xlane v17, v14;
	s9 =	simm.s32 $0x5D80;
	v18 =	vadd.s32 v3, v38  }
0x192: {  	[tilespmem:s9], [sflag:$0x2] =	stream.indirect_vreg.gather [hbm4b:s5+s2], $0x80, v19, vm0, $0xb8;
	[tilespmem:$0x9880] =	vst v63  }
0x193: {  	v40 =	vperm.xlane v17, v15;
	s14 =	simm.s32 $0x5E00;
	v19 =	vadd.s32 v3, v39  }
0x194: {  	[tilespmem:s14], [sflag:$0x2] =	stream.indirect_vreg.gather [hbm4b:s5+s2], $0x80, v37, vm0, $0xb8;
	[tilespmem:$0x9880] =	vst v63  }
0x195: {  	v17 =	vperm.xlane v17, v16;
	v41 =	vadd.s32 v3, v40;
	s15 =	simm.s32 $0x5E80  }
0x196: {  	[tilespmem:s15], [sflag:$0x2] =	stream.indirect_vreg.gather [hbm4b:s5+s2], $0x80, v18, vm0, $0xb8;
	[tilespmem:$0x9880] =	vst v63  }
0x197: {  	v17 =	vadd.s32 v3, v17;
	s9 =	simm.s32 $0x5F00  }
0x198: {  	[tilespmem:s9], [sflag:$0x2] =	stream.indirect_vreg.gather [hbm4b:s5+s2], $0x80, v19, vm0, $0xb8;
	[tilespmem:$0x9880] =	vst v63  }
0x199: {  	s14 =	simm.s32 $0x5F80  }
0x19a: {  	[tilespmem:s14], [sflag:$0x2] =	stream.indirect_vreg.gather [hbm4b:s5+s2], $0x80, v41, vm0, $0xb8;
	[tilespmem:$0x9880] =	vst v63  }
0x19b: {  	s15 =	simm.s32 $0x6000  }
0x19c: {  	[tilespmem:s15], [sflag:$0x2] =	stream.indirect_vreg.gather [hbm4b:s5+s2], $0x80, v17, vm0, $0xb8;
	[tilespmem:$0x9880] =	vst v63  }
0x19d: {  	v17 =	vld [tilespmem:s3+$0xA0];
	_ =	sdelay $0x4  }
0x19e: {  	v18 =	vshll.u32 v17, $0x2  }
0x19f: {  	v17 =	vand.u32 $0x7, v17;
	v18 =	vand.u32 $0xFFFFFFE0, v18  }
0x1a0: {  	v17 =	vor.u32 v17, v18  }
0x1a1: {  	v18 =	vperm.xlane v17, v2;
	_ =	sdelay $0x1  }
0x1a2: {  	v19 =	vperm.xlane v17, v4;
	v18 =	vadd.s32 v3, v18;
	_ =	sdelay $0x1  }
0x1a3: {  	v42 =	vperm.xlane v17, v1;
	v19 =	vadd.s32 v3, v19;
	_ =	sdelay $0x1  }
0x1a4: {  	s9 =	simm.s32 $0x6080;
	v43 =	vperm.xlane v17, v5;
	v20 =	vadd.s32 v3, v42  }
0x1a5: {  	[tilespmem:s9], [sflag:$0x2] =	stream.indirect_vreg.gather [hbm4b:s5+s2], $0x80, v18, vm0, $0xb8;
	[tilespmem:$0x9880] =	vst v63  }
0x1a6: {  	s14 =	simm.s32 $0x6100;
	v44 =	vperm.xlane v17, v6;
	v18 =	vadd.s32 v3, v43  }
0x1a7: {  	[tilespmem:s14], [sflag:$0x2] =	stream.indirect_vreg.gather [hbm4b:s5+s2], $0x80, v19, vm0, $0xb8;
	[tilespmem:$0x9880] =	vst v63  }
0x1a8: {  	s15 =	simm.s32 $0x6180;
	v45 =	vperm.xlane v17, v7;
	v19 =	vadd.s32 v3, v44  }
0x1a9: {  	[tilespmem:s15], [sflag:$0x2] =	stream.indirect_vreg.gather [hbm4b:s5+s2], $0x80, v20, vm0, $0xb8;
	[tilespmem:$0x9880] =	vst v63  }
0x1aa: {  	v47 =	vperm.xlane v17, v8;
	v46 =	vadd.s32 v3, v45;
	s9 =	simm.s32 $0x6200  }
0x1ab: {  	[tilespmem:s9], [sflag:$0x2] =	stream.indirect_vreg.gather [hbm4b:s5+s2], $0x80, v18, vm0, $0xb8;
	[tilespmem:$0x9880] =	vst v63  }
0x1ac: {  	v48 =	vperm.xlane v17, v0;
	s14 =	simm.s32 $0x6280;
	v18 =	vadd.s32 v3, v47  }
0x1ad: {  	[tilespmem:s14], [sflag:$0x2] =	stream.indirect_vreg.gather [hbm4b:s5+s2], $0x80, v19, vm0, $0xb8;
	[tilespmem:$0x9880] =	vst v63  }
0x1ae: {  	v49 =	vperm.xlane v17, v9;
	s15 =	simm.s32 $0x6300;
	v19 =	vadd.s32 v3, v48  }
0x1af: {  	[tilespmem:s15], [sflag:$0x2] =	stream.indirect_vreg.gather [hbm4b:s5+s2], $0x80, v46, vm0, $0xb8;
	[tilespmem:$0x9880] =	vst v63  }
0x1b0: {  	v51 =	vperm.xlane v17, v10;
	v50 =	vadd.s32 v3, v49;
	s9 =	simm.s32 $0x6380  }
0x1b1: {  	[tilespmem:s9], [sflag:$0x2] =	stream.indirect_vreg.gather [hbm4b:s5+s2], $0x80, v18, vm0, $0xb8;
	[tilespmem:$0x9880] =	vst v63  }
0x1b2: {  	v52 =	vperm.xlane v17, v11;
	s14 =	simm.s32 $0x6400;
	v18 =	vadd.s32 v3, v51  }
0x1b3: {  	[tilespmem:s14], [sflag:$0x2] =	stream.indirect_vreg.gather [hbm4b:s5+s2], $0x80, v19, vm0, $0xb8;
	[tilespmem:$0x9880] =	vst v63  }
0x1b4: {  	v53 =	vperm.xlane v17, v12;
	s15 =	simm.s32 $0x6480;
	v19 =	vadd.s32 v3, v52  }
0x1b5: {  	[tilespmem:s15], [sflag:$0x2] =	stream.indirect_vreg.gather [hbm4b:s5+s2], $0x80, v50, vm0, $0xb8;
	[tilespmem:$0x9880] =	vst v63  }
0x1b6: {  	v55 =	vperm.xlane v17, v13;
	v54 =	vadd.s32 v3, v53;
	s9 =	simm.s32 $0x6500  }
0x1b7: {  	[tilespmem:s9], [sflag:$0x2] =	stream.indirect_vreg.gather [hbm4b:s5+s2], $0x80, v18, vm0, $0xb8;
	[tilespmem:$0x9880] =	vst v63  }
0x1b8: {  	v56 =	vperm.xlane v17, v14;
	s14 =	simm.s32 $0x6580;
	v18 =	vadd.s32 v3, v55  }
0x1b9: {  	[tilespmem:s14], [sflag:$0x2] =	stream.indirect_vreg.gather [hbm4b:s5+s2], $0x80, v19, vm0, $0xb8;
	[tilespmem:$0x9880] =	vst v63  }
0x1ba: {  	v57 =	vperm.xlane v17, v15;
	s15 =	simm.s32 $0x6600;
	v19 =	vadd.s32 v3, v56  }
0x1bb: {  	[tilespmem:s15], [sflag:$0x2] =	stream.indirect_vreg.gather [hbm4b:s5+s2], $0x80, v54, vm0, $0xb8;
	[tilespmem:$0x9880] =	vst v63  }
0x1bc: {  	v17 =	vperm.xlane v17, v16;
	v58 =	vadd.s32 v3, v57;
	s9 =	simm.s32 $0x6680  }
0x1bd: {  	[tilespmem:s9], [sflag:$0x2] =	stream.indirect_vreg.gather [hbm4b:s5+s2], $0x80, v18, vm0, $0xb8;
	[tilespmem:$0x9880] =	vst v63  }
0x1be: {  	v17 =	vadd.s32 v3, v17;
	s14 =	simm.s32 $0x6700  }
0x1bf: {  	[tilespmem:s14], [sflag:$0x2] =	stream.indirect_vreg.gather [hbm4b:s5+s2], $0x80, v19, vm0, $0xb8;
	[tilespmem:$0x9880] =	vst v63  }
0x1c0: {  	s15 =	simm.s32 $0x6780  }
0x1c1: {  	[tilespmem:s15], [sflag:$0x2] =	stream.indirect_vreg.gather [hbm4b:s5+s2], $0x80, v58, vm0, $0xb8;
	[tilespmem:$0x9880] =	vst v63  }
0x1c2: {  	s9 =	simm.s32 $0x6800  }
0x1c3: {  	[tilespmem:s9], [sflag:$0x2] =	stream.indirect_vreg.gather [hbm4b:s5+s2], $0x80, v17, vm0, $0xb8;
	[tilespmem:$0x9880] =	vst v63  }
0x1c4: {  	v17 =	vld [tilespmem:s3+$0xB0];
	_ =	sdelay $0x4  }
0x1c5: {  	v18 =	vshll.u32 v17, $0x2  }
0x1c6: {  	v17 =	vand.u32 $0x7, v17;
	v18 =	vand.u32 $0xFFFFFFE0, v18  }
0x1c7: {  	v17 =	vor.u32 v17, v18  }
0x1c8: {  	v18 =	vperm.xlane v17, v2;
	_ =	sdelay $0x1  }
0x1c9: {  	v19 =	vperm.xlane v17, v4;
	v18 =	vadd.s32 v3, v18;
	_ =	sdelay $0x1  }
0x1ca: {  	v59 =	vperm.xlane v17, v1;
	v19 =	vadd.s32 v3, v19;
	_ =	sdelay $0x1  }
0x1cb: {  	s14 =	simm.s32 $0x6880;
	v60 =	vperm.xlane v17, v5;
	v20 =	vadd.s32 v3, v59  }
0x1cc: {  	[tilespmem:s14], [sflag:$0x2] =	stream.indirect_vreg.gather [hbm4b:s5+s2], $0x80, v18, vm0, $0xb8;
	[tilespmem:$0x9880] =	vst v63  }
0x1cd: {  	s15 =	simm.s32 $0x6900;
	v61 =	vperm.xlane v17, v6;
	v18 =	vadd.s32 v3, v60  }
0x1ce: {  	[tilespmem:s15], [sflag:$0x2] =	stream.indirect_vreg.gather [hbm4b:s5+s2], $0x80, v19, vm0, $0xb8;
	[tilespmem:$0x9880] =	vst v63  }
0x1cf: {  	s9 =	simm.s32 $0x6980;
	v62 =	vperm.xlane v17, v7;
	v19 =	vadd.s32 v3, v61  }
0x1d0: {  	[tilespmem:s9], [sflag:$0x2] =	stream.indirect_vreg.gather [hbm4b:s5+s2], $0x80, v20, vm0, $0xb8;
	[tilespmem:$0x9880] =	vst v63  }
0x1d1: {  	v24 =	vperm.xlane v17, v8;
	v63 =	vadd.s32 v3, v62;
	s14 =	simm.s32 $0x6A00  }
0x1d2: {  	[tilespmem:s14], [sflag:$0x2] =	stream.indirect_vreg.gather [hbm4b:s5+s2], $0x80, v18, vm0, $0xb8;
	[tilespmem:$0x9880] =	vst v63  }
0x1d3: {  	v25 =	vperm.xlane v17, v0;
	s15 =	simm.s32 $0x6A80;
	v18 =	vadd.s32 v3, v24  }
0x1d4: {  	[tilespmem:s15], [sflag:$0x2] =	stream.indirect_vreg.gather [hbm4b:s5+s2], $0x80, v19, vm0, $0xb8;
	[tilespmem:$0x9880] =	vst v63  }
0x1d5: {  	v26 =	vperm.xlane v17, v9;
	s9 =	simm.s32 $0x6B00;
	v19 =	vadd.s32 v3, v25  }
0x1d6: {  	[tilespmem:s9], [sflag:$0x2] =	stream.indirect_vreg.gather [hbm4b:s5+s2], $0x80, v63, vm0, $0xb8;
	[tilespmem:$0x9880] =	vst v63  }
0x1d7: {  	v28 =	vperm.xlane v17, v10;
	v27 =	vadd.s32 v3, v26;
	s14 =	simm.s32 $0x6B80  }
0x1d8: {  	[tilespmem:s14], [sflag:$0x2] =	stream.indirect_vreg.gather [hbm4b:s5+s2], $0x80, v18, vm0, $0xb8;
	[tilespmem:$0x9880] =	vst v63  }
0x1d9: {  	v29 =	vperm.xlane v17, v11;
	s15 =	simm.s32 $0x6C00;
	v18 =	vadd.s32 v3, v28  }
0x1da: {  	[tilespmem:s15], [sflag:$0x2] =	stream.indirect_vreg.gather [hbm4b:s5+s2], $0x80, v19, vm0, $0xb8;
	[tilespmem:$0x9880] =	vst v63  }
0x1db: {  	v30 =	vperm.xlane v17, v12;
	s9 =	simm.s32 $0x6C80;
	v19 =	vadd.s32 v3, v29  }
0x1dc: {  	[tilespmem:s9], [sflag:$0x2] =	stream.indirect_vreg.gather [hbm4b:s5+s2], $0x80, v27, vm0, $0xb8;
	[tilespmem:$0x9880] =	vst v63  }
0x1dd: {  	v32 =	vperm.xlane v17, v13;
	v31 =	vadd.s32 v3, v30;
	s14 =	simm.s32 $0x6D00  }
0x1de: {  	[tilespmem:s14], [sflag:$0x2] =	stream.indirect_vreg.gather [hbm4b:s5+s2], $0x80, v18, vm0, $0xb8;
	[tilespmem:$0x9880] =	vst v63  }
0x1df: {  	v33 =	vperm.xlane v17, v14;
	s15 =	simm.s32 $0x6D80;
	v18 =	vadd.s32 v3, v32  }
0x1e0: {  	[tilespmem:s15], [sflag:$0x2] =	stream.indirect_vreg.gather [hbm4b:s5+s2], $0x80, v19, vm0, $0xb8;
	[tilespmem:$0x9880] =	vst v63  }
0x1e1: {  	v34 =	vperm.xlane v17, v15;
	s9 =	simm.s32 $0x6E00;
	v19 =	vadd.s32 v3, v33  }
0x1e2: {  	[tilespmem:s9], [sflag:$0x2] =	stream.indirect_vreg.gather [hbm4b:s5+s2], $0x80, v31, vm0, $0xb8;
	[tilespmem:$0x9880] =	vst v63  }
0x1e3: {  	v17 =	vperm.xlane v17, v16;
	v35 =	vadd.s32 v3, v34;
	s14 =	simm.s32 $0x6E80  }
0x1e4: {  	[tilespmem:s14], [sflag:$0x2] =	stream.indirect_vreg.gather [hbm4b:s5+s2], $0x80, v18, vm0, $0xb8;
	[tilespmem:$0x9880] =	vst v63  }
0x1e5: {  	v17 =	vadd.s32 v3, v17;
	s15 =	simm.s32 $0x6F00  }
0x1e6: {  	[tilespmem:s15], [sflag:$0x2] =	stream.indirect_vreg.gather [hbm4b:s5+s2], $0x80, v19, vm0, $0xb8;
	[tilespmem:$0x9880] =	vst v63  }
0x1e7: {  	s9 =	simm.s32 $0x6F80  }
0x1e8: {  	[tilespmem:s9], [sflag:$0x2] =	stream.indirect_vreg.gather [hbm4b:s5+s2], $0x80, v35, vm0, $0xb8;
	[tilespmem:$0x9880] =	vst v63  }
0x1e9: {  	s14 =	simm.s32 $0x7000  }
0x1ea: {  	[tilespmem:s14], [sflag:$0x2] =	stream.indirect_vreg.gather [hbm4b:s5+s2], $0x80, v17, vm0, $0xb8;
	[tilespmem:$0x9880] =	vst v63  }
0x1eb: {  	v17 =	vld [tilespmem:s3+$0xC0];
	_ =	sdelay $0x4  }
0x1ec: {  	v18 =	vshll.u32 v17, $0x2  }
0x1ed: {  	v17 =	vand.u32 $0x7, v17;
	v18 =	vand.u32 $0xFFFFFFE0, v18  }
0x1ee: {  	v17 =	vor.u32 v17, v18  }
0x1ef: {  	v18 =	vperm.xlane v17, v2;
	_ =	sdelay $0x1  }
0x1f0: {  	v19 =	vperm.xlane v17, v4;
	v18 =	vadd.s32 v3, v18;
	_ =	sdelay $0x1  }
0x1f1: {  	v36 =	vperm.xlane v17, v1;
	v19 =	vadd.s32 v3, v19;
	_ =	sdelay $0x1  }
0x1f2: {  	s15 =	simm.s32 $0x7080;
	v37 =	vperm.xlane v17, v5;
	v20 =	vadd.s32 v3, v36  }
0x1f3: {  	[tilespmem:s15], [sflag:$0x2] =	stream.indirect_vreg.gather [hbm4b:s5+s2], $0x80, v18, vm0, $0xb8;
	[tilespmem:$0x9880] =	vst v63  }
0x1f4: {  	s9 =	simm.s32 $0x7100;
	v38 =	vperm.xlane v17, v6;
	v18 =	vadd.s32 v3, v37  }
0x1f5: {  	[tilespmem:s9], [sflag:$0x2] =	stream.indirect_vreg.gather [hbm4b:s5+s2], $0x80, v19, vm0, $0xb8;
	[tilespmem:$0x9880] =	vst v63  }
0x1f6: {  	s14 =	simm.s32 $0x7180;
	v39 =	vperm.xlane v17, v7;
	v19 =	vadd.s32 v3, v38  }
0x1f7: {  	[tilespmem:s14], [sflag:$0x2] =	stream.indirect_vreg.gather [hbm4b:s5+s2], $0x80, v20, vm0, $0xb8;
	[tilespmem:$0x9880] =	vst v63  }
0x1f8: {  	v41 =	vperm.xlane v17, v8;
	v40 =	vadd.s32 v3, v39;
	s15 =	simm.s32 $0x7200  }
0x1f9: {  	[tilespmem:s15], [sflag:$0x2] =	stream.indirect_vreg.gather [hbm4b:s5+s2], $0x80, v18, vm0, $0xb8;
	[tilespmem:$0x9880] =	vst v63  }
0x1fa: {  	v42 =	vperm.xlane v17, v0;
	s9 =	simm.s32 $0x7280;
	v18 =	vadd.s32 v3, v41  }
0x1fb: {  	[tilespmem:s9], [sflag:$0x2] =	stream.indirect_vreg.gather [hbm4b:s5+s2], $0x80, v19, vm0, $0xb8;
	[tilespmem:$0x9880] =	vst v63  }
0x1fc: {  	v43 =	vperm.xlane v17, v9;
	s14 =	simm.s32 $0x7300;
	v19 =	vadd.s32 v3, v42  }
0x1fd: {  	[tilespmem:s14], [sflag:$0x2] =	stream.indirect_vreg.gather [hbm4b:s5+s2], $0x80, v40, vm0, $0xb8;
	[tilespmem:$0x9880] =	vst v63  }
0x1fe: {  	v45 =	vperm.xlane v17, v10;
	v44 =	vadd.s32 v3, v43;
	s15 =	simm.s32 $0x7380  }
0x1ff: {  	[tilespmem:s15], [sflag:$0x2] =	stream.indirect_vreg.gather [hbm4b:s5+s2], $0x80, v18, vm0, $0xb8;
	[tilespmem:$0x9880] =	vst v63  }
0x200: {  	v46 =	vperm.xlane v17, v11;
	s9 =	simm.s32 $0x7400;
	v18 =	vadd.s32 v3, v45  }
0x201: {  	[tilespmem:s9], [sflag:$0x2] =	stream.indirect_vreg.gather [hbm4b:s5+s2], $0x80, v19, vm0, $0xb8;
	[tilespmem:$0x9880] =	vst v63  }
0x202: {  	v47 =	vperm.xlane v17, v12;
	s14 =	simm.s32 $0x7480;
	v19 =	vadd.s32 v3, v46  }
0x203: {  	[tilespmem:s14], [sflag:$0x2] =	stream.indirect_vreg.gather [hbm4b:s5+s2], $0x80, v44, vm0, $0xb8;
	[tilespmem:$0x9880] =	vst v63  }
0x204: {  	v49 =	vperm.xlane v17, v13;
	v48 =	vadd.s32 v3, v47;
	s15 =	simm.s32 $0x7500  }
0x205: {  	[tilespmem:s15], [sflag:$0x2] =	stream.indirect_vreg.gather [hbm4b:s5+s2], $0x80, v18, vm0, $0xb8;
	[tilespmem:$0x9880] =	vst v63  }
0x206: {  	v50 =	vperm.xlane v17, v14;
	s9 =	simm.s32 $0x7580;
	v18 =	vadd.s32 v3, v49  }
0x207: {  	[tilespmem:s9], [sflag:$0x2] =	stream.indirect_vreg.gather [hbm4b:s5+s2], $0x80, v19, vm0, $0xb8;
	[tilespmem:$0x9880] =	vst v63  }
0x208: {  	v51 =	vperm.xlane v17, v15;
	s14 =	simm.s32 $0x7600;
	v19 =	vadd.s32 v3, v50  }
0x209: {  	[tilespmem:s14], [sflag:$0x2] =	stream.indirect_vreg.gather [hbm4b:s5+s2], $0x80, v48, vm0, $0xb8;
	[tilespmem:$0x9880] =	vst v63  }
0x20a: {  	v17 =	vperm.xlane v17, v16;
	v52 =	vadd.s32 v3, v51;
	s15 =	simm.s32 $0x7680  }
0x20b: {  	[tilespmem:s15], [sflag:$0x2] =	stream.indirect_vreg.gather [hbm4b:s5+s2], $0x80, v18, vm0, $0xb8;
	[tilespmem:$0x9880] =	vst v63  }
0x20c: {  	v17 =	vadd.s32 v3, v17;
	s9 =	simm.s32 $0x7700  }
0x20d: {  	[tilespmem:s9], [sflag:$0x2] =	stream.indirect_vreg.gather [hbm4b:s5+s2], $0x80, v19, vm0, $0xb8;
	[tilespmem:$0x9880] =	vst v63  }
0x20e: {  	s14 =	simm.s32 $0x7780  }
0x20f: {  	[tilespmem:s14], [sflag:$0x2] =	stream.indirect_vreg.gather [hbm4b:s5+s2], $0x80, v52, vm0, $0xb8;
	[tilespmem:$0x9880] =	vst v63  }
0x210: {  	s15 =	simm.s32 $0x7800  }
0x211: {  	[tilespmem:s15], [sflag:$0x2] =	stream.indirect_vreg.gather [hbm4b:s5+s2], $0x80, v17, vm0, $0xb8;
	[tilespmem:$0x9880] =	vst v63  }
0x212: {  	v17 =	vld [tilespmem:s3+$0xD0];
	_ =	sdelay $0x4  }
0x213: {  	v18 =	vshll.u32 v17, $0x2  }
0x214: {  	v17 =	vand.u32 $0x7, v17;
	v18 =	vand.u32 $0xFFFFFFE0, v18  }
0x215: {  	v17 =	vor.u32 v17, v18  }
0x216: {  	v18 =	vperm.xlane v17, v2;
	_ =	sdelay $0x1  }
0x217: {  	v19 =	vperm.xlane v17, v4;
	v18 =	vadd.s32 v3, v18;
	_ =	sdelay $0x1  }
0x218: {  	v53 =	vperm.xlane v17, v1;
	v19 =	vadd.s32 v3, v19;
	_ =	sdelay $0x1  }
0x219: {  	s9 =	simm.s32 $0x7880;
	v54 =	vperm.xlane v17, v5;
	v20 =	vadd.s32 v3, v53  }
0x21a: {  	[tilespmem:s9], [sflag:$0x2] =	stream.indirect_vreg.gather [hbm4b:s5+s2], $0x80, v18, vm0, $0xb8;
	[tilespmem:$0x9880] =	vst v63  }
0x21b: {  	s14 =	simm.s32 $0x7900;
	v55 =	vperm.xlane v17, v6;
	v18 =	vadd.s32 v3, v54  }
0x21c: {  	[tilespmem:s14], [sflag:$0x2] =	stream.indirect_vreg.gather [hbm4b:s5+s2], $0x80, v19, vm0, $0xb8;
	[tilespmem:$0x9880] =	vst v63  }
0x21d: {  	s15 =	simm.s32 $0x7980;
	v56 =	vperm.xlane v17, v7;
	v19 =	vadd.s32 v3, v55  }
0x21e: {  	[tilespmem:s15], [sflag:$0x2] =	stream.indirect_vreg.gather [hbm4b:s5+s2], $0x80, v20, vm0, $0xb8;
	[tilespmem:$0x9880] =	vst v63  }
0x21f: {  	v58 =	vperm.xlane v17, v8;
	v57 =	vadd.s32 v3, v56;
	s9 =	simm.s32 $0x7A00  }
0x220: {  	[tilespmem:s9], [sflag:$0x2] =	stream.indirect_vreg.gather [hbm4b:s5+s2], $0x80, v18, vm0, $0xb8;
	[tilespmem:$0x9880] =	vst v63  }
0x221: {  	v59 =	vperm.xlane v17, v0;
	s14 =	simm.s32 $0x7A80;
	v18 =	vadd.s32 v3, v58  }
0x222: {  	[tilespmem:s14], [sflag:$0x2] =	stream.indirect_vreg.gather [hbm4b:s5+s2], $0x80, v19, vm0, $0xb8;
	[tilespmem:$0x9880] =	vst v63  }
0x223: {  	v60 =	vperm.xlane v17, v9;
	s15 =	simm.s32 $0x7B00;
	v19 =	vadd.s32 v3, v59  }
0x224: {  	[tilespmem:s15], [sflag:$0x2] =	stream.indirect_vreg.gather [hbm4b:s5+s2], $0x80, v57, vm0, $0xb8;
	[tilespmem:$0x9880] =	vst v63  }
0x225: {  	v62 =	vperm.xlane v17, v10;
	v61 =	vadd.s32 v3, v60;
	s9 =	simm.s32 $0x7B80  }
0x226: {  	[tilespmem:s9], [sflag:$0x2] =	stream.indirect_vreg.gather [hbm4b:s5+s2], $0x80, v18, vm0, $0xb8;
	[tilespmem:$0x9880] =	vst v63  }
0x227: {  	v63 =	vperm.xlane v17, v11;
	s14 =	simm.s32 $0x7C00;
	v18 =	vadd.s32 v3, v62  }
0x228: {  	[tilespmem:s14], [sflag:$0x2] =	stream.indirect_vreg.gather [hbm4b:s5+s2], $0x80, v19, vm0, $0xb8;
	[tilespmem:$0x9880] =	vst v63  }
0x229: {  	v24 =	vperm.xlane v17, v12;
	s15 =	simm.s32 $0x7C80;
	v19 =	vadd.s32 v3, v63  }
0x22a: {  	[tilespmem:s15], [sflag:$0x2] =	stream.indirect_vreg.gather [hbm4b:s5+s2], $0x80, v61, vm0, $0xb8;
	[tilespmem:$0x9880] =	vst v63  }
0x22b: {  	v26 =	vperm.xlane v17, v13;
	v25 =	vadd.s32 v3, v24;
	s9 =	simm.s32 $0x7D00  }
0x22c: {  	[tilespmem:s9], [sflag:$0x2] =	stream.indirect_vreg.gather [hbm4b:s5+s2], $0x80, v18, vm0, $0xb8;
	[tilespmem:$0x9880] =	vst v63  }
0x22d: {  	v27 =	vperm.xlane v17, v14;
	s14 =	simm.s32 $0x7D80;
	v18 =	vadd.s32 v3, v26  }
0x22e: {  	[tilespmem:s14], [sflag:$0x2] =	stream.indirect_vreg.gather [hbm4b:s5+s2], $0x80, v19, vm0, $0xb8;
	[tilespmem:$0x9880] =	vst v63  }
0x22f: {  	v28 =	vperm.xlane v17, v15;
	s15 =	simm.s32 $0x7E00;
	v19 =	vadd.s32 v3, v27  }
0x230: {  	[tilespmem:s15], [sflag:$0x2] =	stream.indirect_vreg.gather [hbm4b:s5+s2], $0x80, v25, vm0, $0xb8;
	[tilespmem:$0x9880] =	vst v63  }
0x231: {  	v17 =	vperm.xlane v17, v16;
	v29 =	vadd.s32 v3, v28;
	s9 =	simm.s32 $0x7E80  }
0x232: {  	[tilespmem:s9], [sflag:$0x2] =	stream.indirect_vreg.gather [hbm4b:s5+s2], $0x80, v18, vm0, $0xb8;
	[tilespmem:$0x9880] =	vst v63  }
0x233: {  	v17 =	vadd.s32 v3, v17;
	s14 =	simm.s32 $0x7F00  }
0x234: {  	[tilespmem:s14], [sflag:$0x2] =	stream.indirect_vreg.gather [hbm4b:s5+s2], $0x80, v19, vm0, $0xb8;
	[tilespmem:$0x9880] =	vst v63  }
0x235: {  	s15 =	simm.s32 $0x7F80  }
0x236: {  	[tilespmem:s15], [sflag:$0x2] =	stream.indirect_vreg.gather [hbm4b:s5+s2], $0x80, v29, vm0, $0xb8;
	[tilespmem:$0x9880] =	vst v63  }
0x237: {  	s9 =	simm.s32 $0x8000  }
0x238: {  	[tilespmem:s9], [sflag:$0x2] =	stream.indirect_vreg.gather [hbm4b:s5+s2], $0x80, v17, vm0, $0xb8;
	[tilespmem:$0x9880] =	vst v63  }
0x239: {  	v17 =	vld [tilespmem:s3+$0xE0];
	_ =	sdelay $0x4  }
0x23a: {  	v18 =	vshll.u32 v17, $0x2  }
0x23b: {  	v17 =	vand.u32 $0x7, v17;
	v18 =	vand.u32 $0xFFFFFFE0, v18  }
0x23c: {  	v17 =	vor.u32 v17, v18  }
0x23d: {  	v18 =	vperm.xlane v17, v2;
	_ =	sdelay $0x1  }
0x23e: {  	v19 =	vperm.xlane v17, v4;
	v18 =	vadd.s32 v3, v18;
	_ =	sdelay $0x1  }
0x23f: {  	v30 =	vperm.xlane v17, v1;
	v19 =	vadd.s32 v3, v19;
	_ =	sdelay $0x1  }
0x240: {  	s14 =	simm.s32 $0x8080;
	v31 =	vperm.xlane v17, v5;
	v20 =	vadd.s32 v3, v30  }
0x241: {  	[tilespmem:s14], [sflag:$0x2] =	stream.indirect_vreg.gather [hbm4b:s5+s2], $0x80, v18, vm0, $0xb8;
	[tilespmem:$0x9880] =	vst v63  }
0x242: {  	s15 =	simm.s32 $0x8100;
	v32 =	vperm.xlane v17, v6;
	v18 =	vadd.s32 v3, v31  }
0x243: {  	[tilespmem:s15], [sflag:$0x2] =	stream.indirect_vreg.gather [hbm4b:s5+s2], $0x80, v19, vm0, $0xb8;
	[tilespmem:$0x9880] =	vst v63  }
0x244: {  	s9 =	simm.s32 $0x8180;
	v33 =	vperm.xlane v17, v7;
	v19 =	vadd.s32 v3, v32  }
0x245: {  	[tilespmem:s9], [sflag:$0x2] =	stream.indirect_vreg.gather [hbm4b:s5+s2], $0x80, v20, vm0, $0xb8;
	[tilespmem:$0x9880] =	vst v63  }
0x246: {  	v35 =	vperm.xlane v17, v8;
	v34 =	vadd.s32 v3, v33;
	s14 =	simm.s32 $0x8200  }
0x247: {  	[tilespmem:s14], [sflag:$0x2] =	stream.indirect_vreg.gather [hbm4b:s5+s2], $0x80, v18, vm0, $0xb8;
	[tilespmem:$0x9880] =	vst v63  }
0x248: {  	v36 =	vperm.xlane v17, v0;
	s15 =	simm.s32 $0x8280;
	v18 =	vadd.s32 v3, v35  }
0x249: {  	[tilespmem:s15], [sflag:$0x2] =	stream.indirect_vreg.gather [hbm4b:s5+s2], $0x80, v19, vm0, $0xb8;
	[tilespmem:$0x9880] =	vst v63  }
0x24a: {  	v37 =	vperm.xlane v17, v9;
	s9 =	simm.s32 $0x8300;
	v19 =	vadd.s32 v3, v36  }
0x24b: {  	[tilespmem:s9], [sflag:$0x2] =	stream.indirect_vreg.gather [hbm4b:s5+s2], $0x80, v34, vm0, $0xb8;
	[tilespmem:$0x9880] =	vst v63  }
0x24c: {  	v39 =	vperm.xlane v17, v10;
	v38 =	vadd.s32 v3, v37;
	s14 =	simm.s32 $0x8380  }
0x24d: {  	[tilespmem:s14], [sflag:$0x2] =	stream.indirect_vreg.gather [hbm4b:s5+s2], $0x80, v18, vm0, $0xb8;
	[tilespmem:$0x9880] =	vst v63  }
0x24e: {  	v40 =	vperm.xlane v17, v11;
	s15 =	simm.s32 $0x8400;
	v18 =	vadd.s32 v3, v39  }
0x24f: {  	[tilespmem:s15], [sflag:$0x2] =	stream.indirect_vreg.gather [hbm4b:s5+s2], $0x80, v19, vm0, $0xb8;
	[tilespmem:$0x9880] =	vst v63  }
0x250: {  	v41 =	vperm.xlane v17, v12;
	s9 =	simm.s32 $0x8480;
	v19 =	vadd.s32 v3, v40  }
0x251: {  	[tilespmem:s9], [sflag:$0x2] =	stream.indirect_vreg.gather [hbm4b:s5+s2], $0x80, v38, vm0, $0xb8;
	[tilespmem:$0x9880] =	vst v63  }
0x252: {  	v43 =	vperm.xlane v17, v13;
	v42 =	vadd.s32 v3, v41;
	s14 =	simm.s32 $0x8500  }
0x253: {  	[tilespmem:s14], [sflag:$0x2] =	stream.indirect_vreg.gather [hbm4b:s5+s2], $0x80, v18, vm0, $0xb8;
	[tilespmem:$0x9880] =	vst v63  }
0x254: {  	v44 =	vperm.xlane v17, v14;
	s15 =	simm.s32 $0x8580;
	v18 =	vadd.s32 v3, v43  }
0x255: {  	[tilespmem:s15], [sflag:$0x2] =	stream.indirect_vreg.gather [hbm4b:s5+s2], $0x80, v19, vm0, $0xb8;
	[tilespmem:$0x9880] =	vst v63  }
0x256: {  	v45 =	vperm.xlane v17, v15;
	s9 =	simm.s32 $0x8600;
	v19 =	vadd.s32 v3, v44  }
0x257: {  	[tilespmem:s9], [sflag:$0x2] =	stream.indirect_vreg.gather [hbm4b:s5+s2], $0x80, v42, vm0, $0xb8;
	[tilespmem:$0x9880] =	vst v63  }
0x258: {  	v17 =	vperm.xlane v17, v16;
	v46 =	vadd.s32 v3, v45;
	s14 =	simm.s32 $0x8680  }
0x259: {  	[tilespmem:s14], [sflag:$0x2] =	stream.indirect_vreg.gather [hbm4b:s5+s2], $0x80, v18, vm0, $0xb8;
	[tilespmem:$0x9880] =	vst v63  }
0x25a: {  	v17 =	vadd.s32 v3, v17;
	s15 =	simm.s32 $0x8700  }
0x25b: {  	[tilespmem:s15], [sflag:$0x2] =	stream.indirect_vreg.gather [hbm4b:s5+s2], $0x80, v19, vm0, $0xb8;
	[tilespmem:$0x9880] =	vst v63  }
0x25c: {  	s9 =	simm.s32 $0x8780  }
0x25d: {  	[tilespmem:s9], [sflag:$0x2] =	stream.indirect_vreg.gather [hbm4b:s5+s2], $0x80, v46, vm0, $0xb8;
	[tilespmem:$0x9880] =	vst v63  }
0x25e: {  	s14 =	simm.s32 $0x8800  }
0x25f: {  	[tilespmem:s14], [sflag:$0x2] =	stream.indirect_vreg.gather [hbm4b:s5+s2], $0x80, v17, vm0, $0xb8;
	[tilespmem:$0x9880] =	vst v63  }
0x260: {  	v17 =	vld [tilespmem:s3+$0xF0];
	_ =	sdelay $0x4  }
0x261: {  	v18 =	vshll.u32 v17, $0x2  }
0x262: {  	v17 =	vand.u32 $0x7, v17;
	v18 =	vand.u32 $0xFFFFFFE0, v18  }
0x263: {  	v17 =	vor.u32 v17, v18  }
0x264: {  	v18 =	vperm.xlane v17, v2;
	_ =	sdelay $0x1  }
0x265: {  	v19 =	vperm.xlane v17, v4;
	v18 =	vadd.s32 v3, v18;
	_ =	sdelay $0x1  }
0x266: {  	v47 =	vperm.xlane v17, v1;
	v19 =	vadd.s32 v3, v19;
	_ =	sdelay $0x1  }
0x267: {  	s15 =	simm.s32 $0x8880;
	v48 =	vperm.xlane v17, v5;
	v20 =	vadd.s32 v3, v47  }
0x268: {  	[tilespmem:s15], [sflag:$0x2] =	stream.indirect_vreg.gather [hbm4b:s5+s2], $0x80, v18, vm0, $0xb8;
	[tilespmem:$0x9880] =	vst v63  }
0x269: {  	s9 =	simm.s32 $0x8900;
	v49 =	vperm.xlane v17, v6;
	v18 =	vadd.s32 v3, v48  }
0x26a: {  	[tilespmem:s9], [sflag:$0x2] =	stream.indirect_vreg.gather [hbm4b:s5+s2], $0x80, v19, vm0, $0xb8;
	[tilespmem:$0x9880] =	vst v63  }
0x26b: {  	s14 =	simm.s32 $0x8980;
	v50 =	vperm.xlane v17, v7;
	v19 =	vadd.s32 v3, v49  }
0x26c: {  	[tilespmem:s14], [sflag:$0x2] =	stream.indirect_vreg.gather [hbm4b:s5+s2], $0x80, v20, vm0, $0xb8;
	[tilespmem:$0x9880] =	vst v63  }
0x26d: {  	v52 =	vperm.xlane v17, v8;
	v51 =	vadd.s32 v3, v50;
	s15 =	simm.s32 $0x8A00  }
0x26e: {  	[tilespmem:s15], [sflag:$0x2] =	stream.indirect_vreg.gather [hbm4b:s5+s2], $0x80, v18, vm0, $0xb8;
	[tilespmem:$0x9880] =	vst v63  }
0x26f: {  	v53 =	vperm.xlane v17, v0;
	v18 =	vadd.s32 v3, v52  }
0x270: {  	[tilespmem:s21], [sflag:$0x2] =	stream.indirect_vreg.gather [hbm4b:s5+s2], $0x80, v19, vm0, $0xb8;
	[tilespmem:$0x9880] =	vst v63  }
0x271: {  	v54 =	vperm.xlane v17, v9;
	v19 =	vadd.s32 v3, v53  }
0x272: {  	[tilespmem:s20], [sflag:$0x2] =	stream.indirect_vreg.gather [hbm4b:s5+s2], $0x80, v51, vm0, $0xb8;
	[tilespmem:$0x9880] =	vst v63  }
0x273: {  	v56 =	vperm.xlane v17, v10;
	v55 =	vadd.s32 v3, v54;
	s9 =	simm.s32 $0x8B80  }
0x274: {  	[tilespmem:s9], [sflag:$0x2] =	stream.indirect_vreg.gather [hbm4b:s5+s2], $0x80, v18, vm0, $0xb8;
	[tilespmem:$0x9880] =	vst v63  }
0x275: {  	v57 =	vperm.xlane v17, v11;
	v18 =	vadd.s32 v3, v56  }
0x276: {  	[tilespmem:s17], [sflag:$0x2] =	stream.indirect_vreg.gather [hbm4b:s5+s2], $0x80, v19, vm0, $0xb8;
	[tilespmem:$0x9880] =	vst v63  }
0x277: {  	v58 =	vperm.xlane v17, v12;
	v19 =	vadd.s32 v3, v57  }
0x278: {  	[tilespmem:s19], [sflag:$0x2] =	stream.indirect_vreg.gather [hbm4b:s5+s2], $0x80, v55, vm0, $0xb8;
	[tilespmem:$0x9880] =	vst v63  }
0x279: {  	v60 =	vperm.xlane v17, v13;
	v59 =	vadd.s32 v3, v58  }
0x27a: {  	[tilespmem:s18], [sflag:$0x2] =	stream.indirect_vreg.gather [hbm4b:s5+s2], $0x80, v18, vm0, $0xb8;
	[tilespmem:$0x9880] =	vst v63  }
0x27b: {  	v61 =	vperm.xlane v17, v14;
	s14 =	simm.s32 $0x8D80;
	v18 =	vadd.s32 v3, v60  }
0x27c: {  	[tilespmem:s14], [sflag:$0x2] =	stream.indirect_vreg.gather [hbm4b:s5+s2], $0x80, v19, vm0, $0xb8;
	[tilespmem:$0x9880] =	vst v63  }
0x27d: {  	v62 =	vperm.xlane v17, v15;
	v19 =	vadd.s32 v3, v61  }
0x27e: {  	[tilespmem:s16], [sflag:$0x2] =	stream.indirect_vreg.gather [hbm4b:s5+s2], $0x80, v59, vm0, $0xb8;
	[tilespmem:$0x9880] =	vst v63  }
0x27f: {  	v17 =	vperm.xlane v17, v16;
	v63 =	vadd.s32 v3, v62;
	s15 =	simm.s32 $0x8E80  }
0x280: {  	[tilespmem:s15], [sflag:$0x2] =	stream.indirect_vreg.gather [hbm4b:s5+s2], $0x80, v18, vm0, $0xb8;
	[tilespmem:$0x9880] =	vst v63  }
0x281: {  	v17 =	vadd.s32 v3, v17;
	s9 =	simm.s32 $0x8F00  }
0x282: {  	[tilespmem:s9], [sflag:$0x2] =	stream.indirect_vreg.gather [hbm4b:s5+s2], $0x80, v19, vm0, $0xb8;
	[tilespmem:$0x9880] =	vst v63  }
0x283: {  	s14 =	simm.s32 $0x8F80  }
0x284: {  	[tilespmem:s14], [sflag:$0x2] =	stream.indirect_vreg.gather [hbm4b:s5+s2], $0x80, v63, vm0, $0xb8;
	[tilespmem:$0x9880] =	vst v63  }
0x285: {  	s15 =	simm.s32 $0x9000  }
0x286: {  	[tilespmem:s15], [sflag:$0x2] =	stream.indirect_vreg.gather [hbm4b:s5+s2], $0x80, v17, vm0, $0xb8;
	[tilespmem:$0x9880] =	vst v63  }
0x287: {  	_ = 	snop  }
0x288: {  	[tilespmem:s22], [sflag:$0x3] =	stream.linear.gather [hbm4b:s6+s2], $0x880, $0x38;
	[tilespmem:$0x9880] =	vst v63  }
0x289: {  	_ =	swait.ge [sflag:s13], $0x880  }
0x28a: {  	[sflag:s13] =	ssyncset.done $0x0  }
0x28b: {  	[sflag:s13] =	ssyncadd.s32 $0xFFFFF780  }
0x28c: {  	_ =	swait.ge [sflag:s23], $0x4000  }
0x28d: {  	s31 =	simm.s32 $0x90C0;
	[sflag:s23] =	ssyncset.done $0x0  }
0x28e: {  	s1 =	simm.s32 $0x0;
	s9 =	smov.u32 s0;
	[sflag:s23] =	ssyncadd.s32 $0xFFFFC000  }
.LBB2_2:
0x28f: {  	s14 =	sadd.s32 s1, s10  }
0x290: {  	s15 =	sadd.s32 $0x800, s14  }
0x291: {  	v17 =	vmov s15  }
0x292: {  	s15 =	sadd.s32 $0x801, s14;
	v17 =	vand.u32 $0xFFFFFFF0, v17  }
0x293: {  	v18 =	vmov s9;
	v19 =	vbroadcast v17, $0x0;
	v17 =	vmov s15  }
0x294: {  	s15 =	sadd.s32 $0x802, s14;
	v17 =	vand.u32 $0xFFFFFFF1, v17  }
0x295: {  	v20 =	vbroadcast v17, $0x0;
	v17 =	vmov s15  }
0x296: {  	s15 =	sadd.s32 $0x803, s14;
	v17 =	vand.u32 $0xFFFFFFF2, v17  }
0x297: {  	v24 =	vld [tilespmem:s30+$0xFFFFFC00];
	v22 =	vmov s15;
	v21 =	vbroadcast v17, $0x0  }
0x298: {  	s15 =	sadd.s32 $0x804, s14;
	v17 =	vld.idx.msk [tilespmem:v18+s2+$0x0], $0xffff;
	v22 =	vand.u32 $0xFFFFFFF3, v22  }
0x299: {  	v22 =	vbroadcast v22, $0x0;
	v18 =	vld.idx.msk [tilespmem:v19+s2+$0x0], $0xffff;
	v19 =	vmov s15  }
0x29a: {  	v26 =	vld [tilespmem:s30+$0xFFFFFC80];
	s15 =	sadd.s32 $0x805, s14;
	v23 =	vand.u32 $0xFFFFFFF4, v19  }
0x29b: {  	v34 =	vmov s15;
	v19 =	vld.idx.msk [tilespmem:v20+s2+$0x0], $0xffff;
	v23 =	vbroadcast v23, $0x0  }
0x29c: {  	v29 =	vld [tilespmem:s30+$0xFFFFFD00];
	s15 =	sadd.s32 $0x806, s14;
	v25 =	vand.u32 $0xFFFFFFF5, v34  }
0x29d: {  	v35 =	vmov s15;
	v25 =	vbroadcast v25, $0x0;
	v20 =	vld.idx.msk [tilespmem:v21+s2+$0x0], $0xffff  }
0x29e: {  	v31 =	vld [tilespmem:s30+$0xFFFFFD80];
	s15 =	sadd.s32 $0x807, s14;
	v27 =	vand.u32 $0xFFFFFFF6, v35;
	v24 =	vmul.f32 v18, v24  }
0x29f: {  	v28 =	vmov s15;
	v27 =	vbroadcast v27, $0x0;
	v21 =	vld.idx.msk [tilespmem:v22+s2+$0x0], $0xffff  }
0x2a0: {  	v33 =	vld [tilespmem:s30+$0xFFFFFE00];
	s15 =	sadd.s32 $0x808, s14;
	v36 =	vand.u32 $0xFFFFFFF7, v28;
	v24 =	vadd.f32 v17, v24;
	v26 =	vmul.f32 v19, v26  }
0x2a1: {  	v30 =	vmov s15;
	v28 =	vbroadcast v36, $0x0;
	v22 =	vld.idx.msk [tilespmem:v23+s2+$0x0], $0xffff  }
0x2a2: {  	v34 =	vld [tilespmem:s30+$0xFFFFFE80];
	s15 =	sadd.s32 $0x809, s14;
	v37 =	vand.u32 $0xFFFFFFF8, v30;
	v26 =	vadd.f32 v26, v24;
	v29 =	vmul.f32 v20, v29  }
0x2a3: {  	v32 =	vmov s15;
	v30 =	vbroadcast v37, $0x0;
	v23 =	vld.idx.msk [tilespmem:v25+s2+$0x0], $0xffff  }
0x2a4: {  	v35 =	vld [tilespmem:s30+$0xFFFFFF00];
	s15 =	sadd.s32 $0x80A, s14;
	v38 =	vand.u32 $0xFFFFFFF9, v32;
	v40 =	vmul.f32 v21, v31;
	v26 =	vadd.f32 v29, v26  }
0x2a5: {  	v39 =	vmov s15;
	v32 =	vbroadcast v38, $0x0;
	v24 =	vld.idx.msk [tilespmem:v27+s2+$0x0], $0xffff  }
0x2a6: {  	v36 =	vld [tilespmem:s30+$0xFFFFFF80];
	s15 =	sadd.s32 $0x80B, s14;
	v25 =	vand.u32 $0xFFFFFFFA, v39;
	v27 =	vadd.f32 v40, v26;
	v44 =	vmul.f32 v22, v33  }
0x2a7: {  	v42 =	vmov s15;
	v41 =	vbroadcast v25, $0x0;
	v25 =	vld.idx.msk [tilespmem:v28+s2+$0x0], $0xffff  }
0x2a8: {  	v37 =	vld [tilespmem:s30+$0x0];
	s15 =	sadd.s32 $0x80C, s14;
	v43 =	vand.u32 $0xFFFFFFFB, v42;
	v48 =	vmul.f32 v23, v34;
	v47 =	vadd.f32 v44, v27  }
0x2a9: {  	v46 =	vmov s15;
	v45 =	vbroadcast v43, $0x0;
	v26 =	vld.idx.msk [tilespmem:v30+s2+$0x0], $0xffff  }
0x2aa: {  	v53 =	vld [tilespmem:s30+$0x80];
	s15 =	sadd.s32 $0x80D, s14;
	v28 =	vand.u32 $0xFFFFFFFC, v46;
	v51 =	vmul.f32 v24, v35;
	v30 =	vadd.f32 v48, v47  }
0x2ab: {  	v50 =	vmov s15;
	v49 =	vbroadcast v28, $0x0;
	v27 =	vld.idx.msk [tilespmem:v32+s2+$0x0], $0xffff  }
0x2ac: {  	v38 =	vld [tilespmem:s30+$0x100];
	s15 =	sadd.s32 $0x80E, s14;
	v28 =	vand.u32 $0xFFFFFFFD, v50;
	v55 =	vmul.f32 v25, v36;
	v30 =	vadd.f32 v51, v30  }
0x2ad: {  	v54 =	vmov s15;
	v52 =	vbroadcast v28, $0x0;
	v28 =	vld.idx.msk [tilespmem:v41+s2+$0x0], $0xffff  }
0x2ae: {  	v59 =	vld [tilespmem:s30+$0x180];
	v56 =	vand.u32 $0xFFFFFFFE, v54;
	v58 =	vmul.f32 v26, v37;
	v31 =	vadd.f32 v55, v30  }
0x2af: {  	v57 =	vbroadcast v56, $0x0;
	v29 =	vld.idx.msk [tilespmem:v45+s2+$0x0], $0xffff  }
0x2b0: {  	v39 =	vld [tilespmem:s30+$0x200];
	v35 =	vmul.f32 v27, v53;
	v60 =	vadd.f32 v58, v31  }
0x2b1: {  	s14 =	sadd.s32 $0x80F, s14;
	v30 =	vld.idx.msk [tilespmem:v49+s2+$0x0], $0xffff  }
0x2b2: {  	v63 =	vld [tilespmem:s30+$0x280];
	v61 =	vmov s14;
	v62 =	vmul.f32 v28, v38;
	v34 =	vadd.f32 v35, v60  }
0x2b3: {  	v31 =	vld.idx.msk [tilespmem:v52+s2+$0x0], $0xffff  }
0x2b4: {  	v41 =	vld [tilespmem:s30+$0x300];
	v40 =	vmul.f32 v29, v59;
	v34 =	vadd.f32 v62, v34  }
0x2b5: {  	v32 =	vld.idx.msk [tilespmem:v57+s2+$0x0], $0xffff  }
0x2b6: {  	v43 =	vld [tilespmem:s30+$0x380];
	v42 =	vmul.f32 v30, v39;
	v34 =	vadd.f32 v40, v34  }
0x2b7: {  	v33 =	vld.idx.msk [tilespmem:v61+s2+$0x0], $0xffff  }
0x2b8: {  	v44 =	vmul.f32 v31, v63;
	v34 =	vadd.f32 v42, v34;
	_ =	sdelay $0x1  }
0x2b9: {  	v45 =	vmul.f32 v32, v41;
	v34 =	vadd.f32 v44, v34;
	_ =	sdelay $0x1  }
0x2ba: {  	v46 =	vmul.f32 v33, v43;
	v34 =	vadd.f32 v45, v34;
	_ =	sdelay $0x1  }
0x2bb: {  	v34 =	vadd.f32 v46, v34;
	_ =	sdelay $0x1  }
0x2bc: {  	v34 =	vsub.f32 $0.0e+00, v34;
	_ =	sdelay $0x1  }
0x2bd: {  	v34 =	vmul.f32 $1.442695020e+00, v34;
	_ =	sdelay $0x1  }
0x2be: {  	(erf) = vpow2.f32 v34;
	_ =	sdelay $0x8  }
0x2bf: {  	v34 =	vpop (erf)  }
0x2c0: {  	v34 =	vadd.f32 $1.000000000e+00, v34;
	_ =	sdelay $0x1  }
0x2c1: {  	(erf) = vrcp.f32 v34;
	_ =	sdelay $0x8  }
0x2c2: {  	v34 =	vpop (erf)  }
0x2c3: {  	[tilespmem:s31+$0xFFFFFFC0] =	vst v34  }
0x2c4: {  	v34 =	vld [tilespmem:s30+$0xFFFFFC10];
	_ =	sdelay $0x1  }
0x2c5: {  	v47 =	vld [tilespmem:s30+$0xFFFFFC90];
	_ =	sdelay $0x1  }
0x2c6: {  	v48 =	vld [tilespmem:s30+$0xFFFFFD10]  }
0x2c7: {  	v34 =	vmul.f32 v18, v34  }
0x2c8: {  	v49 =	vld [tilespmem:s30+$0xFFFFFD90]  }
0x2c9: {  	v35 =	vmul.f32 v19, v47;
	v34 =	vadd.f32 v17, v34  }
0x2ca: {  	v50 =	vld [tilespmem:s30+$0xFFFFFE10]  }
0x2cb: {  	v51 =	vmul.f32 v20, v48;
	v34 =	vadd.f32 v35, v34  }
0x2cc: {  	v52 =	vld [tilespmem:s30+$0xFFFFFE90]  }
0x2cd: {  	v53 =	vmul.f32 v21, v49;
	v34 =	vadd.f32 v51, v34  }
0x2ce: {  	v54 =	vld [tilespmem:s30+$0xFFFFFF10]  }
0x2cf: {  	v55 =	vmul.f32 v22, v50;
	v34 =	vadd.f32 v53, v34  }
0x2d0: {  	v56 =	vld [tilespmem:s30+$0xFFFFFF90]  }
0x2d1: {  	v57 =	vmul.f32 v23, v52;
	v34 =	vadd.f32 v55, v34  }
0x2d2: {  	v58 =	vld [tilespmem:s30+$0x10]  }
0x2d3: {  	v59 =	vmul.f32 v24, v54;
	v34 =	vadd.f32 v57, v34  }
0x2d4: {  	v60 =	vld [tilespmem:s30+$0x90]  }
0x2d5: {  	v61 =	vmul.f32 v25, v56;
	v34 =	vadd.f32 v59, v34  }
0x2d6: {  	v62 =	vld [tilespmem:s30+$0x110]  }
0x2d7: {  	v63 =	vmul.f32 v26, v58;
	v34 =	vadd.f32 v61, v34  }
0x2d8: {  	v40 =	vld [tilespmem:s30+$0x190]  }
0x2d9: {  	v41 =	vmul.f32 v27, v60;
	v34 =	vadd.f32 v63, v34  }
0x2da: {  	v42 =	vld [tilespmem:s30+$0x210]  }
0x2db: {  	v43 =	vmul.f32 v28, v62;
	v34 =	vadd.f32 v41, v34  }
0x2dc: {  	v44 =	vld [tilespmem:s30+$0x290]  }
0x2dd: {  	v45 =	vmul.f32 v29, v40;
	v34 =	vadd.f32 v43, v34  }
0x2de: {  	v46 =	vld [tilespmem:s30+$0x310]  }
0x2df: {  	v47 =	vmul.f32 v30, v42;
	v34 =	vadd.f32 v45, v34  }
0x2e0: {  	v48 =	vld [tilespmem:s30+$0x390]  }
0x2e1: {  	v49 =	vmul.f32 v31, v44;
	v34 =	vadd.f32 v47, v34;
	_ =	sdelay $0x1  }
0x2e2: {  	v50 =	vmul.f32 v32, v46;
	v34 =	vadd.f32 v49, v34;
	_ =	sdelay $0x1  }
0x2e3: {  	v51 =	vmul.f32 v33, v48;
	v34 =	vadd.f32 v50, v34;
	_ =	sdelay $0x1  }
0x2e4: {  	v34 =	vadd.f32 v51, v34;
	_ =	sdelay $0x1  }
0x2e5: {  	v34 =	vsub.f32 $0.0e+00, v34;
	_ =	sdelay $0x1  }
0x2e6: {  	v34 =	vmul.f32 $1.442695020e+00, v34;
	_ =	sdelay $0x1  }
0x2e7: {  	(erf) = vpow2.f32 v34;
	_ =	sdelay $0x8  }
0x2e8: {  	v34 =	vpop (erf)  }
0x2e9: {  	v34 =	vadd.f32 $1.000000000e+00, v34;
	_ =	sdelay $0x1  }
0x2ea: {  	(erf) = vrcp.f32 v34;
	_ =	sdelay $0x8  }
0x2eb: {  	v34 =	vpop (erf)  }
0x2ec: {  	[tilespmem:s31+$0xFFFFFFD0] =	vst v34  }
0x2ed: {  	v34 =	vld [tilespmem:s30+$0xFFFFFC20];
	_ =	sdelay $0x1  }
0x2ee: {  	v52 =	vld [tilespmem:s30+$0xFFFFFCA0];
	_ =	sdelay $0x1  }
0x2ef: {  	v53 =	vld [tilespmem:s30+$0xFFFFFD20]  }
0x2f0: {  	v34 =	vmul.f32 v18, v34  }
0x2f1: {  	v54 =	vld [tilespmem:s30+$0xFFFFFDA0]  }
0x2f2: {  	v35 =	vmul.f32 v19, v52;
	v34 =	vadd.f32 v17, v34  }
0x2f3: {  	v55 =	vld [tilespmem:s30+$0xFFFFFE20]  }
0x2f4: {  	v56 =	vmul.f32 v20, v53;
	v34 =	vadd.f32 v35, v34  }
0x2f5: {  	v57 =	vld [tilespmem:s30+$0xFFFFFEA0]  }
0x2f6: {  	v58 =	vmul.f32 v21, v54;
	v34 =	vadd.f32 v56, v34  }
0x2f7: {  	v59 =	vld [tilespmem:s30+$0xFFFFFF20]  }
0x2f8: {  	v60 =	vmul.f32 v22, v55;
	v34 =	vadd.f32 v58, v34  }
0x2f9: {  	v61 =	vld [tilespmem:s30+$0xFFFFFFA0]  }
0x2fa: {  	v62 =	vmul.f32 v23, v57;
	v34 =	vadd.f32 v60, v34  }
0x2fb: {  	v63 =	vld [tilespmem:s30+$0x20]  }
0x2fc: {  	v40 =	vmul.f32 v24, v59;
	v34 =	vadd.f32 v62, v34  }
0x2fd: {  	v41 =	vld [tilespmem:s30+$0xA0]  }
0x2fe: {  	v42 =	vmul.f32 v25, v61;
	v34 =	vadd.f32 v40, v34  }
0x2ff: {  	v43 =	vld [tilespmem:s30+$0x120]  }
0x300: {  	v44 =	vmul.f32 v26, v63;
	v34 =	vadd.f32 v42, v34  }
0x301: {  	v45 =	vld [tilespmem:s30+$0x1A0]  }
0x302: {  	v46 =	vmul.f32 v27, v41;
	v34 =	vadd.f32 v44, v34  }
0x303: {  	v47 =	vld [tilespmem:s30+$0x220]  }
0x304: {  	v48 =	vmul.f32 v28, v43;
	v34 =	vadd.f32 v46, v34  }
0x305: {  	v49 =	vld [tilespmem:s30+$0x2A0]  }
0x306: {  	v50 =	vmul.f32 v29, v45;
	v34 =	vadd.f32 v48, v34  }
0x307: {  	v51 =	vld [tilespmem:s30+$0x320]  }
0x308: {  	v52 =	vmul.f32 v30, v47;
	v34 =	vadd.f32 v50, v34  }
0x309: {  	v53 =	vld [tilespmem:s30+$0x3A0]  }
0x30a: {  	v54 =	vmul.f32 v31, v49;
	v34 =	vadd.f32 v52, v34;
	_ =	sdelay $0x1  }
0x30b: {  	v55 =	vmul.f32 v32, v51;
	v34 =	vadd.f32 v54, v34;
	_ =	sdelay $0x1  }
0x30c: {  	v56 =	vmul.f32 v33, v53;
	v34 =	vadd.f32 v55, v34;
	_ =	sdelay $0x1  }
0x30d: {  	v34 =	vadd.f32 v56, v34;
	_ =	sdelay $0x1  }
0x30e: {  	v34 =	vsub.f32 $0.0e+00, v34;
	_ =	sdelay $0x1  }
0x30f: {  	v34 =	vmul.f32 $1.442695020e+00, v34;
	_ =	sdelay $0x1  }
0x310: {  	(erf) = vpow2.f32 v34;
	_ =	sdelay $0x8  }
0x311: {  	v34 =	vpop (erf)  }
0x312: {  	v34 =	vadd.f32 $1.000000000e+00, v34;
	_ =	sdelay $0x1  }
0x313: {  	(erf) = vrcp.f32 v34;
	_ =	sdelay $0x8  }
0x314: {  	v34 =	vpop (erf)  }
0x315: {  	[tilespmem:s31+$0xFFFFFFE0] =	vst v34  }
0x316: {  	v34 =	vld [tilespmem:s30+$0xFFFFFC30];
	_ =	sdelay $0x1  }
0x317: {  	v57 =	vld [tilespmem:s30+$0xFFFFFCB0];
	_ =	sdelay $0x1  }
0x318: {  	v58 =	vld [tilespmem:s30+$0xFFFFFD30]  }
0x319: {  	v34 =	vmul.f32 v18, v34  }
0x31a: {  	v59 =	vld [tilespmem:s30+$0xFFFFFDB0]  }
0x31b: {  	v35 =	vmul.f32 v19, v57;
	v34 =	vadd.f32 v17, v34  }
0x31c: {  	v60 =	vld [tilespmem:s30+$0xFFFFFE30]  }
0x31d: {  	v61 =	vmul.f32 v20, v58;
	v34 =	vadd.f32 v35, v34  }
0x31e: {  	v62 =	vld [tilespmem:s30+$0xFFFFFEB0]  }
0x31f: {  	v63 =	vmul.f32 v21, v59;
	v34 =	vadd.f32 v61, v34  }
0x320: {  	v40 =	vld [tilespmem:s30+$0xFFFFFF30]  }
0x321: {  	v41 =	vmul.f32 v22, v60;
	v34 =	vadd.f32 v63, v34  }
0x322: {  	v42 =	vld [tilespmem:s30+$0xFFFFFFB0]  }
0x323: {  	v43 =	vmul.f32 v23, v62;
	v34 =	vadd.f32 v41, v34  }
0x324: {  	v44 =	vld [tilespmem:s30+$0x30]  }
0x325: {  	v45 =	vmul.f32 v24, v40;
	v34 =	vadd.f32 v43, v34  }
0x326: {  	v46 =	vld [tilespmem:s30+$0xB0]  }
0x327: {  	v47 =	vmul.f32 v25, v42;
	v34 =	vadd.f32 v45, v34  }
0x328: {  	v48 =	vld [tilespmem:s30+$0x130]  }
0x329: {  	v49 =	vmul.f32 v26, v44;
	v34 =	vadd.f32 v47, v34  }
0x32a: {  	v50 =	vld [tilespmem:s30+$0x1B0]  }
0x32b: {  	v51 =	vmul.f32 v27, v46;
	v34 =	vadd.f32 v49, v34  }
0x32c: {  	v52 =	vld [tilespmem:s30+$0x230]  }
0x32d: {  	v53 =	vmul.f32 v28, v48;
	v34 =	vadd.f32 v51, v34  }
0x32e: {  	v54 =	vld [tilespmem:s30+$0x2B0]  }
0x32f: {  	v55 =	vmul.f32 v29, v50;
	v34 =	vadd.f32 v53, v34  }
0x330: {  	v56 =	vld [tilespmem:s30+$0x330]  }
0x331: {  	v57 =	vmul.f32 v30, v52;
	v34 =	vadd.f32 v55, v34  }
0x332: {  	v58 =	vld [tilespmem:s30+$0x3B0]  }
0x333: {  	v59 =	vmul.f32 v31, v54;
	v34 =	vadd.f32 v57, v34;
	_ =	sdelay $0x1  }
0x334: {  	v60 =	vmul.f32 v32, v56;
	v34 =	vadd.f32 v59, v34;
	_ =	sdelay $0x1  }
0x335: {  	v61 =	vmul.f32 v33, v58;
	v34 =	vadd.f32 v60, v34;
	_ =	sdelay $0x1  }
0x336: {  	v34 =	vadd.f32 v61, v34;
	_ =	sdelay $0x1  }
0x337: {  	v34 =	vsub.f32 $0.0e+00, v34;
	_ =	sdelay $0x1  }
0x338: {  	v34 =	vmul.f32 $1.442695020e+00, v34;
	_ =	sdelay $0x1  }
0x339: {  	(erf) = vpow2.f32 v34;
	_ =	sdelay $0x8  }
0x33a: {  	v34 =	vpop (erf)  }
0x33b: {  	v34 =	vadd.f32 $1.000000000e+00, v34;
	_ =	sdelay $0x1  }
0x33c: {  	(erf) = vrcp.f32 v34;
	_ =	sdelay $0x8  }
0x33d: {  	v34 =	vpop (erf)  }
0x33e: {  	[tilespmem:s31+$0xFFFFFFF0] =	vst v34  }
0x33f: {  	v34 =	vld [tilespmem:s30+$0xFFFFFC40];
	_ =	sdelay $0x1  }
0x340: {  	v62 =	vld [tilespmem:s30+$0xFFFFFCC0];
	_ =	sdelay $0x1  }
0x341: {  	v63 =	vld [tilespmem:s30+$0xFFFFFD40]  }
0x342: {  	v34 =	vmul.f32 v18, v34  }
0x343: {  	v40 =	vld [tilespmem:s30+$0xFFFFFDC0]  }
0x344: {  	v35 =	vmul.f32 v19, v62;
	v34 =	vadd.f32 v17, v34  }
0x345: {  	v41 =	vld [tilespmem:s30+$0xFFFFFE40]  }
0x346: {  	v42 =	vmul.f32 v20, v63;
	v34 =	vadd.f32 v35, v34  }
0x347: {  	v43 =	vld [tilespmem:s30+$0xFFFFFEC0]  }
0x348: {  	v44 =	vmul.f32 v21, v40;
	v34 =	vadd.f32 v42, v34  }
0x349: {  	v45 =	vld [tilespmem:s30+$0xFFFFFF40]  }
0x34a: {  	v46 =	vmul.f32 v22, v41;
	v34 =	vadd.f32 v44, v34  }
0x34b: {  	v47 =	vld [tilespmem:s30+$0xFFFFFFC0]  }
0x34c: {  	v48 =	vmul.f32 v23, v43;
	v34 =	vadd.f32 v46, v34  }
0x34d: {  	v49 =	vld [tilespmem:s30+$0x40]  }
0x34e: {  	v50 =	vmul.f32 v24, v45;
	v34 =	vadd.f32 v48, v34  }
0x34f: {  	v51 =	vld [tilespmem:s30+$0xC0]  }
0x350: {  	v52 =	vmul.f32 v25, v47;
	v34 =	vadd.f32 v50, v34  }
0x351: {  	v53 =	vld [tilespmem:s30+$0x140]  }
0x352: {  	v54 =	vmul.f32 v26, v49;
	v34 =	vadd.f32 v52, v34  }
0x353: {  	v55 =	vld [tilespmem:s30+$0x1C0]  }
0x354: {  	v56 =	vmul.f32 v27, v51;
	v34 =	vadd.f32 v54, v34  }
0x355: {  	v57 =	vld [tilespmem:s30+$0x240]  }
0x356: {  	v58 =	vmul.f32 v28, v53;
	v34 =	vadd.f32 v56, v34  }
0x357: {  	v59 =	vld [tilespmem:s30+$0x2C0]  }
0x358: {  	v60 =	vmul.f32 v29, v55;
	v34 =	vadd.f32 v58, v34  }
0x359: {  	v61 =	vld [tilespmem:s30+$0x340]  }
0x35a: {  	v62 =	vmul.f32 v30, v57;
	v34 =	vadd.f32 v60, v34  }
0x35b: {  	v63 =	vld [tilespmem:s30+$0x3C0]  }
0x35c: {  	v40 =	vmul.f32 v31, v59;
	v34 =	vadd.f32 v62, v34;
	_ =	sdelay $0x1  }
0x35d: {  	v41 =	vmul.f32 v32, v61;
	v34 =	vadd.f32 v40, v34;
	_ =	sdelay $0x1  }
0x35e: {  	v42 =	vmul.f32 v33, v63;
	v34 =	vadd.f32 v41, v34;
	_ =	sdelay $0x1  }
0x35f: {  	v34 =	vadd.f32 v42, v34;
	_ =	sdelay $0x1  }
0x360: {  	v34 =	vsub.f32 $0.0e+00, v34;
	_ =	sdelay $0x1  }
0x361: {  	v34 =	vmul.f32 $1.442695020e+00, v34;
	_ =	sdelay $0x1  }
0x362: {  	(erf) = vpow2.f32 v34;
	_ =	sdelay $0x8  }
0x363: {  	v34 =	vpop (erf)  }
0x364: {  	v34 =	vadd.f32 $1.000000000e+00, v34;
	_ =	sdelay $0x1  }
0x365: {  	(erf) = vrcp.f32 v34;
	_ =	sdelay $0x8  }
0x366: {  	v34 =	vpop (erf)  }
0x367: {  	[tilespmem:s31+$0x0] =	vst v34  }
0x368: {  	v34 =	vld [tilespmem:s30+$0xFFFFFC50];
	_ =	sdelay $0x1  }
0x369: {  	v43 =	vld [tilespmem:s30+$0xFFFFFCD0];
	_ =	sdelay $0x1  }
0x36a: {  	v44 =	vld [tilespmem:s30+$0xFFFFFD50]  }
0x36b: {  	v34 =	vmul.f32 v18, v34  }
0x36c: {  	v45 =	vld [tilespmem:s30+$0xFFFFFDD0]  }
0x36d: {  	v35 =	vmul.f32 v19, v43;
	v34 =	vadd.f32 v17, v34  }
0x36e: {  	v46 =	vld [tilespmem:s30+$0xFFFFFE50]  }
0x36f: {  	v47 =	vmul.f32 v20, v44;
	v34 =	vadd.f32 v35, v34  }
0x370: {  	v48 =	vld [tilespmem:s30+$0xFFFFFED0]  }
0x371: {  	v49 =	vmul.f32 v21, v45;
	v34 =	vadd.f32 v47, v34  }
0x372: {  	v50 =	vld [tilespmem:s30+$0xFFFFFF50]  }
0x373: {  	v51 =	vmul.f32 v22, v46;
	v34 =	vadd.f32 v49, v34  }
0x374: {  	v52 =	vld [tilespmem:s30+$0xFFFFFFD0]  }
0x375: {  	v53 =	vmul.f32 v23, v48;
	v34 =	vadd.f32 v51, v34  }
0x376: {  	v54 =	vld [tilespmem:s30+$0x50]  }
0x377: {  	v55 =	vmul.f32 v24, v50;
	v34 =	vadd.f32 v53, v34  }
0x378: {  	v56 =	vld [tilespmem:s30+$0xD0]  }
0x379: {  	v57 =	vmul.f32 v25, v52;
	v34 =	vadd.f32 v55, v34  }
0x37a: {  	v58 =	vld [tilespmem:s30+$0x150]  }
0x37b: {  	v59 =	vmul.f32 v26, v54;
	v34 =	vadd.f32 v57, v34  }
0x37c: {  	v60 =	vld [tilespmem:s30+$0x1D0]  }
0x37d: {  	v61 =	vmul.f32 v27, v56;
	v34 =	vadd.f32 v59, v34  }
0x37e: {  	v62 =	vld [tilespmem:s30+$0x250]  }
0x37f: {  	v63 =	vmul.f32 v28, v58;
	v34 =	vadd.f32 v61, v34  }
0x380: {  	v40 =	vld [tilespmem:s30+$0x2D0]  }
0x381: {  	v41 =	vmul.f32 v29, v60;
	v34 =	vadd.f32 v63, v34  }
0x382: {  	v42 =	vld [tilespmem:s30+$0x350]  }
0x383: {  	v43 =	vmul.f32 v30, v62;
	v34 =	vadd.f32 v41, v34  }
0x384: {  	v44 =	vld [tilespmem:s30+$0x3D0]  }
0x385: {  	v45 =	vmul.f32 v31, v40;
	v34 =	vadd.f32 v43, v34;
	_ =	sdelay $0x1  }
0x386: {  	v46 =	vmul.f32 v32, v42;
	v34 =	vadd.f32 v45, v34;
	_ =	sdelay $0x1  }
0x387: {  	v47 =	vmul.f32 v33, v44;
	v34 =	vadd.f32 v46, v34;
	_ =	sdelay $0x1  }
0x388: {  	v34 =	vadd.f32 v47, v34;
	_ =	sdelay $0x1  }
0x389: {  	v34 =	vsub.f32 $0.0e+00, v34;
	_ =	sdelay $0x1  }
0x38a: {  	v34 =	vmul.f32 $1.442695020e+00, v34;
	_ =	sdelay $0x1  }
0x38b: {  	(erf) = vpow2.f32 v34;
	_ =	sdelay $0x8  }
0x38c: {  	v34 =	vpop (erf)  }
0x38d: {  	v34 =	vadd.f32 $1.000000000e+00, v34;
	_ =	sdelay $0x1  }
0x38e: {  	(erf) = vrcp.f32 v34;
	_ =	sdelay $0x8  }
0x38f: {  	v34 =	vpop (erf)  }
0x390: {  	[tilespmem:s31+$0x10] =	vst v34  }
0x391: {  	v34 =	vld [tilespmem:s30+$0xFFFFFC60];
	_ =	sdelay $0x1  }
0x392: {  	v48 =	vld [tilespmem:s30+$0xFFFFFCE0];
	_ =	sdelay $0x1  }
0x393: {  	v49 =	vld [tilespmem:s30+$0xFFFFFD60]  }
0x394: {  	v34 =	vmul.f32 v18, v34  }
0x395: {  	v50 =	vld [tilespmem:s30+$0xFFFFFDE0]  }
0x396: {  	v35 =	vmul.f32 v19, v48;
	v34 =	vadd.f32 v17, v34  }
0x397: {  	v51 =	vld [tilespmem:s30+$0xFFFFFE60]  }
0x398: {  	v52 =	vmul.f32 v20, v49;
	v34 =	vadd.f32 v35, v34  }
0x399: {  	v53 =	vld [tilespmem:s30+$0xFFFFFEE0]  }
0x39a: {  	v54 =	vmul.f32 v21, v50;
	v34 =	vadd.f32 v52, v34  }
0x39b: {  	v55 =	vld [tilespmem:s30+$0xFFFFFF60]  }
0x39c: {  	v56 =	vmul.f32 v22, v51;
	v34 =	vadd.f32 v54, v34  }
0x39d: {  	v57 =	vld [tilespmem:s30+$0xFFFFFFE0]  }
0x39e: {  	v58 =	vmul.f32 v23, v53;
	v34 =	vadd.f32 v56, v34  }
0x39f: {  	v59 =	vld [tilespmem:s30+$0x60]  }
0x3a0: {  	v60 =	vmul.f32 v24, v55;
	v34 =	vadd.f32 v58, v34  }
0x3a1: {  	v61 =	vld [tilespmem:s30+$0xE0]  }
0x3a2: {  	v62 =	vmul.f32 v25, v57;
	v34 =	vadd.f32 v60, v34  }
0x3a3: {  	v63 =	vld [tilespmem:s30+$0x160]  }
0x3a4: {  	v40 =	vmul.f32 v26, v59;
	v34 =	vadd.f32 v62, v34  }
0x3a5: {  	v41 =	vld [tilespmem:s30+$0x1E0]  }
0x3a6: {  	v42 =	vmul.f32 v27, v61;
	v34 =	vadd.f32 v40, v34  }
0x3a7: {  	v43 =	vld [tilespmem:s30+$0x260]  }
0x3a8: {  	v44 =	vmul.f32 v28, v63;
	v34 =	vadd.f32 v42, v34  }
0x3a9: {  	v45 =	vld [tilespmem:s30+$0x2E0]  }
0x3aa: {  	v46 =	vmul.f32 v29, v41;
	v34 =	vadd.f32 v44, v34  }
0x3ab: {  	v47 =	vld [tilespmem:s30+$0x360]  }
0x3ac: {  	v48 =	vmul.f32 v30, v43;
	v34 =	vadd.f32 v46, v34  }
0x3ad: {  	v49 =	vld [tilespmem:s30+$0x3E0]  }
0x3ae: {  	v50 =	vmul.f32 v31, v45;
	v34 =	vadd.f32 v48, v34;
	_ =	sdelay $0x1  }
0x3af: {  	v51 =	vmul.f32 v32, v47;
	v34 =	vadd.f32 v50, v34;
	_ =	sdelay $0x1  }
0x3b0: {  	v52 =	vmul.f32 v33, v49;
	v34 =	vadd.f32 v51, v34;
	_ =	sdelay $0x1  }
0x3b1: {  	v34 =	vadd.f32 v52, v34;
	_ =	sdelay $0x1  }
0x3b2: {  	v34 =	vsub.f32 $0.0e+00, v34;
	_ =	sdelay $0x1  }
0x3b3: {  	v34 =	vmul.f32 $1.442695020e+00, v34;
	_ =	sdelay $0x1  }
0x3b4: {  	(erf) = vpow2.f32 v34;
	_ =	sdelay $0x8  }
0x3b5: {  	v34 =	vpop (erf)  }
0x3b6: {  	v34 =	vadd.f32 $1.000000000e+00, v34;
	_ =	sdelay $0x1  }
0x3b7: {  	(erf) = vrcp.f32 v34;
	_ =	sdelay $0x8  }
0x3b8: {  	v34 =	vpop (erf)  }
0x3b9: {  	[tilespmem:s31+$0x20] =	vst v34  }
0x3ba: {  	v34 =	vld [tilespmem:s30+$0xFFFFFC70];
	_ =	sdelay $0x1  }
0x3bb: {  	v53 =	vld [tilespmem:s30+$0xFFFFFCF0];
	_ =	sdelay $0x1  }
0x3bc: {  	v54 =	vld [tilespmem:s30+$0xFFFFFD70]  }
0x3bd: {  	v18 =	vmul.f32 v18, v34  }
0x3be: {  	v55 =	vld [tilespmem:s30+$0xFFFFFDF0]  }
0x3bf: {  	v17 =	vadd.f32 v17, v18;
	v18 =	vmul.f32 v19, v53  }
0x3c0: {  	v19 =	vld [tilespmem:s30+$0xFFFFFE70]  }
0x3c1: {  	v17 =	vadd.f32 v18, v17;
	v18 =	vmul.f32 v20, v54  }
0x3c2: {  	v56 =	vld [tilespmem:s30+$0xFFFFFEF0]  }
0x3c3: {  	v17 =	vadd.f32 v18, v17;
	v18 =	vmul.f32 v21, v55  }
0x3c4: {  	v57 =	vld [tilespmem:s30+$0xFFFFFF70]  }
0x3c5: {  	v17 =	vadd.f32 v18, v17;
	v18 =	vmul.f32 v22, v19  }
0x3c6: {  	v19 =	vld [tilespmem:s30+$0xFFFFFFF0]  }
0x3c7: {  	v17 =	vadd.f32 v18, v17;
	v18 =	vmul.f32 v23, v56  }
0x3c8: {  	v58 =	vld [tilespmem:s30+$0x70]  }
0x3c9: {  	v17 =	vadd.f32 v18, v17;
	v18 =	vmul.f32 v24, v57  }
0x3ca: {  	v59 =	vld [tilespmem:s30+$0xF0]  }
0x3cb: {  	v17 =	vadd.f32 v18, v17;
	v18 =	vmul.f32 v25, v19  }
0x3cc: {  	v19 =	vld [tilespmem:s30+$0x170]  }
0x3cd: {  	v17 =	vadd.f32 v18, v17;
	v18 =	vmul.f32 v26, v58  }
0x3ce: {  	v60 =	vld [tilespmem:s30+$0x1F0]  }
0x3cf: {  	v17 =	vadd.f32 v18, v17;
	v18 =	vmul.f32 v27, v59  }
0x3d0: {  	v61 =	vld [tilespmem:s30+$0x270]  }
0x3d1: {  	v17 =	vadd.f32 v18, v17;
	v18 =	vmul.f32 v28, v19  }
0x3d2: {  	v19 =	vld [tilespmem:s30+$0x2F0]  }
0x3d3: {  	v17 =	vadd.f32 v18, v17;
	v18 =	vmul.f32 v29, v60  }
0x3d4: {  	v62 =	vld [tilespmem:s30+$0x370]  }
0x3d5: {  	v17 =	vadd.f32 v18, v17;
	v18 =	vmul.f32 v30, v61  }
0x3d6: {  	v63 =	vld [tilespmem:s30+$0x3F0]  }
0x3d7: {  	v17 =	vadd.f32 v18, v17;
	v18 =	vmul.f32 v31, v19;
	_ =	sdelay $0x1  }
0x3d8: {  	v17 =	vadd.f32 v18, v17;
	v18 =	vmul.f32 v32, v62;
	_ =	sdelay $0x1  }
0x3d9: {  	v17 =	vadd.f32 v18, v17;
	v18 =	vmul.f32 v33, v63;
	_ =	sdelay $0x1  }
0x3da: {  	v17 =	vadd.f32 v18, v17;
	_ =	sdelay $0x1  }
0x3db: {  	v17 =	vsub.f32 $0.0e+00, v17;
	_ =	sdelay $0x1  }
0x3dc: {  	v17 =	vmul.f32 $1.442695020e+00, v17;
	_ =	sdelay $0x1  }
0x3dd: {  	(erf) = vpow2.f32 v17;
	_ =	sdelay $0x8  }
0x3de: {  	v17 =	vpop (erf)  }
0x3df: {  	v17 =	vadd.f32 $1.000000000e+00, v17;
	_ =	sdelay $0x1  }
0x3e0: {  	(erf) = vrcp.f32 v17;
	_ =	sdelay $0x4  }
0x3e1: {  	p0 =	sne.s32 s1, $0x70  }
.Ltmp0:
0x3e2: {  	_ = 	snop;
	(pc) =	sbr.rel @p0 .LBB2_2-.Ltmp0, $3  }
0x3e3: {  	_ =	sdelay $0x1  }
0x3e4: {  	s9 =	sadd.s32 $0x1, s9;
	v17 =	vpop (erf)  }
0x3e5: {  	s1 =	sadd.s32 $0x10, s1;
	s30 =	sadd.s32 $0x800, s30;
	[tilespmem:s31+$0x30] =	vst v17;
	s31 =	sadd.s32 $0x80, s31  }
0x3e6: {  	_ =	swait.ge [sflag:s24], $0x4000  }
0x3e7: {  	s30 =	simm.s32 $0x0;
	s9 =	simm.s32 $0x94F0;
	[sflag:s24] =	ssyncset.done $0x0  }
0x3e8: {  	s1 =	smov.u32 s12;
	s31 =	smov.u32 s11;
	[sflag:s24] =	ssyncadd.s32 $0xFFFFC000  }
.LBB2_4:
0x3e9: {  	s14 =	sadd.s32 $0xFFFFFFF1, s1  }
0x3ea: {  	v17 =	vmov s14  }
0x3eb: {  	s15 =	sadd.s32 $0xFFFFFFF2, s1;
	v17 =	vand.u32 $0xFFFFFFF0, v17  }
0x3ec: {  	v18 =	vmov s31;
	v19 =	vbroadcast v17, $0x0;
	v17 =	vmov s15  }
0x3ed: {  	s15 =	sadd.s32 $0xFFFFFFF3, s1;
	v17 =	vand.u32 $0xFFFFFFF1, v17  }
0x3ee: {  	v20 =	vbroadcast v17, $0x0;
	v17 =	vmov s15  }
0x3ef: {  	s14 =	sshra.s32 s30, $0x2;
	s15 =	sadd.s32 $0xFFFFFFF4, s1;
	v17 =	vand.u32 $0xFFFFFFF2, v17  }
0x3f0: {  	v24 =	vld [tilespmem:s14+$0x5080];
	v22 =	vmov s15;
	v21 =	vbroadcast v17, $0x0  }
0x3f1: {  	s15 =	sadd.s32 $0xFFFFFFF5, s1;
	v17 =	vld.idx.msk [tilespmem:v18+s2+$0x0], $0xffff;
	v22 =	vand.u32 $0xFFFFFFF3, v22  }
0x3f2: {  	v22 =	vbroadcast v22, $0x0;
	v18 =	vld.idx.msk [tilespmem:v19+s2+$0x0], $0xffff;
	v19 =	vmov s15  }
0x3f3: {  	v26 =	vld [tilespmem:s14+$0x5100];
	s15 =	sadd.s32 $0xFFFFFFF6, s1;
	v23 =	vand.u32 $0xFFFFFFF4, v19  }
0x3f4: {  	v38 =	vmov s15;
	v19 =	vld.idx.msk [tilespmem:v20+s2+$0x0], $0xffff;
	v23 =	vbroadcast v23, $0x0  }
0x3f5: {  	v29 =	vld [tilespmem:s14+$0x5180];
	s15 =	sadd.s32 $0xFFFFFFF7, s1;
	v25 =	vand.u32 $0xFFFFFFF5, v38  }
0x3f6: {  	v39 =	vmov s15;
	v25 =	vbroadcast v25, $0x0;
	v20 =	vld.idx.msk [tilespmem:v21+s2+$0x0], $0xffff  }
0x3f7: {  	v31 =	vld [tilespmem:s14+$0x5200];
	s15 =	sadd.s32 $0xFFFFFFF8, s1;
	v27 =	vand.u32 $0xFFFFFFF6, v39;
	v24 =	vmul.f32 v18, v24  }
0x3f8: {  	v28 =	vmov s15;
	v27 =	vbroadcast v27, $0x0;
	v21 =	vld.idx.msk [tilespmem:v22+s2+$0x0], $0xffff  }
0x3f9: {  	v33 =	vld [tilespmem:s14+$0x5280];
	s15 =	sadd.s32 $0xFFFFFFF9, s1;
	v40 =	vand.u32 $0xFFFFFFF7, v28;
	v24 =	vadd.f32 v17, v24;
	v26 =	vmul.f32 v19, v26  }
0x3fa: {  	v30 =	vmov s15;
	v28 =	vbroadcast v40, $0x0;
	v22 =	vld.idx.msk [tilespmem:v23+s2+$0x0], $0xffff  }
0x3fb: {  	v34 =	vld [tilespmem:s14+$0x5300];
	s15 =	sadd.s32 $0xFFFFFFFA, s1;
	v41 =	vand.u32 $0xFFFFFFF8, v30;
	v26 =	vadd.f32 v26, v24;
	v29 =	vmul.f32 v20, v29  }
0x3fc: {  	v32 =	vmov s15;
	v30 =	vbroadcast v41, $0x0;
	v23 =	vld.idx.msk [tilespmem:v25+s2+$0x0], $0xffff  }
0x3fd: {  	v35 =	vld [tilespmem:s14+$0x5380];
	s15 =	sadd.s32 $0xFFFFFFFB, s1;
	v42 =	vand.u32 $0xFFFFFFF9, v32;
	v44 =	vmul.f32 v21, v31;
	v26 =	vadd.f32 v29, v26  }
0x3fe: {  	v43 =	vmov s15;
	v32 =	vbroadcast v42, $0x0;
	v24 =	vld.idx.msk [tilespmem:v27+s2+$0x0], $0xffff  }
0x3ff: {  	v36 =	vld [tilespmem:s14+$0x5400];
	s15 =	sadd.s32 $0xFFFFFFFC, s1;
	v25 =	vand.u32 $0xFFFFFFFA, v43;
	v27 =	vadd.f32 v44, v26;
	v48 =	vmul.f32 v22, v33  }
0x400: {  	v46 =	vmov s15;
	v45 =	vbroadcast v25, $0x0;
	v25 =	vld.idx.msk [tilespmem:v28+s2+$0x0], $0xffff  }
0x401: {  	v37 =	vld [tilespmem:s14+$0x5480];
	s15 =	sadd.s32 $0xFFFFFFFD, s1;
	v47 =	vand.u32 $0xFFFFFFFB, v46;
	v52 =	vmul.f32 v23, v34;
	v51 =	vadd.f32 v48, v27  }
0x402: {  	v50 =	vmov s15;
	v49 =	vbroadcast v47, $0x0;
	v26 =	vld.idx.msk [tilespmem:v30+s2+$0x0], $0xffff  }
0x403: {  	v38 =	vld [tilespmem:s14+$0x5500];
	s15 =	sadd.s32 $0xFFFFFFFE, s1;
	v28 =	vand.u32 $0xFFFFFFFC, v50;
	v55 =	vmul.f32 v24, v35;
	v30 =	vadd.f32 v52, v51  }
0x404: {  	v54 =	vmov s15;
	v53 =	vbroadcast v28, $0x0;
	v27 =	vld.idx.msk [tilespmem:v32+s2+$0x0], $0xffff  }
0x405: {  	v59 =	vld [tilespmem:s14+$0x5580];
	s15 =	sadd.s32 $0xFFFFFFFF, s1;
	v57 =	vand.u32 $0xFFFFFFFD, v54;
	v58 =	vmul.f32 v25, v36;
	v30 =	vadd.f32 v55, v30  }
0x406: {  	v56 =	vmov s15;
	v35 =	vbroadcast v57, $0x0;
	v28 =	vld.idx.msk [tilespmem:v45+s2+$0x0], $0xffff  }
0x407: {  	v61 =	vld [tilespmem:s14+$0x5600];
	v32 =	vand.u32 $0xFFFFFFFE, v56;
	v60 =	vmul.f32 v26, v37;
	v31 =	vadd.f32 v58, v30  }
0x408: {  	v29 =	vld.idx.msk [tilespmem:v49+s2+$0x0], $0xffff;
	v32 =	vbroadcast v32, $0x0  }
0x409: {  	v39 =	vld [tilespmem:s14+$0x5680];
	v62 =	vmul.f32 v27, v38;
	v33 =	vadd.f32 v60, v31  }
0x40a: {  	v30 =	vld.idx.msk [tilespmem:v53+s2+$0x0], $0xffff  }
0x40b: {  	v63 =	vmov s1;
	v40 =	vld [tilespmem:s14+$0x5700];
	v36 =	vmul.f32 v28, v59;
	v33 =	vadd.f32 v62, v33  }
0x40c: {  	v31 =	vld.idx.msk [tilespmem:v35+s2+$0x0], $0xffff  }
0x40d: {  	v42 =	vld [tilespmem:s14+$0x5780];
	v41 =	vmul.f32 v29, v61;
	v34 =	vadd.f32 v36, v33  }
0x40e: {  	v32 =	vld.idx.msk [tilespmem:v32+s2+$0x0], $0xffff  }
0x40f: {  	v44 =	vld [tilespmem:s14+$0x5800];
	v43 =	vmul.f32 v30, v39;
	v34 =	vadd.f32 v41, v34  }
0x410: {  	v33 =	vld.idx.msk [tilespmem:v63+s2+$0x0], $0xffff  }
0x411: {  	v35 =	vmul.f32 v31, v40;
	v34 =	vadd.f32 v43, v34;
	_ =	sdelay $0x1  }
0x412: {  	v45 =	vmul.f32 v32, v42;
	v34 =	vadd.f32 v35, v34;
	_ =	sdelay $0x1  }
0x413: {  	v46 =	vmul.f32 v33, v44;
	v34 =	vadd.f32 v45, v34;
	_ =	sdelay $0x1  }
0x414: {  	v34 =	vadd.f32 v46, v34;
	_ =	sdelay $0x1  }
0x415: {  	v34 =	vsub.f32 $0.0e+00, v34;
	_ =	sdelay $0x1  }
0x416: {  	v34 =	vmul.f32 $1.442695020e+00, v34;
	_ =	sdelay $0x1  }
0x417: {  	(erf) = vpow2.f32 v34;
	_ =	sdelay $0x8  }
0x418: {  	v34 =	vpop (erf)  }
0x419: {  	v34 =	vadd.f32 $1.000000000e+00, v34;
	_ =	sdelay $0x1  }
0x41a: {  	(erf) = vrcp.f32 v34;
	_ =	sdelay $0x8  }
0x41b: {  	v34 =	vpop (erf)  }
0x41c: {  	[tilespmem:s9+$0xFFFFFF90] =	vst v34  }
0x41d: {  	v34 =	vld [tilespmem:s14+$0x5090];
	_ =	sdelay $0x1  }
0x41e: {  	v47 =	vld [tilespmem:s14+$0x5110];
	_ =	sdelay $0x1  }
0x41f: {  	v48 =	vld [tilespmem:s14+$0x5190]  }
0x420: {  	v34 =	vmul.f32 v18, v34  }
0x421: {  	v49 =	vld [tilespmem:s14+$0x5210]  }
0x422: {  	v35 =	vmul.f32 v19, v47;
	v34 =	vadd.f32 v17, v34  }
0x423: {  	v50 =	vld [tilespmem:s14+$0x5290]  }
0x424: {  	v51 =	vmul.f32 v20, v48;
	v34 =	vadd.f32 v35, v34  }
0x425: {  	v52 =	vld [tilespmem:s14+$0x5310]  }
0x426: {  	v53 =	vmul.f32 v21, v49;
	v34 =	vadd.f32 v51, v34  }
0x427: {  	v54 =	vld [tilespmem:s14+$0x5390]  }
0x428: {  	v55 =	vmul.f32 v22, v50;
	v34 =	vadd.f32 v53, v34  }
0x429: {  	v56 =	vld [tilespmem:s14+$0x5410]  }
0x42a: {  	v57 =	vmul.f32 v23, v52;
	v34 =	vadd.f32 v55, v34  }
0x42b: {  	v58 =	vld [tilespmem:s14+$0x5490]  }
0x42c: {  	v59 =	vmul.f32 v24, v54;
	v34 =	vadd.f32 v57, v34  }
0x42d: {  	v60 =	vld [tilespmem:s14+$0x5510]  }
0x42e: {  	v61 =	vmul.f32 v25, v56;
	v34 =	vadd.f32 v59, v34  }
0x42f: {  	v62 =	vld [tilespmem:s14+$0x5590]  }
0x430: {  	v63 =	vmul.f32 v26, v58;
	v34 =	vadd.f32 v61, v34  }
0x431: {  	v40 =	vld [tilespmem:s14+$0x5610]  }
0x432: {  	v41 =	vmul.f32 v27, v60;
	v34 =	vadd.f32 v63, v34  }
0x433: {  	v42 =	vld [tilespmem:s14+$0x5690]  }
0x434: {  	v43 =	vmul.f32 v28, v62;
	v34 =	vadd.f32 v41, v34  }
0x435: {  	v44 =	vld [tilespmem:s14+$0x5710]  }
0x436: {  	v45 =	vmul.f32 v29, v40;
	v34 =	vadd.f32 v43, v34  }
0x437: {  	v46 =	vld [tilespmem:s14+$0x5790]  }
0x438: {  	v47 =	vmul.f32 v30, v42;
	v34 =	vadd.f32 v45, v34  }
0x439: {  	v48 =	vld [tilespmem:s14+$0x5810]  }
0x43a: {  	v49 =	vmul.f32 v31, v44;
	v34 =	vadd.f32 v47, v34;
	_ =	sdelay $0x1  }
0x43b: {  	v50 =	vmul.f32 v32, v46;
	v34 =	vadd.f32 v49, v34;
	_ =	sdelay $0x1  }
0x43c: {  	v51 =	vmul.f32 v33, v48;
	v34 =	vadd.f32 v50, v34;
	_ =	sdelay $0x1  }
0x43d: {  	v34 =	vadd.f32 v51, v34;
	_ =	sdelay $0x1  }
0x43e: {  	v34 =	vsub.f32 $0.0e+00, v34;
	_ =	sdelay $0x1  }
0x43f: {  	v34 =	vmul.f32 $1.442695020e+00, v34;
	_ =	sdelay $0x1  }
0x440: {  	(erf) = vpow2.f32 v34;
	_ =	sdelay $0x8  }
0x441: {  	v34 =	vpop (erf)  }
0x442: {  	v34 =	vadd.f32 $1.000000000e+00, v34;
	_ =	sdelay $0x1  }
0x443: {  	(erf) = vrcp.f32 v34;
	_ =	sdelay $0x8  }
0x444: {  	v34 =	vpop (erf)  }
0x445: {  	[tilespmem:s9+$0xFFFFFFA0] =	vst v34  }
0x446: {  	v34 =	vld [tilespmem:s14+$0x50A0];
	_ =	sdelay $0x1  }
0x447: {  	v52 =	vld [tilespmem:s14+$0x5120];
	_ =	sdelay $0x1  }
0x448: {  	v53 =	vld [tilespmem:s14+$0x51A0]  }
0x449: {  	v34 =	vmul.f32 v18, v34  }
0x44a: {  	v54 =	vld [tilespmem:s14+$0x5220]  }
0x44b: {  	v35 =	vmul.f32 v19, v52;
	v34 =	vadd.f32 v17, v34  }
0x44c: {  	v55 =	vld [tilespmem:s14+$0x52A0]  }
0x44d: {  	v56 =	vmul.f32 v20, v53;
	v34 =	vadd.f32 v35, v34  }
0x44e: {  	v57 =	vld [tilespmem:s14+$0x5320]  }
0x44f: {  	v58 =	vmul.f32 v21, v54;
	v34 =	vadd.f32 v56, v34  }
0x450: {  	v59 =	vld [tilespmem:s14+$0x53A0]  }
0x451: {  	v60 =	vmul.f32 v22, v55;
	v34 =	vadd.f32 v58, v34  }
0x452: {  	v61 =	vld [tilespmem:s14+$0x5420]  }
0x453: {  	v62 =	vmul.f32 v23, v57;
	v34 =	vadd.f32 v60, v34  }
0x454: {  	v63 =	vld [tilespmem:s14+$0x54A0]  }
0x455: {  	v40 =	vmul.f32 v24, v59;
	v34 =	vadd.f32 v62, v34  }
0x456: {  	v41 =	vld [tilespmem:s14+$0x5520]  }
0x457: {  	v42 =	vmul.f32 v25, v61;
	v34 =	vadd.f32 v40, v34  }
0x458: {  	v43 =	vld [tilespmem:s14+$0x55A0]  }
0x459: {  	v44 =	vmul.f32 v26, v63;
	v34 =	vadd.f32 v42, v34  }
0x45a: {  	v45 =	vld [tilespmem:s14+$0x5620]  }
0x45b: {  	v46 =	vmul.f32 v27, v41;
	v34 =	vadd.f32 v44, v34  }
0x45c: {  	v47 =	vld [tilespmem:s14+$0x56A0]  }
0x45d: {  	v48 =	vmul.f32 v28, v43;
	v34 =	vadd.f32 v46, v34  }
0x45e: {  	v49 =	vld [tilespmem:s14+$0x5720]  }
0x45f: {  	v50 =	vmul.f32 v29, v45;
	v34 =	vadd.f32 v48, v34  }
0x460: {  	v51 =	vld [tilespmem:s14+$0x57A0]  }
0x461: {  	v52 =	vmul.f32 v30, v47;
	v34 =	vadd.f32 v50, v34  }
0x462: {  	v53 =	vld [tilespmem:s14+$0x5820]  }
0x463: {  	v54 =	vmul.f32 v31, v49;
	v34 =	vadd.f32 v52, v34;
	_ =	sdelay $0x1  }
0x464: {  	v55 =	vmul.f32 v32, v51;
	v34 =	vadd.f32 v54, v34;
	_ =	sdelay $0x1  }
0x465: {  	v56 =	vmul.f32 v33, v53;
	v34 =	vadd.f32 v55, v34;
	_ =	sdelay $0x1  }
0x466: {  	v34 =	vadd.f32 v56, v34;
	_ =	sdelay $0x1  }
0x467: {  	v34 =	vsub.f32 $0.0e+00, v34;
	_ =	sdelay $0x1  }
0x468: {  	v34 =	vmul.f32 $1.442695020e+00, v34;
	_ =	sdelay $0x1  }
0x469: {  	(erf) = vpow2.f32 v34;
	_ =	sdelay $0x8  }
0x46a: {  	v34 =	vpop (erf)  }
0x46b: {  	v34 =	vadd.f32 $1.000000000e+00, v34;
	_ =	sdelay $0x1  }
0x46c: {  	(erf) = vrcp.f32 v34;
	_ =	sdelay $0x8  }
0x46d: {  	v34 =	vpop (erf)  }
0x46e: {  	[tilespmem:s9+$0xFFFFFFB0] =	vst v34  }
0x46f: {  	v34 =	vld [tilespmem:s14+$0x50B0];
	_ =	sdelay $0x1  }
0x470: {  	v57 =	vld [tilespmem:s14+$0x5130];
	_ =	sdelay $0x1  }
0x471: {  	v58 =	vld [tilespmem:s14+$0x51B0]  }
0x472: {  	v34 =	vmul.f32 v18, v34  }
0x473: {  	v59 =	vld [tilespmem:s14+$0x5230]  }
0x474: {  	v35 =	vmul.f32 v19, v57;
	v34 =	vadd.f32 v17, v34  }
0x475: {  	v60 =	vld [tilespmem:s14+$0x52B0]  }
0x476: {  	v61 =	vmul.f32 v20, v58;
	v34 =	vadd.f32 v35, v34  }
0x477: {  	v62 =	vld [tilespmem:s14+$0x5330]  }
0x478: {  	v63 =	vmul.f32 v21, v59;
	v34 =	vadd.f32 v61, v34  }
0x479: {  	v40 =	vld [tilespmem:s14+$0x53B0]  }
0x47a: {  	v41 =	vmul.f32 v22, v60;
	v34 =	vadd.f32 v63, v34  }
0x47b: {  	v42 =	vld [tilespmem:s14+$0x5430]  }
0x47c: {  	v43 =	vmul.f32 v23, v62;
	v34 =	vadd.f32 v41, v34  }
0x47d: {  	v44 =	vld [tilespmem:s14+$0x54B0]  }
0x47e: {  	v45 =	vmul.f32 v24, v40;
	v34 =	vadd.f32 v43, v34  }
0x47f: {  	v46 =	vld [tilespmem:s14+$0x5530]  }
0x480: {  	v47 =	vmul.f32 v25, v42;
	v34 =	vadd.f32 v45, v34  }
0x481: {  	v48 =	vld [tilespmem:s14+$0x55B0]  }
0x482: {  	v49 =	vmul.f32 v26, v44;
	v34 =	vadd.f32 v47, v34  }
0x483: {  	v50 =	vld [tilespmem:s14+$0x5630]  }
0x484: {  	v51 =	vmul.f32 v27, v46;
	v34 =	vadd.f32 v49, v34  }
0x485: {  	v52 =	vld [tilespmem:s14+$0x56B0]  }
0x486: {  	v53 =	vmul.f32 v28, v48;
	v34 =	vadd.f32 v51, v34  }
0x487: {  	v54 =	vld [tilespmem:s14+$0x5730]  }
0x488: {  	v55 =	vmul.f32 v29, v50;
	v34 =	vadd.f32 v53, v34  }
0x489: {  	v56 =	vld [tilespmem:s14+$0x57B0]  }
0x48a: {  	v57 =	vmul.f32 v30, v52;
	v34 =	vadd.f32 v55, v34  }
0x48b: {  	v58 =	vld [tilespmem:s14+$0x5830]  }
0x48c: {  	v59 =	vmul.f32 v31, v54;
	v34 =	vadd.f32 v57, v34;
	_ =	sdelay $0x1  }
0x48d: {  	v60 =	vmul.f32 v32, v56;
	v34 =	vadd.f32 v59, v34;
	_ =	sdelay $0x1  }
0x48e: {  	v61 =	vmul.f32 v33, v58;
	v34 =	vadd.f32 v60, v34;
	_ =	sdelay $0x1  }
0x48f: {  	v34 =	vadd.f32 v61, v34;
	_ =	sdelay $0x1  }
0x490: {  	v34 =	vsub.f32 $0.0e+00, v34;
	_ =	sdelay $0x1  }
0x491: {  	v34 =	vmul.f32 $1.442695020e+00, v34;
	_ =	sdelay $0x1  }
0x492: {  	(erf) = vpow2.f32 v34;
	_ =	sdelay $0x8  }
0x493: {  	v34 =	vpop (erf)  }
0x494: {  	v34 =	vadd.f32 $1.000000000e+00, v34;
	_ =	sdelay $0x1  }
0x495: {  	(erf) = vrcp.f32 v34;
	_ =	sdelay $0x8  }
0x496: {  	v34 =	vpop (erf)  }
0x497: {  	[tilespmem:s9+$0xFFFFFFC0] =	vst v34  }
0x498: {  	v34 =	vld [tilespmem:s14+$0x50C0];
	_ =	sdelay $0x1  }
0x499: {  	v62 =	vld [tilespmem:s14+$0x5140];
	_ =	sdelay $0x1  }
0x49a: {  	v63 =	vld [tilespmem:s14+$0x51C0]  }
0x49b: {  	v34 =	vmul.f32 v18, v34  }
0x49c: {  	v40 =	vld [tilespmem:s14+$0x5240]  }
0x49d: {  	v35 =	vmul.f32 v19, v62;
	v34 =	vadd.f32 v17, v34  }
0x49e: {  	v41 =	vld [tilespmem:s14+$0x52C0]  }
0x49f: {  	v42 =	vmul.f32 v20, v63;
	v34 =	vadd.f32 v35, v34  }
0x4a0: {  	v43 =	vld [tilespmem:s14+$0x5340]  }
0x4a1: {  	v44 =	vmul.f32 v21, v40;
	v34 =	vadd.f32 v42, v34  }
0x4a2: {  	v45 =	vld [tilespmem:s14+$0x53C0]  }
0x4a3: {  	v46 =	vmul.f32 v22, v41;
	v34 =	vadd.f32 v44, v34  }
0x4a4: {  	v47 =	vld [tilespmem:s14+$0x5440]  }
0x4a5: {  	v48 =	vmul.f32 v23, v43;
	v34 =	vadd.f32 v46, v34  }
0x4a6: {  	v49 =	vld [tilespmem:s14+$0x54C0]  }
0x4a7: {  	v50 =	vmul.f32 v24, v45;
	v34 =	vadd.f32 v48, v34  }
0x4a8: {  	v51 =	vld [tilespmem:s14+$0x5540]  }
0x4a9: {  	v52 =	vmul.f32 v25, v47;
	v34 =	vadd.f32 v50, v34  }
0x4aa: {  	v53 =	vld [tilespmem:s14+$0x55C0]  }
0x4ab: {  	v54 =	vmul.f32 v26, v49;
	v34 =	vadd.f32 v52, v34  }
0x4ac: {  	v55 =	vld [tilespmem:s14+$0x5640]  }
0x4ad: {  	v56 =	vmul.f32 v27, v51;
	v34 =	vadd.f32 v54, v34  }
0x4ae: {  	v57 =	vld [tilespmem:s14+$0x56C0]  }
0x4af: {  	v58 =	vmul.f32 v28, v53;
	v34 =	vadd.f32 v56, v34  }
0x4b0: {  	v59 =	vld [tilespmem:s14+$0x5740]  }
0x4b1: {  	v60 =	vmul.f32 v29, v55;
	v34 =	vadd.f32 v58, v34  }
0x4b2: {  	v61 =	vld [tilespmem:s14+$0x57C0]  }
0x4b3: {  	v62 =	vmul.f32 v30, v57;
	v34 =	vadd.f32 v60, v34  }
0x4b4: {  	v63 =	vld [tilespmem:s14+$0x5840]  }
0x4b5: {  	v40 =	vmul.f32 v31, v59;
	v34 =	vadd.f32 v62, v34;
	_ =	sdelay $0x1  }
0x4b6: {  	v41 =	vmul.f32 v32, v61;
	v34 =	vadd.f32 v40, v34;
	_ =	sdelay $0x1  }
0x4b7: {  	v42 =	vmul.f32 v33, v63;
	v34 =	vadd.f32 v41, v34;
	_ =	sdelay $0x1  }
0x4b8: {  	v34 =	vadd.f32 v42, v34;
	_ =	sdelay $0x1  }
0x4b9: {  	v34 =	vsub.f32 $0.0e+00, v34;
	_ =	sdelay $0x1  }
0x4ba: {  	v34 =	vmul.f32 $1.442695020e+00, v34;
	_ =	sdelay $0x1  }
0x4bb: {  	(erf) = vpow2.f32 v34;
	_ =	sdelay $0x8  }
0x4bc: {  	v34 =	vpop (erf)  }
0x4bd: {  	v34 =	vadd.f32 $1.000000000e+00, v34;
	_ =	sdelay $0x1  }
0x4be: {  	(erf) = vrcp.f32 v34;
	_ =	sdelay $0x8  }
0x4bf: {  	v34 =	vpop (erf)  }
0x4c0: {  	[tilespmem:s9+$0xFFFFFFD0] =	vst v34  }
0x4c1: {  	v34 =	vld [tilespmem:s14+$0x50D0];
	_ =	sdelay $0x1  }
0x4c2: {  	v43 =	vld [tilespmem:s14+$0x5150];
	_ =	sdelay $0x1  }
0x4c3: {  	v44 =	vld [tilespmem:s14+$0x51D0]  }
0x4c4: {  	v34 =	vmul.f32 v18, v34  }
0x4c5: {  	v45 =	vld [tilespmem:s14+$0x5250]  }
0x4c6: {  	v35 =	vmul.f32 v19, v43;
	v34 =	vadd.f32 v17, v34  }
0x4c7: {  	v46 =	vld [tilespmem:s14+$0x52D0]  }
0x4c8: {  	v47 =	vmul.f32 v20, v44;
	v34 =	vadd.f32 v35, v34  }
0x4c9: {  	v48 =	vld [tilespmem:s14+$0x5350]  }
0x4ca: {  	v49 =	vmul.f32 v21, v45;
	v34 =	vadd.f32 v47, v34  }
0x4cb: {  	v50 =	vld [tilespmem:s14+$0x53D0]  }
0x4cc: {  	v51 =	vmul.f32 v22, v46;
	v34 =	vadd.f32 v49, v34  }
0x4cd: {  	v52 =	vld [tilespmem:s14+$0x5450]  }
0x4ce: {  	v53 =	vmul.f32 v23, v48;
	v34 =	vadd.f32 v51, v34  }
0x4cf: {  	v54 =	vld [tilespmem:s14+$0x54D0]  }
0x4d0: {  	v55 =	vmul.f32 v24, v50;
	v34 =	vadd.f32 v53, v34  }
0x4d1: {  	v56 =	vld [tilespmem:s14+$0x5550]  }
0x4d2: {  	v57 =	vmul.f32 v25, v52;
	v34 =	vadd.f32 v55, v34  }
0x4d3: {  	v58 =	vld [tilespmem:s14+$0x55D0]  }
0x4d4: {  	v59 =	vmul.f32 v26, v54;
	v34 =	vadd.f32 v57, v34  }
0x4d5: {  	v60 =	vld [tilespmem:s14+$0x5650]  }
0x4d6: {  	v61 =	vmul.f32 v27, v56;
	v34 =	vadd.f32 v59, v34  }
0x4d7: {  	v62 =	vld [tilespmem:s14+$0x56D0]  }
0x4d8: {  	v63 =	vmul.f32 v28, v58;
	v34 =	vadd.f32 v61, v34  }
0x4d9: {  	v40 =	vld [tilespmem:s14+$0x5750]  }
0x4da: {  	v41 =	vmul.f32 v29, v60;
	v34 =	vadd.f32 v63, v34  }
0x4db: {  	v42 =	vld [tilespmem:s14+$0x57D0]  }
0x4dc: {  	v43 =	vmul.f32 v30, v62;
	v34 =	vadd.f32 v41, v34  }
0x4dd: {  	v44 =	vld [tilespmem:s14+$0x5850]  }
0x4de: {  	v45 =	vmul.f32 v31, v40;
	v34 =	vadd.f32 v43, v34;
	_ =	sdelay $0x1  }
0x4df: {  	v46 =	vmul.f32 v32, v42;
	v34 =	vadd.f32 v45, v34;
	_ =	sdelay $0x1  }
0x4e0: {  	v47 =	vmul.f32 v33, v44;
	v34 =	vadd.f32 v46, v34;
	_ =	sdelay $0x1  }
0x4e1: {  	v34 =	vadd.f32 v47, v34;
	_ =	sdelay $0x1  }
0x4e2: {  	v34 =	vsub.f32 $0.0e+00, v34;
	_ =	sdelay $0x1  }
0x4e3: {  	v34 =	vmul.f32 $1.442695020e+00, v34;
	_ =	sdelay $0x1  }
0x4e4: {  	(erf) = vpow2.f32 v34;
	_ =	sdelay $0x8  }
0x4e5: {  	v34 =	vpop (erf)  }
0x4e6: {  	v34 =	vadd.f32 $1.000000000e+00, v34;
	_ =	sdelay $0x1  }
0x4e7: {  	(erf) = vrcp.f32 v34;
	_ =	sdelay $0x8  }
0x4e8: {  	v34 =	vpop (erf)  }
0x4e9: {  	[tilespmem:s9+$0xFFFFFFE0] =	vst v34  }
0x4ea: {  	v34 =	vld [tilespmem:s14+$0x50E0];
	_ =	sdelay $0x1  }
0x4eb: {  	v48 =	vld [tilespmem:s14+$0x5160];
	_ =	sdelay $0x1  }
0x4ec: {  	v49 =	vld [tilespmem:s14+$0x51E0]  }
0x4ed: {  	v34 =	vmul.f32 v18, v34  }
0x4ee: {  	v50 =	vld [tilespmem:s14+$0x5260]  }
0x4ef: {  	v35 =	vmul.f32 v19, v48;
	v34 =	vadd.f32 v17, v34  }
0x4f0: {  	v51 =	vld [tilespmem:s14+$0x52E0]  }
0x4f1: {  	v52 =	vmul.f32 v20, v49;
	v34 =	vadd.f32 v35, v34  }
0x4f2: {  	v53 =	vld [tilespmem:s14+$0x5360]  }
0x4f3: {  	v54 =	vmul.f32 v21, v50;
	v34 =	vadd.f32 v52, v34  }
0x4f4: {  	v55 =	vld [tilespmem:s14+$0x53E0]  }
0x4f5: {  	v56 =	vmul.f32 v22, v51;
	v34 =	vadd.f32 v54, v34  }
0x4f6: {  	v57 =	vld [tilespmem:s14+$0x5460]  }
0x4f7: {  	v58 =	vmul.f32 v23, v53;
	v34 =	vadd.f32 v56, v34  }
0x4f8: {  	v59 =	vld [tilespmem:s14+$0x54E0]  }
0x4f9: {  	v60 =	vmul.f32 v24, v55;
	v34 =	vadd.f32 v58, v34  }
0x4fa: {  	v61 =	vld [tilespmem:s14+$0x5560]  }
0x4fb: {  	v62 =	vmul.f32 v25, v57;
	v34 =	vadd.f32 v60, v34  }
0x4fc: {  	v63 =	vld [tilespmem:s14+$0x55E0]  }
0x4fd: {  	v40 =	vmul.f32 v26, v59;
	v34 =	vadd.f32 v62, v34  }
0x4fe: {  	v41 =	vld [tilespmem:s14+$0x5660]  }
0x4ff: {  	v42 =	vmul.f32 v27, v61;
	v34 =	vadd.f32 v40, v34  }
0x500: {  	v43 =	vld [tilespmem:s14+$0x56E0]  }
0x501: {  	v44 =	vmul.f32 v28, v63;
	v34 =	vadd.f32 v42, v34  }
0x502: {  	v45 =	vld [tilespmem:s14+$0x5760]  }
0x503: {  	v46 =	vmul.f32 v29, v41;
	v34 =	vadd.f32 v44, v34  }
0x504: {  	v47 =	vld [tilespmem:s14+$0x57E0]  }
0x505: {  	v48 =	vmul.f32 v30, v43;
	v34 =	vadd.f32 v46, v34  }
0x506: {  	v49 =	vld [tilespmem:s14+$0x5860]  }
0x507: {  	v50 =	vmul.f32 v31, v45;
	v34 =	vadd.f32 v48, v34;
	_ =	sdelay $0x1  }
0x508: {  	v51 =	vmul.f32 v32, v47;
	v34 =	vadd.f32 v50, v34;
	_ =	sdelay $0x1  }
0x509: {  	v52 =	vmul.f32 v33, v49;
	v34 =	vadd.f32 v51, v34;
	_ =	sdelay $0x1  }
0x50a: {  	v34 =	vadd.f32 v52, v34;
	_ =	sdelay $0x1  }
0x50b: {  	v34 =	vsub.f32 $0.0e+00, v34;
	_ =	sdelay $0x1  }
0x50c: {  	v34 =	vmul.f32 $1.442695020e+00, v34;
	_ =	sdelay $0x1  }
0x50d: {  	(erf) = vpow2.f32 v34;
	_ =	sdelay $0x8  }
0x50e: {  	v34 =	vpop (erf)  }
0x50f: {  	v34 =	vadd.f32 $1.000000000e+00, v34;
	_ =	sdelay $0x1  }
0x510: {  	(erf) = vrcp.f32 v34;
	_ =	sdelay $0x8  }
0x511: {  	v34 =	vpop (erf)  }
0x512: {  	[tilespmem:s9+$0xFFFFFFF0] =	vst v34  }
0x513: {  	v34 =	vld [tilespmem:s14+$0x50F0];
	_ =	sdelay $0x1  }
0x514: {  	v53 =	vld [tilespmem:s14+$0x5170];
	_ =	sdelay $0x1  }
0x515: {  	v54 =	vld [tilespmem:s14+$0x51F0]  }
0x516: {  	v18 =	vmul.f32 v18, v34  }
0x517: {  	v55 =	vld [tilespmem:s14+$0x5270]  }
0x518: {  	v17 =	vadd.f32 v17, v18;
	v18 =	vmul.f32 v19, v53  }
0x519: {  	v19 =	vld [tilespmem:s14+$0x52F0]  }
0x51a: {  	v17 =	vadd.f32 v18, v17;
	v18 =	vmul.f32 v20, v54  }
0x51b: {  	v56 =	vld [tilespmem:s14+$0x5370]  }
0x51c: {  	v17 =	vadd.f32 v18, v17;
	v18 =	vmul.f32 v21, v55  }
0x51d: {  	v57 =	vld [tilespmem:s14+$0x53F0]  }
0x51e: {  	v17 =	vadd.f32 v18, v17;
	v18 =	vmul.f32 v22, v19  }
0x51f: {  	v19 =	vld [tilespmem:s14+$0x5470]  }
0x520: {  	v17 =	vadd.f32 v18, v17;
	v18 =	vmul.f32 v23, v56  }
0x521: {  	v58 =	vld [tilespmem:s14+$0x54F0]  }
0x522: {  	v17 =	vadd.f32 v18, v17;
	v18 =	vmul.f32 v24, v57  }
0x523: {  	v59 =	vld [tilespmem:s14+$0x5570]  }
0x524: {  	v17 =	vadd.f32 v18, v17;
	v18 =	vmul.f32 v25, v19  }
0x525: {  	v19 =	vld [tilespmem:s14+$0x55F0]  }
0x526: {  	v17 =	vadd.f32 v18, v17;
	v18 =	vmul.f32 v26, v58  }
0x527: {  	v60 =	vld [tilespmem:s14+$0x5670]  }
0x528: {  	v17 =	vadd.f32 v18, v17;
	v18 =	vmul.f32 v27, v59  }
0x529: {  	v61 =	vld [tilespmem:s14+$0x56F0]  }
0x52a: {  	v17 =	vadd.f32 v18, v17;
	v18 =	vmul.f32 v28, v19  }
0x52b: {  	v19 =	vld [tilespmem:s14+$0x5770]  }
0x52c: {  	v17 =	vadd.f32 v18, v17;
	v18 =	vmul.f32 v29, v60  }
0x52d: {  	v62 =	vld [tilespmem:s14+$0x57F0]  }
0x52e: {  	v17 =	vadd.f32 v18, v17;
	v18 =	vmul.f32 v30, v61  }
0x52f: {  	v63 =	vld [tilespmem:s14+$0x5870]  }
0x530: {  	v17 =	vadd.f32 v18, v17;
	v18 =	vmul.f32 v31, v19;
	_ =	sdelay $0x1  }
0x531: {  	v17 =	vadd.f32 v18, v17;
	v18 =	vmul.f32 v32, v62;
	_ =	sdelay $0x1  }
0x532: {  	v17 =	vadd.f32 v18, v17;
	v18 =	vmul.f32 v33, v63;
	_ =	sdelay $0x1  }
0x533: {  	v17 =	vadd.f32 v18, v17;
	_ =	sdelay $0x1  }
0x534: {  	v17 =	vsub.f32 $0.0e+00, v17;
	_ =	sdelay $0x1  }
0x535: {  	v17 =	vmul.f32 $1.442695020e+00, v17;
	_ =	sdelay $0x1  }
0x536: {  	(erf) = vpow2.f32 v17;
	_ =	sdelay $0x8  }
0x537: {  	v17 =	vpop (erf)  }
0x538: {  	v17 =	vadd.f32 $1.000000000e+00, v17;
	_ =	sdelay $0x1  }
0x539: {  	(erf) = vrcp.f32 v17;
	_ =	sdelay $0x4  }
0x53a: {  	p0 =	sne.s32 s30, $0xE000  }
.Ltmp1:
0x53b: {  	_ = 	snop;
	(pc) =	sbr.rel @p0 .LBB2_4-.Ltmp1, $3  }
0x53c: {  	_ =	sdelay $0x1  }
0x53d: {  	s31 =	sadd.s32 $0x1, s31;
	v17 =	vpop (erf)  }
0x53e: {  	s30 =	sadd.s32 $0x2000, s30;
	s1 =	sadd.s32 $0x10, s1;
	[tilespmem:s9+$0x0] =	vst v17;
	s9 =	sadd.s32 $0x80, s9  }
0x53f: {  	s29 =	sadd.s32 $0x1, s29  }
0x540: {  	p0 =	sne.s32 s29, s8  }
.Ltmp2:
0x541: {  	_ = 	snop;
	(pc) =	sbr.rel @p0 .LBB2_1-.Ltmp2, $4  }
0x542: {  	[hbm4b:s7+s25] =	stream.strided.scatter [tilespmem:s28], [sflag:$0x3], $0x800, s26, s25, $0x38;
	[tilespmem:$0x9880] =	vst v63  }
0x543: {  	_ =	swait.ge [sflag:s13], $0x800  }
0x544: {  	[sflag:s13] =	ssyncset.done $0x0  }
0x545: {  	[sflag:s13] =	ssyncadd.s32 $0xFFFFF800  }
0x546: {  	_ =	sfence.sel $0x180000  }
0x547: {  	[bflag:$0x0] =	sbarrier.arrive $0xFFFF  }
0x548: {  	_ =	strace $0x90000047  }
0x549: {  	s0 =	stileid.u32;
	[bflag:$0x2] =	sbarrier.arrive $0xFFFF  }
0x54a: {  	p0 =	sne.s32 s0, $0x0;
	s0 =	rddreg [dreg:$0x3]  }
0x54b: {  	s0 =	sadd.s32 @!p0 $0x100000, s0  }
0x54c: {  	[sflag:s0] =	ssyncadd.tile.s32 @!p0 $0x1;
	_ =	shalt  }
.Lfunc_end2:
_tile_overlayer_lowered:
.L_overlay_start_2:
0x54d: {  	(tag) =	ssettag $0x2  }
0x54e: {  	s0 =	rddreg [dreg:$0x0];
	s2 =	stileid.u32  }
0x54f: {  	s1 =	rddreg [dreg:$0x1];
	p0 =	sne.s32 s2, $0x0  }
0x550: {  	s3 =	rddreg [dreg:$0x2];
	[bflag:$0x3] =	sbarrier.arrive $0xFFFF;
	s2 =	simm.s32 @!p0 $0x1C03  }
0x551: {  	[timem:s3], [sflag:s2] =	dma.local @!p0 [hbm:s0], s1  }
0x552: {  	s0 =	simm.s32 @!p0 $0x3  }
0x553: {  	_ =	swait.ge @!p0 [sflag:s0], s1  }
0x554: {  	s1 =	ssub.s32 @!p0 $0x0, s1;
	[sflag:s0] =	ssyncset.done @!p0 $0x0  }
0x555: {  	[sflag:s0] =	ssyncadd.s32 @!p0 s1  }
0x556: {  	[bflag:$0x3] =	sbarrier.arrive $0xFFFF  }
0x557: {  	_ =	shalt  }

</sc_bundles>
